<compile_context>
chip_gen: v7x
topology: tpu7x:2x2x1
jax: 0.10.2.dev20260603
libtpu: 0.0.44.dev20260713+nightly
codegen_flags: <defaults>
</compile_context>

<pallas_src>
import functools

import jax
import jax.numpy as jnp
from jax import lax
from jax.experimental import pallas as pl
from jax.experimental.pallas import tpu as pltpu
from jax.experimental.pallas import tpu_sc as plsc

NB = 256
D = 32
L = 16
NC, NS = 2, 16
NW = NC * NS
CH = 1024
UNROLL = 8


def _log_table_body(freq_ref, out_ref):
    f = freq_ref[...]
    s = jnp.sum(f, axis=0, keepdims=True)
    out_ref[...] = jnp.log(f / s).T


def _log_table(freq):
    nb, d = freq.shape
    return pl.pallas_call(
        _log_table_body,
        out_shape=jax.ShapeDtypeStruct((d, nb), freq.dtype),
    )(freq)


def _softmax_body(l_ref, out_ref):
    z = l_ref[...]
    z = z - jnp.mean(z)
    e = jnp.exp(z - jnp.max(z))
    out_ref[...] = e / jnp.sum(e)


def _softmax(logits):
    n = logits.shape[0]
    l2 = logits.reshape(n // 128, 128)
    out = pl.pallas_call(
        _softmax_body,
        out_shape=jax.ShapeDtypeStruct(l2.shape, l2.dtype),
    )(l2)
    return out.reshape(n)


def _make_sc_logits(n_rows):
    rows_per_w = n_rows // NW
    n_chunks = rows_per_w // CH
    mesh = plsc.VectorSubcoreMesh(core_axis_name="c", subcore_axis_name="s")

    @functools.partial(
        pl.kernel,
        out_type=jax.ShapeDtypeStruct((n_rows,), jnp.float32),
        mesh=mesh,
        compiler_params=pltpu.CompilerParams(needs_layout_passes=False),
        scratch_types=[
            pltpu.VMEM((D * NB,), jnp.float32),
            pltpu.VMEM((D,), jnp.float32),
            pltpu.VMEM((D,), jnp.float32),
            pltpu.VMEM((D * L,), jnp.float32),
            pltpu.VMEM((D * L,), jnp.float32),
            pltpu.VMEM((D * L,), jnp.float32),
            pltpu.VMEM((D * CH,), jnp.float32),
            pltpu.VMEM((D * CH,), jnp.float32),
            pltpu.VMEM((CH,), jnp.float32),
            pltpu.SemaphoreType.DMA,
            pltpu.SemaphoreType.DMA,
        ],
    )
    def body(xt_hbm, lt_hbm, elo_hbm, ehi_hbm, out_hbm,
             lt_v, elo_v, ehi_v, lo_t, w_t, f_t, in_a, in_b, o_v, sem_a, sem_b):
        wid = lax.axis_index("s") * NC + lax.axis_index("c")
        base_row = wid * rows_per_w

        pltpu.sync_copy(lt_hbm, lt_v)
        pltpu.sync_copy(elo_hbm, elo_v)
        pltpu.sync_copy(ehi_hbm, ehi_v)

        iota = lax.iota(jnp.int32, L)
        zero = iota.astype(jnp.float32) * 0.0

        for dd in range(D):
            cvec = iota * 0 + dd
            lo_s = plsc.load_gather(elo_v, [cvec])
            hi_s = plsc.load_gather(ehi_v, [cvec])
            lo_t[pl.ds(dd * L, L)] = lo_s
            w_t[pl.ds(dd * L, L)] = (hi_s - lo_s) * (1.0 / NB)
            f_t[pl.ds(dd * L, L)] = NB / (hi_s - lo_s)

        def start_chunk(c, buf, sem):
            row0 = base_row + c * CH
            for dd in range(D):
                pltpu.async_copy(
                    xt_hbm.at[pl.ds(dd * n_rows + row0, CH)],
                    buf.at[pl.ds(dd * CH, CH)], sem)

        def wait_chunk(c, buf, sem):
            row0 = base_row + c * CH
            for dd in range(D):
                pltpu.make_async_copy(
                    xt_hbm.at[pl.ds(dd * n_rows + row0, CH)],
                    buf.at[pl.ds(dd * CH, CH)], sem).wait()

        def col_body(dd, carry, buf):
            lo_s = lo_t[pl.ds(dd * L, L)]
            w_s = w_t[pl.ds(dd * L, L)]
            f_s = f_t[pl.ds(dd * L, L)]
            tab0 = dd * NB

            def bin_of(x):
                b0 = ((x - lo_s) * f_s).astype(jnp.int32)
                eb0 = lo_s + b0.astype(jnp.float32) * w_s
                delta = jnp.where(x >= eb0 + w_s, 1,
                                  jnp.where(x < eb0, -1, 0))
                return jnp.clip(b0 + delta, 0, NB - 1)

            def row_body(g2, carry2):
                xs = [buf[pl.ds(dd * CH + (g2 * UNROLL + u) * L, L)]
                      for u in range(UNROLL)]
                bs = [bin_of(x) for x in xs]
                gvs = [plsc.load_gather(lt_v, [b + tab0]) for b in bs]
                for u in range(UNROLL):
                    plsc.addupdate(o_v.at[pl.ds((g2 * UNROLL + u) * L, L)], gvs[u])
                return carry2

            lax.fori_loop(0, CH // (L * UNROLL), row_body, 0)
            return carry

        def run_chunk(c, buf, sem):
            row0 = base_row + c * CH
            wait_chunk(c, buf, sem)

            def zero_body(g, carry):
                o_v[pl.ds(g * L, L)] = zero
                return carry

            lax.fori_loop(0, CH // L, zero_body, 0)
            lax.fori_loop(0, D, functools.partial(col_body, buf=buf), 0)
            pltpu.sync_copy(o_v, out_hbm.at[pl.ds(row0, CH)])

            @pl.when(c + 2 < n_chunks)
            def _():
                start_chunk(c + 2, buf, sem)

        start_chunk(0, in_a, sem_a)
        start_chunk(1, in_b, sem_b)

        def pair_body(i, carry):
            run_chunk(2 * i, in_a, sem_a)
            run_chunk(2 * i + 1, in_b, sem_b)
            return carry

        lax.fori_loop(0, n_chunks // 2, pair_body, 0)

    return body


def kernel(inputs, frequencies, edges):
    n_rows = inputs.shape[0]
    lt = _log_table(frequencies)
    xt_flat = inputs.T.reshape(-1)
    logits = _make_sc_logits(n_rows)(
        xt_flat, lt.reshape(-1), edges[0], edges[NB])
    return _softmax(logits)

# --- scband reference (transcript-rebuilt; emitter-appended) ---
"""Pipeline reference for scband-histogram-layer-81939386073088 (READ-ONLY COPY).

The authoritative reference and input builder live on the scoring server;
editing this copy changes nothing except your own understanding.
"""

import jax, jax.numpy as jnp
import numpy as np

NUM_BINS = 256
N, D = 524288, 32


def setup_inputs(seed: int = 0) -> dict:
    key = jax.random.key(seed)
    k1, k2 = jax.random.split(key, 2)
    inputs = jax.random.normal(k1, (N, D), dtype=jnp.float32)
    # Non-trainable state accumulated during 'training' phase: positive bin counts
    frequencies = jax.random.uniform(k2, (NUM_BINS, D), minval=1.0, maxval=100.0, dtype=jnp.float32)
    # Per-feature bin edges (as produced by update_state: linspace(min, max, num_bins+1))
    lo = jnp.full((D,), -4.0, dtype=jnp.float32)
    hi = jnp.full((D,), 4.0, dtype=jnp.float32)
    edges = jnp.linspace(lo, hi, NUM_BINS + 1, axis=0)  # [num_bins+1, D]
    return {"inputs": inputs, "frequencies": frequencies, "edges": edges}


def _find_bins(inputs, edges, num_bins):
    # tfp.stats.find_bins with extend_lower_interval/extend_upper_interval=True:
    # values below the first edge map to bin 0, above the last edge map to bin num_bins-1.
    def per_col(col, e):
        idx = jnp.searchsorted(e, col, side='right') - 1
        return jnp.clip(idx, 0, num_bins - 1)
    return jax.vmap(per_col, in_axes=(1, 1), out_axes=1)(inputs, edges)


def reference(inputs, frequencies, edges):
    # Inference path (training=False) of HistogramLayer.call
    hist_probs = frequencies / jnp.sum(frequencies, axis=0, keepdims=True)  # [num_bins, D]
    bin_indices = _find_bins(inputs, edges, frequencies.shape[0])  # [N, D] int32
    col = jnp.arange(inputs.shape[1])[None, :]  # [1, D]
    probabilities = hist_probs[bin_indices, col]  # gather_nd equivalent -> [N, D]
    logits = jnp.sum(jnp.log(probabilities), axis=1)  # [N]
    logits = logits - jnp.mean(logits)
    return jax.nn.softmax(logits)

if __name__ == "__main__":
    import jax
    _d = setup_inputs()
    print(jax.jit(kernel)(*tuple(_d.values())))

</pallas_src>

<mosaic_0001>
#map = affine_map<(d0, d1) -> (0)>
module attributes {stable_mosaic.version = 14 : i64} {
  func.func @body(%arg0: i32, %arg1: i32, %arg2: memref<16777216xf32, #tpu.memory_space<hbm>>, %arg3: memref<8192xf32, #tpu.memory_space<hbm>>, %arg4: memref<32xf32, #tpu.memory_space<hbm>>, %arg5: memref<32xf32, #tpu.memory_space<hbm>>, %arg6: memref<524288xf32, #tpu.memory_space<hbm>>, %arg7: memref<8192xf32, #tpu.memory_space<vmem>>, %arg8: memref<32xf32, #tpu.memory_space<vmem>>, %arg9: memref<32xf32, #tpu.memory_space<vmem>>, %arg10: memref<512xf32, #tpu.memory_space<vmem>>, %arg11: memref<512xf32, #tpu.memory_space<vmem>>, %arg12: memref<512xf32, #tpu.memory_space<vmem>>, %arg13: memref<32768xf32, #tpu.memory_space<vmem>>, %arg14: memref<32768xf32, #tpu.memory_space<vmem>>, %arg15: memref<1024xf32, #tpu.memory_space<vmem>>, %arg16: memref<!tpu.dma_semaphore, #tpu.memory_space<semaphore_mem>>, %arg17: memref<!tpu.dma_semaphore, #tpu.memory_space<semaphore_mem>>) attributes {dimension_semantics = [#tpu.dimension_semantics<core_parallel>, #tpu.dimension_semantics<subcore_parallel>], iteration_bounds = array<i64: 2, 16>, scalar_prefetch = 0 : i64, scratch_operands = 11 : i64, tpu.core_type = #tpu.core_type<sc_vector_subcore>, window_params = [{transform_indices = #map}, {transform_indices = #map}, {transform_indices = #map}, {transform_indices = #map}, {transform_indices = #map}]} {
    %mul3A = arith.constant 2 : i32
    %mul3A_0 = arith.muli %arg1, %mul3A : i32
    %add3A = arith.addi %mul3A_0, %arg0 : i32
    %mul3A_1 = arith.constant 16384 : i32
    %mul3A_2 = arith.muli %add3A, %mul3A_1 : i32
    "tpu.region"() ({
      %run_scoped3A = tpu.sem_alloc : memref<!tpu.dma_semaphore, #tpu.memory_space<semaphore_mem>>
      tpu.enqueue_dma source(%arg3 : memref<8192xf32, #tpu.memory_space<hbm>>) target(%arg7 : memref<8192xf32, #tpu.memory_space<vmem>>) target_semaphore(%run_scoped3A : memref<!tpu.dma_semaphore, #tpu.memory_space<semaphore_mem>>)
      tpu.wait_dma2 semaphore(%run_scoped3A : memref<!tpu.dma_semaphore, #tpu.memory_space<semaphore_mem>>) src(%arg3 : memref<8192xf32, #tpu.memory_space<hbm>>) dst(%arg7 : memref<8192xf32, #tpu.memory_space<vmem>>)
      tpu.yield
    }) : () -> ()
    "tpu.region"() ({
      %run_scoped3A = tpu.sem_alloc : memref<!tpu.dma_semaphore, #tpu.memory_space<semaphore_mem>>
      tpu.enqueue_dma source(%arg4 : memref<32xf32, #tpu.memory_space<hbm>>) target(%arg8 : memref<32xf32, #tpu.memory_space<vmem>>) target_semaphore(%run_scoped3A : memref<!tpu.dma_semaphore, #tpu.memory_space<semaphore_mem>>)
      tpu.wait_dma2 semaphore(%run_scoped3A : memref<!tpu.dma_semaphore, #tpu.memory_space<semaphore_mem>>) src(%arg4 : memref<32xf32, #tpu.memory_space<hbm>>) dst(%arg8 : memref<32xf32, #tpu.memory_space<vmem>>)
      tpu.yield
    }) : () -> ()
    "tpu.region"() ({
      %run_scoped3A = tpu.sem_alloc : memref<!tpu.dma_semaphore, #tpu.memory_space<semaphore_mem>>
      tpu.enqueue_dma source(%arg5 : memref<32xf32, #tpu.memory_space<hbm>>) target(%arg9 : memref<32xf32, #tpu.memory_space<vmem>>) target_semaphore(%run_scoped3A : memref<!tpu.dma_semaphore, #tpu.memory_space<semaphore_mem>>)
      tpu.wait_dma2 semaphore(%run_scoped3A : memref<!tpu.dma_semaphore, #tpu.memory_space<semaphore_mem>>) src(%arg5 : memref<32xf32, #tpu.memory_space<hbm>>) dst(%arg9 : memref<32xf32, #tpu.memory_space<vmem>>)
      tpu.yield
    }) : () -> ()
    %iota3A = tpu.iota {dimensions = array<i32: 0>} : vector<16xi32>
    %convert_element_type3A = arith.sitofp %iota3A : vector<16xi32> to vector<16xf32>
    %mul3A_3 = arith.constant 0.000000e+00 : f32
    %mul3A_4 = vector.broadcast %mul3A_3 : f32 to vector<16xf32>
    %mul3A_5 = arith.mulf %convert_element_type3A, %mul3A_4 : vector<16xf32>
    %mul3A_6 = arith.constant 0 : i32
    %mul3A_7 = vector.broadcast %mul3A_6 : i32 to vector<16xi32>
    %mul3A_8 = arith.muli %iota3A, %mul3A_7 : vector<16xi32>
    %add3A_9 = arith.constant 0 : i32
    %add3A_10 = vector.broadcast %add3A_9 : i32 to vector<16xi32>
    %add3A_11 = arith.addi %mul3A_8, %add3A_10 : vector<16xi32>
    %gather3A = tpu.vector_load_idx %arg8[%add3A_11] : memref<32xf32, #tpu.memory_space<vmem>>[vector<16xi32>], vector<16xf32>,
    %gather3A_12 = tpu.vector_load_idx %arg9[%add3A_11] : memref<32xf32, #tpu.memory_space<vmem>>[vector<16xi32>], vector<16xf32>,
    %swap3A = arith.constant 0 : index
    %swap3A_13 = tpu.vector_load %arg10[%swap3A] {strides = array<i32>} : memref<512xf32, #tpu.memory_space<vmem>>, vector<16xf32>,
    tpu.vector_store %arg10[%swap3A], %gather3A {strides = array<i32>} : memref<512xf32, #tpu.memory_space<vmem>>, vector<16xf32>,
    %sub3A = arith.subf %gather3A_12, %gather3A : vector<16xf32>
    %mul3A_14 = arith.constant 3.906250e-03 : f32
    %mul3A_15 = vector.broadcast %mul3A_14 : f32 to vector<16xf32>
    %mul3A_16 = arith.mulf %sub3A, %mul3A_15 : vector<16xf32>
    %swap3A_17 = arith.constant 0 : index
    %swap3A_18 = tpu.vector_load %arg11[%swap3A_17] {strides = array<i32>} : memref<512xf32, #tpu.memory_space<vmem>>, vector<16xf32>,
    tpu.vector_store %arg11[%swap3A_17], %mul3A_16 {strides = array<i32>} : memref<512xf32, #tpu.memory_space<vmem>>, vector<16xf32>,
    %sub3A_19 = arith.subf %gather3A_12, %gather3A : vector<16xf32>
    %div3A = arith.constant 2.560000e+02 : f32
    %div3A_20 = vector.broadcast %div3A : f32 to vector<16xf32>
    %div3A_21 = arith.divf %div3A_20, %sub3A_19 : vector<16xf32>
    %swap3A_22 = arith.constant 0 : index
    %swap3A_23 = tpu.vector_load %arg12[%swap3A_22] {strides = array<i32>} : memref<512xf32, #tpu.memory_space<vmem>>, vector<16xf32>,
    tpu.vector_store %arg12[%swap3A_22], %div3A_21 {strides = array<i32>} : memref<512xf32, #tpu.memory_space<vmem>>, vector<16xf32>,
    %mul3A_24 = arith.constant 0 : i32
    %mul3A_25 = vector.broadcast %mul3A_24 : i32 to vector<16xi32>
    %mul3A_26 = arith.muli %iota3A, %mul3A_25 : vector<16xi32>
    %add3A_27 = arith.constant 1 : i32
    %add3A_28 = vector.broadcast %add3A_27 : i32 to vector<16xi32>
    %add3A_29 = arith.addi %mul3A_26, %add3A_28 : vector<16xi32>
    %gather3A_30 = tpu.vector_load_idx %arg8[%add3A_29] : memref<32xf32, #tpu.memory_space<vmem>>[vector<16xi32>], vector<16xf32>,
    %gather3A_31 = tpu.vector_load_idx %arg9[%add3A_29] : memref<32xf32, #tpu.memory_space<vmem>>[vector<16xi32>], vector<16xf32>,
    %swap3A_32 = arith.constant 16 : index
    %swap3A_33 = tpu.vector_load %arg10[%swap3A_32] {strides = array<i32>} : memref<512xf32, #tpu.memory_space<vmem>>, vector<16xf32>,
    tpu.vector_store %arg10[%swap3A_32], %gather3A_30 {strides = array<i32>} : memref<512xf32, #tpu.memory_space<vmem>>, vector<16xf32>,
    %sub3A_34 = arith.subf %gather3A_31, %gather3A_30 : vector<16xf32>
    %mul3A_35 = arith.constant 3.906250e-03 : f32
    %mul3A_36 = vector.broadcast %mul3A_35 : f32 to vector<16xf32>
    %mul3A_37 = arith.mulf %sub3A_34, %mul3A_36 : vector<16xf32>
    %swap3A_38 = arith.constant 16 : index
    %swap3A_39 = tpu.vector_load %arg11[%swap3A_38] {strides = array<i32>} : memref<512xf32, #tpu.memory_space<vmem>>, vector<16xf32>,
    tpu.vector_store %arg11[%swap3A_38], %mul3A_37 {strides = array<i32>} : memref<512xf32, #tpu.memory_space<vmem>>, vector<16xf32>,
    %sub3A_40 = arith.subf %gather3A_31, %gather3A_30 : vector<16xf32>
    %div3A_41 = arith.constant 2.560000e+02 : f32
    %div3A_42 = vector.broadcast %div3A_41 : f32 to vector<16xf32>
    %div3A_43 = arith.divf %div3A_42, %sub3A_40 : vector<16xf32>
    %swap3A_44 = arith.constant 16 : index
    %swap3A_45 = tpu.vector_load %arg12[%swap3A_44] {strides = array<i32>} : memref<512xf32, #tpu.memory_space<vmem>>, vector<16xf32>,
    tpu.vector_store %arg12[%swap3A_44], %div3A_43 {strides = array<i32>} : memref<512xf32, #tpu.memory_space<vmem>>, vector<16xf32>,
    %mul3A_46 = arith.constant 0 : i32
    %mul3A_47 = vector.broadcast %mul3A_46 : i32 to vector<16xi32>
    %mul3A_48 = arith.muli %iota3A, %mul3A_47 : vector<16xi32>
    %add3A_49 = arith.constant 2 : i32
    %add3A_50 = vector.broadcast %add3A_49 : i32 to vector<16xi32>
    %add3A_51 = arith.addi %mul3A_48, %add3A_50 : vector<16xi32>
    %gather3A_52 = tpu.vector_load_idx %arg8[%add3A_51] : memref<32xf32, #tpu.memory_space<vmem>>[vector<16xi32>], vector<16xf32>,
    %gather3A_53 = tpu.vector_load_idx %arg9[%add3A_51] : memref<32xf32, #tpu.memory_space<vmem>>[vector<16xi32>], vector<16xf32>,
    %swap3A_54 = arith.constant 32 : index
    %swap3A_55 = tpu.vector_load %arg10[%swap3A_54] {strides = array<i32>} : memref<512xf32, #tpu.memory_space<vmem>>, vector<16xf32>,
    tpu.vector_store %arg10[%swap3A_54], %gather3A_52 {strides = array<i32>} : memref<512xf32, #tpu.memory_space<vmem>>, vector<16xf32>,
    %sub3A_56 = arith.subf %gather3A_53, %gather3A_52 : vector<16xf32>
    %mul3A_57 = arith.constant 3.906250e-03 : f32
    %mul3A_58 = vector.broadcast %mul3A_57 : f32 to vector<16xf32>
    %mul3A_59 = arith.mulf %sub3A_56, %mul3A_58 : vector<16xf32>
    %swap3A_60 = arith.constant 32 : index
    %swap3A_61 = tpu.vector_load %arg11[%swap3A_60] {strides = array<i32>} : memref<512xf32, #tpu.memory_space<vmem>>, vector<16xf32>,
    tpu.vector_store %arg11[%swap3A_60], %mul3A_59 {strides = array<i32>} : memref<512xf32, #tpu.memory_space<vmem>>, vector<16xf32>,
    %sub3A_62 = arith.subf %gather3A_53, %gather3A_52 : vector<16xf32>
    %div3A_63 = arith.constant 2.560000e+02 : f32
    %div3A_64 = vector.broadcast %div3A_63 : f32 to vector<16xf32>
    %div3A_65 = arith.divf %div3A_64, %sub3A_62 : vector<16xf32>
    %swap3A_66 = arith.constant 32 : index
    %swap3A_67 = tpu.vector_load %arg12[%swap3A_66] {strides = array<i32>} : memref<512xf32, #tpu.memory_space<vmem>>, vector<16xf32>,
    tpu.vector_store %arg12[%swap3A_66], %div3A_65 {strides = array<i32>} : memref<512xf32, #tpu.memory_space<vmem>>, vector<16xf32>,
    %mul3A_68 = arith.constant 0 : i32
    %mul3A_69 = vector.broadcast %mul3A_68 : i32 to vector<16xi32>
    %mul3A_70 = arith.muli %iota3A, %mul3A_69 : vector<16xi32>
    %add3A_71 = arith.constant 3 : i32
    %add3A_72 = vector.broadcast %add3A_71 : i32 to vector<16xi32>
    %add3A_73 = arith.addi %mul3A_70, %add3A_72 : vector<16xi32>
    %gather3A_74 = tpu.vector_load_idx %arg8[%add3A_73] : memref<32xf32, #tpu.memory_space<vmem>>[vector<16xi32>], vector<16xf32>,
    %gather3A_75 = tpu.vector_load_idx %arg9[%add3A_73] : memref<32xf32, #tpu.memory_space<vmem>>[vector<16xi32>], vector<16xf32>,
    %swap3A_76 = arith.constant 48 : index
    %swap3A_77 = tpu.vector_load %arg10[%swap3A_76] {strides = array<i32>} : memref<512xf32, #tpu.memory_space<vmem>>, vector<16xf32>,
    tpu.vector_store %arg10[%swap3A_76], %gather3A_74 {strides = array<i32>} : memref<512xf32, #tpu.memory_space<vmem>>, vector<16xf32>,
    %sub3A_78 = arith.subf %gather3A_75, %gather3A_74 : vector<16xf32>
    %mul3A_79 = arith.constant 3.906250e-03 : f32
    %mul3A_80 = vector.broadcast %mul3A_79 : f32 to vector<16xf32>
    %mul3A_81 = arith.mulf %sub3A_78, %mul3A_80 : vector<16xf32>
    %swap3A_82 = arith.constant 48 : index
    %swap3A_83 = tpu.vector_load %arg11[%swap3A_82] {strides = array<i32>} : memref<512xf32, #tpu.memory_space<vmem>>, vector<16xf32>,
    tpu.vector_store %arg11[%swap3A_82], %mul3A_81 {strides = array<i32>} : memref<512xf32, #tpu.memory_space<vmem>>, vector<16xf32>,
    %sub3A_84 = arith.subf %gather3A_75, %gather3A_74 : vector<16xf32>
    %div3A_85 = arith.constant 2.560000e+02 : f32
    %div3A_86 = vector.broadcast %div3A_85 : f32 to vector<16xf32>
    %div3A_87 = arith.divf %div3A_86, %sub3A_84 : vector<16xf32>
    %swap3A_88 = arith.constant 48 : index
    %swap3A_89 = tpu.vector_load %arg12[%swap3A_88] {strides = array<i32>} : memref<512xf32, #tpu.memory_space<vmem>>, vector<16xf32>,
    tpu.vector_store %arg12[%swap3A_88], %div3A_87 {strides = array<i32>} : memref<512xf32, #tpu.memory_space<vmem>>, vector<16xf32>,
    %mul3A_90 = arith.constant 0 : i32
    %mul3A_91 = vector.broadcast %mul3A_90 : i32 to vector<16xi32>
    %mul3A_92 = arith.muli %iota3A, %mul3A_91 : vector<16xi32>
    %add3A_93 = arith.constant 4 : i32
    %add3A_94 = vector.broadcast %add3A_93 : i32 to vector<16xi32>
    %add3A_95 = arith.addi %mul3A_92, %add3A_94 : vector<16xi32>
    %gather3A_96 = tpu.vector_load_idx %arg8[%add3A_95] : memref<32xf32, #tpu.memory_space<vmem>>[vector<16xi32>], vector<16xf32>,
    %gather3A_97 = tpu.vector_load_idx %arg9[%add3A_95] : memref<32xf32, #tpu.memory_space<vmem>>[vector<16xi32>], vector<16xf32>,
    %swap3A_98 = arith.constant 64 : index
    %swap3A_99 = tpu.vector_load %arg10[%swap3A_98] {strides = array<i32>} : memref<512xf32, #tpu.memory_space<vmem>>, vector<16xf32>,
    tpu.vector_store %arg10[%swap3A_98], %gather3A_96 {strides = array<i32>} : memref<512xf32, #tpu.memory_space<vmem>>, vector<16xf32>,
    %sub3A_100 = arith.subf %gather3A_97, %gather3A_96 : vector<16xf32>
    %mul3A_101 = arith.constant 3.906250e-03 : f32
    %mul3A_102 = vector.broadcast %mul3A_101 : f32 to vector<16xf32>
    %mul3A_103 = arith.mulf %sub3A_100, %mul3A_102 : vector<16xf32>
    %swap3A_104 = arith.constant 64 : index
    %swap3A_105 = tpu.vector_load %arg11[%swap3A_104] {strides = array<i32>} : memref<512xf32, #tpu.memory_space<vmem>>, vector<16xf32>,
    tpu.vector_store %arg11[%swap3A_104], %mul3A_103 {strides = array<i32>} : memref<512xf32, #tpu.memory_space<vmem>>, vector<16xf32>,
    %sub3A_106 = arith.subf %gather3A_97, %gather3A_96 : vector<16xf32>
    %div3A_107 = arith.constant 2.560000e+02 : f32
    %div3A_108 = vector.broadcast %div3A_107 : f32 to vector<16xf32>
    %div3A_109 = arith.divf %div3A_108, %sub3A_106 : vector<16xf32>
    %swap3A_110 = arith.constant 64 : index
    %swap3A_111 = tpu.vector_load %arg12[%swap3A_110] {strides = array<i32>} : memref<512xf32, #tpu.memory_space<vmem>>, vector<16xf32>,
    tpu.vector_store %arg12[%swap3A_110], %div3A_109 {strides = array<i32>} : memref<512xf32, #tpu.memory_space<vmem>>, vector<16xf32>,
    %mul3A_112 = arith.constant 0 : i32
    %mul3A_113 = vector.broadcast %mul3A_112 : i32 to vector<16xi32>
    %mul3A_114 = arith.muli %iota3A, %mul3A_113 : vector<16xi32>
    %add3A_115 = arith.constant 5 : i32
    %add3A_116 = vector.broadcast %add3A_115 : i32 to vector<16xi32>
    %add3A_117 = arith.addi %mul3A_114, %add3A_116 : vector<16xi32>
    %gather3A_118 = tpu.vector_load_idx %arg8[%add3A_117] : memref<32xf32, #tpu.memory_space<vmem>>[vector<16xi32>], vector<16xf32>,
    %gather3A_119 = tpu.vector_load_idx %arg9[%add3A_117] : memref<32xf32, #tpu.memory_space<vmem>>[vector<16xi32>], vector<16xf32>,
    %swap3A_120 = arith.constant 80 : index
    %swap3A_121 = tpu.vector_load %arg10[%swap3A_120] {strides = array<i32>} : memref<512xf32, #tpu.memory_space<vmem>>, vector<16xf32>,
    tpu.vector_store %arg10[%swap3A_120], %gather3A_118 {strides = array<i32>} : memref<512xf32, #tpu.memory_space<vmem>>, vector<16xf32>,
    %sub3A_122 = arith.subf %gather3A_119, %gather3A_118 : vector<16xf32>
    %mul3A_123 = arith.constant 3.906250e-03 : f32
    %mul3A_124 = vector.broadcast %mul3A_123 : f32 to vector<16xf32>
    %mul3A_125 = arith.mulf %sub3A_122, %mul3A_124 : vector<16xf32>
    %swap3A_126 = arith.constant 80 : index
    %swap3A_127 = tpu.vector_load %arg11[%swap3A_126] {strides = array<i32>} : memref<512xf32, #tpu.memory_space<vmem>>, vector<16xf32>,
    tpu.vector_store %arg11[%swap3A_126], %mul3A_125 {strides = array<i32>} : memref<512xf32, #tpu.memory_space<vmem>>, vector<16xf32>,
    %sub3A_128 = arith.subf %gather3A_119, %gather3A_118 : vector<16xf32>
    %div3A_129 = arith.constant 2.560000e+02 : f32
    %div3A_130 = vector.broadcast %div3A_129 : f32 to vector<16xf32>
    %div3A_131 = arith.divf %div3A_130, %sub3A_128 : vector<16xf32>
    %swap3A_132 = arith.constant 80 : index
    %swap3A_133 = tpu.vector_load %arg12[%swap3A_132] {strides = array<i32>} : memref<512xf32, #tpu.memory_space<vmem>>, vector<16xf32>,
    tpu.vector_store %arg12[%swap3A_132], %div3A_131 {strides = array<i32>} : memref<512xf32, #tpu.memory_space<vmem>>, vector<16xf32>,
    %mul3A_134 = arith.constant 0 : i32
    %mul3A_135 = vector.broadcast %mul3A_134 : i32 to vector<16xi32>
    %mul3A_136 = arith.muli %iota3A, %mul3A_135 : vector<16xi32>
    %add3A_137 = arith.constant 6 : i32
    %add3A_138 = vector.broadcast %add3A_137 : i32 to vector<16xi32>
    %add3A_139 = arith.addi %mul3A_136, %add3A_138 : vector<16xi32>
    %gather3A_140 = tpu.vector_load_idx %arg8[%add3A_139] : memref<32xf32, #tpu.memory_space<vmem>>[vector<16xi32>], vector<16xf32>,
    %gather3A_141 = tpu.vector_load_idx %arg9[%add3A_139] : memref<32xf32, #tpu.memory_space<vmem>>[vector<16xi32>], vector<16xf32>,
    %swap3A_142 = arith.constant 96 : index
    %swap3A_143 = tpu.vector_load %arg10[%swap3A_142] {strides = array<i32>} : memref<512xf32, #tpu.memory_space<vmem>>, vector<16xf32>,
    tpu.vector_store %arg10[%swap3A_142], %gather3A_140 {strides = array<i32>} : memref<512xf32, #tpu.memory_space<vmem>>, vector<16xf32>,
    %sub3A_144 = arith.subf %gather3A_141, %gather3A_140 : vector<16xf32>
    %mul3A_145 = arith.constant 3.906250e-03 : f32
    %mul3A_146 = vector.broadcast %mul3A_145 : f32 to vector<16xf32>
    %mul3A_147 = arith.mulf %sub3A_144, %mul3A_146 : vector<16xf32>
    %swap3A_148 = arith.constant 96 : index
    %swap3A_149 = tpu.vector_load %arg11[%swap3A_148] {strides = array<i32>} : memref<512xf32, #tpu.memory_space<vmem>>, vector<16xf32>,
    tpu.vector_store %arg11[%swap3A_148], %mul3A_147 {strides = array<i32>} : memref<512xf32, #tpu.memory_space<vmem>>, vector<16xf32>,
    %sub3A_150 = arith.subf %gather3A_141, %gather3A_140 : vector<16xf32>
    %div3A_151 = arith.constant 2.560000e+02 : f32
    %div3A_152 = vector.broadcast %div3A_151 : f32 to vector<16xf32>
    %div3A_153 = arith.divf %div3A_152, %sub3A_150 : vector<16xf32>
    %swap3A_154 = arith.constant 96 : index
    %swap3A_155 = tpu.vector_load %arg12[%swap3A_154] {strides = array<i32>} : memref<512xf32, #tpu.memory_space<vmem>>, vector<16xf32>,
    tpu.vector_store %arg12[%swap3A_154], %div3A_153 {strides = array<i32>} : memref<512xf32, #tpu.memory_space<vmem>>, vector<16xf32>,
    %mul3A_156 = arith.constant 0 : i32
    %mul3A_157 = vector.broadcast %mul3A_156 : i32 to vector<16xi32>
    %mul3A_158 = arith.muli %iota3A, %mul3A_157 : vector<16xi32>
    %add3A_159 = arith.constant 7 : i32
    %add3A_160 = vector.broadcast %add3A_159 : i32 to vector<16xi32>
    %add3A_161 = arith.addi %mul3A_158, %add3A_160 : vector<16xi32>
    %gather3A_162 = tpu.vector_load_idx %arg8[%add3A_161] : memref<32xf32, #tpu.memory_space<vmem>>[vector<16xi32>], vector<16xf32>,
    %gather3A_163 = tpu.vector_load_idx %arg9[%add3A_161] : memref<32xf32, #tpu.memory_space<vmem>>[vector<16xi32>], vector<16xf32>,
    %swap3A_164 = arith.constant 112 : index
    %swap3A_165 = tpu.vector_load %arg10[%swap3A_164] {strides = array<i32>} : memref<512xf32, #tpu.memory_space<vmem>>, vector<16xf32>,
    tpu.vector_store %arg10[%swap3A_164], %gather3A_162 {strides = array<i32>} : memref<512xf32, #tpu.memory_space<vmem>>, vector<16xf32>,
    %sub3A_166 = arith.subf %gather3A_163, %gather3A_162 : vector<16xf32>
    %mul3A_167 = arith.constant 3.906250e-03 : f32
    %mul3A_168 = vector.broadcast %mul3A_167 : f32 to vector<16xf32>
    %mul3A_169 = arith.mulf %sub3A_166, %mul3A_168 : vector<16xf32>
    %swap3A_170 = arith.constant 112 : index
    %swap3A_171 = tpu.vector_load %arg11[%swap3A_170] {strides = array<i32>} : memref<512xf32, #tpu.memory_space<vmem>>, vector<16xf32>,
    tpu.vector_store %arg11[%swap3A_170], %mul3A_169 {strides = array<i32>} : memref<512xf32, #tpu.memory_space<vmem>>, vector<16xf32>,
    %sub3A_172 = arith.subf %gather3A_163, %gather3A_162 : vector<16xf32>
    %div3A_173 = arith.constant 2.560000e+02 : f32
    %div3A_174 = vector.broadcast %div3A_173 : f32 to vector<16xf32>
    %div3A_175 = arith.divf %div3A_174, %sub3A_172 : vector<16xf32>
    %swap3A_176 = arith.constant 112 : index
    %swap3A_177 = tpu.vector_load %arg12[%swap3A_176] {strides = array<i32>} : memref<512xf32, #tpu.memory_space<vmem>>, vector<16xf32>,
    tpu.vector_store %arg12[%swap3A_176], %div3A_175 {strides = array<i32>} : memref<512xf32, #tpu.memory_space<vmem>>, vector<16xf32>,
    %mul3A_178 = arith.constant 0 : i32
    %mul3A_179 = vector.broadcast %mul3A_178 : i32 to vector<16xi32>
    %mul3A_180 = arith.muli %iota3A, %mul3A_179 : vector<16xi32>
    %add3A_181 = arith.constant 8 : i32
    %add3A_182 = vector.broadcast %add3A_181 : i32 to vector<16xi32>
    %add3A_183 = arith.addi %mul3A_180, %add3A_182 : vector<16xi32>
    %gather3A_184 = tpu.vector_load_idx %arg8[%add3A_183] : memref<32xf32, #tpu.memory_space<vmem>>[vector<16xi32>], vector<16xf32>,
    %gather3A_185 = tpu.vector_load_idx %arg9[%add3A_183] : memref<32xf32, #tpu.memory_space<vmem>>[vector<16xi32>], vector<16xf32>,
    %swap3A_186 = arith.constant 128 : index
    %swap3A_187 = tpu.vector_load %arg10[%swap3A_186] {strides = array<i32>} : memref<512xf32, #tpu.memory_space<vmem>>, vector<16xf32>,
    tpu.vector_store %arg10[%swap3A_186], %gather3A_184 {strides = array<i32>} : memref<512xf32, #tpu.memory_space<vmem>>, vector<16xf32>,
    %sub3A_188 = arith.subf %gather3A_185, %gather3A_184 : vector<16xf32>
    %mul3A_189 = arith.constant 3.906250e-03 : f32
    %mul3A_190 = vector.broadcast %mul3A_189 : f32 to vector<16xf32>
    %mul3A_191 = arith.mulf %sub3A_188, %mul3A_190 : vector<16xf32>
    %swap3A_192 = arith.constant 128 : index
    %swap3A_193 = tpu.vector_load %arg11[%swap3A_192] {strides = array<i32>} : memref<512xf32, #tpu.memory_space<vmem>>, vector<16xf32>,
    tpu.vector_store %arg11[%swap3A_192], %mul3A_191 {strides = array<i32>} : memref<512xf32, #tpu.memory_space<vmem>>, vector<16xf32>,
    %sub3A_194 = arith.subf %gather3A_185, %gather3A_184 : vector<16xf32>
    %div3A_195 = arith.constant 2.560000e+02 : f32
    %div3A_196 = vector.broadcast %div3A_195 : f32 to vector<16xf32>
    %div3A_197 = arith.divf %div3A_196, %sub3A_194 : vector<16xf32>
    %swap3A_198 = arith.constant 128 : index
    %swap3A_199 = tpu.vector_load %arg12[%swap3A_198] {strides = array<i32>} : memref<512xf32, #tpu.memory_space<vmem>>, vector<16xf32>,
    tpu.vector_store %arg12[%swap3A_198], %div3A_197 {strides = array<i32>} : memref<512xf32, #tpu.memory_space<vmem>>, vector<16xf32>,
    %mul3A_200 = arith.constant 0 : i32
    %mul3A_201 = vector.broadcast %mul3A_200 : i32 to vector<16xi32>
    %mul3A_202 = arith.muli %iota3A, %mul3A_201 : vector<16xi32>
    %add3A_203 = arith.constant 9 : i32
    %add3A_204 = vector.broadcast %add3A_203 : i32 to vector<16xi32>
    %add3A_205 = arith.addi %mul3A_202, %add3A_204 : vector<16xi32>
    %gather3A_206 = tpu.vector_load_idx %arg8[%add3A_205] : memref<32xf32, #tpu.memory_space<vmem>>[vector<16xi32>], vector<16xf32>,
    %gather3A_207 = tpu.vector_load_idx %arg9[%add3A_205] : memref<32xf32, #tpu.memory_space<vmem>>[vector<16xi32>], vector<16xf32>,
    %swap3A_208 = arith.constant 144 : index
    %swap3A_209 = tpu.vector_load %arg10[%swap3A_208] {strides = array<i32>} : memref<512xf32, #tpu.memory_space<vmem>>, vector<16xf32>,
    tpu.vector_store %arg10[%swap3A_208], %gather3A_206 {strides = array<i32>} : memref<512xf32, #tpu.memory_space<vmem>>, vector<16xf32>,
    %sub3A_210 = arith.subf %gather3A_207, %gather3A_206 : vector<16xf32>
    %mul3A_211 = arith.constant 3.906250e-03 : f32
    %mul3A_212 = vector.broadcast %mul3A_211 : f32 to vector<16xf32>
    %mul3A_213 = arith.mulf %sub3A_210, %mul3A_212 : vector<16xf32>
    %swap3A_214 = arith.constant 144 : index
    %swap3A_215 = tpu.vector_load %arg11[%swap3A_214] {strides = array<i32>} : memref<512xf32, #tpu.memory_space<vmem>>, vector<16xf32>,
    tpu.vector_store %arg11[%swap3A_214], %mul3A_213 {strides = array<i32>} : memref<512xf32, #tpu.memory_space<vmem>>, vector<16xf32>,
    %sub3A_216 = arith.subf %gather3A_207, %gather3A_206 : vector<16xf32>
    %div3A_217 = arith.constant 2.560000e+02 : f32
    %div3A_218 = vector.broadcast %div3A_217 : f32 to vector<16xf32>
    %div3A_219 = arith.divf %div3A_218, %sub3A_216 : vector<16xf32>
    %swap3A_220 = arith.constant 144 : index
    %swap3A_221 = tpu.vector_load %arg12[%swap3A_220] {strides = array<i32>} : memref<512xf32, #tpu.memory_space<vmem>>, vector<16xf32>,
    tpu.vector_store %arg12[%swap3A_220], %div3A_219 {strides = array<i32>} : memref<512xf32, #tpu.memory_space<vmem>>, vector<16xf32>,
    %mul3A_222 = arith.constant 0 : i32
    %mul3A_223 = vector.broadcast %mul3A_222 : i32 to vector<16xi32>
    %mul3A_224 = arith.muli %iota3A, %mul3A_223 : vector<16xi32>
    %add3A_225 = arith.constant 10 : i32
    %add3A_226 = vector.broadcast %add3A_225 : i32 to vector<16xi32>
    %add3A_227 = arith.addi %mul3A_224, %add3A_226 : vector<16xi32>
    %gather3A_228 = tpu.vector_load_idx %arg8[%add3A_227] : memref<32xf32, #tpu.memory_space<vmem>>[vector<16xi32>], vector<16xf32>,
    %gather3A_229 = tpu.vector_load_idx %arg9[%add3A_227] : memref<32xf32, #tpu.memory_space<vmem>>[vector<16xi32>], vector<16xf32>,
    %swap3A_230 = arith.constant 160 : index
    %swap3A_231 = tpu.vector_load %arg10[%swap3A_230] {strides = array<i32>} : memref<512xf32, #tpu.memory_space<vmem>>, vector<16xf32>,
    tpu.vector_store %arg10[%swap3A_230], %gather3A_228 {strides = array<i32>} : memref<512xf32, #tpu.memory_space<vmem>>, vector<16xf32>,
    %sub3A_232 = arith.subf %gather3A_229, %gather3A_228 : vector<16xf32>
    %mul3A_233 = arith.constant 3.906250e-03 : f32
    %mul3A_234 = vector.broadcast %mul3A_233 : f32 to vector<16xf32>
    %mul3A_235 = arith.mulf %sub3A_232, %mul3A_234 : vector<16xf32>
    %swap3A_236 = arith.constant 160 : index
    %swap3A_237 = tpu.vector_load %arg11[%swap3A_236] {strides = array<i32>} : memref<512xf32, #tpu.memory_space<vmem>>, vector<16xf32>,
    tpu.vector_store %arg11[%swap3A_236], %mul3A_235 {strides = array<i32>} : memref<512xf32, #tpu.memory_space<vmem>>, vector<16xf32>,
    %sub3A_238 = arith.subf %gather3A_229, %gather3A_228 : vector<16xf32>
    %div3A_239 = arith.constant 2.560000e+02 : f32
    %div3A_240 = vector.broadcast %div3A_239 : f32 to vector<16xf32>
    %div3A_241 = arith.divf %div3A_240, %sub3A_238 : vector<16xf32>
    %swap3A_242 = arith.constant 160 : index
    %swap3A_243 = tpu.vector_load %arg12[%swap3A_242] {strides = array<i32>} : memref<512xf32, #tpu.memory_space<vmem>>, vector<16xf32>,
    tpu.vector_store %arg12[%swap3A_242], %div3A_241 {strides = array<i32>} : memref<512xf32, #tpu.memory_space<vmem>>, vector<16xf32>,
    %mul3A_244 = arith.constant 0 : i32
    %mul3A_245 = vector.broadcast %mul3A_244 : i32 to vector<16xi32>
    %mul3A_246 = arith.muli %iota3A, %mul3A_245 : vector<16xi32>
    %add3A_247 = arith.constant 11 : i32
    %add3A_248 = vector.broadcast %add3A_247 : i32 to vector<16xi32>
    %add3A_249 = arith.addi %mul3A_246, %add3A_248 : vector<16xi32>
    %gather3A_250 = tpu.vector_load_idx %arg8[%add3A_249] : memref<32xf32, #tpu.memory_space<vmem>>[vector<16xi32>], vector<16xf32>,
    %gather3A_251 = tpu.vector_load_idx %arg9[%add3A_249] : memref<32xf32, #tpu.memory_space<vmem>>[vector<16xi32>], vector<16xf32>,
    %swap3A_252 = arith.constant 176 : index
    %swap3A_253 = tpu.vector_load %arg10[%swap3A_252] {strides = array<i32>} : memref<512xf32, #tpu.memory_space<vmem>>, vector<16xf32>,
    tpu.vector_store %arg10[%swap3A_252], %gather3A_250 {strides = array<i32>} : memref<512xf32, #tpu.memory_space<vmem>>, vector<16xf32>,
    %sub3A_254 = arith.subf %gather3A_251, %gather3A_250 : vector<16xf32>
    %mul3A_255 = arith.constant 3.906250e-03 : f32
    %mul3A_256 = vector.broadcast %mul3A_255 : f32 to vector<16xf32>
    %mul3A_257 = arith.mulf %sub3A_254, %mul3A_256 : vector<16xf32>
    %swap3A_258 = arith.constant 176 : index
    %swap3A_259 = tpu.vector_load %arg11[%swap3A_258] {strides = array<i32>} : memref<512xf32, #tpu.memory_space<vmem>>, vector<16xf32>,
    tpu.vector_store %arg11[%swap3A_258], %mul3A_257 {strides = array<i32>} : memref<512xf32, #tpu.memory_space<vmem>>, vector<16xf32>,
    %sub3A_260 = arith.subf %gather3A_251, %gather3A_250 : vector<16xf32>
    %div3A_261 = arith.constant 2.560000e+02 : f32
    %div3A_262 = vector.broadcast %div3A_261 : f32 to vector<16xf32>
    %div3A_263 = arith.divf %div3A_262, %sub3A_260 : vector<16xf32>
    %swap3A_264 = arith.constant 176 : index
    %swap3A_265 = tpu.vector_load %arg12[%swap3A_264] {strides = array<i32>} : memref<512xf32, #tpu.memory_space<vmem>>, vector<16xf32>,
    tpu.vector_store %arg12[%swap3A_264], %div3A_263 {strides = array<i32>} : memref<512xf32, #tpu.memory_space<vmem>>, vector<16xf32>,
    %mul3A_266 = arith.constant 0 : i32
    %mul3A_267 = vector.broadcast %mul3A_266 : i32 to vector<16xi32>
    %mul3A_268 = arith.muli %iota3A, %mul3A_267 : vector<16xi32>
    %add3A_269 = arith.constant 12 : i32
    %add3A_270 = vector.broadcast %add3A_269 : i32 to vector<16xi32>
    %add3A_271 = arith.addi %mul3A_268, %add3A_270 : vector<16xi32>
    %gather3A_272 = tpu.vector_load_idx %arg8[%add3A_271] : memref<32xf32, #tpu.memory_space<vmem>>[vector<16xi32>], vector<16xf32>,
    %gather3A_273 = tpu.vector_load_idx %arg9[%add3A_271] : memref<32xf32, #tpu.memory_space<vmem>>[vector<16xi32>], vector<16xf32>,
    %swap3A_274 = arith.constant 192 : index
    %swap3A_275 = tpu.vector_load %arg10[%swap3A_274] {strides = array<i32>} : memref<512xf32, #tpu.memory_space<vmem>>, vector<16xf32>,
    tpu.vector_store %arg10[%swap3A_274], %gather3A_272 {strides = array<i32>} : memref<512xf32, #tpu.memory_space<vmem>>, vector<16xf32>,
    %sub3A_276 = arith.subf %gather3A_273, %gather3A_272 : vector<16xf32>
    %mul3A_277 = arith.constant 3.906250e-03 : f32
    %mul3A_278 = vector.broadcast %mul3A_277 : f32 to vector<16xf32>
    %mul3A_279 = arith.mulf %sub3A_276, %mul3A_278 : vector<16xf32>
    %swap3A_280 = arith.constant 192 : index
    %swap3A_281 = tpu.vector_load %arg11[%swap3A_280] {strides = array<i32>} : memref<512xf32, #tpu.memory_space<vmem>>, vector<16xf32>,
    tpu.vector_store %arg11[%swap3A_280], %mul3A_279 {strides = array<i32>} : memref<512xf32, #tpu.memory_space<vmem>>, vector<16xf32>,
    %sub3A_282 = arith.subf %gather3A_273, %gather3A_272 : vector<16xf32>
    %div3A_283 = arith.constant 2.560000e+02 : f32
    %div3A_284 = vector.broadcast %div3A_283 : f32 to vector<16xf32>
    %div3A_285 = arith.divf %div3A_284, %sub3A_282 : vector<16xf32>
    %swap3A_286 = arith.constant 192 : index
    %swap3A_287 = tpu.vector_load %arg12[%swap3A_286] {strides = array<i32>} : memref<512xf32, #tpu.memory_space<vmem>>, vector<16xf32>,
    tpu.vector_store %arg12[%swap3A_286], %div3A_285 {strides = array<i32>} : memref<512xf32, #tpu.memory_space<vmem>>, vector<16xf32>,
    %mul3A_288 = arith.constant 0 : i32
    %mul3A_289 = vector.broadcast %mul3A_288 : i32 to vector<16xi32>
    %mul3A_290 = arith.muli %iota3A, %mul3A_289 : vector<16xi32>
    %add3A_291 = arith.constant 13 : i32
    %add3A_292 = vector.broadcast %add3A_291 : i32 to vector<16xi32>
    %add3A_293 = arith.addi %mul3A_290, %add3A_292 : vector<16xi32>
    %gather3A_294 = tpu.vector_load_idx %arg8[%add3A_293] : memref<32xf32, #tpu.memory_space<vmem>>[vector<16xi32>], vector<16xf32>,
    %gather3A_295 = tpu.vector_load_idx %arg9[%add3A_293] : memref<32xf32, #tpu.memory_space<vmem>>[vector<16xi32>], vector<16xf32>,
    %swap3A_296 = arith.constant 208 : index
    %swap3A_297 = tpu.vector_load %arg10[%swap3A_296] {strides = array<i32>} : memref<512xf32, #tpu.memory_space<vmem>>, vector<16xf32>,
    tpu.vector_store %arg10[%swap3A_296], %gather3A_294 {strides = array<i32>} : memref<512xf32, #tpu.memory_space<vmem>>, vector<16xf32>,
    %sub3A_298 = arith.subf %gather3A_295, %gather3A_294 : vector<16xf32>
    %mul3A_299 = arith.constant 3.906250e-03 : f32
    %mul3A_300 = vector.broadcast %mul3A_299 : f32 to vector<16xf32>
    %mul3A_301 = arith.mulf %sub3A_298, %mul3A_300 : vector<16xf32>
    %swap3A_302 = arith.constant 208 : index
    %swap3A_303 = tpu.vector_load %arg11[%swap3A_302] {strides = array<i32>} : memref<512xf32, #tpu.memory_space<vmem>>, vector<16xf32>,
    tpu.vector_store %arg11[%swap3A_302], %mul3A_301 {strides = array<i32>} : memref<512xf32, #tpu.memory_space<vmem>>, vector<16xf32>,
    %sub3A_304 = arith.subf %gather3A_295, %gather3A_294 : vector<16xf32>
    %div3A_305 = arith.constant 2.560000e+02 : f32
    %div3A_306 = vector.broadcast %div3A_305 : f32 to vector<16xf32>
    %div3A_307 = arith.divf %div3A_306, %sub3A_304 : vector<16xf32>
    %swap3A_308 = arith.constant 208 : index
    %swap3A_309 = tpu.vector_load %arg12[%swap3A_308] {strides = array<i32>} : memref<512xf32, #tpu.memory_space<vmem>>, vector<16xf32>,
    tpu.vector_store %arg12[%swap3A_308], %div3A_307 {strides = array<i32>} : memref<512xf32, #tpu.memory_space<vmem>>, vector<16xf32>,
    %mul3A_310 = arith.constant 0 : i32
    %mul3A_311 = vector.broadcast %mul3A_310 : i32 to vector<16xi32>
    %mul3A_312 = arith.muli %iota3A, %mul3A_311 : vector<16xi32>
    %add3A_313 = arith.constant 14 : i32
    %add3A_314 = vector.broadcast %add3A_313 : i32 to vector<16xi32>
    %add3A_315 = arith.addi %mul3A_312, %add3A_314 : vector<16xi32>
    %gather3A_316 = tpu.vector_load_idx %arg8[%add3A_315] : memref<32xf32, #tpu.memory_space<vmem>>[vector<16xi32>], vector<16xf32>,
    %gather3A_317 = tpu.vector_load_idx %arg9[%add3A_315] : memref<32xf32, #tpu.memory_space<vmem>>[vector<16xi32>], vector<16xf32>,
    %swap3A_318 = arith.constant 224 : index
    %swap3A_319 = tpu.vector_load %arg10[%swap3A_318] {strides = array<i32>} : memref<512xf32, #tpu.memory_space<vmem>>, vector<16xf32>,
    tpu.vector_store %arg10[%swap3A_318], %gather3A_316 {strides = array<i32>} : memref<512xf32, #tpu.memory_space<vmem>>, vector<16xf32>,
    %sub3A_320 = arith.subf %gather3A_317, %gather3A_316 : vector<16xf32>
    %mul3A_321 = arith.constant 3.906250e-03 : f32
    %mul3A_322 = vector.broadcast %mul3A_321 : f32 to vector<16xf32>
    %mul3A_323 = arith.mulf %sub3A_320, %mul3A_322 : vector<16xf32>
    %swap3A_324 = arith.constant 224 : index
    %swap3A_325 = tpu.vector_load %arg11[%swap3A_324] {strides = array<i32>} : memref<512xf32, #tpu.memory_space<vmem>>, vector<16xf32>,
    tpu.vector_store %arg11[%swap3A_324], %mul3A_323 {strides = array<i32>} : memref<512xf32, #tpu.memory_space<vmem>>, vector<16xf32>,
    %sub3A_326 = arith.subf %gather3A_317, %gather3A_316 : vector<16xf32>
    %div3A_327 = arith.constant 2.560000e+02 : f32
    %div3A_328 = vector.broadcast %div3A_327 : f32 to vector<16xf32>
    %div3A_329 = arith.divf %div3A_328, %sub3A_326 : vector<16xf32>
    %swap3A_330 = arith.constant 224 : index
    %swap3A_331 = tpu.vector_load %arg12[%swap3A_330] {strides = array<i32>} : memref<512xf32, #tpu.memory_space<vmem>>, vector<16xf32>,
    tpu.vector_store %arg12[%swap3A_330], %div3A_329 {strides = array<i32>} : memref<512xf32, #tpu.memory_space<vmem>>, vector<16xf32>,
    %mul3A_332 = arith.constant 0 : i32
    %mul3A_333 = vector.broadcast %mul3A_332 : i32 to vector<16xi32>
    %mul3A_334 = arith.muli %iota3A, %mul3A_333 : vector<16xi32>
    %add3A_335 = arith.constant 15 : i32
    %add3A_336 = vector.broadcast %add3A_335 : i32 to vector<16xi32>
    %add3A_337 = arith.addi %mul3A_334, %add3A_336 : vector<16xi32>
    %gather3A_338 = tpu.vector_load_idx %arg8[%add3A_337] : memref<32xf32, #tpu.memory_space<vmem>>[vector<16xi32>], vector<16xf32>,
    %gather3A_339 = tpu.vector_load_idx %arg9[%add3A_337] : memref<32xf32, #tpu.memory_space<vmem>>[vector<16xi32>], vector<16xf32>,
    %swap3A_340 = arith.constant 240 : index
    %swap3A_341 = tpu.vector_load %arg10[%swap3A_340] {strides = array<i32>} : memref<512xf32, #tpu.memory_space<vmem>>, vector<16xf32>,
    tpu.vector_store %arg10[%swap3A_340], %gather3A_338 {strides = array<i32>} : memref<512xf32, #tpu.memory_space<vmem>>, vector<16xf32>,
    %sub3A_342 = arith.subf %gather3A_339, %gather3A_338 : vector<16xf32>
    %mul3A_343 = arith.constant 3.906250e-03 : f32
    %mul3A_344 = vector.broadcast %mul3A_343 : f32 to vector<16xf32>
    %mul3A_345 = arith.mulf %sub3A_342, %mul3A_344 : vector<16xf32>
    %swap3A_346 = arith.constant 240 : index
    %swap3A_347 = tpu.vector_load %arg11[%swap3A_346] {strides = array<i32>} : memref<512xf32, #tpu.memory_space<vmem>>, vector<16xf32>,
    tpu.vector_store %arg11[%swap3A_346], %mul3A_345 {strides = array<i32>} : memref<512xf32, #tpu.memory_space<vmem>>, vector<16xf32>,
    %sub3A_348 = arith.subf %gather3A_339, %gather3A_338 : vector<16xf32>
    %div3A_349 = arith.constant 2.560000e+02 : f32
    %div3A_350 = vector.broadcast %div3A_349 : f32 to vector<16xf32>
    %div3A_351 = arith.divf %div3A_350, %sub3A_348 : vector<16xf32>
    %swap3A_352 = arith.constant 240 : index
    %swap3A_353 = tpu.vector_load %arg12[%swap3A_352] {strides = array<i32>} : memref<512xf32, #tpu.memory_space<vmem>>, vector<16xf32>,
    tpu.vector_store %arg12[%swap3A_352], %div3A_351 {strides = array<i32>} : memref<512xf32, #tpu.memory_space<vmem>>, vector<16xf32>,
    %mul3A_354 = arith.constant 0 : i32
    %mul3A_355 = vector.broadcast %mul3A_354 : i32 to vector<16xi32>
    %mul3A_356 = arith.muli %iota3A, %mul3A_355 : vector<16xi32>
    %add3A_357 = arith.constant 16 : i32
    %add3A_358 = vector.broadcast %add3A_357 : i32 to vector<16xi32>
    %add3A_359 = arith.addi %mul3A_356, %add3A_358 : vector<16xi32>
    %gather3A_360 = tpu.vector_load_idx %arg8[%add3A_359] : memref<32xf32, #tpu.memory_space<vmem>>[vector<16xi32>], vector<16xf32>,
    %gather3A_361 = tpu.vector_load_idx %arg9[%add3A_359] : memref<32xf32, #tpu.memory_space<vmem>>[vector<16xi32>], vector<16xf32>,
    %swap3A_362 = arith.constant 256 : index
    %swap3A_363 = tpu.vector_load %arg10[%swap3A_362] {strides = array<i32>} : memref<512xf32, #tpu.memory_space<vmem>>, vector<16xf32>,
    tpu.vector_store %arg10[%swap3A_362], %gather3A_360 {strides = array<i32>} : memref<512xf32, #tpu.memory_space<vmem>>, vector<16xf32>,
    %sub3A_364 = arith.subf %gather3A_361, %gather3A_360 : vector<16xf32>
    %mul3A_365 = arith.constant 3.906250e-03 : f32
    %mul3A_366 = vector.broadcast %mul3A_365 : f32 to vector<16xf32>
    %mul3A_367 = arith.mulf %sub3A_364, %mul3A_366 : vector<16xf32>
    %swap3A_368 = arith.constant 256 : index
    %swap3A_369 = tpu.vector_load %arg11[%swap3A_368] {strides = array<i32>} : memref<512xf32, #tpu.memory_space<vmem>>, vector<16xf32>,
    tpu.vector_store %arg11[%swap3A_368], %mul3A_367 {strides = array<i32>} : memref<512xf32, #tpu.memory_space<vmem>>, vector<16xf32>,
    %sub3A_370 = arith.subf %gather3A_361, %gather3A_360 : vector<16xf32>
    %div3A_371 = arith.constant 2.560000e+02 : f32
    %div3A_372 = vector.broadcast %div3A_371 : f32 to vector<16xf32>
    %div3A_373 = arith.divf %div3A_372, %sub3A_370 : vector<16xf32>
    %swap3A_374 = arith.constant 256 : index
    %swap3A_375 = tpu.vector_load %arg12[%swap3A_374] {strides = array<i32>} : memref<512xf32, #tpu.memory_space<vmem>>, vector<16xf32>,
    tpu.vector_store %arg12[%swap3A_374], %div3A_373 {strides = array<i32>} : memref<512xf32, #tpu.memory_space<vmem>>, vector<16xf32>,
    %mul3A_376 = arith.constant 0 : i32
    %mul3A_377 = vector.broadcast %mul3A_376 : i32 to vector<16xi32>
    %mul3A_378 = arith.muli %iota3A, %mul3A_377 : vector<16xi32>
    %add3A_379 = arith.constant 17 : i32
    %add3A_380 = vector.broadcast %add3A_379 : i32 to vector<16xi32>
    %add3A_381 = arith.addi %mul3A_378, %add3A_380 : vector<16xi32>
    %gather3A_382 = tpu.vector_load_idx %arg8[%add3A_381] : memref<32xf32, #tpu.memory_space<vmem>>[vector<16xi32>], vector<16xf32>,
    %gather3A_383 = tpu.vector_load_idx %arg9[%add3A_381] : memref<32xf32, #tpu.memory_space<vmem>>[vector<16xi32>], vector<16xf32>,
    %swap3A_384 = arith.constant 272 : index
    %swap3A_385 = tpu.vector_load %arg10[%swap3A_384] {strides = array<i32>} : memref<512xf32, #tpu.memory_space<vmem>>, vector<16xf32>,
    tpu.vector_store %arg10[%swap3A_384], %gather3A_382 {strides = array<i32>} : memref<512xf32, #tpu.memory_space<vmem>>, vector<16xf32>,
    %sub3A_386 = arith.subf %gather3A_383, %gather3A_382 : vector<16xf32>
    %mul3A_387 = arith.constant 3.906250e-03 : f32
    %mul3A_388 = vector.broadcast %mul3A_387 : f32 to vector<16xf32>
    %mul3A_389 = arith.mulf %sub3A_386, %mul3A_388 : vector<16xf32>
    %swap3A_390 = arith.constant 272 : index
    %swap3A_391 = tpu.vector_load %arg11[%swap3A_390] {strides = array<i32>} : memref<512xf32, #tpu.memory_space<vmem>>, vector<16xf32>,
    tpu.vector_store %arg11[%swap3A_390], %mul3A_389 {strides = array<i32>} : memref<512xf32, #tpu.memory_space<vmem>>, vector<16xf32>,
    %sub3A_392 = arith.subf %gather3A_383, %gather3A_382 : vector<16xf32>
    %div3A_393 = arith.constant 2.560000e+02 : f32
    %div3A_394 = vector.broadcast %div3A_393 : f32 to vector<16xf32>
    %div3A_395 = arith.divf %div3A_394, %sub3A_392 : vector<16xf32>
    %swap3A_396 = arith.constant 272 : index
    %swap3A_397 = tpu.vector_load %arg12[%swap3A_396] {strides = array<i32>} : memref<512xf32, #tpu.memory_space<vmem>>, vector<16xf32>,
    tpu.vector_store %arg12[%swap3A_396], %div3A_395 {strides = array<i32>} : memref<512xf32, #tpu.memory_space<vmem>>, vector<16xf32>,
    %mul3A_398 = arith.constant 0 : i32
    %mul3A_399 = vector.broadcast %mul3A_398 : i32 to vector<16xi32>
    %mul3A_400 = arith.muli %iota3A, %mul3A_399 : vector<16xi32>
    %add3A_401 = arith.constant 18 : i32
    %add3A_402 = vector.broadcast %add3A_401 : i32 to vector<16xi32>
    %add3A_403 = arith.addi %mul3A_400, %add3A_402 : vector<16xi32>
    %gather3A_404 = tpu.vector_load_idx %arg8[%add3A_403] : memref<32xf32, #tpu.memory_space<vmem>>[vector<16xi32>], vector<16xf32>,
    %gather3A_405 = tpu.vector_load_idx %arg9[%add3A_403] : memref<32xf32, #tpu.memory_space<vmem>>[vector<16xi32>], vector<16xf32>,
    %swap3A_406 = arith.constant 288 : index
    %swap3A_407 = tpu.vector_load %arg10[%swap3A_406] {strides = array<i32>} : memref<512xf32, #tpu.memory_space<vmem>>, vector<16xf32>,
    tpu.vector_store %arg10[%swap3A_406], %gather3A_404 {strides = array<i32>} : memref<512xf32, #tpu.memory_space<vmem>>, vector<16xf32>,
    %sub3A_408 = arith.subf %gather3A_405, %gather3A_404 : vector<16xf32>
    %mul3A_409 = arith.constant 3.906250e-03 : f32
    %mul3A_410 = vector.broadcast %mul3A_409 : f32 to vector<16xf32>
    %mul3A_411 = arith.mulf %sub3A_408, %mul3A_410 : vector<16xf32>
    %swap3A_412 = arith.constant 288 : index
    %swap3A_413 = tpu.vector_load %arg11[%swap3A_412] {strides = array<i32>} : memref<512xf32, #tpu.memory_space<vmem>>, vector<16xf32>,
    tpu.vector_store %arg11[%swap3A_412], %mul3A_411 {strides = array<i32>} : memref<512xf32, #tpu.memory_space<vmem>>, vector<16xf32>,
    %sub3A_414 = arith.subf %gather3A_405, %gather3A_404 : vector<16xf32>
    %div3A_415 = arith.constant 2.560000e+02 : f32
    %div3A_416 = vector.broadcast %div3A_415 : f32 to vector<16xf32>
    %div3A_417 = arith.divf %div3A_416, %sub3A_414 : vector<16xf32>
    %swap3A_418 = arith.constant 288 : index
    %swap3A_419 = tpu.vector_load %arg12[%swap3A_418] {strides = array<i32>} : memref<512xf32, #tpu.memory_space<vmem>>, vector<16xf32>,
    tpu.vector_store %arg12[%swap3A_418], %div3A_417 {strides = array<i32>} : memref<512xf32, #tpu.memory_space<vmem>>, vector<16xf32>,
    %mul3A_420 = arith.constant 0 : i32
    %mul3A_421 = vector.broadcast %mul3A_420 : i32 to vector<16xi32>
    %mul3A_422 = arith.muli %iota3A, %mul3A_421 : vector<16xi32>
    %add3A_423 = arith.constant 19 : i32
    %add3A_424 = vector.broadcast %add3A_423 : i32 to vector<16xi32>
    %add3A_425 = arith.addi %mul3A_422, %add3A_424 : vector<16xi32>
    %gather3A_426 = tpu.vector_load_idx %arg8[%add3A_425] : memref<32xf32, #tpu.memory_space<vmem>>[vector<16xi32>], vector<16xf32>,
    %gather3A_427 = tpu.vector_load_idx %arg9[%add3A_425] : memref<32xf32, #tpu.memory_space<vmem>>[vector<16xi32>], vector<16xf32>,
    %swap3A_428 = arith.constant 304 : index
    %swap3A_429 = tpu.vector_load %arg10[%swap3A_428] {strides = array<i32>} : memref<512xf32, #tpu.memory_space<vmem>>, vector<16xf32>,
    tpu.vector_store %arg10[%swap3A_428], %gather3A_426 {strides = array<i32>} : memref<512xf32, #tpu.memory_space<vmem>>, vector<16xf32>,
    %sub3A_430 = arith.subf %gather3A_427, %gather3A_426 : vector<16xf32>
    %mul3A_431 = arith.constant 3.906250e-03 : f32
    %mul3A_432 = vector.broadcast %mul3A_431 : f32 to vector<16xf32>
    %mul3A_433 = arith.mulf %sub3A_430, %mul3A_432 : vector<16xf32>
    %swap3A_434 = arith.constant 304 : index
    %swap3A_435 = tpu.vector_load %arg11[%swap3A_434] {strides = array<i32>} : memref<512xf32, #tpu.memory_space<vmem>>, vector<16xf32>,
    tpu.vector_store %arg11[%swap3A_434], %mul3A_433 {strides = array<i32>} : memref<512xf32, #tpu.memory_space<vmem>>, vector<16xf32>,
    %sub3A_436 = arith.subf %gather3A_427, %gather3A_426 : vector<16xf32>
    %div3A_437 = arith.constant 2.560000e+02 : f32
    %div3A_438 = vector.broadcast %div3A_437 : f32 to vector<16xf32>
    %div3A_439 = arith.divf %div3A_438, %sub3A_436 : vector<16xf32>
    %swap3A_440 = arith.constant 304 : index
    %swap3A_441 = tpu.vector_load %arg12[%swap3A_440] {strides = array<i32>} : memref<512xf32, #tpu.memory_space<vmem>>, vector<16xf32>,
    tpu.vector_store %arg12[%swap3A_440], %div3A_439 {strides = array<i32>} : memref<512xf32, #tpu.memory_space<vmem>>, vector<16xf32>,
    %mul3A_442 = arith.constant 0 : i32
    %mul3A_443 = vector.broadcast %mul3A_442 : i32 to vector<16xi32>
    %mul3A_444 = arith.muli %iota3A, %mul3A_443 : vector<16xi32>
    %add3A_445 = arith.constant 20 : i32
    %add3A_446 = vector.broadcast %add3A_445 : i32 to vector<16xi32>
    %add3A_447 = arith.addi %mul3A_444, %add3A_446 : vector<16xi32>
    %gather3A_448 = tpu.vector_load_idx %arg8[%add3A_447] : memref<32xf32, #tpu.memory_space<vmem>>[vector<16xi32>], vector<16xf32>,
    %gather3A_449 = tpu.vector_load_idx %arg9[%add3A_447] : memref<32xf32, #tpu.memory_space<vmem>>[vector<16xi32>], vector<16xf32>,
    %swap3A_450 = arith.constant 320 : index
    %swap3A_451 = tpu.vector_load %arg10[%swap3A_450] {strides = array<i32>} : memref<512xf32, #tpu.memory_space<vmem>>, vector<16xf32>,
    tpu.vector_store %arg10[%swap3A_450], %gather3A_448 {strides = array<i32>} : memref<512xf32, #tpu.memory_space<vmem>>, vector<16xf32>,
    %sub3A_452 = arith.subf %gather3A_449, %gather3A_448 : vector<16xf32>
    %mul3A_453 = arith.constant 3.906250e-03 : f32
    %mul3A_454 = vector.broadcast %mul3A_453 : f32 to vector<16xf32>
    %mul3A_455 = arith.mulf %sub3A_452, %mul3A_454 : vector<16xf32>
    %swap3A_456 = arith.constant 320 : index
    %swap3A_457 = tpu.vector_load %arg11[%swap3A_456] {strides = array<i32>} : memref<512xf32, #tpu.memory_space<vmem>>, vector<16xf32>,
    tpu.vector_store %arg11[%swap3A_456], %mul3A_455 {strides = array<i32>} : memref<512xf32, #tpu.memory_space<vmem>>, vector<16xf32>,
    %sub3A_458 = arith.subf %gather3A_449, %gather3A_448 : vector<16xf32>
    %div3A_459 = arith.constant 2.560000e+02 : f32
    %div3A_460 = vector.broadcast %div3A_459 : f32 to vector<16xf32>
    %div3A_461 = arith.divf %div3A_460, %sub3A_458 : vector<16xf32>
    %swap3A_462 = arith.constant 320 : index
    %swap3A_463 = tpu.vector_load %arg12[%swap3A_462] {strides = array<i32>} : memref<512xf32, #tpu.memory_space<vmem>>, vector<16xf32>,
    tpu.vector_store %arg12[%swap3A_462], %div3A_461 {strides = array<i32>} : memref<512xf32, #tpu.memory_space<vmem>>, vector<16xf32>,
    %mul3A_464 = arith.constant 0 : i32
    %mul3A_465 = vector.broadcast %mul3A_464 : i32 to vector<16xi32>
    %mul3A_466 = arith.muli %iota3A, %mul3A_465 : vector<16xi32>
    %add3A_467 = arith.constant 21 : i32
    %add3A_468 = vector.broadcast %add3A_467 : i32 to vector<16xi32>
    %add3A_469 = arith.addi %mul3A_466, %add3A_468 : vector<16xi32>
    %gather3A_470 = tpu.vector_load_idx %arg8[%add3A_469] : memref<32xf32, #tpu.memory_space<vmem>>[vector<16xi32>], vector<16xf32>,
    %gather3A_471 = tpu.vector_load_idx %arg9[%add3A_469] : memref<32xf32, #tpu.memory_space<vmem>>[vector<16xi32>], vector<16xf32>,
    %swap3A_472 = arith.constant 336 : index
    %swap3A_473 = tpu.vector_load %arg10[%swap3A_472] {strides = array<i32>} : memref<512xf32, #tpu.memory_space<vmem>>, vector<16xf32>,
    tpu.vector_store %arg10[%swap3A_472], %gather3A_470 {strides = array<i32>} : memref<512xf32, #tpu.memory_space<vmem>>, vector<16xf32>,
    %sub3A_474 = arith.subf %gather3A_471, %gather3A_470 : vector<16xf32>
    %mul3A_475 = arith.constant 3.906250e-03 : f32
    %mul3A_476 = vector.broadcast %mul3A_475 : f32 to vector<16xf32>
    %mul3A_477 = arith.mulf %sub3A_474, %mul3A_476 : vector<16xf32>
    %swap3A_478 = arith.constant 336 : index
    %swap3A_479 = tpu.vector_load %arg11[%swap3A_478] {strides = array<i32>} : memref<512xf32, #tpu.memory_space<vmem>>, vector<16xf32>,
    tpu.vector_store %arg11[%swap3A_478], %mul3A_477 {strides = array<i32>} : memref<512xf32, #tpu.memory_space<vmem>>, vector<16xf32>,
    %sub3A_480 = arith.subf %gather3A_471, %gather3A_470 : vector<16xf32>
    %div3A_481 = arith.constant 2.560000e+02 : f32
    %div3A_482 = vector.broadcast %div3A_481 : f32 to vector<16xf32>
    %div3A_483 = arith.divf %div3A_482, %sub3A_480 : vector<16xf32>
    %swap3A_484 = arith.constant 336 : index
    %swap3A_485 = tpu.vector_load %arg12[%swap3A_484] {strides = array<i32>} : memref<512xf32, #tpu.memory_space<vmem>>, vector<16xf32>,
    tpu.vector_store %arg12[%swap3A_484], %div3A_483 {strides = array<i32>} : memref<512xf32, #tpu.memory_space<vmem>>, vector<16xf32>,
    %mul3A_486 = arith.constant 0 : i32
    %mul3A_487 = vector.broadcast %mul3A_486 : i32 to vector<16xi32>
    %mul3A_488 = arith.muli %iota3A, %mul3A_487 : vector<16xi32>
    %add3A_489 = arith.constant 22 : i32
    %add3A_490 = vector.broadcast %add3A_489 : i32 to vector<16xi32>
    %add3A_491 = arith.addi %mul3A_488, %add3A_490 : vector<16xi32>
    %gather3A_492 = tpu.vector_load_idx %arg8[%add3A_491] : memref<32xf32, #tpu.memory_space<vmem>>[vector<16xi32>], vector<16xf32>,
    %gather3A_493 = tpu.vector_load_idx %arg9[%add3A_491] : memref<32xf32, #tpu.memory_space<vmem>>[vector<16xi32>], vector<16xf32>,
    %swap3A_494 = arith.constant 352 : index
    %swap3A_495 = tpu.vector_load %arg10[%swap3A_494] {strides = array<i32>} : memref<512xf32, #tpu.memory_space<vmem>>, vector<16xf32>,
    tpu.vector_store %arg10[%swap3A_494], %gather3A_492 {strides = array<i32>} : memref<512xf32, #tpu.memory_space<vmem>>, vector<16xf32>,
    %sub3A_496 = arith.subf %gather3A_493, %gather3A_492 : vector<16xf32>
    %mul3A_497 = arith.constant 3.906250e-03 : f32
    %mul3A_498 = vector.broadcast %mul3A_497 : f32 to vector<16xf32>
    %mul3A_499 = arith.mulf %sub3A_496, %mul3A_498 : vector<16xf32>
    %swap3A_500 = arith.constant 352 : index
    %swap3A_501 = tpu.vector_load %arg11[%swap3A_500] {strides = array<i32>} : memref<512xf32, #tpu.memory_space<vmem>>, vector<16xf32>,
    tpu.vector_store %arg11[%swap3A_500], %mul3A_499 {strides = array<i32>} : memref<512xf32, #tpu.memory_space<vmem>>, vector<16xf32>,
    %sub3A_502 = arith.subf %gather3A_493, %gather3A_492 : vector<16xf32>
    %div3A_503 = arith.constant 2.560000e+02 : f32
    %div3A_504 = vector.broadcast %div3A_503 : f32 to vector<16xf32>
    %div3A_505 = arith.divf %div3A_504, %sub3A_502 : vector<16xf32>
    %swap3A_506 = arith.constant 352 : index
    %swap3A_507 = tpu.vector_load %arg12[%swap3A_506] {strides = array<i32>} : memref<512xf32, #tpu.memory_space<vmem>>, vector<16xf32>,
    tpu.vector_store %arg12[%swap3A_506], %div3A_505 {strides = array<i32>} : memref<512xf32, #tpu.memory_space<vmem>>, vector<16xf32>,
    %mul3A_508 = arith.constant 0 : i32
    %mul3A_509 = vector.broadcast %mul3A_508 : i32 to vector<16xi32>
    %mul3A_510 = arith.muli %iota3A, %mul3A_509 : vector<16xi32>
    %add3A_511 = arith.constant 23 : i32
    %add3A_512 = vector.broadcast %add3A_511 : i32 to vector<16xi32>
    %add3A_513 = arith.addi %mul3A_510, %add3A_512 : vector<16xi32>
    %gather3A_514 = tpu.vector_load_idx %arg8[%add3A_513] : memref<32xf32, #tpu.memory_space<vmem>>[vector<16xi32>], vector<16xf32>,
    %gather3A_515 = tpu.vector_load_idx %arg9[%add3A_513] : memref<32xf32, #tpu.memory_space<vmem>>[vector<16xi32>], vector<16xf32>,
    %swap3A_516 = arith.constant 368 : index
    %swap3A_517 = tpu.vector_load %arg10[%swap3A_516] {strides = array<i32>} : memref<512xf32, #tpu.memory_space<vmem>>, vector<16xf32>,
    tpu.vector_store %arg10[%swap3A_516], %gather3A_514 {strides = array<i32>} : memref<512xf32, #tpu.memory_space<vmem>>, vector<16xf32>,
    %sub3A_518 = arith.subf %gather3A_515, %gather3A_514 : vector<16xf32>
    %mul3A_519 = arith.constant 3.906250e-03 : f32
    %mul3A_520 = vector.broadcast %mul3A_519 : f32 to vector<16xf32>
    %mul3A_521 = arith.mulf %sub3A_518, %mul3A_520 : vector<16xf32>
    %swap3A_522 = arith.constant 368 : index
    %swap3A_523 = tpu.vector_load %arg11[%swap3A_522] {strides = array<i32>} : memref<512xf32, #tpu.memory_space<vmem>>, vector<16xf32>,
    tpu.vector_store %arg11[%swap3A_522], %mul3A_521 {strides = array<i32>} : memref<512xf32, #tpu.memory_space<vmem>>, vector<16xf32>,
    %sub3A_524 = arith.subf %gather3A_515, %gather3A_514 : vector<16xf32>
    %div3A_525 = arith.constant 2.560000e+02 : f32
    %div3A_526 = vector.broadcast %div3A_525 : f32 to vector<16xf32>
    %div3A_527 = arith.divf %div3A_526, %sub3A_524 : vector<16xf32>
    %swap3A_528 = arith.constant 368 : index
    %swap3A_529 = tpu.vector_load %arg12[%swap3A_528] {strides = array<i32>} : memref<512xf32, #tpu.memory_space<vmem>>, vector<16xf32>,
    tpu.vector_store %arg12[%swap3A_528], %div3A_527 {strides = array<i32>} : memref<512xf32, #tpu.memory_space<vmem>>, vector<16xf32>,
    %mul3A_530 = arith.constant 0 : i32
    %mul3A_531 = vector.broadcast %mul3A_530 : i32 to vector<16xi32>
    %mul3A_532 = arith.muli %iota3A, %mul3A_531 : vector<16xi32>
    %add3A_533 = arith.constant 24 : i32
    %add3A_534 = vector.broadcast %add3A_533 : i32 to vector<16xi32>
    %add3A_535 = arith.addi %mul3A_532, %add3A_534 : vector<16xi32>
    %gather3A_536 = tpu.vector_load_idx %arg8[%add3A_535] : memref<32xf32, #tpu.memory_space<vmem>>[vector<16xi32>], vector<16xf32>,
    %gather3A_537 = tpu.vector_load_idx %arg9[%add3A_535] : memref<32xf32, #tpu.memory_space<vmem>>[vector<16xi32>], vector<16xf32>,
    %swap3A_538 = arith.constant 384 : index
    %swap3A_539 = tpu.vector_load %arg10[%swap3A_538] {strides = array<i32>} : memref<512xf32, #tpu.memory_space<vmem>>, vector<16xf32>,
    tpu.vector_store %arg10[%swap3A_538], %gather3A_536 {strides = array<i32>} : memref<512xf32, #tpu.memory_space<vmem>>, vector<16xf32>,
    %sub3A_540 = arith.subf %gather3A_537, %gather3A_536 : vector<16xf32>
    %mul3A_541 = arith.constant 3.906250e-03 : f32
    %mul3A_542 = vector.broadcast %mul3A_541 : f32 to vector<16xf32>
    %mul3A_543 = arith.mulf %sub3A_540, %mul3A_542 : vector<16xf32>
    %swap3A_544 = arith.constant 384 : index
    %swap3A_545 = tpu.vector_load %arg11[%swap3A_544] {strides = array<i32>} : memref<512xf32, #tpu.memory_space<vmem>>, vector<16xf32>,
    tpu.vector_store %arg11[%swap3A_544], %mul3A_543 {strides = array<i32>} : memref<512xf32, #tpu.memory_space<vmem>>, vector<16xf32>,
    %sub3A_546 = arith.subf %gather3A_537, %gather3A_536 : vector<16xf32>
    %div3A_547 = arith.constant 2.560000e+02 : f32
    %div3A_548 = vector.broadcast %div3A_547 : f32 to vector<16xf32>
    %div3A_549 = arith.divf %div3A_548, %sub3A_546 : vector<16xf32>
    %swap3A_550 = arith.constant 384 : index
    %swap3A_551 = tpu.vector_load %arg12[%swap3A_550] {strides = array<i32>} : memref<512xf32, #tpu.memory_space<vmem>>, vector<16xf32>,
    tpu.vector_store %arg12[%swap3A_550], %div3A_549 {strides = array<i32>} : memref<512xf32, #tpu.memory_space<vmem>>, vector<16xf32>,
    %mul3A_552 = arith.constant 0 : i32
    %mul3A_553 = vector.broadcast %mul3A_552 : i32 to vector<16xi32>
    %mul3A_554 = arith.muli %iota3A, %mul3A_553 : vector<16xi32>
    %add3A_555 = arith.constant 25 : i32
    %add3A_556 = vector.broadcast %add3A_555 : i32 to vector<16xi32>
    %add3A_557 = arith.addi %mul3A_554, %add3A_556 : vector<16xi32>
    %gather3A_558 = tpu.vector_load_idx %arg8[%add3A_557] : memref<32xf32, #tpu.memory_space<vmem>>[vector<16xi32>], vector<16xf32>,
    %gather3A_559 = tpu.vector_load_idx %arg9[%add3A_557] : memref<32xf32, #tpu.memory_space<vmem>>[vector<16xi32>], vector<16xf32>,
    %swap3A_560 = arith.constant 400 : index
    %swap3A_561 = tpu.vector_load %arg10[%swap3A_560] {strides = array<i32>} : memref<512xf32, #tpu.memory_space<vmem>>, vector<16xf32>,
    tpu.vector_store %arg10[%swap3A_560], %gather3A_558 {strides = array<i32>} : memref<512xf32, #tpu.memory_space<vmem>>, vector<16xf32>,
    %sub3A_562 = arith.subf %gather3A_559, %gather3A_558 : vector<16xf32>
    %mul3A_563 = arith.constant 3.906250e-03 : f32
    %mul3A_564 = vector.broadcast %mul3A_563 : f32 to vector<16xf32>
    %mul3A_565 = arith.mulf %sub3A_562, %mul3A_564 : vector<16xf32>
    %swap3A_566 = arith.constant 400 : index
    %swap3A_567 = tpu.vector_load %arg11[%swap3A_566] {strides = array<i32>} : memref<512xf32, #tpu.memory_space<vmem>>, vector<16xf32>,
    tpu.vector_store %arg11[%swap3A_566], %mul3A_565 {strides = array<i32>} : memref<512xf32, #tpu.memory_space<vmem>>, vector<16xf32>,
    %sub3A_568 = arith.subf %gather3A_559, %gather3A_558 : vector<16xf32>
    %div3A_569 = arith.constant 2.560000e+02 : f32
    %div3A_570 = vector.broadcast %div3A_569 : f32 to vector<16xf32>
    %div3A_571 = arith.divf %div3A_570, %sub3A_568 : vector<16xf32>
    %swap3A_572 = arith.constant 400 : index
    %swap3A_573 = tpu.vector_load %arg12[%swap3A_572] {strides = array<i32>} : memref<512xf32, #tpu.memory_space<vmem>>, vector<16xf32>,
    tpu.vector_store %arg12[%swap3A_572], %div3A_571 {strides = array<i32>} : memref<512xf32, #tpu.memory_space<vmem>>, vector<16xf32>,
    %mul3A_574 = arith.constant 0 : i32
    %mul3A_575 = vector.broadcast %mul3A_574 : i32 to vector<16xi32>
    %mul3A_576 = arith.muli %iota3A, %mul3A_575 : vector<16xi32>
    %add3A_577 = arith.constant 26 : i32
    %add3A_578 = vector.broadcast %add3A_577 : i32 to vector<16xi32>
    %add3A_579 = arith.addi %mul3A_576, %add3A_578 : vector<16xi32>
    %gather3A_580 = tpu.vector_load_idx %arg8[%add3A_579] : memref<32xf32, #tpu.memory_space<vmem>>[vector<16xi32>], vector<16xf32>,
    %gather3A_581 = tpu.vector_load_idx %arg9[%add3A_579] : memref<32xf32, #tpu.memory_space<vmem>>[vector<16xi32>], vector<16xf32>,
    %swap3A_582 = arith.constant 416 : index
    %swap3A_583 = tpu.vector_load %arg10[%swap3A_582] {strides = array<i32>} : memref<512xf32, #tpu.memory_space<vmem>>, vector<16xf32>,
    tpu.vector_store %arg10[%swap3A_582], %gather3A_580 {strides = array<i32>} : memref<512xf32, #tpu.memory_space<vmem>>, vector<16xf32>,
    %sub3A_584 = arith.subf %gather3A_581, %gather3A_580 : vector<16xf32>
    %mul3A_585 = arith.constant 3.906250e-03 : f32
    %mul3A_586 = vector.broadcast %mul3A_585 : f32 to vector<16xf32>
    %mul3A_587 = arith.mulf %sub3A_584, %mul3A_586 : vector<16xf32>
    %swap3A_588 = arith.constant 416 : index
    %swap3A_589 = tpu.vector_load %arg11[%swap3A_588] {strides = array<i32>} : memref<512xf32, #tpu.memory_space<vmem>>, vector<16xf32>,
    tpu.vector_store %arg11[%swap3A_588], %mul3A_587 {strides = array<i32>} : memref<512xf32, #tpu.memory_space<vmem>>, vector<16xf32>,
    %sub3A_590 = arith.subf %gather3A_581, %gather3A_580 : vector<16xf32>
    %div3A_591 = arith.constant 2.560000e+02 : f32
    %div3A_592 = vector.broadcast %div3A_591 : f32 to vector<16xf32>
    %div3A_593 = arith.divf %div3A_592, %sub3A_590 : vector<16xf32>
    %swap3A_594 = arith.constant 416 : index
    %swap3A_595 = tpu.vector_load %arg12[%swap3A_594] {strides = array<i32>} : memref<512xf32, #tpu.memory_space<vmem>>, vector<16xf32>,
    tpu.vector_store %arg12[%swap3A_594], %div3A_593 {strides = array<i32>} : memref<512xf32, #tpu.memory_space<vmem>>, vector<16xf32>,
    %mul3A_596 = arith.constant 0 : i32
    %mul3A_597 = vector.broadcast %mul3A_596 : i32 to vector<16xi32>
    %mul3A_598 = arith.muli %iota3A, %mul3A_597 : vector<16xi32>
    %add3A_599 = arith.constant 27 : i32
    %add3A_600 = vector.broadcast %add3A_599 : i32 to vector<16xi32>
    %add3A_601 = arith.addi %mul3A_598, %add3A_600 : vector<16xi32>
    %gather3A_602 = tpu.vector_load_idx %arg8[%add3A_601] : memref<32xf32, #tpu.memory_space<vmem>>[vector<16xi32>], vector<16xf32>,
    %gather3A_603 = tpu.vector_load_idx %arg9[%add3A_601] : memref<32xf32, #tpu.memory_space<vmem>>[vector<16xi32>], vector<16xf32>,
    %swap3A_604 = arith.constant 432 : index
    %swap3A_605 = tpu.vector_load %arg10[%swap3A_604] {strides = array<i32>} : memref<512xf32, #tpu.memory_space<vmem>>, vector<16xf32>,
    tpu.vector_store %arg10[%swap3A_604], %gather3A_602 {strides = array<i32>} : memref<512xf32, #tpu.memory_space<vmem>>, vector<16xf32>,
    %sub3A_606 = arith.subf %gather3A_603, %gather3A_602 : vector<16xf32>
    %mul3A_607 = arith.constant 3.906250e-03 : f32
    %mul3A_608 = vector.broadcast %mul3A_607 : f32 to vector<16xf32>
    %mul3A_609 = arith.mulf %sub3A_606, %mul3A_608 : vector<16xf32>
    %swap3A_610 = arith.constant 432 : index
    %swap3A_611 = tpu.vector_load %arg11[%swap3A_610] {strides = array<i32>} : memref<512xf32, #tpu.memory_space<vmem>>, vector<16xf32>,
    tpu.vector_store %arg11[%swap3A_610], %mul3A_609 {strides = array<i32>} : memref<512xf32, #tpu.memory_space<vmem>>, vector<16xf32>,
    %sub3A_612 = arith.subf %gather3A_603, %gather3A_602 : vector<16xf32>
    %div3A_613 = arith.constant 2.560000e+02 : f32
    %div3A_614 = vector.broadcast %div3A_613 : f32 to vector<16xf32>
    %div3A_615 = arith.divf %div3A_614, %sub3A_612 : vector<16xf32>
    %swap3A_616 = arith.constant 432 : index
    %swap3A_617 = tpu.vector_load %arg12[%swap3A_616] {strides = array<i32>} : memref<512xf32, #tpu.memory_space<vmem>>, vector<16xf32>,
    tpu.vector_store %arg12[%swap3A_616], %div3A_615 {strides = array<i32>} : memref<512xf32, #tpu.memory_space<vmem>>, vector<16xf32>,
    %mul3A_618 = arith.constant 0 : i32
    %mul3A_619 = vector.broadcast %mul3A_618 : i32 to vector<16xi32>
    %mul3A_620 = arith.muli %iota3A, %mul3A_619 : vector<16xi32>
    %add3A_621 = arith.constant 28 : i32
    %add3A_622 = vector.broadcast %add3A_621 : i32 to vector<16xi32>
    %add3A_623 = arith.addi %mul3A_620, %add3A_622 : vector<16xi32>
    %gather3A_624 = tpu.vector_load_idx %arg8[%add3A_623] : memref<32xf32, #tpu.memory_space<vmem>>[vector<16xi32>], vector<16xf32>,
    %gather3A_625 = tpu.vector_load_idx %arg9[%add3A_623] : memref<32xf32, #tpu.memory_space<vmem>>[vector<16xi32>], vector<16xf32>,
    %swap3A_626 = arith.constant 448 : index
    %swap3A_627 = tpu.vector_load %arg10[%swap3A_626] {strides = array<i32>} : memref<512xf32, #tpu.memory_space<vmem>>, vector<16xf32>,
    tpu.vector_store %arg10[%swap3A_626], %gather3A_624 {strides = array<i32>} : memref<512xf32, #tpu.memory_space<vmem>>, vector<16xf32>,
    %sub3A_628 = arith.subf %gather3A_625, %gather3A_624 : vector<16xf32>
    %mul3A_629 = arith.constant 3.906250e-03 : f32
    %mul3A_630 = vector.broadcast %mul3A_629 : f32 to vector<16xf32>
    %mul3A_631 = arith.mulf %sub3A_628, %mul3A_630 : vector<16xf32>
    %swap3A_632 = arith.constant 448 : index
    %swap3A_633 = tpu.vector_load %arg11[%swap3A_632] {strides = array<i32>} : memref<512xf32, #tpu.memory_space<vmem>>, vector<16xf32>,
    tpu.vector_store %arg11[%swap3A_632], %mul3A_631 {strides = array<i32>} : memref<512xf32, #tpu.memory_space<vmem>>, vector<16xf32>,
    %sub3A_634 = arith.subf %gather3A_625, %gather3A_624 : vector<16xf32>
    %div3A_635 = arith.constant 2.560000e+02 : f32
    %div3A_636 = vector.broadcast %div3A_635 : f32 to vector<16xf32>
    %div3A_637 = arith.divf %div3A_636, %sub3A_634 : vector<16xf32>
    %swap3A_638 = arith.constant 448 : index
    %swap3A_639 = tpu.vector_load %arg12[%swap3A_638] {strides = array<i32>} : memref<512xf32, #tpu.memory_space<vmem>>, vector<16xf32>,
    tpu.vector_store %arg12[%swap3A_638], %div3A_637 {strides = array<i32>} : memref<512xf32, #tpu.memory_space<vmem>>, vector<16xf32>,
    %mul3A_640 = arith.constant 0 : i32
    %mul3A_641 = vector.broadcast %mul3A_640 : i32 to vector<16xi32>
    %mul3A_642 = arith.muli %iota3A, %mul3A_641 : vector<16xi32>
    %add3A_643 = arith.constant 29 : i32
    %add3A_644 = vector.broadcast %add3A_643 : i32 to vector<16xi32>
    %add3A_645 = arith.addi %mul3A_642, %add3A_644 : vector<16xi32>
    %gather3A_646 = tpu.vector_load_idx %arg8[%add3A_645] : memref<32xf32, #tpu.memory_space<vmem>>[vector<16xi32>], vector<16xf32>,
    %gather3A_647 = tpu.vector_load_idx %arg9[%add3A_645] : memref<32xf32, #tpu.memory_space<vmem>>[vector<16xi32>], vector<16xf32>,
    %swap3A_648 = arith.constant 464 : index
    %swap3A_649 = tpu.vector_load %arg10[%swap3A_648] {strides = array<i32>} : memref<512xf32, #tpu.memory_space<vmem>>, vector<16xf32>,
    tpu.vector_store %arg10[%swap3A_648], %gather3A_646 {strides = array<i32>} : memref<512xf32, #tpu.memory_space<vmem>>, vector<16xf32>,
    %sub3A_650 = arith.subf %gather3A_647, %gather3A_646 : vector<16xf32>
    %mul3A_651 = arith.constant 3.906250e-03 : f32
    %mul3A_652 = vector.broadcast %mul3A_651 : f32 to vector<16xf32>
    %mul3A_653 = arith.mulf %sub3A_650, %mul3A_652 : vector<16xf32>
    %swap3A_654 = arith.constant 464 : index
    %swap3A_655 = tpu.vector_load %arg11[%swap3A_654] {strides = array<i32>} : memref<512xf32, #tpu.memory_space<vmem>>, vector<16xf32>,
    tpu.vector_store %arg11[%swap3A_654], %mul3A_653 {strides = array<i32>} : memref<512xf32, #tpu.memory_space<vmem>>, vector<16xf32>,
    %sub3A_656 = arith.subf %gather3A_647, %gather3A_646 : vector<16xf32>
    %div3A_657 = arith.constant 2.560000e+02 : f32
    %div3A_658 = vector.broadcast %div3A_657 : f32 to vector<16xf32>
    %div3A_659 = arith.divf %div3A_658, %sub3A_656 : vector<16xf32>
    %swap3A_660 = arith.constant 464 : index
    %swap3A_661 = tpu.vector_load %arg12[%swap3A_660] {strides = array<i32>} : memref<512xf32, #tpu.memory_space<vmem>>, vector<16xf32>,
    tpu.vector_store %arg12[%swap3A_660], %div3A_659 {strides = array<i32>} : memref<512xf32, #tpu.memory_space<vmem>>, vector<16xf32>,
    %mul3A_662 = arith.constant 0 : i32
    %mul3A_663 = vector.broadcast %mul3A_662 : i32 to vector<16xi32>
    %mul3A_664 = arith.muli %iota3A, %mul3A_663 : vector<16xi32>
    %add3A_665 = arith.constant 30 : i32
    %add3A_666 = vector.broadcast %add3A_665 : i32 to vector<16xi32>
    %add3A_667 = arith.addi %mul3A_664, %add3A_666 : vector<16xi32>
    %gather3A_668 = tpu.vector_load_idx %arg8[%add3A_667] : memref<32xf32, #tpu.memory_space<vmem>>[vector<16xi32>], vector<16xf32>,
    %gather3A_669 = tpu.vector_load_idx %arg9[%add3A_667] : memref<32xf32, #tpu.memory_space<vmem>>[vector<16xi32>], vector<16xf32>,
    %swap3A_670 = arith.constant 480 : index
    %swap3A_671 = tpu.vector_load %arg10[%swap3A_670] {strides = array<i32>} : memref<512xf32, #tpu.memory_space<vmem>>, vector<16xf32>,
    tpu.vector_store %arg10[%swap3A_670], %gather3A_668 {strides = array<i32>} : memref<512xf32, #tpu.memory_space<vmem>>, vector<16xf32>,
    %sub3A_672 = arith.subf %gather3A_669, %gather3A_668 : vector<16xf32>
    %mul3A_673 = arith.constant 3.906250e-03 : f32
    %mul3A_674 = vector.broadcast %mul3A_673 : f32 to vector<16xf32>
    %mul3A_675 = arith.mulf %sub3A_672, %mul3A_674 : vector<16xf32>
    %swap3A_676 = arith.constant 480 : index
    %swap3A_677 = tpu.vector_load %arg11[%swap3A_676] {strides = array<i32>} : memref<512xf32, #tpu.memory_space<vmem>>, vector<16xf32>,
    tpu.vector_store %arg11[%swap3A_676], %mul3A_675 {strides = array<i32>} : memref<512xf32, #tpu.memory_space<vmem>>, vector<16xf32>,
    %sub3A_678 = arith.subf %gather3A_669, %gather3A_668 : vector<16xf32>
    %div3A_679 = arith.constant 2.560000e+02 : f32
    %div3A_680 = vector.broadcast %div3A_679 : f32 to vector<16xf32>
    %div3A_681 = arith.divf %div3A_680, %sub3A_678 : vector<16xf32>
    %swap3A_682 = arith.constant 480 : index
    %swap3A_683 = tpu.vector_load %arg12[%swap3A_682] {strides = array<i32>} : memref<512xf32, #tpu.memory_space<vmem>>, vector<16xf32>,
    tpu.vector_store %arg12[%swap3A_682], %div3A_681 {strides = array<i32>} : memref<512xf32, #tpu.memory_space<vmem>>, vector<16xf32>,
    %mul3A_684 = arith.constant 0 : i32
    %mul3A_685 = vector.broadcast %mul3A_684 : i32 to vector<16xi32>
    %mul3A_686 = arith.muli %iota3A, %mul3A_685 : vector<16xi32>
    %add3A_687 = arith.constant 31 : i32
    %add3A_688 = vector.broadcast %add3A_687 : i32 to vector<16xi32>
    %add3A_689 = arith.addi %mul3A_686, %add3A_688 : vector<16xi32>
    %gather3A_690 = tpu.vector_load_idx %arg8[%add3A_689] : memref<32xf32, #tpu.memory_space<vmem>>[vector<16xi32>], vector<16xf32>,
    %gather3A_691 = tpu.vector_load_idx %arg9[%add3A_689] : memref<32xf32, #tpu.memory_space<vmem>>[vector<16xi32>], vector<16xf32>,
    %swap3A_692 = arith.constant 496 : index
    %swap3A_693 = tpu.vector_load %arg10[%swap3A_692] {strides = array<i32>} : memref<512xf32, #tpu.memory_space<vmem>>, vector<16xf32>,
    tpu.vector_store %arg10[%swap3A_692], %gather3A_690 {strides = array<i32>} : memref<512xf32, #tpu.memory_space<vmem>>, vector<16xf32>,
    %sub3A_694 = arith.subf %gather3A_691, %gather3A_690 : vector<16xf32>
    %mul3A_695 = arith.constant 3.906250e-03 : f32
    %mul3A_696 = vector.broadcast %mul3A_695 : f32 to vector<16xf32>
    %mul3A_697 = arith.mulf %sub3A_694, %mul3A_696 : vector<16xf32>
    %swap3A_698 = arith.constant 496 : index
    %swap3A_699 = tpu.vector_load %arg11[%swap3A_698] {strides = array<i32>} : memref<512xf32, #tpu.memory_space<vmem>>, vector<16xf32>,
    tpu.vector_store %arg11[%swap3A_698], %mul3A_697 {strides = array<i32>} : memref<512xf32, #tpu.memory_space<vmem>>, vector<16xf32>,
    %sub3A_700 = arith.subf %gather3A_691, %gather3A_690 : vector<16xf32>
    %div3A_701 = arith.constant 2.560000e+02 : f32
    %div3A_702 = vector.broadcast %div3A_701 : f32 to vector<16xf32>
    %div3A_703 = arith.divf %div3A_702, %sub3A_700 : vector<16xf32>
    %swap3A_704 = arith.constant 496 : index
    %swap3A_705 = tpu.vector_load %arg12[%swap3A_704] {strides = array<i32>} : memref<512xf32, #tpu.memory_space<vmem>>, vector<16xf32>,
    tpu.vector_store %arg12[%swap3A_704], %div3A_703 {strides = array<i32>} : memref<512xf32, #tpu.memory_space<vmem>>, vector<16xf32>,
    %add3A_706 = arith.constant 0 : i32
    %add3A_707 = arith.addi %mul3A_2, %add3A_706 : i32
    %add3A_708 = arith.constant 0 : i32
    %add3A_709 = arith.addi %add3A_708, %add3A_707 : i32
    %dma_start3A = arith.constant 0 : i32
    %dma_start3A_710 = tpu.memref_slice %arg13[%dma_start3A] : memref<32768xf32, #tpu.memory_space<vmem>> -> memref<1024xf32, #tpu.memory_space<vmem>>
    %dma_start3A_711 = tpu.memref_slice %arg2[%add3A_709] : memref<16777216xf32, #tpu.memory_space<hbm>> -> memref<1024xf32, #tpu.memory_space<hbm>>
    %dma_start3A_712 = arith.constant 0 : i32
    %dma_start3A_713 = tpu.memref_slice %arg13[%dma_start3A_712] : memref<32768xf32, #tpu.memory_space<vmem>> -> memref<1024xf32, #tpu.memory_space<vmem>>
    %dma_start3A_714 = tpu.memref_slice %arg2[%add3A_709] : memref<16777216xf32, #tpu.memory_space<hbm>> -> memref<1024xf32, #tpu.memory_space<hbm>>
    tpu.enqueue_dma source(%dma_start3A_714 : memref<1024xf32, #tpu.memory_space<hbm>>) target(%dma_start3A_713 : memref<1024xf32, #tpu.memory_space<vmem>>) target_semaphore(%arg16 : memref<!tpu.dma_semaphore, #tpu.memory_space<semaphore_mem>>)
    %add3A_715 = arith.constant 524288 : i32
    %add3A_716 = arith.addi %add3A_715, %add3A_707 : i32
    %dma_start3A_717 = arith.constant 1024 : i32
    %dma_start3A_718 = tpu.memref_slice %arg13[%dma_start3A_717] : memref<32768xf32, #tpu.memory_space<vmem>> -> memref<1024xf32, #tpu.memory_space<vmem>>
    %dma_start3A_719 = tpu.memref_slice %arg2[%add3A_716] : memref<16777216xf32, #tpu.memory_space<hbm>> -> memref<1024xf32, #tpu.memory_space<hbm>>
    %dma_start3A_720 = arith.constant 1024 : i32
    %dma_start3A_721 = tpu.memref_slice %arg13[%dma_start3A_720] : memref<32768xf32, #tpu.memory_space<vmem>> -> memref<1024xf32, #tpu.memory_space<vmem>>
    %dma_start3A_722 = tpu.memref_slice %arg2[%add3A_716] : memref<16777216xf32, #tpu.memory_space<hbm>> -> memref<1024xf32, #tpu.memory_space<hbm>>
    tpu.enqueue_dma source(%dma_start3A_722 : memref<1024xf32, #tpu.memory_space<hbm>>) target(%dma_start3A_721 : memref<1024xf32, #tpu.memory_space<vmem>>) target_semaphore(%arg16 : memref<!tpu.dma_semaphore, #tpu.memory_space<semaphore_mem>>)
    %add3A_723 = arith.constant 1048576 : i32
    %add3A_724 = arith.addi %add3A_723, %add3A_707 : i32
    %dma_start3A_725 = arith.constant 2048 : i32
    %dma_start3A_726 = tpu.memref_slice %arg13[%dma_start3A_725] : memref<32768xf32, #tpu.memory_space<vmem>> -> memref<1024xf32, #tpu.memory_space<vmem>>
    %dma_start3A_727 = tpu.memref_slice %arg2[%add3A_724] : memref<16777216xf32, #tpu.memory_space<hbm>> -> memref<1024xf32, #tpu.memory_space<hbm>>
    %dma_start3A_728 = arith.constant 2048 : i32
    %dma_start3A_729 = tpu.memref_slice %arg13[%dma_start3A_728] : memref<32768xf32, #tpu.memory_space<vmem>> -> memref<1024xf32, #tpu.memory_space<vmem>>
    %dma_start3A_730 = tpu.memref_slice %arg2[%add3A_724] : memref<16777216xf32, #tpu.memory_space<hbm>> -> memref<1024xf32, #tpu.memory_space<hbm>>
    tpu.enqueue_dma source(%dma_start3A_730 : memref<1024xf32, #tpu.memory_space<hbm>>) target(%dma_start3A_729 : memref<1024xf32, #tpu.memory_space<vmem>>) target_semaphore(%arg16 : memref<!tpu.dma_semaphore, #tpu.memory_space<semaphore_mem>>)
    %add3A_731 = arith.constant 1572864 : i32
    %add3A_732 = arith.addi %add3A_731, %add3A_707 : i32
    %dma_start3A_733 = arith.constant 3072 : i32
    %dma_start3A_734 = tpu.memref_slice %arg13[%dma_start3A_733] : memref<32768xf32, #tpu.memory_space<vmem>> -> memref<1024xf32, #tpu.memory_space<vmem>>
    %dma_start3A_735 = tpu.memref_slice %arg2[%add3A_732] : memref<16777216xf32, #tpu.memory_space<hbm>> -> memref<1024xf32, #tpu.memory_space<hbm>>
    %dma_start3A_736 = arith.constant 3072 : i32
    %dma_start3A_737 = tpu.memref_slice %arg13[%dma_start3A_736] : memref<32768xf32, #tpu.memory_space<vmem>> -> memref<1024xf32, #tpu.memory_space<vmem>>
    %dma_start3A_738 = tpu.memref_slice %arg2[%add3A_732] : memref<16777216xf32, #tpu.memory_space<hbm>> -> memref<1024xf32, #tpu.memory_space<hbm>>
    tpu.enqueue_dma source(%dma_start3A_738 : memref<1024xf32, #tpu.memory_space<hbm>>) target(%dma_start3A_737 : memref<1024xf32, #tpu.memory_space<vmem>>) target_semaphore(%arg16 : memref<!tpu.dma_semaphore, #tpu.memory_space<semaphore_mem>>)
    %add3A_739 = arith.constant 2097152 : i32
    %add3A_740 = arith.addi %add3A_739, %add3A_707 : i32
    %dma_start3A_741 = arith.constant 4096 : i32
    %dma_start3A_742 = tpu.memref_slice %arg13[%dma_start3A_741] : memref<32768xf32, #tpu.memory_space<vmem>> -> memref<1024xf32, #tpu.memory_space<vmem>>
    %dma_start3A_743 = tpu.memref_slice %arg2[%add3A_740] : memref<16777216xf32, #tpu.memory_space<hbm>> -> memref<1024xf32, #tpu.memory_space<hbm>>
    %dma_start3A_744 = arith.constant 4096 : i32
    %dma_start3A_745 = tpu.memref_slice %arg13[%dma_start3A_744] : memref<32768xf32, #tpu.memory_space<vmem>> -> memref<1024xf32, #tpu.memory_space<vmem>>
    %dma_start3A_746 = tpu.memref_slice %arg2[%add3A_740] : memref<16777216xf32, #tpu.memory_space<hbm>> -> memref<1024xf32, #tpu.memory_space<hbm>>
    tpu.enqueue_dma source(%dma_start3A_746 : memref<1024xf32, #tpu.memory_space<hbm>>) target(%dma_start3A_745 : memref<1024xf32, #tpu.memory_space<vmem>>) target_semaphore(%arg16 : memref<!tpu.dma_semaphore, #tpu.memory_space<semaphore_mem>>)
    %add3A_747 = arith.constant 2621440 : i32
    %add3A_748 = arith.addi %add3A_747, %add3A_707 : i32
    %dma_start3A_749 = arith.constant 5120 : i32
    %dma_start3A_750 = tpu.memref_slice %arg13[%dma_start3A_749] : memref<32768xf32, #tpu.memory_space<vmem>> -> memref<1024xf32, #tpu.memory_space<vmem>>
    %dma_start3A_751 = tpu.memref_slice %arg2[%add3A_748] : memref<16777216xf32, #tpu.memory_space<hbm>> -> memref<1024xf32, #tpu.memory_space<hbm>>
    %dma_start3A_752 = arith.constant 5120 : i32
    %dma_start3A_753 = tpu.memref_slice %arg13[%dma_start3A_752] : memref<32768xf32, #tpu.memory_space<vmem>> -> memref<1024xf32, #tpu.memory_space<vmem>>
    %dma_start3A_754 = tpu.memref_slice %arg2[%add3A_748] : memref<16777216xf32, #tpu.memory_space<hbm>> -> memref<1024xf32, #tpu.memory_space<hbm>>
    tpu.enqueue_dma source(%dma_start3A_754 : memref<1024xf32, #tpu.memory_space<hbm>>) target(%dma_start3A_753 : memref<1024xf32, #tpu.memory_space<vmem>>) target_semaphore(%arg16 : memref<!tpu.dma_semaphore, #tpu.memory_space<semaphore_mem>>)
    %add3A_755 = arith.constant 3145728 : i32
    %add3A_756 = arith.addi %add3A_755, %add3A_707 : i32
    %dma_start3A_757 = arith.constant 6144 : i32
    %dma_start3A_758 = tpu.memref_slice %arg13[%dma_start3A_757] : memref<32768xf32, #tpu.memory_space<vmem>> -> memref<1024xf32, #tpu.memory_space<vmem>>
    %dma_start3A_759 = tpu.memref_slice %arg2[%add3A_756] : memref<16777216xf32, #tpu.memory_space<hbm>> -> memref<1024xf32, #tpu.memory_space<hbm>>
    %dma_start3A_760 = arith.constant 6144 : i32
    %dma_start3A_761 = tpu.memref_slice %arg13[%dma_start3A_760] : memref<32768xf32, #tpu.memory_space<vmem>> -> memref<1024xf32, #tpu.memory_space<vmem>>
    %dma_start3A_762 = tpu.memref_slice %arg2[%add3A_756] : memref<16777216xf32, #tpu.memory_space<hbm>> -> memref<1024xf32, #tpu.memory_space<hbm>>
    tpu.enqueue_dma source(%dma_start3A_762 : memref<1024xf32, #tpu.memory_space<hbm>>) target(%dma_start3A_761 : memref<1024xf32, #tpu.memory_space<vmem>>) target_semaphore(%arg16 : memref<!tpu.dma_semaphore, #tpu.memory_space<semaphore_mem>>)
    %add3A_763 = arith.constant 3670016 : i32
    %add3A_764 = arith.addi %add3A_763, %add3A_707 : i32
    %dma_start3A_765 = arith.constant 7168 : i32
    %dma_start3A_766 = tpu.memref_slice %arg13[%dma_start3A_765] : memref<32768xf32, #tpu.memory_space<vmem>> -> memref<1024xf32, #tpu.memory_space<vmem>>
    %dma_start3A_767 = tpu.memref_slice %arg2[%add3A_764] : memref<16777216xf32, #tpu.memory_space<hbm>> -> memref<1024xf32, #tpu.memory_space<hbm>>
    %dma_start3A_768 = arith.constant 7168 : i32
    %dma_start3A_769 = tpu.memref_slice %arg13[%dma_start3A_768] : memref<32768xf32, #tpu.memory_space<vmem>> -> memref<1024xf32, #tpu.memory_space<vmem>>
    %dma_start3A_770 = tpu.memref_slice %arg2[%add3A_764] : memref<16777216xf32, #tpu.memory_space<hbm>> -> memref<1024xf32, #tpu.memory_space<hbm>>
    tpu.enqueue_dma source(%dma_start3A_770 : memref<1024xf32, #tpu.memory_space<hbm>>) target(%dma_start3A_769 : memref<1024xf32, #tpu.memory_space<vmem>>) target_semaphore(%arg16 : memref<!tpu.dma_semaphore, #tpu.memory_space<semaphore_mem>>)
    %add3A_771 = arith.constant 4194304 : i32
    %add3A_772 = arith.addi %add3A_771, %add3A_707 : i32
    %dma_start3A_773 = arith.constant 8192 : i32
    %dma_start3A_774 = tpu.memref_slice %arg13[%dma_start3A_773] : memref<32768xf32, #tpu.memory_space<vmem>> -> memref<1024xf32, #tpu.memory_space<vmem>>
    %dma_start3A_775 = tpu.memref_slice %arg2[%add3A_772] : memref<16777216xf32, #tpu.memory_space<hbm>> -> memref<1024xf32, #tpu.memory_space<hbm>>
    %dma_start3A_776 = arith.constant 8192 : i32
    %dma_start3A_777 = tpu.memref_slice %arg13[%dma_start3A_776] : memref<32768xf32, #tpu.memory_space<vmem>> -> memref<1024xf32, #tpu.memory_space<vmem>>
    %dma_start3A_778 = tpu.memref_slice %arg2[%add3A_772] : memref<16777216xf32, #tpu.memory_space<hbm>> -> memref<1024xf32, #tpu.memory_space<hbm>>
    tpu.enqueue_dma source(%dma_start3A_778 : memref<1024xf32, #tpu.memory_space<hbm>>) target(%dma_start3A_777 : memref<1024xf32, #tpu.memory_space<vmem>>) target_semaphore(%arg16 : memref<!tpu.dma_semaphore, #tpu.memory_space<semaphore_mem>>)
    %add3A_779 = arith.constant 4718592 : i32
    %add3A_780 = arith.addi %add3A_779, %add3A_707 : i32
    %dma_start3A_781 = arith.constant 9216 : i32
    %dma_start3A_782 = tpu.memref_slice %arg13[%dma_start3A_781] : memref<32768xf32, #tpu.memory_space<vmem>> -> memref<1024xf32, #tpu.memory_space<vmem>>
    %dma_start3A_783 = tpu.memref_slice %arg2[%add3A_780] : memref<16777216xf32, #tpu.memory_space<hbm>> -> memref<1024xf32, #tpu.memory_space<hbm>>
    %dma_start3A_784 = arith.constant 9216 : i32
    %dma_start3A_785 = tpu.memref_slice %arg13[%dma_start3A_784] : memref<32768xf32, #tpu.memory_space<vmem>> -> memref<1024xf32, #tpu.memory_space<vmem>>
    %dma_start3A_786 = tpu.memref_slice %arg2[%add3A_780] : memref<16777216xf32, #tpu.memory_space<hbm>> -> memref<1024xf32, #tpu.memory_space<hbm>>
    tpu.enqueue_dma source(%dma_start3A_786 : memref<1024xf32, #tpu.memory_space<hbm>>) target(%dma_start3A_785 : memref<1024xf32, #tpu.memory_space<vmem>>) target_semaphore(%arg16 : memref<!tpu.dma_semaphore, #tpu.memory_space<semaphore_mem>>)
    %add3A_787 = arith.constant 5242880 : i32
    %add3A_788 = arith.addi %add3A_787, %add3A_707 : i32
    %dma_start3A_789 = arith.constant 10240 : i32
    %dma_start3A_790 = tpu.memref_slice %arg13[%dma_start3A_789] : memref<32768xf32, #tpu.memory_space<vmem>> -> memref<1024xf32, #tpu.memory_space<vmem>>
    %dma_start3A_791 = tpu.memref_slice %arg2[%add3A_788] : memref<16777216xf32, #tpu.memory_space<hbm>> -> memref<1024xf32, #tpu.memory_space<hbm>>
    %dma_start3A_792 = arith.constant 10240 : i32
    %dma_start3A_793 = tpu.memref_slice %arg13[%dma_start3A_792] : memref<32768xf32, #tpu.memory_space<vmem>> -> memref<1024xf32, #tpu.memory_space<vmem>>
    %dma_start3A_794 = tpu.memref_slice %arg2[%add3A_788] : memref<16777216xf32, #tpu.memory_space<hbm>> -> memref<1024xf32, #tpu.memory_space<hbm>>
    tpu.enqueue_dma source(%dma_start3A_794 : memref<1024xf32, #tpu.memory_space<hbm>>) target(%dma_start3A_793 : memref<1024xf32, #tpu.memory_space<vmem>>) target_semaphore(%arg16 : memref<!tpu.dma_semaphore, #tpu.memory_space<semaphore_mem>>)
    %add3A_795 = arith.constant 5767168 : i32
    %add3A_796 = arith.addi %add3A_795, %add3A_707 : i32
    %dma_start3A_797 = arith.constant 11264 : i32
    %dma_start3A_798 = tpu.memref_slice %arg13[%dma_start3A_797] : memref<32768xf32, #tpu.memory_space<vmem>> -> memref<1024xf32, #tpu.memory_space<vmem>>
    %dma_start3A_799 = tpu.memref_slice %arg2[%add3A_796] : memref<16777216xf32, #tpu.memory_space<hbm>> -> memref<1024xf32, #tpu.memory_space<hbm>>
    %dma_start3A_800 = arith.constant 11264 : i32
    %dma_start3A_801 = tpu.memref_slice %arg13[%dma_start3A_800] : memref<32768xf32, #tpu.memory_space<vmem>> -> memref<1024xf32, #tpu.memory_space<vmem>>
    %dma_start3A_802 = tpu.memref_slice %arg2[%add3A_796] : memref<16777216xf32, #tpu.memory_space<hbm>> -> memref<1024xf32, #tpu.memory_space<hbm>>
    tpu.enqueue_dma source(%dma_start3A_802 : memref<1024xf32, #tpu.memory_space<hbm>>) target(%dma_start3A_801 : memref<1024xf32, #tpu.memory_space<vmem>>) target_semaphore(%arg16 : memref<!tpu.dma_semaphore, #tpu.memory_space<semaphore_mem>>)
    %add3A_803 = arith.constant 6291456 : i32
    %add3A_804 = arith.addi %add3A_803, %add3A_707 : i32
    %dma_start3A_805 = arith.constant 12288 : i32
    %dma_start3A_806 = tpu.memref_slice %arg13[%dma_start3A_805] : memref<32768xf32, #tpu.memory_space<vmem>> -> memref<1024xf32, #tpu.memory_space<vmem>>
    %dma_start3A_807 = tpu.memref_slice %arg2[%add3A_804] : memref<16777216xf32, #tpu.memory_space<hbm>> -> memref<1024xf32, #tpu.memory_space<hbm>>
    %dma_start3A_808 = arith.constant 12288 : i32
    %dma_start3A_809 = tpu.memref_slice %arg13[%dma_start3A_808] : memref<32768xf32, #tpu.memory_space<vmem>> -> memref<1024xf32, #tpu.memory_space<vmem>>
    %dma_start3A_810 = tpu.memref_slice %arg2[%add3A_804] : memref<16777216xf32, #tpu.memory_space<hbm>> -> memref<1024xf32, #tpu.memory_space<hbm>>
    tpu.enqueue_dma source(%dma_start3A_810 : memref<1024xf32, #tpu.memory_space<hbm>>) target(%dma_start3A_809 : memref<1024xf32, #tpu.memory_space<vmem>>) target_semaphore(%arg16 : memref<!tpu.dma_semaphore, #tpu.memory_space<semaphore_mem>>)
    %add3A_811 = arith.constant 6815744 : i32
    %add3A_812 = arith.addi %add3A_811, %add3A_707 : i32
    %dma_start3A_813 = arith.constant 13312 : i32
    %dma_start3A_814 = tpu.memref_slice %arg13[%dma_start3A_813] : memref<32768xf32, #tpu.memory_space<vmem>> -> memref<1024xf32, #tpu.memory_space<vmem>>
    %dma_start3A_815 = tpu.memref_slice %arg2[%add3A_812] : memref<16777216xf32, #tpu.memory_space<hbm>> -> memref<1024xf32, #tpu.memory_space<hbm>>
    %dma_start3A_816 = arith.constant 13312 : i32
    %dma_start3A_817 = tpu.memref_slice %arg13[%dma_start3A_816] : memref<32768xf32, #tpu.memory_space<vmem>> -> memref<1024xf32, #tpu.memory_space<vmem>>
    %dma_start3A_818 = tpu.memref_slice %arg2[%add3A_812] : memref<16777216xf32, #tpu.memory_space<hbm>> -> memref<1024xf32, #tpu.memory_space<hbm>>
    tpu.enqueue_dma source(%dma_start3A_818 : memref<1024xf32, #tpu.memory_space<hbm>>) target(%dma_start3A_817 : memref<1024xf32, #tpu.memory_space<vmem>>) target_semaphore(%arg16 : memref<!tpu.dma_semaphore, #tpu.memory_space<semaphore_mem>>)
    %add3A_819 = arith.constant 7340032 : i32
    %add3A_820 = arith.addi %add3A_819, %add3A_707 : i32
    %dma_start3A_821 = arith.constant 14336 : i32
    %dma_start3A_822 = tpu.memref_slice %arg13[%dma_start3A_821] : memref<32768xf32, #tpu.memory_space<vmem>> -> memref<1024xf32, #tpu.memory_space<vmem>>
    %dma_start3A_823 = tpu.memref_slice %arg2[%add3A_820] : memref<16777216xf32, #tpu.memory_space<hbm>> -> memref<1024xf32, #tpu.memory_space<hbm>>
    %dma_start3A_824 = arith.constant 14336 : i32
    %dma_start3A_825 = tpu.memref_slice %arg13[%dma_start3A_824] : memref<32768xf32, #tpu.memory_space<vmem>> -> memref<1024xf32, #tpu.memory_space<vmem>>
    %dma_start3A_826 = tpu.memref_slice %arg2[%add3A_820] : memref<16777216xf32, #tpu.memory_space<hbm>> -> memref<1024xf32, #tpu.memory_space<hbm>>
    tpu.enqueue_dma source(%dma_start3A_826 : memref<1024xf32, #tpu.memory_space<hbm>>) target(%dma_start3A_825 : memref<1024xf32, #tpu.memory_space<vmem>>) target_semaphore(%arg16 : memref<!tpu.dma_semaphore, #tpu.memory_space<semaphore_mem>>)
    %add3A_827 = arith.constant 7864320 : i32
    %add3A_828 = arith.addi %add3A_827, %add3A_707 : i32
    %dma_start3A_829 = arith.constant 15360 : i32
    %dma_start3A_830 = tpu.memref_slice %arg13[%dma_start3A_829] : memref<32768xf32, #tpu.memory_space<vmem>> -> memref<1024xf32, #tpu.memory_space<vmem>>
    %dma_start3A_831 = tpu.memref_slice %arg2[%add3A_828] : memref<16777216xf32, #tpu.memory_space<hbm>> -> memref<1024xf32, #tpu.memory_space<hbm>>
    %dma_start3A_832 = arith.constant 15360 : i32
    %dma_start3A_833 = tpu.memref_slice %arg13[%dma_start3A_832] : memref<32768xf32, #tpu.memory_space<vmem>> -> memref<1024xf32, #tpu.memory_space<vmem>>
    %dma_start3A_834 = tpu.memref_slice %arg2[%add3A_828] : memref<16777216xf32, #tpu.memory_space<hbm>> -> memref<1024xf32, #tpu.memory_space<hbm>>
    tpu.enqueue_dma source(%dma_start3A_834 : memref<1024xf32, #tpu.memory_space<hbm>>) target(%dma_start3A_833 : memref<1024xf32, #tpu.memory_space<vmem>>) target_semaphore(%arg16 : memref<!tpu.dma_semaphore, #tpu.memory_space<semaphore_mem>>)
    %add3A_835 = arith.constant 8388608 : i32
    %add3A_836 = arith.addi %add3A_835, %add3A_707 : i32
    %dma_start3A_837 = arith.constant 16384 : i32
    %dma_start3A_838 = tpu.memref_slice %arg13[%dma_start3A_837] : memref<32768xf32, #tpu.memory_space<vmem>> -> memref<1024xf32, #tpu.memory_space<vmem>>
    %dma_start3A_839 = tpu.memref_slice %arg2[%add3A_836] : memref<16777216xf32, #tpu.memory_space<hbm>> -> memref<1024xf32, #tpu.memory_space<hbm>>
    %dma_start3A_840 = arith.constant 16384 : i32
    %dma_start3A_841 = tpu.memref_slice %arg13[%dma_start3A_840] : memref<32768xf32, #tpu.memory_space<vmem>> -> memref<1024xf32, #tpu.memory_space<vmem>>
    %dma_start3A_842 = tpu.memref_slice %arg2[%add3A_836] : memref<16777216xf32, #tpu.memory_space<hbm>> -> memref<1024xf32, #tpu.memory_space<hbm>>
    tpu.enqueue_dma source(%dma_start3A_842 : memref<1024xf32, #tpu.memory_space<hbm>>) target(%dma_start3A_841 : memref<1024xf32, #tpu.memory_space<vmem>>) target_semaphore(%arg16 : memref<!tpu.dma_semaphore, #tpu.memory_space<semaphore_mem>>)
    %add3A_843 = arith.constant 8912896 : i32
    %add3A_844 = arith.addi %add3A_843, %add3A_707 : i32
    %dma_start3A_845 = arith.constant 17408 : i32
    %dma_start3A_846 = tpu.memref_slice %arg13[%dma_start3A_845] : memref<32768xf32, #tpu.memory_space<vmem>> -> memref<1024xf32, #tpu.memory_space<vmem>>
    %dma_start3A_847 = tpu.memref_slice %arg2[%add3A_844] : memref<16777216xf32, #tpu.memory_space<hbm>> -> memref<1024xf32, #tpu.memory_space<hbm>>
    %dma_start3A_848 = arith.constant 17408 : i32
    %dma_start3A_849 = tpu.memref_slice %arg13[%dma_start3A_848] : memref<32768xf32, #tpu.memory_space<vmem>> -> memref<1024xf32, #tpu.memory_space<vmem>>
    %dma_start3A_850 = tpu.memref_slice %arg2[%add3A_844] : memref<16777216xf32, #tpu.memory_space<hbm>> -> memref<1024xf32, #tpu.memory_space<hbm>>
    tpu.enqueue_dma source(%dma_start3A_850 : memref<1024xf32, #tpu.memory_space<hbm>>) target(%dma_start3A_849 : memref<1024xf32, #tpu.memory_space<vmem>>) target_semaphore(%arg16 : memref<!tpu.dma_semaphore, #tpu.memory_space<semaphore_mem>>)
    %add3A_851 = arith.constant 9437184 : i32
    %add3A_852 = arith.addi %add3A_851, %add3A_707 : i32
    %dma_start3A_853 = arith.constant 18432 : i32
    %dma_start3A_854 = tpu.memref_slice %arg13[%dma_start3A_853] : memref<32768xf32, #tpu.memory_space<vmem>> -> memref<1024xf32, #tpu.memory_space<vmem>>
    %dma_start3A_855 = tpu.memref_slice %arg2[%add3A_852] : memref<16777216xf32, #tpu.memory_space<hbm>> -> memref<1024xf32, #tpu.memory_space<hbm>>
    %dma_start3A_856 = arith.constant 18432 : i32
    %dma_start3A_857 = tpu.memref_slice %arg13[%dma_start3A_856] : memref<32768xf32, #tpu.memory_space<vmem>> -> memref<1024xf32, #tpu.memory_space<vmem>>
    %dma_start3A_858 = tpu.memref_slice %arg2[%add3A_852] : memref<16777216xf32, #tpu.memory_space<hbm>> -> memref<1024xf32, #tpu.memory_space<hbm>>
    tpu.enqueue_dma source(%dma_start3A_858 : memref<1024xf32, #tpu.memory_space<hbm>>) target(%dma_start3A_857 : memref<1024xf32, #tpu.memory_space<vmem>>) target_semaphore(%arg16 : memref<!tpu.dma_semaphore, #tpu.memory_space<semaphore_mem>>)
    %add3A_859 = arith.constant 9961472 : i32
    %add3A_860 = arith.addi %add3A_859, %add3A_707 : i32
    %dma_start3A_861 = arith.constant 19456 : i32
    %dma_start3A_862 = tpu.memref_slice %arg13[%dma_start3A_861] : memref<32768xf32, #tpu.memory_space<vmem>> -> memref<1024xf32, #tpu.memory_space<vmem>>
    %dma_start3A_863 = tpu.memref_slice %arg2[%add3A_860] : memref<16777216xf32, #tpu.memory_space<hbm>> -> memref<1024xf32, #tpu.memory_space<hbm>>
    %dma_start3A_864 = arith.constant 19456 : i32
    %dma_start3A_865 = tpu.memref_slice %arg13[%dma_start3A_864] : memref<32768xf32, #tpu.memory_space<vmem>> -> memref<1024xf32, #tpu.memory_space<vmem>>
    %dma_start3A_866 = tpu.memref_slice %arg2[%add3A_860] : memref<16777216xf32, #tpu.memory_space<hbm>> -> memref<1024xf32, #tpu.memory_space<hbm>>
    tpu.enqueue_dma source(%dma_start3A_866 : memref<1024xf32, #tpu.memory_space<hbm>>) target(%dma_start3A_865 : memref<1024xf32, #tpu.memory_space<vmem>>) target_semaphore(%arg16 : memref<!tpu.dma_semaphore, #tpu.memory_space<semaphore_mem>>)
    %add3A_867 = arith.constant 10485760 : i32
    %add3A_868 = arith.addi %add3A_867, %add3A_707 : i32
    %dma_start3A_869 = arith.constant 20480 : i32
    %dma_start3A_870 = tpu.memref_slice %arg13[%dma_start3A_869] : memref<32768xf32, #tpu.memory_space<vmem>> -> memref<1024xf32, #tpu.memory_space<vmem>>
    %dma_start3A_871 = tpu.memref_slice %arg2[%add3A_868] : memref<16777216xf32, #tpu.memory_space<hbm>> -> memref<1024xf32, #tpu.memory_space<hbm>>
    %dma_start3A_872 = arith.constant 20480 : i32
    %dma_start3A_873 = tpu.memref_slice %arg13[%dma_start3A_872] : memref<32768xf32, #tpu.memory_space<vmem>> -> memref<1024xf32, #tpu.memory_space<vmem>>
    %dma_start3A_874 = tpu.memref_slice %arg2[%add3A_868] : memref<16777216xf32, #tpu.memory_space<hbm>> -> memref<1024xf32, #tpu.memory_space<hbm>>
    tpu.enqueue_dma source(%dma_start3A_874 : memref<1024xf32, #tpu.memory_space<hbm>>) target(%dma_start3A_873 : memref<1024xf32, #tpu.memory_space<vmem>>) target_semaphore(%arg16 : memref<!tpu.dma_semaphore, #tpu.memory_space<semaphore_mem>>)
    %add3A_875 = arith.constant 11010048 : i32
    %add3A_876 = arith.addi %add3A_875, %add3A_707 : i32
    %dma_start3A_877 = arith.constant 21504 : i32
    %dma_start3A_878 = tpu.memref_slice %arg13[%dma_start3A_877] : memref<32768xf32, #tpu.memory_space<vmem>> -> memref<1024xf32, #tpu.memory_space<vmem>>
    %dma_start3A_879 = tpu.memref_slice %arg2[%add3A_876] : memref<16777216xf32, #tpu.memory_space<hbm>> -> memref<1024xf32, #tpu.memory_space<hbm>>
    %dma_start3A_880 = arith.constant 21504 : i32
    %dma_start3A_881 = tpu.memref_slice %arg13[%dma_start3A_880] : memref<32768xf32, #tpu.memory_space<vmem>> -> memref<1024xf32, #tpu.memory_space<vmem>>
    %dma_start3A_882 = tpu.memref_slice %arg2[%add3A_876] : memref<16777216xf32, #tpu.memory_space<hbm>> -> memref<1024xf32, #tpu.memory_space<hbm>>
    tpu.enqueue_dma source(%dma_start3A_882 : memref<1024xf32, #tpu.memory_space<hbm>>) target(%dma_start3A_881 : memref<1024xf32, #tpu.memory_space<vmem>>) target_semaphore(%arg16 : memref<!tpu.dma_semaphore, #tpu.memory_space<semaphore_mem>>)
    %add3A_883 = arith.constant 11534336 : i32
    %add3A_884 = arith.addi %add3A_883, %add3A_707 : i32
    %dma_start3A_885 = arith.constant 22528 : i32
    %dma_start3A_886 = tpu.memref_slice %arg13[%dma_start3A_885] : memref<32768xf32, #tpu.memory_space<vmem>> -> memref<1024xf32, #tpu.memory_space<vmem>>
    %dma_start3A_887 = tpu.memref_slice %arg2[%add3A_884] : memref<16777216xf32, #tpu.memory_space<hbm>> -> memref<1024xf32, #tpu.memory_space<hbm>>
    %dma_start3A_888 = arith.constant 22528 : i32
    %dma_start3A_889 = tpu.memref_slice %arg13[%dma_start3A_888] : memref<32768xf32, #tpu.memory_space<vmem>> -> memref<1024xf32, #tpu.memory_space<vmem>>
    %dma_start3A_890 = tpu.memref_slice %arg2[%add3A_884] : memref<16777216xf32, #tpu.memory_space<hbm>> -> memref<1024xf32, #tpu.memory_space<hbm>>
    tpu.enqueue_dma source(%dma_start3A_890 : memref<1024xf32, #tpu.memory_space<hbm>>) target(%dma_start3A_889 : memref<1024xf32, #tpu.memory_space<vmem>>) target_semaphore(%arg16 : memref<!tpu.dma_semaphore, #tpu.memory_space<semaphore_mem>>)
    %add3A_891 = arith.constant 12058624 : i32
    %add3A_892 = arith.addi %add3A_891, %add3A_707 : i32
    %dma_start3A_893 = arith.constant 23552 : i32
    %dma_start3A_894 = tpu.memref_slice %arg13[%dma_start3A_893] : memref<32768xf32, #tpu.memory_space<vmem>> -> memref<1024xf32, #tpu.memory_space<vmem>>
    %dma_start3A_895 = tpu.memref_slice %arg2[%add3A_892] : memref<16777216xf32, #tpu.memory_space<hbm>> -> memref<1024xf32, #tpu.memory_space<hbm>>
    %dma_start3A_896 = arith.constant 23552 : i32
    %dma_start3A_897 = tpu.memref_slice %arg13[%dma_start3A_896] : memref<32768xf32, #tpu.memory_space<vmem>> -> memref<1024xf32, #tpu.memory_space<vmem>>
    %dma_start3A_898 = tpu.memref_slice %arg2[%add3A_892] : memref<16777216xf32, #tpu.memory_space<hbm>> -> memref<1024xf32, #tpu.memory_space<hbm>>
    tpu.enqueue_dma source(%dma_start3A_898 : memref<1024xf32, #tpu.memory_space<hbm>>) target(%dma_start3A_897 : memref<1024xf32, #tpu.memory_space<vmem>>) target_semaphore(%arg16 : memref<!tpu.dma_semaphore, #tpu.memory_space<semaphore_mem>>)
    %add3A_899 = arith.constant 12582912 : i32
    %add3A_900 = arith.addi %add3A_899, %add3A_707 : i32
    %dma_start3A_901 = arith.constant 24576 : i32
    %dma_start3A_902 = tpu.memref_slice %arg13[%dma_start3A_901] : memref<32768xf32, #tpu.memory_space<vmem>> -> memref<1024xf32, #tpu.memory_space<vmem>>
    %dma_start3A_903 = tpu.memref_slice %arg2[%add3A_900] : memref<16777216xf32, #tpu.memory_space<hbm>> -> memref<1024xf32, #tpu.memory_space<hbm>>
    %dma_start3A_904 = arith.constant 24576 : i32
    %dma_start3A_905 = tpu.memref_slice %arg13[%dma_start3A_904] : memref<32768xf32, #tpu.memory_space<vmem>> -> memref<1024xf32, #tpu.memory_space<vmem>>
    %dma_start3A_906 = tpu.memref_slice %arg2[%add3A_900] : memref<16777216xf32, #tpu.memory_space<hbm>> -> memref<1024xf32, #tpu.memory_space<hbm>>
    tpu.enqueue_dma source(%dma_start3A_906 : memref<1024xf32, #tpu.memory_space<hbm>>) target(%dma_start3A_905 : memref<1024xf32, #tpu.memory_space<vmem>>) target_semaphore(%arg16 : memref<!tpu.dma_semaphore, #tpu.memory_space<semaphore_mem>>)
    %add3A_907 = arith.constant 13107200 : i32
    %add3A_908 = arith.addi %add3A_907, %add3A_707 : i32
    %dma_start3A_909 = arith.constant 25600 : i32
    %dma_start3A_910 = tpu.memref_slice %arg13[%dma_start3A_909] : memref<32768xf32, #tpu.memory_space<vmem>> -> memref<1024xf32, #tpu.memory_space<vmem>>
    %dma_start3A_911 = tpu.memref_slice %arg2[%add3A_908] : memref<16777216xf32, #tpu.memory_space<hbm>> -> memref<1024xf32, #tpu.memory_space<hbm>>
    %dma_start3A_912 = arith.constant 25600 : i32
    %dma_start3A_913 = tpu.memref_slice %arg13[%dma_start3A_912] : memref<32768xf32, #tpu.memory_space<vmem>> -> memref<1024xf32, #tpu.memory_space<vmem>>
    %dma_start3A_914 = tpu.memref_slice %arg2[%add3A_908] : memref<16777216xf32, #tpu.memory_space<hbm>> -> memref<1024xf32, #tpu.memory_space<hbm>>
    tpu.enqueue_dma source(%dma_start3A_914 : memref<1024xf32, #tpu.memory_space<hbm>>) target(%dma_start3A_913 : memref<1024xf32, #tpu.memory_space<vmem>>) target_semaphore(%arg16 : memref<!tpu.dma_semaphore, #tpu.memory_space<semaphore_mem>>)
    %add3A_915 = arith.constant 13631488 : i32
    %add3A_916 = arith.addi %add3A_915, %add3A_707 : i32
    %dma_start3A_917 = arith.constant 26624 : i32
    %dma_start3A_918 = tpu.memref_slice %arg13[%dma_start3A_917] : memref<32768xf32, #tpu.memory_space<vmem>> -> memref<1024xf32, #tpu.memory_space<vmem>>
    %dma_start3A_919 = tpu.memref_slice %arg2[%add3A_916] : memref<16777216xf32, #tpu.memory_space<hbm>> -> memref<1024xf32, #tpu.memory_space<hbm>>
    %dma_start3A_920 = arith.constant 26624 : i32
    %dma_start3A_921 = tpu.memref_slice %arg13[%dma_start3A_920] : memref<32768xf32, #tpu.memory_space<vmem>> -> memref<1024xf32, #tpu.memory_space<vmem>>
    %dma_start3A_922 = tpu.memref_slice %arg2[%add3A_916] : memref<16777216xf32, #tpu.memory_space<hbm>> -> memref<1024xf32, #tpu.memory_space<hbm>>
    tpu.enqueue_dma source(%dma_start3A_922 : memref<1024xf32, #tpu.memory_space<hbm>>) target(%dma_start3A_921 : memref<1024xf32, #tpu.memory_space<vmem>>) target_semaphore(%arg16 : memref<!tpu.dma_semaphore, #tpu.memory_space<semaphore_mem>>)
    %add3A_923 = arith.constant 14155776 : i32
    %add3A_924 = arith.addi %add3A_923, %add3A_707 : i32
    %dma_start3A_925 = arith.constant 27648 : i32
    %dma_start3A_926 = tpu.memref_slice %arg13[%dma_start3A_925] : memref<32768xf32, #tpu.memory_space<vmem>> -> memref<1024xf32, #tpu.memory_space<vmem>>
    %dma_start3A_927 = tpu.memref_slice %arg2[%add3A_924] : memref<16777216xf32, #tpu.memory_space<hbm>> -> memref<1024xf32, #tpu.memory_space<hbm>>
    %dma_start3A_928 = arith.constant 27648 : i32
    %dma_start3A_929 = tpu.memref_slice %arg13[%dma_start3A_928] : memref<32768xf32, #tpu.memory_space<vmem>> -> memref<1024xf32, #tpu.memory_space<vmem>>
    %dma_start3A_930 = tpu.memref_slice %arg2[%add3A_924] : memref<16777216xf32, #tpu.memory_space<hbm>> -> memref<1024xf32, #tpu.memory_space<hbm>>
    tpu.enqueue_dma source(%dma_start3A_930 : memref<1024xf32, #tpu.memory_space<hbm>>) target(%dma_start3A_929 : memref<1024xf32, #tpu.memory_space<vmem>>) target_semaphore(%arg16 : memref<!tpu.dma_semaphore, #tpu.memory_space<semaphore_mem>>)
    %add3A_931 = arith.constant 14680064 : i32
    %add3A_932 = arith.addi %add3A_931, %add3A_707 : i32
    %dma_start3A_933 = arith.constant 28672 : i32
    %dma_start3A_934 = tpu.memref_slice %arg13[%dma_start3A_933] : memref<32768xf32, #tpu.memory_space<vmem>> -> memref<1024xf32, #tpu.memory_space<vmem>>
    %dma_start3A_935 = tpu.memref_slice %arg2[%add3A_932] : memref<16777216xf32, #tpu.memory_space<hbm>> -> memref<1024xf32, #tpu.memory_space<hbm>>
    %dma_start3A_936 = arith.constant 28672 : i32
    %dma_start3A_937 = tpu.memref_slice %arg13[%dma_start3A_936] : memref<32768xf32, #tpu.memory_space<vmem>> -> memref<1024xf32, #tpu.memory_space<vmem>>
    %dma_start3A_938 = tpu.memref_slice %arg2[%add3A_932] : memref<16777216xf32, #tpu.memory_space<hbm>> -> memref<1024xf32, #tpu.memory_space<hbm>>
    tpu.enqueue_dma source(%dma_start3A_938 : memref<1024xf32, #tpu.memory_space<hbm>>) target(%dma_start3A_937 : memref<1024xf32, #tpu.memory_space<vmem>>) target_semaphore(%arg16 : memref<!tpu.dma_semaphore, #tpu.memory_space<semaphore_mem>>)
    %add3A_939 = arith.constant 15204352 : i32
    %add3A_940 = arith.addi %add3A_939, %add3A_707 : i32
    %dma_start3A_941 = arith.constant 29696 : i32
    %dma_start3A_942 = tpu.memref_slice %arg13[%dma_start3A_941] : memref<32768xf32, #tpu.memory_space<vmem>> -> memref<1024xf32, #tpu.memory_space<vmem>>
    %dma_start3A_943 = tpu.memref_slice %arg2[%add3A_940] : memref<16777216xf32, #tpu.memory_space<hbm>> -> memref<1024xf32, #tpu.memory_space<hbm>>
    %dma_start3A_944 = arith.constant 29696 : i32
    %dma_start3A_945 = tpu.memref_slice %arg13[%dma_start3A_944] : memref<32768xf32, #tpu.memory_space<vmem>> -> memref<1024xf32, #tpu.memory_space<vmem>>
    %dma_start3A_946 = tpu.memref_slice %arg2[%add3A_940] : memref<16777216xf32, #tpu.memory_space<hbm>> -> memref<1024xf32, #tpu.memory_space<hbm>>
    tpu.enqueue_dma source(%dma_start3A_946 : memref<1024xf32, #tpu.memory_space<hbm>>) target(%dma_start3A_945 : memref<1024xf32, #tpu.memory_space<vmem>>) target_semaphore(%arg16 : memref<!tpu.dma_semaphore, #tpu.memory_space<semaphore_mem>>)
    %add3A_947 = arith.constant 15728640 : i32
    %add3A_948 = arith.addi %add3A_947, %add3A_707 : i32
    %dma_start3A_949 = arith.constant 30720 : i32
    %dma_start3A_950 = tpu.memref_slice %arg13[%dma_start3A_949] : memref<32768xf32, #tpu.memory_space<vmem>> -> memref<1024xf32, #tpu.memory_space<vmem>>
    %dma_start3A_951 = tpu.memref_slice %arg2[%add3A_948] : memref<16777216xf32, #tpu.memory_space<hbm>> -> memref<1024xf32, #tpu.memory_space<hbm>>
    %dma_start3A_952 = arith.constant 30720 : i32
    %dma_start3A_953 = tpu.memref_slice %arg13[%dma_start3A_952] : memref<32768xf32, #tpu.memory_space<vmem>> -> memref<1024xf32, #tpu.memory_space<vmem>>
    %dma_start3A_954 = tpu.memref_slice %arg2[%add3A_948] : memref<16777216xf32, #tpu.memory_space<hbm>> -> memref<1024xf32, #tpu.memory_space<hbm>>
    tpu.enqueue_dma source(%dma_start3A_954 : memref<1024xf32, #tpu.memory_space<hbm>>) target(%dma_start3A_953 : memref<1024xf32, #tpu.memory_space<vmem>>) target_semaphore(%arg16 : memref<!tpu.dma_semaphore, #tpu.memory_space<semaphore_mem>>)
    %add3A_955 = arith.constant 16252928 : i32
    %add3A_956 = arith.addi %add3A_955, %add3A_707 : i32
    %dma_start3A_957 = arith.constant 31744 : i32
    %dma_start3A_958 = tpu.memref_slice %arg13[%dma_start3A_957] : memref<32768xf32, #tpu.memory_space<vmem>> -> memref<1024xf32, #tpu.memory_space<vmem>>
    %dma_start3A_959 = tpu.memref_slice %arg2[%add3A_956] : memref<16777216xf32, #tpu.memory_space<hbm>> -> memref<1024xf32, #tpu.memory_space<hbm>>
    %dma_start3A_960 = arith.constant 31744 : i32
    %dma_start3A_961 = tpu.memref_slice %arg13[%dma_start3A_960] : memref<32768xf32, #tpu.memory_space<vmem>> -> memref<1024xf32, #tpu.memory_space<vmem>>
    %dma_start3A_962 = tpu.memref_slice %arg2[%add3A_956] : memref<16777216xf32, #tpu.memory_space<hbm>> -> memref<1024xf32, #tpu.memory_space<hbm>>
    tpu.enqueue_dma source(%dma_start3A_962 : memref<1024xf32, #tpu.memory_space<hbm>>) target(%dma_start3A_961 : memref<1024xf32, #tpu.memory_space<vmem>>) target_semaphore(%arg16 : memref<!tpu.dma_semaphore, #tpu.memory_space<semaphore_mem>>)
    %add3A_963 = arith.constant 1024 : i32
    %add3A_964 = arith.addi %mul3A_2, %add3A_963 : i32
    %add3A_965 = arith.constant 0 : i32
    %add3A_966 = arith.addi %add3A_965, %add3A_964 : i32
    %dma_start3A_967 = arith.constant 0 : i32
    %dma_start3A_968 = tpu.memref_slice %arg14[%dma_start3A_967] : memref<32768xf32, #tpu.memory_space<vmem>> -> memref<1024xf32, #tpu.memory_space<vmem>>
    %dma_start3A_969 = tpu.memref_slice %arg2[%add3A_966] : memref<16777216xf32, #tpu.memory_space<hbm>> -> memref<1024xf32, #tpu.memory_space<hbm>>
    %dma_start3A_970 = arith.constant 0 : i32
    %dma_start3A_971 = tpu.memref_slice %arg14[%dma_start3A_970] : memref<32768xf32, #tpu.memory_space<vmem>> -> memref<1024xf32, #tpu.memory_space<vmem>>
    %dma_start3A_972 = tpu.memref_slice %arg2[%add3A_966] : memref<16777216xf32, #tpu.memory_space<hbm>> -> memref<1024xf32, #tpu.memory_space<hbm>>
    tpu.enqueue_dma source(%dma_start3A_972 : memref<1024xf32, #tpu.memory_space<hbm>>) target(%dma_start3A_971 : memref<1024xf32, #tpu.memory_space<vmem>>) target_semaphore(%arg17 : memref<!tpu.dma_semaphore, #tpu.memory_space<semaphore_mem>>)
    %add3A_973 = arith.constant 524288 : i32
    %add3A_974 = arith.addi %add3A_973, %add3A_964 : i32
    %dma_start3A_975 = arith.constant 1024 : i32
    %dma_start3A_976 = tpu.memref_slice %arg14[%dma_start3A_975] : memref<32768xf32, #tpu.memory_space<vmem>> -> memref<1024xf32, #tpu.memory_space<vmem>>
    %dma_start3A_977 = tpu.memref_slice %arg2[%add3A_974] : memref<16777216xf32, #tpu.memory_space<hbm>> -> memref<1024xf32, #tpu.memory_space<hbm>>
    %dma_start3A_978 = arith.constant 1024 : i32
    %dma_start3A_979 = tpu.memref_slice %arg14[%dma_start3A_978] : memref<32768xf32, #tpu.memory_space<vmem>> -> memref<1024xf32, #tpu.memory_space<vmem>>
    %dma_start3A_980 = tpu.memref_slice %arg2[%add3A_974] : memref<16777216xf32, #tpu.memory_space<hbm>> -> memref<1024xf32, #tpu.memory_space<hbm>>
    tpu.enqueue_dma source(%dma_start3A_980 : memref<1024xf32, #tpu.memory_space<hbm>>) target(%dma_start3A_979 : memref<1024xf32, #tpu.memory_space<vmem>>) target_semaphore(%arg17 : memref<!tpu.dma_semaphore, #tpu.memory_space<semaphore_mem>>)
    %add3A_981 = arith.constant 1048576 : i32
    %add3A_982 = arith.addi %add3A_981, %add3A_964 : i32
    %dma_start3A_983 = arith.constant 2048 : i32
    %dma_start3A_984 = tpu.memref_slice %arg14[%dma_start3A_983] : memref<32768xf32, #tpu.memory_space<vmem>> -> memref<1024xf32, #tpu.memory_space<vmem>>
    %dma_start3A_985 = tpu.memref_slice %arg2[%add3A_982] : memref<16777216xf32, #tpu.memory_space<hbm>> -> memref<1024xf32, #tpu.memory_space<hbm>>
    %dma_start3A_986 = arith.constant 2048 : i32
    %dma_start3A_987 = tpu.memref_slice %arg14[%dma_start3A_986] : memref<32768xf32, #tpu.memory_space<vmem>> -> memref<1024xf32, #tpu.memory_space<vmem>>
    %dma_start3A_988 = tpu.memref_slice %arg2[%add3A_982] : memref<16777216xf32, #tpu.memory_space<hbm>> -> memref<1024xf32, #tpu.memory_space<hbm>>
    tpu.enqueue_dma source(%dma_start3A_988 : memref<1024xf32, #tpu.memory_space<hbm>>) target(%dma_start3A_987 : memref<1024xf32, #tpu.memory_space<vmem>>) target_semaphore(%arg17 : memref<!tpu.dma_semaphore, #tpu.memory_space<semaphore_mem>>)
    %add3A_989 = arith.constant 1572864 : i32
    %add3A_990 = arith.addi %add3A_989, %add3A_964 : i32
    %dma_start3A_991 = arith.constant 3072 : i32
    %dma_start3A_992 = tpu.memref_slice %arg14[%dma_start3A_991] : memref<32768xf32, #tpu.memory_space<vmem>> -> memref<1024xf32, #tpu.memory_space<vmem>>
    %dma_start3A_993 = tpu.memref_slice %arg2[%add3A_990] : memref<16777216xf32, #tpu.memory_space<hbm>> -> memref<1024xf32, #tpu.memory_space<hbm>>
    %dma_start3A_994 = arith.constant 3072 : i32
    %dma_start3A_995 = tpu.memref_slice %arg14[%dma_start3A_994] : memref<32768xf32, #tpu.memory_space<vmem>> -> memref<1024xf32, #tpu.memory_space<vmem>>
    %dma_start3A_996 = tpu.memref_slice %arg2[%add3A_990] : memref<16777216xf32, #tpu.memory_space<hbm>> -> memref<1024xf32, #tpu.memory_space<hbm>>
    tpu.enqueue_dma source(%dma_start3A_996 : memref<1024xf32, #tpu.memory_space<hbm>>) target(%dma_start3A_995 : memref<1024xf32, #tpu.memory_space<vmem>>) target_semaphore(%arg17 : memref<!tpu.dma_semaphore, #tpu.memory_space<semaphore_mem>>)
    %add3A_997 = arith.constant 2097152 : i32
    %add3A_998 = arith.addi %add3A_997, %add3A_964 : i32
    %dma_start3A_999 = arith.constant 4096 : i32
    %dma_start3A_1000 = tpu.memref_slice %arg14[%dma_start3A_999] : memref<32768xf32, #tpu.memory_space<vmem>> -> memref<1024xf32, #tpu.memory_space<vmem>>
    %dma_start3A_1001 = tpu.memref_slice %arg2[%add3A_998] : memref<16777216xf32, #tpu.memory_space<hbm>> -> memref<1024xf32, #tpu.memory_space<hbm>>
    %dma_start3A_1002 = arith.constant 4096 : i32
    %dma_start3A_1003 = tpu.memref_slice %arg14[%dma_start3A_1002] : memref<32768xf32, #tpu.memory_space<vmem>> -> memref<1024xf32, #tpu.memory_space<vmem>>
    %dma_start3A_1004 = tpu.memref_slice %arg2[%add3A_998] : memref<16777216xf32, #tpu.memory_space<hbm>> -> memref<1024xf32, #tpu.memory_space<hbm>>
    tpu.enqueue_dma source(%dma_start3A_1004 : memref<1024xf32, #tpu.memory_space<hbm>>) target(%dma_start3A_1003 : memref<1024xf32, #tpu.memory_space<vmem>>) target_semaphore(%arg17 : memref<!tpu.dma_semaphore, #tpu.memory_space<semaphore_mem>>)
    %add3A_1005 = arith.constant 2621440 : i32
    %add3A_1006 = arith.addi %add3A_1005, %add3A_964 : i32
    %dma_start3A_1007 = arith.constant 5120 : i32
    %dma_start3A_1008 = tpu.memref_slice %arg14[%dma_start3A_1007] : memref<32768xf32, #tpu.memory_space<vmem>> -> memref<1024xf32, #tpu.memory_space<vmem>>
    %dma_start3A_1009 = tpu.memref_slice %arg2[%add3A_1006] : memref<16777216xf32, #tpu.memory_space<hbm>> -> memref<1024xf32, #tpu.memory_space<hbm>>
    %dma_start3A_1010 = arith.constant 5120 : i32
    %dma_start3A_1011 = tpu.memref_slice %arg14[%dma_start3A_1010] : memref<32768xf32, #tpu.memory_space<vmem>> -> memref<1024xf32, #tpu.memory_space<vmem>>
    %dma_start3A_1012 = tpu.memref_slice %arg2[%add3A_1006] : memref<16777216xf32, #tpu.memory_space<hbm>> -> memref<1024xf32, #tpu.memory_space<hbm>>
    tpu.enqueue_dma source(%dma_start3A_1012 : memref<1024xf32, #tpu.memory_space<hbm>>) target(%dma_start3A_1011 : memref<1024xf32, #tpu.memory_space<vmem>>) target_semaphore(%arg17 : memref<!tpu.dma_semaphore, #tpu.memory_space<semaphore_mem>>)
    %add3A_1013 = arith.constant 3145728 : i32
    %add3A_1014 = arith.addi %add3A_1013, %add3A_964 : i32
    %dma_start3A_1015 = arith.constant 6144 : i32
    %dma_start3A_1016 = tpu.memref_slice %arg14[%dma_start3A_1015] : memref<32768xf32, #tpu.memory_space<vmem>> -> memref<1024xf32, #tpu.memory_space<vmem>>
    %dma_start3A_1017 = tpu.memref_slice %arg2[%add3A_1014] : memref<16777216xf32, #tpu.memory_space<hbm>> -> memref<1024xf32, #tpu.memory_space<hbm>>
    %dma_start3A_1018 = arith.constant 6144 : i32
    %dma_start3A_1019 = tpu.memref_slice %arg14[%dma_start3A_1018] : memref<32768xf32, #tpu.memory_space<vmem>> -> memref<1024xf32, #tpu.memory_space<vmem>>
    %dma_start3A_1020 = tpu.memref_slice %arg2[%add3A_1014] : memref<16777216xf32, #tpu.memory_space<hbm>> -> memref<1024xf32, #tpu.memory_space<hbm>>
    tpu.enqueue_dma source(%dma_start3A_1020 : memref<1024xf32, #tpu.memory_space<hbm>>) target(%dma_start3A_1019 : memref<1024xf32, #tpu.memory_space<vmem>>) target_semaphore(%arg17 : memref<!tpu.dma_semaphore, #tpu.memory_space<semaphore_mem>>)
    %add3A_1021 = arith.constant 3670016 : i32
    %add3A_1022 = arith.addi %add3A_1021, %add3A_964 : i32
    %dma_start3A_1023 = arith.constant 7168 : i32
    %dma_start3A_1024 = tpu.memref_slice %arg14[%dma_start3A_1023] : memref<32768xf32, #tpu.memory_space<vmem>> -> memref<1024xf32, #tpu.memory_space<vmem>>
    %dma_start3A_1025 = tpu.memref_slice %arg2[%add3A_1022] : memref<16777216xf32, #tpu.memory_space<hbm>> -> memref<1024xf32, #tpu.memory_space<hbm>>
    %dma_start3A_1026 = arith.constant 7168 : i32
    %dma_start3A_1027 = tpu.memref_slice %arg14[%dma_start3A_1026] : memref<32768xf32, #tpu.memory_space<vmem>> -> memref<1024xf32, #tpu.memory_space<vmem>>
    %dma_start3A_1028 = tpu.memref_slice %arg2[%add3A_1022] : memref<16777216xf32, #tpu.memory_space<hbm>> -> memref<1024xf32, #tpu.memory_space<hbm>>
    tpu.enqueue_dma source(%dma_start3A_1028 : memref<1024xf32, #tpu.memory_space<hbm>>) target(%dma_start3A_1027 : memref<1024xf32, #tpu.memory_space<vmem>>) target_semaphore(%arg17 : memref<!tpu.dma_semaphore, #tpu.memory_space<semaphore_mem>>)
    %add3A_1029 = arith.constant 4194304 : i32
    %add3A_1030 = arith.addi %add3A_1029, %add3A_964 : i32
    %dma_start3A_1031 = arith.constant 8192 : i32
    %dma_start3A_1032 = tpu.memref_slice %arg14[%dma_start3A_1031] : memref<32768xf32, #tpu.memory_space<vmem>> -> memref<1024xf32, #tpu.memory_space<vmem>>
    %dma_start3A_1033 = tpu.memref_slice %arg2[%add3A_1030] : memref<16777216xf32, #tpu.memory_space<hbm>> -> memref<1024xf32, #tpu.memory_space<hbm>>
    %dma_start3A_1034 = arith.constant 8192 : i32
    %dma_start3A_1035 = tpu.memref_slice %arg14[%dma_start3A_1034] : memref<32768xf32, #tpu.memory_space<vmem>> -> memref<1024xf32, #tpu.memory_space<vmem>>
    %dma_start3A_1036 = tpu.memref_slice %arg2[%add3A_1030] : memref<16777216xf32, #tpu.memory_space<hbm>> -> memref<1024xf32, #tpu.memory_space<hbm>>
    tpu.enqueue_dma source(%dma_start3A_1036 : memref<1024xf32, #tpu.memory_space<hbm>>) target(%dma_start3A_1035 : memref<1024xf32, #tpu.memory_space<vmem>>) target_semaphore(%arg17 : memref<!tpu.dma_semaphore, #tpu.memory_space<semaphore_mem>>)
    %add3A_1037 = arith.constant 4718592 : i32
    %add3A_1038 = arith.addi %add3A_1037, %add3A_964 : i32
    %dma_start3A_1039 = arith.constant 9216 : i32
    %dma_start3A_1040 = tpu.memref_slice %arg14[%dma_start3A_1039] : memref<32768xf32, #tpu.memory_space<vmem>> -> memref<1024xf32, #tpu.memory_space<vmem>>
    %dma_start3A_1041 = tpu.memref_slice %arg2[%add3A_1038] : memref<16777216xf32, #tpu.memory_space<hbm>> -> memref<1024xf32, #tpu.memory_space<hbm>>
    %dma_start3A_1042 = arith.constant 9216 : i32
    %dma_start3A_1043 = tpu.memref_slice %arg14[%dma_start3A_1042] : memref<32768xf32, #tpu.memory_space<vmem>> -> memref<1024xf32, #tpu.memory_space<vmem>>
    %dma_start3A_1044 = tpu.memref_slice %arg2[%add3A_1038] : memref<16777216xf32, #tpu.memory_space<hbm>> -> memref<1024xf32, #tpu.memory_space<hbm>>
    tpu.enqueue_dma source(%dma_start3A_1044 : memref<1024xf32, #tpu.memory_space<hbm>>) target(%dma_start3A_1043 : memref<1024xf32, #tpu.memory_space<vmem>>) target_semaphore(%arg17 : memref<!tpu.dma_semaphore, #tpu.memory_space<semaphore_mem>>)
    %add3A_1045 = arith.constant 5242880 : i32
    %add3A_1046 = arith.addi %add3A_1045, %add3A_964 : i32
    %dma_start3A_1047 = arith.constant 10240 : i32
    %dma_start3A_1048 = tpu.memref_slice %arg14[%dma_start3A_1047] : memref<32768xf32, #tpu.memory_space<vmem>> -> memref<1024xf32, #tpu.memory_space<vmem>>
    %dma_start3A_1049 = tpu.memref_slice %arg2[%add3A_1046] : memref<16777216xf32, #tpu.memory_space<hbm>> -> memref<1024xf32, #tpu.memory_space<hbm>>
    %dma_start3A_1050 = arith.constant 10240 : i32
    %dma_start3A_1051 = tpu.memref_slice %arg14[%dma_start3A_1050] : memref<32768xf32, #tpu.memory_space<vmem>> -> memref<1024xf32, #tpu.memory_space<vmem>>
    %dma_start3A_1052 = tpu.memref_slice %arg2[%add3A_1046] : memref<16777216xf32, #tpu.memory_space<hbm>> -> memref<1024xf32, #tpu.memory_space<hbm>>
    tpu.enqueue_dma source(%dma_start3A_1052 : memref<1024xf32, #tpu.memory_space<hbm>>) target(%dma_start3A_1051 : memref<1024xf32, #tpu.memory_space<vmem>>) target_semaphore(%arg17 : memref<!tpu.dma_semaphore, #tpu.memory_space<semaphore_mem>>)
    %add3A_1053 = arith.constant 5767168 : i32
    %add3A_1054 = arith.addi %add3A_1053, %add3A_964 : i32
    %dma_start3A_1055 = arith.constant 11264 : i32
    %dma_start3A_1056 = tpu.memref_slice %arg14[%dma_start3A_1055] : memref<32768xf32, #tpu.memory_space<vmem>> -> memref<1024xf32, #tpu.memory_space<vmem>>
    %dma_start3A_1057 = tpu.memref_slice %arg2[%add3A_1054] : memref<16777216xf32, #tpu.memory_space<hbm>> -> memref<1024xf32, #tpu.memory_space<hbm>>
    %dma_start3A_1058 = arith.constant 11264 : i32
    %dma_start3A_1059 = tpu.memref_slice %arg14[%dma_start3A_1058] : memref<32768xf32, #tpu.memory_space<vmem>> -> memref<1024xf32, #tpu.memory_space<vmem>>
    %dma_start3A_1060 = tpu.memref_slice %arg2[%add3A_1054] : memref<16777216xf32, #tpu.memory_space<hbm>> -> memref<1024xf32, #tpu.memory_space<hbm>>
    tpu.enqueue_dma source(%dma_start3A_1060 : memref<1024xf32, #tpu.memory_space<hbm>>) target(%dma_start3A_1059 : memref<1024xf32, #tpu.memory_space<vmem>>) target_semaphore(%arg17 : memref<!tpu.dma_semaphore, #tpu.memory_space<semaphore_mem>>)
    %add3A_1061 = arith.constant 6291456 : i32
    %add3A_1062 = arith.addi %add3A_1061, %add3A_964 : i32
    %dma_start3A_1063 = arith.constant 12288 : i32
    %dma_start3A_1064 = tpu.memref_slice %arg14[%dma_start3A_1063] : memref<32768xf32, #tpu.memory_space<vmem>> -> memref<1024xf32, #tpu.memory_space<vmem>>
    %dma_start3A_1065 = tpu.memref_slice %arg2[%add3A_1062] : memref<16777216xf32, #tpu.memory_space<hbm>> -> memref<1024xf32, #tpu.memory_space<hbm>>
    %dma_start3A_1066 = arith.constant 12288 : i32
    %dma_start3A_1067 = tpu.memref_slice %arg14[%dma_start3A_1066] : memref<32768xf32, #tpu.memory_space<vmem>> -> memref<1024xf32, #tpu.memory_space<vmem>>
    %dma_start3A_1068 = tpu.memref_slice %arg2[%add3A_1062] : memref<16777216xf32, #tpu.memory_space<hbm>> -> memref<1024xf32, #tpu.memory_space<hbm>>
    tpu.enqueue_dma source(%dma_start3A_1068 : memref<1024xf32, #tpu.memory_space<hbm>>) target(%dma_start3A_1067 : memref<1024xf32, #tpu.memory_space<vmem>>) target_semaphore(%arg17 : memref<!tpu.dma_semaphore, #tpu.memory_space<semaphore_mem>>)
    %add3A_1069 = arith.constant 6815744 : i32
    %add3A_1070 = arith.addi %add3A_1069, %add3A_964 : i32
    %dma_start3A_1071 = arith.constant 13312 : i32
    %dma_start3A_1072 = tpu.memref_slice %arg14[%dma_start3A_1071] : memref<32768xf32, #tpu.memory_space<vmem>> -> memref<1024xf32, #tpu.memory_space<vmem>>
    %dma_start3A_1073 = tpu.memref_slice %arg2[%add3A_1070] : memref<16777216xf32, #tpu.memory_space<hbm>> -> memref<1024xf32, #tpu.memory_space<hbm>>
    %dma_start3A_1074 = arith.constant 13312 : i32
    %dma_start3A_1075 = tpu.memref_slice %arg14[%dma_start3A_1074] : memref<32768xf32, #tpu.memory_space<vmem>> -> memref<1024xf32, #tpu.memory_space<vmem>>
    %dma_start3A_1076 = tpu.memref_slice %arg2[%add3A_1070] : memref<16777216xf32, #tpu.memory_space<hbm>> -> memref<1024xf32, #tpu.memory_space<hbm>>
    tpu.enqueue_dma source(%dma_start3A_1076 : memref<1024xf32, #tpu.memory_space<hbm>>) target(%dma_start3A_1075 : memref<1024xf32, #tpu.memory_space<vmem>>) target_semaphore(%arg17 : memref<!tpu.dma_semaphore, #tpu.memory_space<semaphore_mem>>)
    %add3A_1077 = arith.constant 7340032 : i32
    %add3A_1078 = arith.addi %add3A_1077, %add3A_964 : i32
    %dma_start3A_1079 = arith.constant 14336 : i32
    %dma_start3A_1080 = tpu.memref_slice %arg14[%dma_start3A_1079] : memref<32768xf32, #tpu.memory_space<vmem>> -> memref<1024xf32, #tpu.memory_space<vmem>>
    %dma_start3A_1081 = tpu.memref_slice %arg2[%add3A_1078] : memref<16777216xf32, #tpu.memory_space<hbm>> -> memref<1024xf32, #tpu.memory_space<hbm>>
    %dma_start3A_1082 = arith.constant 14336 : i32
    %dma_start3A_1083 = tpu.memref_slice %arg14[%dma_start3A_1082] : memref<32768xf32, #tpu.memory_space<vmem>> -> memref<1024xf32, #tpu.memory_space<vmem>>
    %dma_start3A_1084 = tpu.memref_slice %arg2[%add3A_1078] : memref<16777216xf32, #tpu.memory_space<hbm>> -> memref<1024xf32, #tpu.memory_space<hbm>>
    tpu.enqueue_dma source(%dma_start3A_1084 : memref<1024xf32, #tpu.memory_space<hbm>>) target(%dma_start3A_1083 : memref<1024xf32, #tpu.memory_space<vmem>>) target_semaphore(%arg17 : memref<!tpu.dma_semaphore, #tpu.memory_space<semaphore_mem>>)
    %add3A_1085 = arith.constant 7864320 : i32
    %add3A_1086 = arith.addi %add3A_1085, %add3A_964 : i32
    %dma_start3A_1087 = arith.constant 15360 : i32
    %dma_start3A_1088 = tpu.memref_slice %arg14[%dma_start3A_1087] : memref<32768xf32, #tpu.memory_space<vmem>> -> memref<1024xf32, #tpu.memory_space<vmem>>
    %dma_start3A_1089 = tpu.memref_slice %arg2[%add3A_1086] : memref<16777216xf32, #tpu.memory_space<hbm>> -> memref<1024xf32, #tpu.memory_space<hbm>>
    %dma_start3A_1090 = arith.constant 15360 : i32
    %dma_start3A_1091 = tpu.memref_slice %arg14[%dma_start3A_1090] : memref<32768xf32, #tpu.memory_space<vmem>> -> memref<1024xf32, #tpu.memory_space<vmem>>
    %dma_start3A_1092 = tpu.memref_slice %arg2[%add3A_1086] : memref<16777216xf32, #tpu.memory_space<hbm>> -> memref<1024xf32, #tpu.memory_space<hbm>>
    tpu.enqueue_dma source(%dma_start3A_1092 : memref<1024xf32, #tpu.memory_space<hbm>>) target(%dma_start3A_1091 : memref<1024xf32, #tpu.memory_space<vmem>>) target_semaphore(%arg17 : memref<!tpu.dma_semaphore, #tpu.memory_space<semaphore_mem>>)
    %add3A_1093 = arith.constant 8388608 : i32
    %add3A_1094 = arith.addi %add3A_1093, %add3A_964 : i32
    %dma_start3A_1095 = arith.constant 16384 : i32
    %dma_start3A_1096 = tpu.memref_slice %arg14[%dma_start3A_1095] : memref<32768xf32, #tpu.memory_space<vmem>> -> memref<1024xf32, #tpu.memory_space<vmem>>
    %dma_start3A_1097 = tpu.memref_slice %arg2[%add3A_1094] : memref<16777216xf32, #tpu.memory_space<hbm>> -> memref<1024xf32, #tpu.memory_space<hbm>>
    %dma_start3A_1098 = arith.constant 16384 : i32
    %dma_start3A_1099 = tpu.memref_slice %arg14[%dma_start3A_1098] : memref<32768xf32, #tpu.memory_space<vmem>> -> memref<1024xf32, #tpu.memory_space<vmem>>
    %dma_start3A_1100 = tpu.memref_slice %arg2[%add3A_1094] : memref<16777216xf32, #tpu.memory_space<hbm>> -> memref<1024xf32, #tpu.memory_space<hbm>>
    tpu.enqueue_dma source(%dma_start3A_1100 : memref<1024xf32, #tpu.memory_space<hbm>>) target(%dma_start3A_1099 : memref<1024xf32, #tpu.memory_space<vmem>>) target_semaphore(%arg17 : memref<!tpu.dma_semaphore, #tpu.memory_space<semaphore_mem>>)
    %add3A_1101 = arith.constant 8912896 : i32
    %add3A_1102 = arith.addi %add3A_1101, %add3A_964 : i32
    %dma_start3A_1103 = arith.constant 17408 : i32
    %dma_start3A_1104 = tpu.memref_slice %arg14[%dma_start3A_1103] : memref<32768xf32, #tpu.memory_space<vmem>> -> memref<1024xf32, #tpu.memory_space<vmem>>
    %dma_start3A_1105 = tpu.memref_slice %arg2[%add3A_1102] : memref<16777216xf32, #tpu.memory_space<hbm>> -> memref<1024xf32, #tpu.memory_space<hbm>>
    %dma_start3A_1106 = arith.constant 17408 : i32
    %dma_start3A_1107 = tpu.memref_slice %arg14[%dma_start3A_1106] : memref<32768xf32, #tpu.memory_space<vmem>> -> memref<1024xf32, #tpu.memory_space<vmem>>
    %dma_start3A_1108 = tpu.memref_slice %arg2[%add3A_1102] : memref<16777216xf32, #tpu.memory_space<hbm>> -> memref<1024xf32, #tpu.memory_space<hbm>>
    tpu.enqueue_dma source(%dma_start3A_1108 : memref<1024xf32, #tpu.memory_space<hbm>>) target(%dma_start3A_1107 : memref<1024xf32, #tpu.memory_space<vmem>>) target_semaphore(%arg17 : memref<!tpu.dma_semaphore, #tpu.memory_space<semaphore_mem>>)
    %add3A_1109 = arith.constant 9437184 : i32
    %add3A_1110 = arith.addi %add3A_1109, %add3A_964 : i32
    %dma_start3A_1111 = arith.constant 18432 : i32
    %dma_start3A_1112 = tpu.memref_slice %arg14[%dma_start3A_1111] : memref<32768xf32, #tpu.memory_space<vmem>> -> memref<1024xf32, #tpu.memory_space<vmem>>
    %dma_start3A_1113 = tpu.memref_slice %arg2[%add3A_1110] : memref<16777216xf32, #tpu.memory_space<hbm>> -> memref<1024xf32, #tpu.memory_space<hbm>>
    %dma_start3A_1114 = arith.constant 18432 : i32
    %dma_start3A_1115 = tpu.memref_slice %arg14[%dma_start3A_1114] : memref<32768xf32, #tpu.memory_space<vmem>> -> memref<1024xf32, #tpu.memory_space<vmem>>
    %dma_start3A_1116 = tpu.memref_slice %arg2[%add3A_1110] : memref<16777216xf32, #tpu.memory_space<hbm>> -> memref<1024xf32, #tpu.memory_space<hbm>>
    tpu.enqueue_dma source(%dma_start3A_1116 : memref<1024xf32, #tpu.memory_space<hbm>>) target(%dma_start3A_1115 : memref<1024xf32, #tpu.memory_space<vmem>>) target_semaphore(%arg17 : memref<!tpu.dma_semaphore, #tpu.memory_space<semaphore_mem>>)
    %add3A_1117 = arith.constant 9961472 : i32
    %add3A_1118 = arith.addi %add3A_1117, %add3A_964 : i32
    %dma_start3A_1119 = arith.constant 19456 : i32
    %dma_start3A_1120 = tpu.memref_slice %arg14[%dma_start3A_1119] : memref<32768xf32, #tpu.memory_space<vmem>> -> memref<1024xf32, #tpu.memory_space<vmem>>
    %dma_start3A_1121 = tpu.memref_slice %arg2[%add3A_1118] : memref<16777216xf32, #tpu.memory_space<hbm>> -> memref<1024xf32, #tpu.memory_space<hbm>>
    %dma_start3A_1122 = arith.constant 19456 : i32
    %dma_start3A_1123 = tpu.memref_slice %arg14[%dma_start3A_1122] : memref<32768xf32, #tpu.memory_space<vmem>> -> memref<1024xf32, #tpu.memory_space<vmem>>
    %dma_start3A_1124 = tpu.memref_slice %arg2[%add3A_1118] : memref<16777216xf32, #tpu.memory_space<hbm>> -> memref<1024xf32, #tpu.memory_space<hbm>>
    tpu.enqueue_dma source(%dma_start3A_1124 : memref<1024xf32, #tpu.memory_space<hbm>>) target(%dma_start3A_1123 : memref<1024xf32, #tpu.memory_space<vmem>>) target_semaphore(%arg17 : memref<!tpu.dma_semaphore, #tpu.memory_space<semaphore_mem>>)
    %add3A_1125 = arith.constant 10485760 : i32
    %add3A_1126 = arith.addi %add3A_1125, %add3A_964 : i32
    %dma_start3A_1127 = arith.constant 20480 : i32
    %dma_start3A_1128 = tpu.memref_slice %arg14[%dma_start3A_1127] : memref<32768xf32, #tpu.memory_space<vmem>> -> memref<1024xf32, #tpu.memory_space<vmem>>
    %dma_start3A_1129 = tpu.memref_slice %arg2[%add3A_1126] : memref<16777216xf32, #tpu.memory_space<hbm>> -> memref<1024xf32, #tpu.memory_space<hbm>>
    %dma_start3A_1130 = arith.constant 20480 : i32
    %dma_start3A_1131 = tpu.memref_slice %arg14[%dma_start3A_1130] : memref<32768xf32, #tpu.memory_space<vmem>> -> memref<1024xf32, #tpu.memory_space<vmem>>
    %dma_start3A_1132 = tpu.memref_slice %arg2[%add3A_1126] : memref<16777216xf32, #tpu.memory_space<hbm>> -> memref<1024xf32, #tpu.memory_space<hbm>>
    tpu.enqueue_dma source(%dma_start3A_1132 : memref<1024xf32, #tpu.memory_space<hbm>>) target(%dma_start3A_1131 : memref<1024xf32, #tpu.memory_space<vmem>>) target_semaphore(%arg17 : memref<!tpu.dma_semaphore, #tpu.memory_space<semaphore_mem>>)
    %add3A_1133 = arith.constant 11010048 : i32
    %add3A_1134 = arith.addi %add3A_1133, %add3A_964 : i32
    %dma_start3A_1135 = arith.constant 21504 : i32
    %dma_start3A_1136 = tpu.memref_slice %arg14[%dma_start3A_1135] : memref<32768xf32, #tpu.memory_space<vmem>> -> memref<1024xf32, #tpu.memory_space<vmem>>
    %dma_start3A_1137 = tpu.memref_slice %arg2[%add3A_1134] : memref<16777216xf32, #tpu.memory_space<hbm>> -> memref<1024xf32, #tpu.memory_space<hbm>>
    %dma_start3A_1138 = arith.constant 21504 : i32
    %dma_start3A_1139 = tpu.memref_slice %arg14[%dma_start3A_1138] : memref<32768xf32, #tpu.memory_space<vmem>> -> memref<1024xf32, #tpu.memory_space<vmem>>
    %dma_start3A_1140 = tpu.memref_slice %arg2[%add3A_1134] : memref<16777216xf32, #tpu.memory_space<hbm>> -> memref<1024xf32, #tpu.memory_space<hbm>>
    tpu.enqueue_dma source(%dma_start3A_1140 : memref<1024xf32, #tpu.memory_space<hbm>>) target(%dma_start3A_1139 : memref<1024xf32, #tpu.memory_space<vmem>>) target_semaphore(%arg17 : memref<!tpu.dma_semaphore, #tpu.memory_space<semaphore_mem>>)
    %add3A_1141 = arith.constant 11534336 : i32
    %add3A_1142 = arith.addi %add3A_1141, %add3A_964 : i32
    %dma_start3A_1143 = arith.constant 22528 : i32
    %dma_start3A_1144 = tpu.memref_slice %arg14[%dma_start3A_1143] : memref<32768xf32, #tpu.memory_space<vmem>> -> memref<1024xf32, #tpu.memory_space<vmem>>
    %dma_start3A_1145 = tpu.memref_slice %arg2[%add3A_1142] : memref<16777216xf32, #tpu.memory_space<hbm>> -> memref<1024xf32, #tpu.memory_space<hbm>>
    %dma_start3A_1146 = arith.constant 22528 : i32
    %dma_start3A_1147 = tpu.memref_slice %arg14[%dma_start3A_1146] : memref<32768xf32, #tpu.memory_space<vmem>> -> memref<1024xf32, #tpu.memory_space<vmem>>
    %dma_start3A_1148 = tpu.memref_slice %arg2[%add3A_1142] : memref<16777216xf32, #tpu.memory_space<hbm>> -> memref<1024xf32, #tpu.memory_space<hbm>>
    tpu.enqueue_dma source(%dma_start3A_1148 : memref<1024xf32, #tpu.memory_space<hbm>>) target(%dma_start3A_1147 : memref<1024xf32, #tpu.memory_space<vmem>>) target_semaphore(%arg17 : memref<!tpu.dma_semaphore, #tpu.memory_space<semaphore_mem>>)
    %add3A_1149 = arith.constant 12058624 : i32
    %add3A_1150 = arith.addi %add3A_1149, %add3A_964 : i32
    %dma_start3A_1151 = arith.constant 23552 : i32
    %dma_start3A_1152 = tpu.memref_slice %arg14[%dma_start3A_1151] : memref<32768xf32, #tpu.memory_space<vmem>> -> memref<1024xf32, #tpu.memory_space<vmem>>
    %dma_start3A_1153 = tpu.memref_slice %arg2[%add3A_1150] : memref<16777216xf32, #tpu.memory_space<hbm>> -> memref<1024xf32, #tpu.memory_space<hbm>>
    %dma_start3A_1154 = arith.constant 23552 : i32
    %dma_start3A_1155 = tpu.memref_slice %arg14[%dma_start3A_1154] : memref<32768xf32, #tpu.memory_space<vmem>> -> memref<1024xf32, #tpu.memory_space<vmem>>
    %dma_start3A_1156 = tpu.memref_slice %arg2[%add3A_1150] : memref<16777216xf32, #tpu.memory_space<hbm>> -> memref<1024xf32, #tpu.memory_space<hbm>>
    tpu.enqueue_dma source(%dma_start3A_1156 : memref<1024xf32, #tpu.memory_space<hbm>>) target(%dma_start3A_1155 : memref<1024xf32, #tpu.memory_space<vmem>>) target_semaphore(%arg17 : memref<!tpu.dma_semaphore, #tpu.memory_space<semaphore_mem>>)
    %add3A_1157 = arith.constant 12582912 : i32
    %add3A_1158 = arith.addi %add3A_1157, %add3A_964 : i32
    %dma_start3A_1159 = arith.constant 24576 : i32
    %dma_start3A_1160 = tpu.memref_slice %arg14[%dma_start3A_1159] : memref<32768xf32, #tpu.memory_space<vmem>> -> memref<1024xf32, #tpu.memory_space<vmem>>
    %dma_start3A_1161 = tpu.memref_slice %arg2[%add3A_1158] : memref<16777216xf32, #tpu.memory_space<hbm>> -> memref<1024xf32, #tpu.memory_space<hbm>>
    %dma_start3A_1162 = arith.constant 24576 : i32
    %dma_start3A_1163 = tpu.memref_slice %arg14[%dma_start3A_1162] : memref<32768xf32, #tpu.memory_space<vmem>> -> memref<1024xf32, #tpu.memory_space<vmem>>
    %dma_start3A_1164 = tpu.memref_slice %arg2[%add3A_1158] : memref<16777216xf32, #tpu.memory_space<hbm>> -> memref<1024xf32, #tpu.memory_space<hbm>>
    tpu.enqueue_dma source(%dma_start3A_1164 : memref<1024xf32, #tpu.memory_space<hbm>>) target(%dma_start3A_1163 : memref<1024xf32, #tpu.memory_space<vmem>>) target_semaphore(%arg17 : memref<!tpu.dma_semaphore, #tpu.memory_space<semaphore_mem>>)
    %add3A_1165 = arith.constant 13107200 : i32
    %add3A_1166 = arith.addi %add3A_1165, %add3A_964 : i32
    %dma_start3A_1167 = arith.constant 25600 : i32
    %dma_start3A_1168 = tpu.memref_slice %arg14[%dma_start3A_1167] : memref<32768xf32, #tpu.memory_space<vmem>> -> memref<1024xf32, #tpu.memory_space<vmem>>
    %dma_start3A_1169 = tpu.memref_slice %arg2[%add3A_1166] : memref<16777216xf32, #tpu.memory_space<hbm>> -> memref<1024xf32, #tpu.memory_space<hbm>>
    %dma_start3A_1170 = arith.constant 25600 : i32
    %dma_start3A_1171 = tpu.memref_slice %arg14[%dma_start3A_1170] : memref<32768xf32, #tpu.memory_space<vmem>> -> memref<1024xf32, #tpu.memory_space<vmem>>
    %dma_start3A_1172 = tpu.memref_slice %arg2[%add3A_1166] : memref<16777216xf32, #tpu.memory_space<hbm>> -> memref<1024xf32, #tpu.memory_space<hbm>>
    tpu.enqueue_dma source(%dma_start3A_1172 : memref<1024xf32, #tpu.memory_space<hbm>>) target(%dma_start3A_1171 : memref<1024xf32, #tpu.memory_space<vmem>>) target_semaphore(%arg17 : memref<!tpu.dma_semaphore, #tpu.memory_space<semaphore_mem>>)
    %add3A_1173 = arith.constant 13631488 : i32
    %add3A_1174 = arith.addi %add3A_1173, %add3A_964 : i32
    %dma_start3A_1175 = arith.constant 26624 : i32
    %dma_start3A_1176 = tpu.memref_slice %arg14[%dma_start3A_1175] : memref<32768xf32, #tpu.memory_space<vmem>> -> memref<1024xf32, #tpu.memory_space<vmem>>
    %dma_start3A_1177 = tpu.memref_slice %arg2[%add3A_1174] : memref<16777216xf32, #tpu.memory_space<hbm>> -> memref<1024xf32, #tpu.memory_space<hbm>>
    %dma_start3A_1178 = arith.constant 26624 : i32
    %dma_start3A_1179 = tpu.memref_slice %arg14[%dma_start3A_1178] : memref<32768xf32, #tpu.memory_space<vmem>> -> memref<1024xf32, #tpu.memory_space<vmem>>
    %dma_start3A_1180 = tpu.memref_slice %arg2[%add3A_1174] : memref<16777216xf32, #tpu.memory_space<hbm>> -> memref<1024xf32, #tpu.memory_space<hbm>>
    tpu.enqueue_dma source(%dma_start3A_1180 : memref<1024xf32, #tpu.memory_space<hbm>>) target(%dma_start3A_1179 : memref<1024xf32, #tpu.memory_space<vmem>>) target_semaphore(%arg17 : memref<!tpu.dma_semaphore, #tpu.memory_space<semaphore_mem>>)
    %add3A_1181 = arith.constant 14155776 : i32
    %add3A_1182 = arith.addi %add3A_1181, %add3A_964 : i32
    %dma_start3A_1183 = arith.constant 27648 : i32
    %dma_start3A_1184 = tpu.memref_slice %arg14[%dma_start3A_1183] : memref<32768xf32, #tpu.memory_space<vmem>> -> memref<1024xf32, #tpu.memory_space<vmem>>
    %dma_start3A_1185 = tpu.memref_slice %arg2[%add3A_1182] : memref<16777216xf32, #tpu.memory_space<hbm>> -> memref<1024xf32, #tpu.memory_space<hbm>>
    %dma_start3A_1186 = arith.constant 27648 : i32
    %dma_start3A_1187 = tpu.memref_slice %arg14[%dma_start3A_1186] : memref<32768xf32, #tpu.memory_space<vmem>> -> memref<1024xf32, #tpu.memory_space<vmem>>
    %dma_start3A_1188 = tpu.memref_slice %arg2[%add3A_1182] : memref<16777216xf32, #tpu.memory_space<hbm>> -> memref<1024xf32, #tpu.memory_space<hbm>>
    tpu.enqueue_dma source(%dma_start3A_1188 : memref<1024xf32, #tpu.memory_space<hbm>>) target(%dma_start3A_1187 : memref<1024xf32, #tpu.memory_space<vmem>>) target_semaphore(%arg17 : memref<!tpu.dma_semaphore, #tpu.memory_space<semaphore_mem>>)
    %add3A_1189 = arith.constant 14680064 : i32
    %add3A_1190 = arith.addi %add3A_1189, %add3A_964 : i32
    %dma_start3A_1191 = arith.constant 28672 : i32
    %dma_start3A_1192 = tpu.memref_slice %arg14[%dma_start3A_1191] : memref<32768xf32, #tpu.memory_space<vmem>> -> memref<1024xf32, #tpu.memory_space<vmem>>
    %dma_start3A_1193 = tpu.memref_slice %arg2[%add3A_1190] : memref<16777216xf32, #tpu.memory_space<hbm>> -> memref<1024xf32, #tpu.memory_space<hbm>>
    %dma_start3A_1194 = arith.constant 28672 : i32
    %dma_start3A_1195 = tpu.memref_slice %arg14[%dma_start3A_1194] : memref<32768xf32, #tpu.memory_space<vmem>> -> memref<1024xf32, #tpu.memory_space<vmem>>
    %dma_start3A_1196 = tpu.memref_slice %arg2[%add3A_1190] : memref<16777216xf32, #tpu.memory_space<hbm>> -> memref<1024xf32, #tpu.memory_space<hbm>>
    tpu.enqueue_dma source(%dma_start3A_1196 : memref<1024xf32, #tpu.memory_space<hbm>>) target(%dma_start3A_1195 : memref<1024xf32, #tpu.memory_space<vmem>>) target_semaphore(%arg17 : memref<!tpu.dma_semaphore, #tpu.memory_space<semaphore_mem>>)
    %add3A_1197 = arith.constant 15204352 : i32
    %add3A_1198 = arith.addi %add3A_1197, %add3A_964 : i32
    %dma_start3A_1199 = arith.constant 29696 : i32
    %dma_start3A_1200 = tpu.memref_slice %arg14[%dma_start3A_1199] : memref<32768xf32, #tpu.memory_space<vmem>> -> memref<1024xf32, #tpu.memory_space<vmem>>
    %dma_start3A_1201 = tpu.memref_slice %arg2[%add3A_1198] : memref<16777216xf32, #tpu.memory_space<hbm>> -> memref<1024xf32, #tpu.memory_space<hbm>>
    %dma_start3A_1202 = arith.constant 29696 : i32
    %dma_start3A_1203 = tpu.memref_slice %arg14[%dma_start3A_1202] : memref<32768xf32, #tpu.memory_space<vmem>> -> memref<1024xf32, #tpu.memory_space<vmem>>
    %dma_start3A_1204 = tpu.memref_slice %arg2[%add3A_1198] : memref<16777216xf32, #tpu.memory_space<hbm>> -> memref<1024xf32, #tpu.memory_space<hbm>>
    tpu.enqueue_dma source(%dma_start3A_1204 : memref<1024xf32, #tpu.memory_space<hbm>>) target(%dma_start3A_1203 : memref<1024xf32, #tpu.memory_space<vmem>>) target_semaphore(%arg17 : memref<!tpu.dma_semaphore, #tpu.memory_space<semaphore_mem>>)
    %add3A_1205 = arith.constant 15728640 : i32
    %add3A_1206 = arith.addi %add3A_1205, %add3A_964 : i32
    %dma_start3A_1207 = arith.constant 30720 : i32
    %dma_start3A_1208 = tpu.memref_slice %arg14[%dma_start3A_1207] : memref<32768xf32, #tpu.memory_space<vmem>> -> memref<1024xf32, #tpu.memory_space<vmem>>
    %dma_start3A_1209 = tpu.memref_slice %arg2[%add3A_1206] : memref<16777216xf32, #tpu.memory_space<hbm>> -> memref<1024xf32, #tpu.memory_space<hbm>>
    %dma_start3A_1210 = arith.constant 30720 : i32
    %dma_start3A_1211 = tpu.memref_slice %arg14[%dma_start3A_1210] : memref<32768xf32, #tpu.memory_space<vmem>> -> memref<1024xf32, #tpu.memory_space<vmem>>
    %dma_start3A_1212 = tpu.memref_slice %arg2[%add3A_1206] : memref<16777216xf32, #tpu.memory_space<hbm>> -> memref<1024xf32, #tpu.memory_space<hbm>>
    tpu.enqueue_dma source(%dma_start3A_1212 : memref<1024xf32, #tpu.memory_space<hbm>>) target(%dma_start3A_1211 : memref<1024xf32, #tpu.memory_space<vmem>>) target_semaphore(%arg17 : memref<!tpu.dma_semaphore, #tpu.memory_space<semaphore_mem>>)
    %add3A_1213 = arith.constant 16252928 : i32
    %add3A_1214 = arith.addi %add3A_1213, %add3A_964 : i32
    %dma_start3A_1215 = arith.constant 31744 : i32
    %dma_start3A_1216 = tpu.memref_slice %arg14[%dma_start3A_1215] : memref<32768xf32, #tpu.memory_space<vmem>> -> memref<1024xf32, #tpu.memory_space<vmem>>
    %dma_start3A_1217 = tpu.memref_slice %arg2[%add3A_1214] : memref<16777216xf32, #tpu.memory_space<hbm>> -> memref<1024xf32, #tpu.memory_space<hbm>>
    %dma_start3A_1218 = arith.constant 31744 : i32
    %dma_start3A_1219 = tpu.memref_slice %arg14[%dma_start3A_1218] : memref<32768xf32, #tpu.memory_space<vmem>> -> memref<1024xf32, #tpu.memory_space<vmem>>
    %dma_start3A_1220 = tpu.memref_slice %arg2[%add3A_1214] : memref<16777216xf32, #tpu.memory_space<hbm>> -> memref<1024xf32, #tpu.memory_space<hbm>>
    tpu.enqueue_dma source(%dma_start3A_1220 : memref<1024xf32, #tpu.memory_space<hbm>>) target(%dma_start3A_1219 : memref<1024xf32, #tpu.memory_space<vmem>>) target_semaphore(%arg17 : memref<!tpu.dma_semaphore, #tpu.memory_space<semaphore_mem>>)
    %scan3A = arith.constant 0 : i32
    %scan3A_1221 = arith.constant 0 : i32
    %scan3A_1222 = arith.constant 8 : i32
    %scan3A_1223 = arith.addi %scan3A_1221, %scan3A_1222 : i32
    %scan3A_1224 = arith.constant 1 : i32
    scf.for %scan3A_1226 = %scan3A_1221 to %scan3A_1223 step %scan3A_1224  : i32 {
      %mul3A_1227 = arith.constant 2 : i32
      %mul3A_1228 = arith.muli %mul3A_1227, %scan3A_1226 : i32
      %mul3A_1229 = arith.constant 1024 : i32
      %mul3A_1230 = arith.muli %mul3A_1228, %mul3A_1229 : i32
      %add3A_1231 = arith.addi %mul3A_2, %mul3A_1230 : i32
      %mul3A_1232 = arith.constant 1024 : i32
      %mul3A_1233 = arith.muli %mul3A_1228, %mul3A_1232 : i32
      %add3A_1234 = arith.addi %mul3A_2, %mul3A_1233 : i32
      %add3A_1235 = arith.constant 0 : i32
      %add3A_1236 = arith.addi %add3A_1235, %add3A_1234 : i32
      %dma_wait3A = arith.constant 0 : i32
      %dma_wait3A_1237 = tpu.memref_slice %arg13[%dma_wait3A] : memref<32768xf32, #tpu.memory_space<vmem>> -> memref<1024xf32, #tpu.memory_space<vmem>>
      %dma_wait3A_1238 = tpu.memref_slice %arg2[%add3A_1236] : memref<16777216xf32, #tpu.memory_space<hbm>> -> memref<1024xf32, #tpu.memory_space<hbm>>
      %dma_wait3A_1239 = arith.constant 0 : i32
      %dma_wait3A_1240 = tpu.memref_slice %arg13[%dma_wait3A_1239] : memref<32768xf32, #tpu.memory_space<vmem>> -> memref<1024xf32, #tpu.memory_space<vmem>>
      %dma_wait3A_1241 = tpu.memref_slice %arg2[%add3A_1236] : memref<16777216xf32, #tpu.memory_space<hbm>> -> memref<1024xf32, #tpu.memory_space<hbm>>
      tpu.wait_dma2 semaphore(%arg16 : memref<!tpu.dma_semaphore, #tpu.memory_space<semaphore_mem>>) src(%dma_wait3A_1241 : memref<1024xf32, #tpu.memory_space<hbm>>) dst(%dma_wait3A_1240 : memref<1024xf32, #tpu.memory_space<vmem>>)
      %add3A_1242 = arith.constant 524288 : i32
      %add3A_1243 = arith.addi %add3A_1242, %add3A_1234 : i32
      %dma_wait3A_1244 = arith.constant 1024 : i32
      %dma_wait3A_1245 = tpu.memref_slice %arg13[%dma_wait3A_1244] : memref<32768xf32, #tpu.memory_space<vmem>> -> memref<1024xf32, #tpu.memory_space<vmem>>
      %dma_wait3A_1246 = tpu.memref_slice %arg2[%add3A_1243] : memref<16777216xf32, #tpu.memory_space<hbm>> -> memref<1024xf32, #tpu.memory_space<hbm>>
      %dma_wait3A_1247 = arith.constant 1024 : i32
      %dma_wait3A_1248 = tpu.memref_slice %arg13[%dma_wait3A_1247] : memref<32768xf32, #tpu.memory_space<vmem>> -> memref<1024xf32, #tpu.memory_space<vmem>>
      %dma_wait3A_1249 = tpu.memref_slice %arg2[%add3A_1243] : memref<16777216xf32, #tpu.memory_space<hbm>> -> memref<1024xf32, #tpu.memory_space<hbm>>
      tpu.wait_dma2 semaphore(%arg16 : memref<!tpu.dma_semaphore, #tpu.memory_space<semaphore_mem>>) src(%dma_wait3A_1249 : memref<1024xf32, #tpu.memory_space<hbm>>) dst(%dma_wait3A_1248 : memref<1024xf32, #tpu.memory_space<vmem>>)
      %add3A_1250 = arith.constant 1048576 : i32
      %add3A_1251 = arith.addi %add3A_1250, %add3A_1234 : i32
      %dma_wait3A_1252 = arith.constant 2048 : i32
      %dma_wait3A_1253 = tpu.memref_slice %arg13[%dma_wait3A_1252] : memref<32768xf32, #tpu.memory_space<vmem>> -> memref<1024xf32, #tpu.memory_space<vmem>>
      %dma_wait3A_1254 = tpu.memref_slice %arg2[%add3A_1251] : memref<16777216xf32, #tpu.memory_space<hbm>> -> memref<1024xf32, #tpu.memory_space<hbm>>
      %dma_wait3A_1255 = arith.constant 2048 : i32
      %dma_wait3A_1256 = tpu.memref_slice %arg13[%dma_wait3A_1255] : memref<32768xf32, #tpu.memory_space<vmem>> -> memref<1024xf32, #tpu.memory_space<vmem>>
      %dma_wait3A_1257 = tpu.memref_slice %arg2[%add3A_1251] : memref<16777216xf32, #tpu.memory_space<hbm>> -> memref<1024xf32, #tpu.memory_space<hbm>>
      tpu.wait_dma2 semaphore(%arg16 : memref<!tpu.dma_semaphore, #tpu.memory_space<semaphore_mem>>) src(%dma_wait3A_1257 : memref<1024xf32, #tpu.memory_space<hbm>>) dst(%dma_wait3A_1256 : memref<1024xf32, #tpu.memory_space<vmem>>)
      %add3A_1258 = arith.constant 1572864 : i32
      %add3A_1259 = arith.addi %add3A_1258, %add3A_1234 : i32
      %dma_wait3A_1260 = arith.constant 3072 : i32
      %dma_wait3A_1261 = tpu.memref_slice %arg13[%dma_wait3A_1260] : memref<32768xf32, #tpu.memory_space<vmem>> -> memref<1024xf32, #tpu.memory_space<vmem>>
      %dma_wait3A_1262 = tpu.memref_slice %arg2[%add3A_1259] : memref<16777216xf32, #tpu.memory_space<hbm>> -> memref<1024xf32, #tpu.memory_space<hbm>>
      %dma_wait3A_1263 = arith.constant 3072 : i32
      %dma_wait3A_1264 = tpu.memref_slice %arg13[%dma_wait3A_1263] : memref<32768xf32, #tpu.memory_space<vmem>> -> memref<1024xf32, #tpu.memory_space<vmem>>
      %dma_wait3A_1265 = tpu.memref_slice %arg2[%add3A_1259] : memref<16777216xf32, #tpu.memory_space<hbm>> -> memref<1024xf32, #tpu.memory_space<hbm>>
      tpu.wait_dma2 semaphore(%arg16 : memref<!tpu.dma_semaphore, #tpu.memory_space<semaphore_mem>>) src(%dma_wait3A_1265 : memref<1024xf32, #tpu.memory_space<hbm>>) dst(%dma_wait3A_1264 : memref<1024xf32, #tpu.memory_space<vmem>>)
      %add3A_1266 = arith.constant 2097152 : i32
      %add3A_1267 = arith.addi %add3A_1266, %add3A_1234 : i32
      %dma_wait3A_1268 = arith.constant 4096 : i32
      %dma_wait3A_1269 = tpu.memref_slice %arg13[%dma_wait3A_1268] : memref<32768xf32, #tpu.memory_space<vmem>> -> memref<1024xf32, #tpu.memory_space<vmem>>
      %dma_wait3A_1270 = tpu.memref_slice %arg2[%add3A_1267] : memref<16777216xf32, #tpu.memory_space<hbm>> -> memref<1024xf32, #tpu.memory_space<hbm>>
      %dma_wait3A_1271 = arith.constant 4096 : i32
      %dma_wait3A_1272 = tpu.memref_slice %arg13[%dma_wait3A_1271] : memref<32768xf32, #tpu.memory_space<vmem>> -> memref<1024xf32, #tpu.memory_space<vmem>>
      %dma_wait3A_1273 = tpu.memref_slice %arg2[%add3A_1267] : memref<16777216xf32, #tpu.memory_space<hbm>> -> memref<1024xf32, #tpu.memory_space<hbm>>
      tpu.wait_dma2 semaphore(%arg16 : memref<!tpu.dma_semaphore, #tpu.memory_space<semaphore_mem>>) src(%dma_wait3A_1273 : memref<1024xf32, #tpu.memory_space<hbm>>) dst(%dma_wait3A_1272 : memref<1024xf32, #tpu.memory_space<vmem>>)
      %add3A_1274 = arith.constant 2621440 : i32
      %add3A_1275 = arith.addi %add3A_1274, %add3A_1234 : i32
      %dma_wait3A_1276 = arith.constant 5120 : i32
      %dma_wait3A_1277 = tpu.memref_slice %arg13[%dma_wait3A_1276] : memref<32768xf32, #tpu.memory_space<vmem>> -> memref<1024xf32, #tpu.memory_space<vmem>>
      %dma_wait3A_1278 = tpu.memref_slice %arg2[%add3A_1275] : memref<16777216xf32, #tpu.memory_space<hbm>> -> memref<1024xf32, #tpu.memory_space<hbm>>
      %dma_wait3A_1279 = arith.constant 5120 : i32
      %dma_wait3A_1280 = tpu.memref_slice %arg13[%dma_wait3A_1279] : memref<32768xf32, #tpu.memory_space<vmem>> -> memref<1024xf32, #tpu.memory_space<vmem>>
      %dma_wait3A_1281 = tpu.memref_slice %arg2[%add3A_1275] : memref<16777216xf32, #tpu.memory_space<hbm>> -> memref<1024xf32, #tpu.memory_space<hbm>>
      tpu.wait_dma2 semaphore(%arg16 : memref<!tpu.dma_semaphore, #tpu.memory_space<semaphore_mem>>) src(%dma_wait3A_1281 : memref<1024xf32, #tpu.memory_space<hbm>>) dst(%dma_wait3A_1280 : memref<1024xf32, #tpu.memory_space<vmem>>)
      %add3A_1282 = arith.constant 3145728 : i32
      %add3A_1283 = arith.addi %add3A_1282, %add3A_1234 : i32
      %dma_wait3A_1284 = arith.constant 6144 : i32
      %dma_wait3A_1285 = tpu.memref_slice %arg13[%dma_wait3A_1284] : memref<32768xf32, #tpu.memory_space<vmem>> -> memref<1024xf32, #tpu.memory_space<vmem>>
      %dma_wait3A_1286 = tpu.memref_slice %arg2[%add3A_1283] : memref<16777216xf32, #tpu.memory_space<hbm>> -> memref<1024xf32, #tpu.memory_space<hbm>>
      %dma_wait3A_1287 = arith.constant 6144 : i32
      %dma_wait3A_1288 = tpu.memref_slice %arg13[%dma_wait3A_1287] : memref<32768xf32, #tpu.memory_space<vmem>> -> memref<1024xf32, #tpu.memory_space<vmem>>
      %dma_wait3A_1289 = tpu.memref_slice %arg2[%add3A_1283] : memref<16777216xf32, #tpu.memory_space<hbm>> -> memref<1024xf32, #tpu.memory_space<hbm>>
      tpu.wait_dma2 semaphore(%arg16 : memref<!tpu.dma_semaphore, #tpu.memory_space<semaphore_mem>>) src(%dma_wait3A_1289 : memref<1024xf32, #tpu.memory_space<hbm>>) dst(%dma_wait3A_1288 : memref<1024xf32, #tpu.memory_space<vmem>>)
      %add3A_1290 = arith.constant 3670016 : i32
      %add3A_1291 = arith.addi %add3A_1290, %add3A_1234 : i32
      %dma_wait3A_1292 = arith.constant 7168 : i32
      %dma_wait3A_1293 = tpu.memref_slice %arg13[%dma_wait3A_1292] : memref<32768xf32, #tpu.memory_space<vmem>> -> memref<1024xf32, #tpu.memory_space<vmem>>
      %dma_wait3A_1294 = tpu.memref_slice %arg2[%add3A_1291] : memref<16777216xf32, #tpu.memory_space<hbm>> -> memref<1024xf32, #tpu.memory_space<hbm>>
      %dma_wait3A_1295 = arith.constant 7168 : i32
      %dma_wait3A_1296 = tpu.memref_slice %arg13[%dma_wait3A_1295] : memref<32768xf32, #tpu.memory_space<vmem>> -> memref<1024xf32, #tpu.memory_space<vmem>>
      %dma_wait3A_1297 = tpu.memref_slice %arg2[%add3A_1291] : memref<16777216xf32, #tpu.memory_space<hbm>> -> memref<1024xf32, #tpu.memory_space<hbm>>
      tpu.wait_dma2 semaphore(%arg16 : memref<!tpu.dma_semaphore, #tpu.memory_space<semaphore_mem>>) src(%dma_wait3A_1297 : memref<1024xf32, #tpu.memory_space<hbm>>) dst(%dma_wait3A_1296 : memref<1024xf32, #tpu.memory_space<vmem>>)
      %add3A_1298 = arith.constant 4194304 : i32
      %add3A_1299 = arith.addi %add3A_1298, %add3A_1234 : i32
      %dma_wait3A_1300 = arith.constant 8192 : i32
      %dma_wait3A_1301 = tpu.memref_slice %arg13[%dma_wait3A_1300] : memref<32768xf32, #tpu.memory_space<vmem>> -> memref<1024xf32, #tpu.memory_space<vmem>>
      %dma_wait3A_1302 = tpu.memref_slice %arg2[%add3A_1299] : memref<16777216xf32, #tpu.memory_space<hbm>> -> memref<1024xf32, #tpu.memory_space<hbm>>
      %dma_wait3A_1303 = arith.constant 8192 : i32
      %dma_wait3A_1304 = tpu.memref_slice %arg13[%dma_wait3A_1303] : memref<32768xf32, #tpu.memory_space<vmem>> -> memref<1024xf32, #tpu.memory_space<vmem>>
      %dma_wait3A_1305 = tpu.memref_slice %arg2[%add3A_1299] : memref<16777216xf32, #tpu.memory_space<hbm>> -> memref<1024xf32, #tpu.memory_space<hbm>>
      tpu.wait_dma2 semaphore(%arg16 : memref<!tpu.dma_semaphore, #tpu.memory_space<semaphore_mem>>) src(%dma_wait3A_1305 : memref<1024xf32, #tpu.memory_space<hbm>>) dst(%dma_wait3A_1304 : memref<1024xf32, #tpu.memory_space<vmem>>)
      %add3A_1306 = arith.constant 4718592 : i32
      %add3A_1307 = arith.addi %add3A_1306, %add3A_1234 : i32
      %dma_wait3A_1308 = arith.constant 9216 : i32
      %dma_wait3A_1309 = tpu.memref_slice %arg13[%dma_wait3A_1308] : memref<32768xf32, #tpu.memory_space<vmem>> -> memref<1024xf32, #tpu.memory_space<vmem>>
      %dma_wait3A_1310 = tpu.memref_slice %arg2[%add3A_1307] : memref<16777216xf32, #tpu.memory_space<hbm>> -> memref<1024xf32, #tpu.memory_space<hbm>>
      %dma_wait3A_1311 = arith.constant 9216 : i32
      %dma_wait3A_1312 = tpu.memref_slice %arg13[%dma_wait3A_1311] : memref<32768xf32, #tpu.memory_space<vmem>> -> memref<1024xf32, #tpu.memory_space<vmem>>
      %dma_wait3A_1313 = tpu.memref_slice %arg2[%add3A_1307] : memref<16777216xf32, #tpu.memory_space<hbm>> -> memref<1024xf32, #tpu.memory_space<hbm>>
      tpu.wait_dma2 semaphore(%arg16 : memref<!tpu.dma_semaphore, #tpu.memory_space<semaphore_mem>>) src(%dma_wait3A_1313 : memref<1024xf32, #tpu.memory_space<hbm>>) dst(%dma_wait3A_1312 : memref<1024xf32, #tpu.memory_space<vmem>>)
      %add3A_1314 = arith.constant 5242880 : i32
      %add3A_1315 = arith.addi %add3A_1314, %add3A_1234 : i32
      %dma_wait3A_1316 = arith.constant 10240 : i32
      %dma_wait3A_1317 = tpu.memref_slice %arg13[%dma_wait3A_1316] : memref<32768xf32, #tpu.memory_space<vmem>> -> memref<1024xf32, #tpu.memory_space<vmem>>
      %dma_wait3A_1318 = tpu.memref_slice %arg2[%add3A_1315] : memref<16777216xf32, #tpu.memory_space<hbm>> -> memref<1024xf32, #tpu.memory_space<hbm>>
      %dma_wait3A_1319 = arith.constant 10240 : i32
      %dma_wait3A_1320 = tpu.memref_slice %arg13[%dma_wait3A_1319] : memref<32768xf32, #tpu.memory_space<vmem>> -> memref<1024xf32, #tpu.memory_space<vmem>>
      %dma_wait3A_1321 = tpu.memref_slice %arg2[%add3A_1315] : memref<16777216xf32, #tpu.memory_space<hbm>> -> memref<1024xf32, #tpu.memory_space<hbm>>
      tpu.wait_dma2 semaphore(%arg16 : memref<!tpu.dma_semaphore, #tpu.memory_space<semaphore_mem>>) src(%dma_wait3A_1321 : memref<1024xf32, #tpu.memory_space<hbm>>) dst(%dma_wait3A_1320 : memref<1024xf32, #tpu.memory_space<vmem>>)
      %add3A_1322 = arith.constant 5767168 : i32
      %add3A_1323 = arith.addi %add3A_1322, %add3A_1234 : i32
      %dma_wait3A_1324 = arith.constant 11264 : i32
      %dma_wait3A_1325 = tpu.memref_slice %arg13[%dma_wait3A_1324] : memref<32768xf32, #tpu.memory_space<vmem>> -> memref<1024xf32, #tpu.memory_space<vmem>>
      %dma_wait3A_1326 = tpu.memref_slice %arg2[%add3A_1323] : memref<16777216xf32, #tpu.memory_space<hbm>> -> memref<1024xf32, #tpu.memory_space<hbm>>
      %dma_wait3A_1327 = arith.constant 11264 : i32
      %dma_wait3A_1328 = tpu.memref_slice %arg13[%dma_wait3A_1327] : memref<32768xf32, #tpu.memory_space<vmem>> -> memref<1024xf32, #tpu.memory_space<vmem>>
      %dma_wait3A_1329 = tpu.memref_slice %arg2[%add3A_1323] : memref<16777216xf32, #tpu.memory_space<hbm>> -> memref<1024xf32, #tpu.memory_space<hbm>>
      tpu.wait_dma2 semaphore(%arg16 : memref<!tpu.dma_semaphore, #tpu.memory_space<semaphore_mem>>) src(%dma_wait3A_1329 : memref<1024xf32, #tpu.memory_space<hbm>>) dst(%dma_wait3A_1328 : memref<1024xf32, #tpu.memory_space<vmem>>)
      %add3A_1330 = arith.constant 6291456 : i32
      %add3A_1331 = arith.addi %add3A_1330, %add3A_1234 : i32
      %dma_wait3A_1332 = arith.constant 12288 : i32
      %dma_wait3A_1333 = tpu.memref_slice %arg13[%dma_wait3A_1332] : memref<32768xf32, #tpu.memory_space<vmem>> -> memref<1024xf32, #tpu.memory_space<vmem>>
      %dma_wait3A_1334 = tpu.memref_slice %arg2[%add3A_1331] : memref<16777216xf32, #tpu.memory_space<hbm>> -> memref<1024xf32, #tpu.memory_space<hbm>>
      %dma_wait3A_1335 = arith.constant 12288 : i32
      %dma_wait3A_1336 = tpu.memref_slice %arg13[%dma_wait3A_1335] : memref<32768xf32, #tpu.memory_space<vmem>> -> memref<1024xf32, #tpu.memory_space<vmem>>
      %dma_wait3A_1337 = tpu.memref_slice %arg2[%add3A_1331] : memref<16777216xf32, #tpu.memory_space<hbm>> -> memref<1024xf32, #tpu.memory_space<hbm>>
      tpu.wait_dma2 semaphore(%arg16 : memref<!tpu.dma_semaphore, #tpu.memory_space<semaphore_mem>>) src(%dma_wait3A_1337 : memref<1024xf32, #tpu.memory_space<hbm>>) dst(%dma_wait3A_1336 : memref<1024xf32, #tpu.memory_space<vmem>>)
      %add3A_1338 = arith.constant 6815744 : i32
      %add3A_1339 = arith.addi %add3A_1338, %add3A_1234 : i32
      %dma_wait3A_1340 = arith.constant 13312 : i32
      %dma_wait3A_1341 = tpu.memref_slice %arg13[%dma_wait3A_1340] : memref<32768xf32, #tpu.memory_space<vmem>> -> memref<1024xf32, #tpu.memory_space<vmem>>
      %dma_wait3A_1342 = tpu.memref_slice %arg2[%add3A_1339] : memref<16777216xf32, #tpu.memory_space<hbm>> -> memref<1024xf32, #tpu.memory_space<hbm>>
      %dma_wait3A_1343 = arith.constant 13312 : i32
      %dma_wait3A_1344 = tpu.memref_slice %arg13[%dma_wait3A_1343] : memref<32768xf32, #tpu.memory_space<vmem>> -> memref<1024xf32, #tpu.memory_space<vmem>>
      %dma_wait3A_1345 = tpu.memref_slice %arg2[%add3A_1339] : memref<16777216xf32, #tpu.memory_space<hbm>> -> memref<1024xf32, #tpu.memory_space<hbm>>
      tpu.wait_dma2 semaphore(%arg16 : memref<!tpu.dma_semaphore, #tpu.memory_space<semaphore_mem>>) src(%dma_wait3A_1345 : memref<1024xf32, #tpu.memory_space<hbm>>) dst(%dma_wait3A_1344 : memref<1024xf32, #tpu.memory_space<vmem>>)
      %add3A_1346 = arith.constant 7340032 : i32
      %add3A_1347 = arith.addi %add3A_1346, %add3A_1234 : i32
      %dma_wait3A_1348 = arith.constant 14336 : i32
      %dma_wait3A_1349 = tpu.memref_slice %arg13[%dma_wait3A_1348] : memref<32768xf32, #tpu.memory_space<vmem>> -> memref<1024xf32, #tpu.memory_space<vmem>>
      %dma_wait3A_1350 = tpu.memref_slice %arg2[%add3A_1347] : memref<16777216xf32, #tpu.memory_space<hbm>> -> memref<1024xf32, #tpu.memory_space<hbm>>
      %dma_wait3A_1351 = arith.constant 14336 : i32
      %dma_wait3A_1352 = tpu.memref_slice %arg13[%dma_wait3A_1351] : memref<32768xf32, #tpu.memory_space<vmem>> -> memref<1024xf32, #tpu.memory_space<vmem>>
      %dma_wait3A_1353 = tpu.memref_slice %arg2[%add3A_1347] : memref<16777216xf32, #tpu.memory_space<hbm>> -> memref<1024xf32, #tpu.memory_space<hbm>>
      tpu.wait_dma2 semaphore(%arg16 : memref<!tpu.dma_semaphore, #tpu.memory_space<semaphore_mem>>) src(%dma_wait3A_1353 : memref<1024xf32, #tpu.memory_space<hbm>>) dst(%dma_wait3A_1352 : memref<1024xf32, #tpu.memory_space<vmem>>)
      %add3A_1354 = arith.constant 7864320 : i32
      %add3A_1355 = arith.addi %add3A_1354, %add3A_1234 : i32
      %dma_wait3A_1356 = arith.constant 15360 : i32
      %dma_wait3A_1357 = tpu.memref_slice %arg13[%dma_wait3A_1356] : memref<32768xf32, #tpu.memory_space<vmem>> -> memref<1024xf32, #tpu.memory_space<vmem>>
      %dma_wait3A_1358 = tpu.memref_slice %arg2[%add3A_1355] : memref<16777216xf32, #tpu.memory_space<hbm>> -> memref<1024xf32, #tpu.memory_space<hbm>>
      %dma_wait3A_1359 = arith.constant 15360 : i32
      %dma_wait3A_1360 = tpu.memref_slice %arg13[%dma_wait3A_1359] : memref<32768xf32, #tpu.memory_space<vmem>> -> memref<1024xf32, #tpu.memory_space<vmem>>
      %dma_wait3A_1361 = tpu.memref_slice %arg2[%add3A_1355] : memref<16777216xf32, #tpu.memory_space<hbm>> -> memref<1024xf32, #tpu.memory_space<hbm>>
      tpu.wait_dma2 semaphore(%arg16 : memref<!tpu.dma_semaphore, #tpu.memory_space<semaphore_mem>>) src(%dma_wait3A_1361 : memref<1024xf32, #tpu.memory_space<hbm>>) dst(%dma_wait3A_1360 : memref<1024xf32, #tpu.memory_space<vmem>>)
      %add3A_1362 = arith.constant 8388608 : i32
      %add3A_1363 = arith.addi %add3A_1362, %add3A_1234 : i32
      %dma_wait3A_1364 = arith.constant 16384 : i32
      %dma_wait3A_1365 = tpu.memref_slice %arg13[%dma_wait3A_1364] : memref<32768xf32, #tpu.memory_space<vmem>> -> memref<1024xf32, #tpu.memory_space<vmem>>
      %dma_wait3A_1366 = tpu.memref_slice %arg2[%add3A_1363] : memref<16777216xf32, #tpu.memory_space<hbm>> -> memref<1024xf32, #tpu.memory_space<hbm>>
      %dma_wait3A_1367 = arith.constant 16384 : i32
      %dma_wait3A_1368 = tpu.memref_slice %arg13[%dma_wait3A_1367] : memref<32768xf32, #tpu.memory_space<vmem>> -> memref<1024xf32, #tpu.memory_space<vmem>>
      %dma_wait3A_1369 = tpu.memref_slice %arg2[%add3A_1363] : memref<16777216xf32, #tpu.memory_space<hbm>> -> memref<1024xf32, #tpu.memory_space<hbm>>
      tpu.wait_dma2 semaphore(%arg16 : memref<!tpu.dma_semaphore, #tpu.memory_space<semaphore_mem>>) src(%dma_wait3A_1369 : memref<1024xf32, #tpu.memory_space<hbm>>) dst(%dma_wait3A_1368 : memref<1024xf32, #tpu.memory_space<vmem>>)
      %add3A_1370 = arith.constant 8912896 : i32
      %add3A_1371 = arith.addi %add3A_1370, %add3A_1234 : i32
      %dma_wait3A_1372 = arith.constant 17408 : i32
      %dma_wait3A_1373 = tpu.memref_slice %arg13[%dma_wait3A_1372] : memref<32768xf32, #tpu.memory_space<vmem>> -> memref<1024xf32, #tpu.memory_space<vmem>>
      %dma_wait3A_1374 = tpu.memref_slice %arg2[%add3A_1371] : memref<16777216xf32, #tpu.memory_space<hbm>> -> memref<1024xf32, #tpu.memory_space<hbm>>
      %dma_wait3A_1375 = arith.constant 17408 : i32
      %dma_wait3A_1376 = tpu.memref_slice %arg13[%dma_wait3A_1375] : memref<32768xf32, #tpu.memory_space<vmem>> -> memref<1024xf32, #tpu.memory_space<vmem>>
      %dma_wait3A_1377 = tpu.memref_slice %arg2[%add3A_1371] : memref<16777216xf32, #tpu.memory_space<hbm>> -> memref<1024xf32, #tpu.memory_space<hbm>>
      tpu.wait_dma2 semaphore(%arg16 : memref<!tpu.dma_semaphore, #tpu.memory_space<semaphore_mem>>) src(%dma_wait3A_1377 : memref<1024xf32, #tpu.memory_space<hbm>>) dst(%dma_wait3A_1376 : memref<1024xf32, #tpu.memory_space<vmem>>)
      %add3A_1378 = arith.constant 9437184 : i32
      %add3A_1379 = arith.addi %add3A_1378, %add3A_1234 : i32
      %dma_wait3A_1380 = arith.constant 18432 : i32
      %dma_wait3A_1381 = tpu.memref_slice %arg13[%dma_wait3A_1380] : memref<32768xf32, #tpu.memory_space<vmem>> -> memref<1024xf32, #tpu.memory_space<vmem>>
      %dma_wait3A_1382 = tpu.memref_slice %arg2[%add3A_1379] : memref<16777216xf32, #tpu.memory_space<hbm>> -> memref<1024xf32, #tpu.memory_space<hbm>>
      %dma_wait3A_1383 = arith.constant 18432 : i32
      %dma_wait3A_1384 = tpu.memref_slice %arg13[%dma_wait3A_1383] : memref<32768xf32, #tpu.memory_space<vmem>> -> memref<1024xf32, #tpu.memory_space<vmem>>
      %dma_wait3A_1385 = tpu.memref_slice %arg2[%add3A_1379] : memref<16777216xf32, #tpu.memory_space<hbm>> -> memref<1024xf32, #tpu.memory_space<hbm>>
      tpu.wait_dma2 semaphore(%arg16 : memref<!tpu.dma_semaphore, #tpu.memory_space<semaphore_mem>>) src(%dma_wait3A_1385 : memref<1024xf32, #tpu.memory_space<hbm>>) dst(%dma_wait3A_1384 : memref<1024xf32, #tpu.memory_space<vmem>>)
      %add3A_1386 = arith.constant 9961472 : i32
      %add3A_1387 = arith.addi %add3A_1386, %add3A_1234 : i32
      %dma_wait3A_1388 = arith.constant 19456 : i32
      %dma_wait3A_1389 = tpu.memref_slice %arg13[%dma_wait3A_1388] : memref<32768xf32, #tpu.memory_space<vmem>> -> memref<1024xf32, #tpu.memory_space<vmem>>
      %dma_wait3A_1390 = tpu.memref_slice %arg2[%add3A_1387] : memref<16777216xf32, #tpu.memory_space<hbm>> -> memref<1024xf32, #tpu.memory_space<hbm>>
      %dma_wait3A_1391 = arith.constant 19456 : i32
      %dma_wait3A_1392 = tpu.memref_slice %arg13[%dma_wait3A_1391] : memref<32768xf32, #tpu.memory_space<vmem>> -> memref<1024xf32, #tpu.memory_space<vmem>>
      %dma_wait3A_1393 = tpu.memref_slice %arg2[%add3A_1387] : memref<16777216xf32, #tpu.memory_space<hbm>> -> memref<1024xf32, #tpu.memory_space<hbm>>
      tpu.wait_dma2 semaphore(%arg16 : memref<!tpu.dma_semaphore, #tpu.memory_space<semaphore_mem>>) src(%dma_wait3A_1393 : memref<1024xf32, #tpu.memory_space<hbm>>) dst(%dma_wait3A_1392 : memref<1024xf32, #tpu.memory_space<vmem>>)
      %add3A_1394 = arith.constant 10485760 : i32
      %add3A_1395 = arith.addi %add3A_1394, %add3A_1234 : i32
      %dma_wait3A_1396 = arith.constant 20480 : i32
      %dma_wait3A_1397 = tpu.memref_slice %arg13[%dma_wait3A_1396] : memref<32768xf32, #tpu.memory_space<vmem>> -> memref<1024xf32, #tpu.memory_space<vmem>>
      %dma_wait3A_1398 = tpu.memref_slice %arg2[%add3A_1395] : memref<16777216xf32, #tpu.memory_space<hbm>> -> memref<1024xf32, #tpu.memory_space<hbm>>
      %dma_wait3A_1399 = arith.constant 20480 : i32
      %dma_wait3A_1400 = tpu.memref_slice %arg13[%dma_wait3A_1399] : memref<32768xf32, #tpu.memory_space<vmem>> -> memref<1024xf32, #tpu.memory_space<vmem>>
      %dma_wait3A_1401 = tpu.memref_slice %arg2[%add3A_1395] : memref<16777216xf32, #tpu.memory_space<hbm>> -> memref<1024xf32, #tpu.memory_space<hbm>>
      tpu.wait_dma2 semaphore(%arg16 : memref<!tpu.dma_semaphore, #tpu.memory_space<semaphore_mem>>) src(%dma_wait3A_1401 : memref<1024xf32, #tpu.memory_space<hbm>>) dst(%dma_wait3A_1400 : memref<1024xf32, #tpu.memory_space<vmem>>)
      %add3A_1402 = arith.constant 11010048 : i32
      %add3A_1403 = arith.addi %add3A_1402, %add3A_1234 : i32
      %dma_wait3A_1404 = arith.constant 21504 : i32
      %dma_wait3A_1405 = tpu.memref_slice %arg13[%dma_wait3A_1404] : memref<32768xf32, #tpu.memory_space<vmem>> -> memref<1024xf32, #tpu.memory_space<vmem>>
      %dma_wait3A_1406 = tpu.memref_slice %arg2[%add3A_1403] : memref<16777216xf32, #tpu.memory_space<hbm>> -> memref<1024xf32, #tpu.memory_space<hbm>>
      %dma_wait3A_1407 = arith.constant 21504 : i32
      %dma_wait3A_1408 = tpu.memref_slice %arg13[%dma_wait3A_1407] : memref<32768xf32, #tpu.memory_space<vmem>> -> memref<1024xf32, #tpu.memory_space<vmem>>
      %dma_wait3A_1409 = tpu.memref_slice %arg2[%add3A_1403] : memref<16777216xf32, #tpu.memory_space<hbm>> -> memref<1024xf32, #tpu.memory_space<hbm>>
      tpu.wait_dma2 semaphore(%arg16 : memref<!tpu.dma_semaphore, #tpu.memory_space<semaphore_mem>>) src(%dma_wait3A_1409 : memref<1024xf32, #tpu.memory_space<hbm>>) dst(%dma_wait3A_1408 : memref<1024xf32, #tpu.memory_space<vmem>>)
      %add3A_1410 = arith.constant 11534336 : i32
      %add3A_1411 = arith.addi %add3A_1410, %add3A_1234 : i32
      %dma_wait3A_1412 = arith.constant 22528 : i32
      %dma_wait3A_1413 = tpu.memref_slice %arg13[%dma_wait3A_1412] : memref<32768xf32, #tpu.memory_space<vmem>> -> memref<1024xf32, #tpu.memory_space<vmem>>
      %dma_wait3A_1414 = tpu.memref_slice %arg2[%add3A_1411] : memref<16777216xf32, #tpu.memory_space<hbm>> -> memref<1024xf32, #tpu.memory_space<hbm>>
      %dma_wait3A_1415 = arith.constant 22528 : i32
      %dma_wait3A_1416 = tpu.memref_slice %arg13[%dma_wait3A_1415] : memref<32768xf32, #tpu.memory_space<vmem>> -> memref<1024xf32, #tpu.memory_space<vmem>>
      %dma_wait3A_1417 = tpu.memref_slice %arg2[%add3A_1411] : memref<16777216xf32, #tpu.memory_space<hbm>> -> memref<1024xf32, #tpu.memory_space<hbm>>
      tpu.wait_dma2 semaphore(%arg16 : memref<!tpu.dma_semaphore, #tpu.memory_space<semaphore_mem>>) src(%dma_wait3A_1417 : memref<1024xf32, #tpu.memory_space<hbm>>) dst(%dma_wait3A_1416 : memref<1024xf32, #tpu.memory_space<vmem>>)
      %add3A_1418 = arith.constant 12058624 : i32
      %add3A_1419 = arith.addi %add3A_1418, %add3A_1234 : i32
      %dma_wait3A_1420 = arith.constant 23552 : i32
      %dma_wait3A_1421 = tpu.memref_slice %arg13[%dma_wait3A_1420] : memref<32768xf32, #tpu.memory_space<vmem>> -> memref<1024xf32, #tpu.memory_space<vmem>>
      %dma_wait3A_1422 = tpu.memref_slice %arg2[%add3A_1419] : memref<16777216xf32, #tpu.memory_space<hbm>> -> memref<1024xf32, #tpu.memory_space<hbm>>
      %dma_wait3A_1423 = arith.constant 23552 : i32
      %dma_wait3A_1424 = tpu.memref_slice %arg13[%dma_wait3A_1423] : memref<32768xf32, #tpu.memory_space<vmem>> -> memref<1024xf32, #tpu.memory_space<vmem>>
      %dma_wait3A_1425 = tpu.memref_slice %arg2[%add3A_1419] : memref<16777216xf32, #tpu.memory_space<hbm>> -> memref<1024xf32, #tpu.memory_space<hbm>>
      tpu.wait_dma2 semaphore(%arg16 : memref<!tpu.dma_semaphore, #tpu.memory_space<semaphore_mem>>) src(%dma_wait3A_1425 : memref<1024xf32, #tpu.memory_space<hbm>>) dst(%dma_wait3A_1424 : memref<1024xf32, #tpu.memory_space<vmem>>)
      %add3A_1426 = arith.constant 12582912 : i32
      %add3A_1427 = arith.addi %add3A_1426, %add3A_1234 : i32
      %dma_wait3A_1428 = arith.constant 24576 : i32
      %dma_wait3A_1429 = tpu.memref_slice %arg13[%dma_wait3A_1428] : memref<32768xf32, #tpu.memory_space<vmem>> -> memref<1024xf32, #tpu.memory_space<vmem>>
      %dma_wait3A_1430 = tpu.memref_slice %arg2[%add3A_1427] : memref<16777216xf32, #tpu.memory_space<hbm>> -> memref<1024xf32, #tpu.memory_space<hbm>>
      %dma_wait3A_1431 = arith.constant 24576 : i32
      %dma_wait3A_1432 = tpu.memref_slice %arg13[%dma_wait3A_1431] : memref<32768xf32, #tpu.memory_space<vmem>> -> memref<1024xf32, #tpu.memory_space<vmem>>
      %dma_wait3A_1433 = tpu.memref_slice %arg2[%add3A_1427] : memref<16777216xf32, #tpu.memory_space<hbm>> -> memref<1024xf32, #tpu.memory_space<hbm>>
      tpu.wait_dma2 semaphore(%arg16 : memref<!tpu.dma_semaphore, #tpu.memory_space<semaphore_mem>>) src(%dma_wait3A_1433 : memref<1024xf32, #tpu.memory_space<hbm>>) dst(%dma_wait3A_1432 : memref<1024xf32, #tpu.memory_space<vmem>>)
      %add3A_1434 = arith.constant 13107200 : i32
      %add3A_1435 = arith.addi %add3A_1434, %add3A_1234 : i32
      %dma_wait3A_1436 = arith.constant 25600 : i32
      %dma_wait3A_1437 = tpu.memref_slice %arg13[%dma_wait3A_1436] : memref<32768xf32, #tpu.memory_space<vmem>> -> memref<1024xf32, #tpu.memory_space<vmem>>
      %dma_wait3A_1438 = tpu.memref_slice %arg2[%add3A_1435] : memref<16777216xf32, #tpu.memory_space<hbm>> -> memref<1024xf32, #tpu.memory_space<hbm>>
      %dma_wait3A_1439 = arith.constant 25600 : i32
      %dma_wait3A_1440 = tpu.memref_slice %arg13[%dma_wait3A_1439] : memref<32768xf32, #tpu.memory_space<vmem>> -> memref<1024xf32, #tpu.memory_space<vmem>>
      %dma_wait3A_1441 = tpu.memref_slice %arg2[%add3A_1435] : memref<16777216xf32, #tpu.memory_space<hbm>> -> memref<1024xf32, #tpu.memory_space<hbm>>
      tpu.wait_dma2 semaphore(%arg16 : memref<!tpu.dma_semaphore, #tpu.memory_space<semaphore_mem>>) src(%dma_wait3A_1441 : memref<1024xf32, #tpu.memory_space<hbm>>) dst(%dma_wait3A_1440 : memref<1024xf32, #tpu.memory_space<vmem>>)
      %add3A_1442 = arith.constant 13631488 : i32
      %add3A_1443 = arith.addi %add3A_1442, %add3A_1234 : i32
      %dma_wait3A_1444 = arith.constant 26624 : i32
      %dma_wait3A_1445 = tpu.memref_slice %arg13[%dma_wait3A_1444] : memref<32768xf32, #tpu.memory_space<vmem>> -> memref<1024xf32, #tpu.memory_space<vmem>>
      %dma_wait3A_1446 = tpu.memref_slice %arg2[%add3A_1443] : memref<16777216xf32, #tpu.memory_space<hbm>> -> memref<1024xf32, #tpu.memory_space<hbm>>
      %dma_wait3A_1447 = arith.constant 26624 : i32
      %dma_wait3A_1448 = tpu.memref_slice %arg13[%dma_wait3A_1447] : memref<32768xf32, #tpu.memory_space<vmem>> -> memref<1024xf32, #tpu.memory_space<vmem>>
      %dma_wait3A_1449 = tpu.memref_slice %arg2[%add3A_1443] : memref<16777216xf32, #tpu.memory_space<hbm>> -> memref<1024xf32, #tpu.memory_space<hbm>>
      tpu.wait_dma2 semaphore(%arg16 : memref<!tpu.dma_semaphore, #tpu.memory_space<semaphore_mem>>) src(%dma_wait3A_1449 : memref<1024xf32, #tpu.memory_space<hbm>>) dst(%dma_wait3A_1448 : memref<1024xf32, #tpu.memory_space<vmem>>)
      %add3A_1450 = arith.constant 14155776 : i32
      %add3A_1451 = arith.addi %add3A_1450, %add3A_1234 : i32
      %dma_wait3A_1452 = arith.constant 27648 : i32
      %dma_wait3A_1453 = tpu.memref_slice %arg13[%dma_wait3A_1452] : memref<32768xf32, #tpu.memory_space<vmem>> -> memref<1024xf32, #tpu.memory_space<vmem>>
      %dma_wait3A_1454 = tpu.memref_slice %arg2[%add3A_1451] : memref<16777216xf32, #tpu.memory_space<hbm>> -> memref<1024xf32, #tpu.memory_space<hbm>>
      %dma_wait3A_1455 = arith.constant 27648 : i32
      %dma_wait3A_1456 = tpu.memref_slice %arg13[%dma_wait3A_1455] : memref<32768xf32, #tpu.memory_space<vmem>> -> memref<1024xf32, #tpu.memory_space<vmem>>
      %dma_wait3A_1457 = tpu.memref_slice %arg2[%add3A_1451] : memref<16777216xf32, #tpu.memory_space<hbm>> -> memref<1024xf32, #tpu.memory_space<hbm>>
      tpu.wait_dma2 semaphore(%arg16 : memref<!tpu.dma_semaphore, #tpu.memory_space<semaphore_mem>>) src(%dma_wait3A_1457 : memref<1024xf32, #tpu.memory_space<hbm>>) dst(%dma_wait3A_1456 : memref<1024xf32, #tpu.memory_space<vmem>>)
      %add3A_1458 = arith.constant 14680064 : i32
      %add3A_1459 = arith.addi %add3A_1458, %add3A_1234 : i32
      %dma_wait3A_1460 = arith.constant 28672 : i32
      %dma_wait3A_1461 = tpu.memref_slice %arg13[%dma_wait3A_1460] : memref<32768xf32, #tpu.memory_space<vmem>> -> memref<1024xf32, #tpu.memory_space<vmem>>
      %dma_wait3A_1462 = tpu.memref_slice %arg2[%add3A_1459] : memref<16777216xf32, #tpu.memory_space<hbm>> -> memref<1024xf32, #tpu.memory_space<hbm>>
      %dma_wait3A_1463 = arith.constant 28672 : i32
      %dma_wait3A_1464 = tpu.memref_slice %arg13[%dma_wait3A_1463] : memref<32768xf32, #tpu.memory_space<vmem>> -> memref<1024xf32, #tpu.memory_space<vmem>>
      %dma_wait3A_1465 = tpu.memref_slice %arg2[%add3A_1459] : memref<16777216xf32, #tpu.memory_space<hbm>> -> memref<1024xf32, #tpu.memory_space<hbm>>
      tpu.wait_dma2 semaphore(%arg16 : memref<!tpu.dma_semaphore, #tpu.memory_space<semaphore_mem>>) src(%dma_wait3A_1465 : memref<1024xf32, #tpu.memory_space<hbm>>) dst(%dma_wait3A_1464 : memref<1024xf32, #tpu.memory_space<vmem>>)
      %add3A_1466 = arith.constant 15204352 : i32
      %add3A_1467 = arith.addi %add3A_1466, %add3A_1234 : i32
      %dma_wait3A_1468 = arith.constant 29696 : i32
      %dma_wait3A_1469 = tpu.memref_slice %arg13[%dma_wait3A_1468] : memref<32768xf32, #tpu.memory_space<vmem>> -> memref<1024xf32, #tpu.memory_space<vmem>>
      %dma_wait3A_1470 = tpu.memref_slice %arg2[%add3A_1467] : memref<16777216xf32, #tpu.memory_space<hbm>> -> memref<1024xf32, #tpu.memory_space<hbm>>
      %dma_wait3A_1471 = arith.constant 29696 : i32
      %dma_wait3A_1472 = tpu.memref_slice %arg13[%dma_wait3A_1471] : memref<32768xf32, #tpu.memory_space<vmem>> -> memref<1024xf32, #tpu.memory_space<vmem>>
      %dma_wait3A_1473 = tpu.memref_slice %arg2[%add3A_1467] : memref<16777216xf32, #tpu.memory_space<hbm>> -> memref<1024xf32, #tpu.memory_space<hbm>>
      tpu.wait_dma2 semaphore(%arg16 : memref<!tpu.dma_semaphore, #tpu.memory_space<semaphore_mem>>) src(%dma_wait3A_1473 : memref<1024xf32, #tpu.memory_space<hbm>>) dst(%dma_wait3A_1472 : memref<1024xf32, #tpu.memory_space<vmem>>)
      %add3A_1474 = arith.constant 15728640 : i32
      %add3A_1475 = arith.addi %add3A_1474, %add3A_1234 : i32
      %dma_wait3A_1476 = arith.constant 30720 : i32
      %dma_wait3A_1477 = tpu.memref_slice %arg13[%dma_wait3A_1476] : memref<32768xf32, #tpu.memory_space<vmem>> -> memref<1024xf32, #tpu.memory_space<vmem>>
      %dma_wait3A_1478 = tpu.memref_slice %arg2[%add3A_1475] : memref<16777216xf32, #tpu.memory_space<hbm>> -> memref<1024xf32, #tpu.memory_space<hbm>>
      %dma_wait3A_1479 = arith.constant 30720 : i32
      %dma_wait3A_1480 = tpu.memref_slice %arg13[%dma_wait3A_1479] : memref<32768xf32, #tpu.memory_space<vmem>> -> memref<1024xf32, #tpu.memory_space<vmem>>
      %dma_wait3A_1481 = tpu.memref_slice %arg2[%add3A_1475] : memref<16777216xf32, #tpu.memory_space<hbm>> -> memref<1024xf32, #tpu.memory_space<hbm>>
      tpu.wait_dma2 semaphore(%arg16 : memref<!tpu.dma_semaphore, #tpu.memory_space<semaphore_mem>>) src(%dma_wait3A_1481 : memref<1024xf32, #tpu.memory_space<hbm>>) dst(%dma_wait3A_1480 : memref<1024xf32, #tpu.memory_space<vmem>>)
      %add3A_1482 = arith.constant 16252928 : i32
      %add3A_1483 = arith.addi %add3A_1482, %add3A_1234 : i32
      %dma_wait3A_1484 = arith.constant 31744 : i32
      %dma_wait3A_1485 = tpu.memref_slice %arg13[%dma_wait3A_1484] : memref<32768xf32, #tpu.memory_space<vmem>> -> memref<1024xf32, #tpu.memory_space<vmem>>
      %dma_wait3A_1486 = tpu.memref_slice %arg2[%add3A_1483] : memref<16777216xf32, #tpu.memory_space<hbm>> -> memref<1024xf32, #tpu.memory_space<hbm>>
      %dma_wait3A_1487 = arith.constant 31744 : i32
      %dma_wait3A_1488 = tpu.memref_slice %arg13[%dma_wait3A_1487] : memref<32768xf32, #tpu.memory_space<vmem>> -> memref<1024xf32, #tpu.memory_space<vmem>>
      %dma_wait3A_1489 = tpu.memref_slice %arg2[%add3A_1483] : memref<16777216xf32, #tpu.memory_space<hbm>> -> memref<1024xf32, #tpu.memory_space<hbm>>
      tpu.wait_dma2 semaphore(%arg16 : memref<!tpu.dma_semaphore, #tpu.memory_space<semaphore_mem>>) src(%dma_wait3A_1489 : memref<1024xf32, #tpu.memory_space<hbm>>) dst(%dma_wait3A_1488 : memref<1024xf32, #tpu.memory_space<vmem>>)
      %scan3A_1490 = arith.constant 0 : i32
      %scan3A_1491 = arith.constant 0 : i32
      %scan3A_1492 = arith.constant 64 : i32
      %scan3A_1493 = arith.addi %scan3A_1491, %scan3A_1492 : i32
      %scan3A_1494 = arith.constant 1 : i32
      scf.for %scan3A_1792 = %scan3A_1491 to %scan3A_1493 step %scan3A_1494  : i32 {
        %mul3A_1793 = arith.constant 16 : i32
        %mul3A_1794 = arith.muli %scan3A_1792, %mul3A_1793 : i32
        %swap3A_1795 = arith.index_cast %mul3A_1794 : i32 to index
        %swap3A_1796 = tpu.vector_load %arg15[%swap3A_1795] {strides = array<i32>} : memref<1024xf32, #tpu.memory_space<vmem>>, vector<16xf32>,
        tpu.vector_store %arg15[%swap3A_1795], %mul3A_5 {strides = array<i32>} : memref<1024xf32, #tpu.memory_space<vmem>>, vector<16xf32>,
      }
      %scan3A_1495 = arith.constant 64 : i32
      %scan3A_1496 = arith.constant 0 : i32
      %scan3A_1497 = arith.constant 0 : i32
      %scan3A_1498 = arith.constant 32 : i32
      %scan3A_1499 = arith.addi %scan3A_1497, %scan3A_1498 : i32
      %scan3A_1500 = arith.constant 1 : i32
      scf.for %scan3A_1792 = %scan3A_1497 to %scan3A_1499 step %scan3A_1500  : i32 {
        %mul3A_1793 = arith.constant 16 : i32
        %mul3A_1794 = arith.muli %scan3A_1792, %mul3A_1793 : i32
        %get3A = arith.index_cast %mul3A_1794 : i32 to index
        %get3A_1795 = tpu.vector_load %arg10[%get3A] {strides = array<i32>} : memref<512xf32, #tpu.memory_space<vmem>>, vector<16xf32>,
        %mul3A_1796 = arith.constant 16 : i32
        %mul3A_1797 = arith.muli %scan3A_1792, %mul3A_1796 : i32
        %get3A_1798 = arith.index_cast %mul3A_1797 : i32 to index
        %get3A_1799 = tpu.vector_load %arg11[%get3A_1798] {strides = array<i32>} : memref<512xf32, #tpu.memory_space<vmem>>, vector<16xf32>,
        %mul3A_1800 = arith.constant 16 : i32
        %mul3A_1801 = arith.muli %scan3A_1792, %mul3A_1800 : i32
        %get3A_1802 = arith.index_cast %mul3A_1801 : i32 to index
        %get3A_1803 = tpu.vector_load %arg12[%get3A_1802] {strides = array<i32>} : memref<512xf32, #tpu.memory_space<vmem>>, vector<16xf32>,
        %mul3A_1804 = arith.constant 256 : i32
        %mul3A_1805 = arith.muli %scan3A_1792, %mul3A_1804 : i32
        %scan3A_1806 = arith.constant 0 : i32
        %scan3A_1807 = arith.constant 0 : i32
        %scan3A_1808 = arith.constant 8 : i32
        %scan3A_1809 = arith.addi %scan3A_1807, %scan3A_1808 : i32
        %scan3A_1810 = arith.constant 1 : i32
        scf.for %scan3A_1812 = %scan3A_1807 to %scan3A_1809 step %scan3A_1810  : i32 {
          %mul3A_1813 = arith.constant 1024 : i32
          %mul3A_1814 = arith.muli %scan3A_1792, %mul3A_1813 : i32
          %mul3A_1815 = arith.constant 8 : i32
          %mul3A_1816 = arith.muli %scan3A_1812, %mul3A_1815 : i32
          %add3A_1817 = arith.constant 0 : i32
          %add3A_1818 = arith.addi %mul3A_1816, %add3A_1817 : i32
          %mul3A_1819 = arith.constant 16 : i32
          %mul3A_1820 = arith.muli %add3A_1818, %mul3A_1819 : i32
          %add3A_1821 = arith.addi %mul3A_1814, %mul3A_1820 : i32
          %get3A_1822 = arith.index_cast %add3A_1821 : i32 to index
          %get3A_1823 = tpu.vector_load %arg13[%get3A_1822] {strides = array<i32>} : memref<32768xf32, #tpu.memory_space<vmem>>, vector<16xf32>,
          %mul3A_1824 = arith.constant 1024 : i32
          %mul3A_1825 = arith.muli %scan3A_1792, %mul3A_1824 : i32
          %mul3A_1826 = arith.constant 8 : i32
          %mul3A_1827 = arith.muli %scan3A_1812, %mul3A_1826 : i32
          %add3A_1828 = arith.constant 1 : i32
          %add3A_1829 = arith.addi %mul3A_1827, %add3A_1828 : i32
          %mul3A_1830 = arith.constant 16 : i32
          %mul3A_1831 = arith.muli %add3A_1829, %mul3A_1830 : i32
          %add3A_1832 = arith.addi %mul3A_1825, %mul3A_1831 : i32
          %get3A_1833 = arith.index_cast %add3A_1832 : i32 to index
          %get3A_1834 = tpu.vector_load %arg13[%get3A_1833] {strides = array<i32>} : memref<32768xf32, #tpu.memory_space<vmem>>, vector<16xf32>,
          %mul3A_1835 = arith.constant 1024 : i32
          %mul3A_1836 = arith.muli %scan3A_1792, %mul3A_1835 : i32
          %mul3A_1837 = arith.constant 8 : i32
          %mul3A_1838 = arith.muli %scan3A_1812, %mul3A_1837 : i32
          %add3A_1839 = arith.constant 2 : i32
          %add3A_1840 = arith.addi %mul3A_1838, %add3A_1839 : i32
          %mul3A_1841 = arith.constant 16 : i32
          %mul3A_1842 = arith.muli %add3A_1840, %mul3A_1841 : i32
          %add3A_1843 = arith.addi %mul3A_1836, %mul3A_1842 : i32
          %get3A_1844 = arith.index_cast %add3A_1843 : i32 to index
          %get3A_1845 = tpu.vector_load %arg13[%get3A_1844] {strides = array<i32>} : memref<32768xf32, #tpu.memory_space<vmem>>, vector<16xf32>,
          %mul3A_1846 = arith.constant 1024 : i32
          %mul3A_1847 = arith.muli %scan3A_1792, %mul3A_1846 : i32
          %mul3A_1848 = arith.constant 8 : i32
          %mul3A_1849 = arith.muli %scan3A_1812, %mul3A_1848 : i32
          %add3A_1850 = arith.constant 3 : i32
          %add3A_1851 = arith.addi %mul3A_1849, %add3A_1850 : i32
          %mul3A_1852 = arith.constant 16 : i32
          %mul3A_1853 = arith.muli %add3A_1851, %mul3A_1852 : i32
          %add3A_1854 = arith.addi %mul3A_1847, %mul3A_1853 : i32
          %get3A_1855 = arith.index_cast %add3A_1854 : i32 to index
          %get3A_1856 = tpu.vector_load %arg13[%get3A_1855] {strides = array<i32>} : memref<32768xf32, #tpu.memory_space<vmem>>, vector<16xf32>,
          %mul3A_1857 = arith.constant 1024 : i32
          %mul3A_1858 = arith.muli %scan3A_1792, %mul3A_1857 : i32
          %mul3A_1859 = arith.constant 8 : i32
          %mul3A_1860 = arith.muli %scan3A_1812, %mul3A_1859 : i32
          %add3A_1861 = arith.constant 4 : i32
          %add3A_1862 = arith.addi %mul3A_1860, %add3A_1861 : i32
          %mul3A_1863 = arith.constant 16 : i32
          %mul3A_1864 = arith.muli %add3A_1862, %mul3A_1863 : i32
          %add3A_1865 = arith.addi %mul3A_1858, %mul3A_1864 : i32
          %get3A_1866 = arith.index_cast %add3A_1865 : i32 to index
          %get3A_1867 = tpu.vector_load %arg13[%get3A_1866] {strides = array<i32>} : memref<32768xf32, #tpu.memory_space<vmem>>, vector<16xf32>,
          %mul3A_1868 = arith.constant 1024 : i32
          %mul3A_1869 = arith.muli %scan3A_1792, %mul3A_1868 : i32
          %mul3A_1870 = arith.constant 8 : i32
          %mul3A_1871 = arith.muli %scan3A_1812, %mul3A_1870 : i32
          %add3A_1872 = arith.constant 5 : i32
          %add3A_1873 = arith.addi %mul3A_1871, %add3A_1872 : i32
          %mul3A_1874 = arith.constant 16 : i32
          %mul3A_1875 = arith.muli %add3A_1873, %mul3A_1874 : i32
          %add3A_1876 = arith.addi %mul3A_1869, %mul3A_1875 : i32
          %get3A_1877 = arith.index_cast %add3A_1876 : i32 to index
          %get3A_1878 = tpu.vector_load %arg13[%get3A_1877] {strides = array<i32>} : memref<32768xf32, #tpu.memory_space<vmem>>, vector<16xf32>,
          %mul3A_1879 = arith.constant 1024 : i32
          %mul3A_1880 = arith.muli %scan3A_1792, %mul3A_1879 : i32
          %mul3A_1881 = arith.constant 8 : i32
          %mul3A_1882 = arith.muli %scan3A_1812, %mul3A_1881 : i32
          %add3A_1883 = arith.constant 6 : i32
          %add3A_1884 = arith.addi %mul3A_1882, %add3A_1883 : i32
          %mul3A_1885 = arith.constant 16 : i32
          %mul3A_1886 = arith.muli %add3A_1884, %mul3A_1885 : i32
          %add3A_1887 = arith.addi %mul3A_1880, %mul3A_1886 : i32
          %get3A_1888 = arith.index_cast %add3A_1887 : i32 to index
          %get3A_1889 = tpu.vector_load %arg13[%get3A_1888] {strides = array<i32>} : memref<32768xf32, #tpu.memory_space<vmem>>, vector<16xf32>,
          %mul3A_1890 = arith.constant 1024 : i32
          %mul3A_1891 = arith.muli %scan3A_1792, %mul3A_1890 : i32
          %mul3A_1892 = arith.constant 8 : i32
          %mul3A_1893 = arith.muli %scan3A_1812, %mul3A_1892 : i32
          %add3A_1894 = arith.constant 7 : i32
          %add3A_1895 = arith.addi %mul3A_1893, %add3A_1894 : i32
          %mul3A_1896 = arith.constant 16 : i32
          %mul3A_1897 = arith.muli %add3A_1895, %mul3A_1896 : i32
          %add3A_1898 = arith.addi %mul3A_1891, %mul3A_1897 : i32
          %get3A_1899 = arith.index_cast %add3A_1898 : i32 to index
          %get3A_1900 = tpu.vector_load %arg13[%get3A_1899] {strides = array<i32>} : memref<32768xf32, #tpu.memory_space<vmem>>, vector<16xf32>,
          %sub3A_1901 = arith.subf %get3A_1823, %get3A_1795 : vector<16xf32>
          %mul3A_1902 = arith.mulf %sub3A_1901, %get3A_1803 : vector<16xf32>
          %convert_element_type3A_1903 = arith.fptosi %mul3A_1902 : vector<16xf32> to vector<16xi32>
          %convert_element_type3A_1904 = arith.sitofp %convert_element_type3A_1903 : vector<16xi32> to vector<16xf32>
          %mul3A_1905 = arith.mulf %convert_element_type3A_1904, %get3A_1799 : vector<16xf32>
          %add3A_1906 = arith.addf %get3A_1795, %mul3A_1905 : vector<16xf32>
          %add3A_1907 = arith.addf %add3A_1906, %get3A_1799 : vector<16xf32>
          %ge3A = arith.cmpf oge, %get3A_1823, %add3A_1907 : vector<16xf32>
          %lt3A_1908 = arith.cmpf olt, %get3A_1823, %add3A_1906 : vector<16xf32>
          %jit3A = arith.constant -1 : i32
          %jit3A_1909 = arith.constant 0 : i32
          %broadcast_in_dim3A = vector.broadcast %jit3A : i32 to vector<16xi32>
          %broadcast_in_dim3A_1910 = vector.broadcast %jit3A_1909 : i32 to vector<16xi32>
          %select_n3A = arith.select %lt3A_1908, %broadcast_in_dim3A, %broadcast_in_dim3A_1910 : vector<16xi1>, vector<16xi32>
          %jit3A_1911 = arith.constant 1 : i32
          %broadcast_in_dim3A_1912 = vector.broadcast %jit3A_1911 : i32 to vector<16xi32>
          %select_n3A_1913 = arith.select %ge3A, %broadcast_in_dim3A_1912, %select_n3A : vector<16xi1>, vector<16xi32>
          %add3A_1914 = arith.addi %convert_element_type3A_1903, %select_n3A_1913 : vector<16xi32>
          %jit3A_1915 = arith.constant 0 : i32
          %jit3A_1916 = arith.constant 255 : i32
          %max3A = vector.broadcast %jit3A_1915 : i32 to vector<16xi32>
          %max3A_1917 = arith.maxsi %max3A, %add3A_1914 : vector<16xi32>
          %min3A = vector.broadcast %jit3A_1916 : i32 to vector<16xi32>
          %min3A_1918 = arith.minsi %min3A, %max3A_1917 : vector<16xi32>
          %sub3A_1919 = arith.subf %get3A_1834, %get3A_1795 : vector<16xf32>
          %mul3A_1920 = arith.mulf %sub3A_1919, %get3A_1803 : vector<16xf32>
          %convert_element_type3A_1921 = arith.fptosi %mul3A_1920 : vector<16xf32> to vector<16xi32>
          %convert_element_type3A_1922 = arith.sitofp %convert_element_type3A_1921 : vector<16xi32> to vector<16xf32>
          %mul3A_1923 = arith.mulf %convert_element_type3A_1922, %get3A_1799 : vector<16xf32>
          %add3A_1924 = arith.addf %get3A_1795, %mul3A_1923 : vector<16xf32>
          %add3A_1925 = arith.addf %add3A_1924, %get3A_1799 : vector<16xf32>
          %ge3A_1926 = arith.cmpf oge, %get3A_1834, %add3A_1925 : vector<16xf32>
          %lt3A_1927 = arith.cmpf olt, %get3A_1834, %add3A_1924 : vector<16xf32>
          %jit3A_1928 = arith.constant -1 : i32
          %jit3A_1929 = arith.constant 0 : i32
          %broadcast_in_dim3A_1930 = vector.broadcast %jit3A_1928 : i32 to vector<16xi32>
          %broadcast_in_dim3A_1931 = vector.broadcast %jit3A_1929 : i32 to vector<16xi32>
          %select_n3A_1932 = arith.select %lt3A_1927, %broadcast_in_dim3A_1930, %broadcast_in_dim3A_1931 : vector<16xi1>, vector<16xi32>
          %jit3A_1933 = arith.constant 1 : i32
          %broadcast_in_dim3A_1934 = vector.broadcast %jit3A_1933 : i32 to vector<16xi32>
          %select_n3A_1935 = arith.select %ge3A_1926, %broadcast_in_dim3A_1934, %select_n3A_1932 : vector<16xi1>, vector<16xi32>
          %add3A_1936 = arith.addi %convert_element_type3A_1921, %select_n3A_1935 : vector<16xi32>
          %jit3A_1937 = arith.constant 0 : i32
          %jit3A_1938 = arith.constant 255 : i32
          %max3A_1939 = vector.broadcast %jit3A_1937 : i32 to vector<16xi32>
          %max3A_1940 = arith.maxsi %max3A_1939, %add3A_1936 : vector<16xi32>
          %min3A_1941 = vector.broadcast %jit3A_1938 : i32 to vector<16xi32>
          %min3A_1942 = arith.minsi %min3A_1941, %max3A_1940 : vector<16xi32>
          %sub3A_1943 = arith.subf %get3A_1845, %get3A_1795 : vector<16xf32>
          %mul3A_1944 = arith.mulf %sub3A_1943, %get3A_1803 : vector<16xf32>
          %convert_element_type3A_1945 = arith.fptosi %mul3A_1944 : vector<16xf32> to vector<16xi32>
          %convert_element_type3A_1946 = arith.sitofp %convert_element_type3A_1945 : vector<16xi32> to vector<16xf32>
          %mul3A_1947 = arith.mulf %convert_element_type3A_1946, %get3A_1799 : vector<16xf32>
          %add3A_1948 = arith.addf %get3A_1795, %mul3A_1947 : vector<16xf32>
          %add3A_1949 = arith.addf %add3A_1948, %get3A_1799 : vector<16xf32>
          %ge3A_1950 = arith.cmpf oge, %get3A_1845, %add3A_1949 : vector<16xf32>
          %lt3A_1951 = arith.cmpf olt, %get3A_1845, %add3A_1948 : vector<16xf32>
          %jit3A_1952 = arith.constant -1 : i32
          %jit3A_1953 = arith.constant 0 : i32
          %broadcast_in_dim3A_1954 = vector.broadcast %jit3A_1952 : i32 to vector<16xi32>
          %broadcast_in_dim3A_1955 = vector.broadcast %jit3A_1953 : i32 to vector<16xi32>
          %select_n3A_1956 = arith.select %lt3A_1951, %broadcast_in_dim3A_1954, %broadcast_in_dim3A_1955 : vector<16xi1>, vector<16xi32>
          %jit3A_1957 = arith.constant 1 : i32
          %broadcast_in_dim3A_1958 = vector.broadcast %jit3A_1957 : i32 to vector<16xi32>
          %select_n3A_1959 = arith.select %ge3A_1950, %broadcast_in_dim3A_1958, %select_n3A_1956 : vector<16xi1>, vector<16xi32>
          %add3A_1960 = arith.addi %convert_element_type3A_1945, %select_n3A_1959 : vector<16xi32>
          %jit3A_1961 = arith.constant 0 : i32
          %jit3A_1962 = arith.constant 255 : i32
          %max3A_1963 = vector.broadcast %jit3A_1961 : i32 to vector<16xi32>
          %max3A_1964 = arith.maxsi %max3A_1963, %add3A_1960 : vector<16xi32>
          %min3A_1965 = vector.broadcast %jit3A_1962 : i32 to vector<16xi32>
          %min3A_1966 = arith.minsi %min3A_1965, %max3A_1964 : vector<16xi32>
          %sub3A_1967 = arith.subf %get3A_1856, %get3A_1795 : vector<16xf32>
          %mul3A_1968 = arith.mulf %sub3A_1967, %get3A_1803 : vector<16xf32>
          %convert_element_type3A_1969 = arith.fptosi %mul3A_1968 : vector<16xf32> to vector<16xi32>
          %convert_element_type3A_1970 = arith.sitofp %convert_element_type3A_1969 : vector<16xi32> to vector<16xf32>
          %mul3A_1971 = arith.mulf %convert_element_type3A_1970, %get3A_1799 : vector<16xf32>
          %add3A_1972 = arith.addf %get3A_1795, %mul3A_1971 : vector<16xf32>
          %add3A_1973 = arith.addf %add3A_1972, %get3A_1799 : vector<16xf32>
          %ge3A_1974 = arith.cmpf oge, %get3A_1856, %add3A_1973 : vector<16xf32>
          %lt3A_1975 = arith.cmpf olt, %get3A_1856, %add3A_1972 : vector<16xf32>
          %jit3A_1976 = arith.constant -1 : i32
          %jit3A_1977 = arith.constant 0 : i32
          %broadcast_in_dim3A_1978 = vector.broadcast %jit3A_1976 : i32 to vector<16xi32>
          %broadcast_in_dim3A_1979 = vector.broadcast %jit3A_1977 : i32 to vector<16xi32>
          %select_n3A_1980 = arith.select %lt3A_1975, %broadcast_in_dim3A_1978, %broadcast_in_dim3A_1979 : vector<16xi1>, vector<16xi32>
          %jit3A_1981 = arith.constant 1 : i32
          %broadcast_in_dim3A_1982 = vector.broadcast %jit3A_1981 : i32 to vector<16xi32>
          %select_n3A_1983 = arith.select %ge3A_1974, %broadcast_in_dim3A_1982, %select_n3A_1980 : vector<16xi1>, vector<16xi32>
          %add3A_1984 = arith.addi %convert_element_type3A_1969, %select_n3A_1983 : vector<16xi32>
          %jit3A_1985 = arith.constant 0 : i32
          %jit3A_1986 = arith.constant 255 : i32
          %max3A_1987 = vector.broadcast %jit3A_1985 : i32 to vector<16xi32>
          %max3A_1988 = arith.maxsi %max3A_1987, %add3A_1984 : vector<16xi32>
          %min3A_1989 = vector.broadcast %jit3A_1986 : i32 to vector<16xi32>
          %min3A_1990 = arith.minsi %min3A_1989, %max3A_1988 : vector<16xi32>
          %sub3A_1991 = arith.subf %get3A_1867, %get3A_1795 : vector<16xf32>
          %mul3A_1992 = arith.mulf %sub3A_1991, %get3A_1803 : vector<16xf32>
          %convert_element_type3A_1993 = arith.fptosi %mul3A_1992 : vector<16xf32> to vector<16xi32>
          %convert_element_type3A_1994 = arith.sitofp %convert_element_type3A_1993 : vector<16xi32> to vector<16xf32>
          %mul3A_1995 = arith.mulf %convert_element_type3A_1994, %get3A_1799 : vector<16xf32>
          %add3A_1996 = arith.addf %get3A_1795, %mul3A_1995 : vector<16xf32>
          %add3A_1997 = arith.addf %add3A_1996, %get3A_1799 : vector<16xf32>
          %ge3A_1998 = arith.cmpf oge, %get3A_1867, %add3A_1997 : vector<16xf32>
          %lt3A_1999 = arith.cmpf olt, %get3A_1867, %add3A_1996 : vector<16xf32>
          %jit3A_2000 = arith.constant -1 : i32
          %jit3A_2001 = arith.constant 0 : i32
          %broadcast_in_dim3A_2002 = vector.broadcast %jit3A_2000 : i32 to vector<16xi32>
          %broadcast_in_dim3A_2003 = vector.broadcast %jit3A_2001 : i32 to vector<16xi32>
          %select_n3A_2004 = arith.select %lt3A_1999, %broadcast_in_dim3A_2002, %broadcast_in_dim3A_2003 : vector<16xi1>, vector<16xi32>
          %jit3A_2005 = arith.constant 1 : i32
          %broadcast_in_dim3A_2006 = vector.broadcast %jit3A_2005 : i32 to vector<16xi32>
          %select_n3A_2007 = arith.select %ge3A_1998, %broadcast_in_dim3A_2006, %select_n3A_2004 : vector<16xi1>, vector<16xi32>
          %add3A_2008 = arith.addi %convert_element_type3A_1993, %select_n3A_2007 : vector<16xi32>
          %jit3A_2009 = arith.constant 0 : i32
          %jit3A_2010 = arith.constant 255 : i32
          %max3A_2011 = vector.broadcast %jit3A_2009 : i32 to vector<16xi32>
          %max3A_2012 = arith.maxsi %max3A_2011, %add3A_2008 : vector<16xi32>
          %min3A_2013 = vector.broadcast %jit3A_2010 : i32 to vector<16xi32>
          %min3A_2014 = arith.minsi %min3A_2013, %max3A_2012 : vector<16xi32>
          %sub3A_2015 = arith.subf %get3A_1878, %get3A_1795 : vector<16xf32>
          %mul3A_2016 = arith.mulf %sub3A_2015, %get3A_1803 : vector<16xf32>
          %convert_element_type3A_2017 = arith.fptosi %mul3A_2016 : vector<16xf32> to vector<16xi32>
          %convert_element_type3A_2018 = arith.sitofp %convert_element_type3A_2017 : vector<16xi32> to vector<16xf32>
          %mul3A_2019 = arith.mulf %convert_element_type3A_2018, %get3A_1799 : vector<16xf32>
          %add3A_2020 = arith.addf %get3A_1795, %mul3A_2019 : vector<16xf32>
          %add3A_2021 = arith.addf %add3A_2020, %get3A_1799 : vector<16xf32>
          %ge3A_2022 = arith.cmpf oge, %get3A_1878, %add3A_2021 : vector<16xf32>
          %lt3A_2023 = arith.cmpf olt, %get3A_1878, %add3A_2020 : vector<16xf32>
          %jit3A_2024 = arith.constant -1 : i32
          %jit3A_2025 = arith.constant 0 : i32
          %broadcast_in_dim3A_2026 = vector.broadcast %jit3A_2024 : i32 to vector<16xi32>
          %broadcast_in_dim3A_2027 = vector.broadcast %jit3A_2025 : i32 to vector<16xi32>
          %select_n3A_2028 = arith.select %lt3A_2023, %broadcast_in_dim3A_2026, %broadcast_in_dim3A_2027 : vector<16xi1>, vector<16xi32>
          %jit3A_2029 = arith.constant 1 : i32
          %broadcast_in_dim3A_2030 = vector.broadcast %jit3A_2029 : i32 to vector<16xi32>
          %select_n3A_2031 = arith.select %ge3A_2022, %broadcast_in_dim3A_2030, %select_n3A_2028 : vector<16xi1>, vector<16xi32>
          %add3A_2032 = arith.addi %convert_element_type3A_2017, %select_n3A_2031 : vector<16xi32>
          %jit3A_2033 = arith.constant 0 : i32
          %jit3A_2034 = arith.constant 255 : i32
          %max3A_2035 = vector.broadcast %jit3A_2033 : i32 to vector<16xi32>
          %max3A_2036 = arith.maxsi %max3A_2035, %add3A_2032 : vector<16xi32>
          %min3A_2037 = vector.broadcast %jit3A_2034 : i32 to vector<16xi32>
          %min3A_2038 = arith.minsi %min3A_2037, %max3A_2036 : vector<16xi32>
          %sub3A_2039 = arith.subf %get3A_1889, %get3A_1795 : vector<16xf32>
          %mul3A_2040 = arith.mulf %sub3A_2039, %get3A_1803 : vector<16xf32>
          %convert_element_type3A_2041 = arith.fptosi %mul3A_2040 : vector<16xf32> to vector<16xi32>
          %convert_element_type3A_2042 = arith.sitofp %convert_element_type3A_2041 : vector<16xi32> to vector<16xf32>
          %mul3A_2043 = arith.mulf %convert_element_type3A_2042, %get3A_1799 : vector<16xf32>
          %add3A_2044 = arith.addf %get3A_1795, %mul3A_2043 : vector<16xf32>
          %add3A_2045 = arith.addf %add3A_2044, %get3A_1799 : vector<16xf32>
          %ge3A_2046 = arith.cmpf oge, %get3A_1889, %add3A_2045 : vector<16xf32>
          %lt3A_2047 = arith.cmpf olt, %get3A_1889, %add3A_2044 : vector<16xf32>
          %jit3A_2048 = arith.constant -1 : i32
          %jit3A_2049 = arith.constant 0 : i32
          %broadcast_in_dim3A_2050 = vector.broadcast %jit3A_2048 : i32 to vector<16xi32>
          %broadcast_in_dim3A_2051 = vector.broadcast %jit3A_2049 : i32 to vector<16xi32>
          %select_n3A_2052 = arith.select %lt3A_2047, %broadcast_in_dim3A_2050, %broadcast_in_dim3A_2051 : vector<16xi1>, vector<16xi32>
          %jit3A_2053 = arith.constant 1 : i32
          %broadcast_in_dim3A_2054 = vector.broadcast %jit3A_2053 : i32 to vector<16xi32>
          %select_n3A_2055 = arith.select %ge3A_2046, %broadcast_in_dim3A_2054, %select_n3A_2052 : vector<16xi1>, vector<16xi32>
          %add3A_2056 = arith.addi %convert_element_type3A_2041, %select_n3A_2055 : vector<16xi32>
          %jit3A_2057 = arith.constant 0 : i32
          %jit3A_2058 = arith.constant 255 : i32
          %max3A_2059 = vector.broadcast %jit3A_2057 : i32 to vector<16xi32>
          %max3A_2060 = arith.maxsi %max3A_2059, %add3A_2056 : vector<16xi32>
          %min3A_2061 = vector.broadcast %jit3A_2058 : i32 to vector<16xi32>
          %min3A_2062 = arith.minsi %min3A_2061, %max3A_2060 : vector<16xi32>
          %sub3A_2063 = arith.subf %get3A_1900, %get3A_1795 : vector<16xf32>
          %mul3A_2064 = arith.mulf %sub3A_2063, %get3A_1803 : vector<16xf32>
          %convert_element_type3A_2065 = arith.fptosi %mul3A_2064 : vector<16xf32> to vector<16xi32>
          %convert_element_type3A_2066 = arith.sitofp %convert_element_type3A_2065 : vector<16xi32> to vector<16xf32>
          %mul3A_2067 = arith.mulf %convert_element_type3A_2066, %get3A_1799 : vector<16xf32>
          %add3A_2068 = arith.addf %get3A_1795, %mul3A_2067 : vector<16xf32>
          %add3A_2069 = arith.addf %add3A_2068, %get3A_1799 : vector<16xf32>
          %ge3A_2070 = arith.cmpf oge, %get3A_1900, %add3A_2069 : vector<16xf32>
          %lt3A_2071 = arith.cmpf olt, %get3A_1900, %add3A_2068 : vector<16xf32>
          %jit3A_2072 = arith.constant -1 : i32
          %jit3A_2073 = arith.constant 0 : i32
          %broadcast_in_dim3A_2074 = vector.broadcast %jit3A_2072 : i32 to vector<16xi32>
          %broadcast_in_dim3A_2075 = vector.broadcast %jit3A_2073 : i32 to vector<16xi32>
          %select_n3A_2076 = arith.select %lt3A_2071, %broadcast_in_dim3A_2074, %broadcast_in_dim3A_2075 : vector<16xi1>, vector<16xi32>
          %jit3A_2077 = arith.constant 1 : i32
          %broadcast_in_dim3A_2078 = vector.broadcast %jit3A_2077 : i32 to vector<16xi32>
          %select_n3A_2079 = arith.select %ge3A_2070, %broadcast_in_dim3A_2078, %select_n3A_2076 : vector<16xi1>, vector<16xi32>
          %add3A_2080 = arith.addi %convert_element_type3A_2065, %select_n3A_2079 : vector<16xi32>
          %jit3A_2081 = arith.constant 0 : i32
          %jit3A_2082 = arith.constant 255 : i32
          %max3A_2083 = vector.broadcast %jit3A_2081 : i32 to vector<16xi32>
          %max3A_2084 = arith.maxsi %max3A_2083, %add3A_2080 : vector<16xi32>
          %min3A_2085 = vector.broadcast %jit3A_2082 : i32 to vector<16xi32>
          %min3A_2086 = arith.minsi %min3A_2085, %max3A_2084 : vector<16xi32>
          %add3A_2087 = vector.broadcast %mul3A_1805 : i32 to vector<16xi32>
          %add3A_2088 = arith.addi %min3A_1918, %add3A_2087 : vector<16xi32>
          %gather3A_2089 = tpu.vector_load_idx %arg7[%add3A_2088] : memref<8192xf32, #tpu.memory_space<vmem>>[vector<16xi32>], vector<16xf32>,
          %add3A_2090 = vector.broadcast %mul3A_1805 : i32 to vector<16xi32>
          %add3A_2091 = arith.addi %min3A_1942, %add3A_2090 : vector<16xi32>
          %gather3A_2092 = tpu.vector_load_idx %arg7[%add3A_2091] : memref<8192xf32, #tpu.memory_space<vmem>>[vector<16xi32>], vector<16xf32>,
          %add3A_2093 = vector.broadcast %mul3A_1805 : i32 to vector<16xi32>
          %add3A_2094 = arith.addi %min3A_1966, %add3A_2093 : vector<16xi32>
          %gather3A_2095 = tpu.vector_load_idx %arg7[%add3A_2094] : memref<8192xf32, #tpu.memory_space<vmem>>[vector<16xi32>], vector<16xf32>,
          %add3A_2096 = vector.broadcast %mul3A_1805 : i32 to vector<16xi32>
          %add3A_2097 = arith.addi %min3A_1990, %add3A_2096 : vector<16xi32>
          %gather3A_2098 = tpu.vector_load_idx %arg7[%add3A_2097] : memref<8192xf32, #tpu.memory_space<vmem>>[vector<16xi32>], vector<16xf32>,
          %add3A_2099 = vector.broadcast %mul3A_1805 : i32 to vector<16xi32>
          %add3A_2100 = arith.addi %min3A_2014, %add3A_2099 : vector<16xi32>
          %gather3A_2101 = tpu.vector_load_idx %arg7[%add3A_2100] : memref<8192xf32, #tpu.memory_space<vmem>>[vector<16xi32>], vector<16xf32>,
          %add3A_2102 = vector.broadcast %mul3A_1805 : i32 to vector<16xi32>
          %add3A_2103 = arith.addi %min3A_2038, %add3A_2102 : vector<16xi32>
          %gather3A_2104 = tpu.vector_load_idx %arg7[%add3A_2103] : memref<8192xf32, #tpu.memory_space<vmem>>[vector<16xi32>], vector<16xf32>,
          %add3A_2105 = vector.broadcast %mul3A_1805 : i32 to vector<16xi32>
          %add3A_2106 = arith.addi %min3A_2062, %add3A_2105 : vector<16xi32>
          %gather3A_2107 = tpu.vector_load_idx %arg7[%add3A_2106] : memref<8192xf32, #tpu.memory_space<vmem>>[vector<16xi32>], vector<16xf32>,
          %add3A_2108 = vector.broadcast %mul3A_1805 : i32 to vector<16xi32>
          %add3A_2109 = arith.addi %min3A_2086, %add3A_2108 : vector<16xi32>
          %gather3A_2110 = tpu.vector_load_idx %arg7[%add3A_2109] : memref<8192xf32, #tpu.memory_space<vmem>>[vector<16xi32>], vector<16xf32>,
          %mul3A_2111 = arith.constant 8 : i32
          %mul3A_2112 = arith.muli %scan3A_1812, %mul3A_2111 : i32
          %add3A_2113 = arith.constant 0 : i32
          %add3A_2114 = arith.addi %mul3A_2112, %add3A_2113 : i32
          %mul3A_2115 = arith.constant 16 : i32
          %mul3A_2116 = arith.muli %add3A_2114, %mul3A_2115 : i32
          %swap3A_2117 = arith.index_cast %mul3A_2116 : i32 to index
          %swap3A_2118 = tpu.vector_load %arg15[%swap3A_2117] {strides = array<i32>} : memref<1024xf32, #tpu.memory_space<vmem>>, vector<16xf32>,
          tpu.vector_store %arg15[%swap3A_2117], %gather3A_2089 {add = true, strides = array<i32>} : memref<1024xf32, #tpu.memory_space<vmem>>, vector<16xf32>,
          %mul3A_2119 = arith.constant 8 : i32
          %mul3A_2120 = arith.muli %scan3A_1812, %mul3A_2119 : i32
          %add3A_2121 = arith.constant 1 : i32
          %add3A_2122 = arith.addi %mul3A_2120, %add3A_2121 : i32
          %mul3A_2123 = arith.constant 16 : i32
          %mul3A_2124 = arith.muli %add3A_2122, %mul3A_2123 : i32
          %swap3A_2125 = arith.index_cast %mul3A_2124 : i32 to index
          %swap3A_2126 = tpu.vector_load %arg15[%swap3A_2125] {strides = array<i32>} : memref<1024xf32, #tpu.memory_space<vmem>>, vector<16xf32>,
          tpu.vector_store %arg15[%swap3A_2125], %gather3A_2092 {add = true, strides = array<i32>} : memref<1024xf32, #tpu.memory_space<vmem>>, vector<16xf32>,
          %mul3A_2127 = arith.constant 8 : i32
          %mul3A_2128 = arith.muli %scan3A_1812, %mul3A_2127 : i32
          %add3A_2129 = arith.constant 2 : i32
          %add3A_2130 = arith.addi %mul3A_2128, %add3A_2129 : i32
          %mul3A_2131 = arith.constant 16 : i32
          %mul3A_2132 = arith.muli %add3A_2130, %mul3A_2131 : i32
          %swap3A_2133 = arith.index_cast %mul3A_2132 : i32 to index
          %swap3A_2134 = tpu.vector_load %arg15[%swap3A_2133] {strides = array<i32>} : memref<1024xf32, #tpu.memory_space<vmem>>, vector<16xf32>,
          tpu.vector_store %arg15[%swap3A_2133], %gather3A_2095 {add = true, strides = array<i32>} : memref<1024xf32, #tpu.memory_space<vmem>>, vector<16xf32>,
          %mul3A_2135 = arith.constant 8 : i32
          %mul3A_2136 = arith.muli %scan3A_1812, %mul3A_2135 : i32
          %add3A_2137 = arith.constant 3 : i32
          %add3A_2138 = arith.addi %mul3A_2136, %add3A_2137 : i32
          %mul3A_2139 = arith.constant 16 : i32
          %mul3A_2140 = arith.muli %add3A_2138, %mul3A_2139 : i32
          %swap3A_2141 = arith.index_cast %mul3A_2140 : i32 to index
          %swap3A_2142 = tpu.vector_load %arg15[%swap3A_2141] {strides = array<i32>} : memref<1024xf32, #tpu.memory_space<vmem>>, vector<16xf32>,
          tpu.vector_store %arg15[%swap3A_2141], %gather3A_2098 {add = true, strides = array<i32>} : memref<1024xf32, #tpu.memory_space<vmem>>, vector<16xf32>,
          %mul3A_2143 = arith.constant 8 : i32
          %mul3A_2144 = arith.muli %scan3A_1812, %mul3A_2143 : i32
          %add3A_2145 = arith.constant 4 : i32
          %add3A_2146 = arith.addi %mul3A_2144, %add3A_2145 : i32
          %mul3A_2147 = arith.constant 16 : i32
          %mul3A_2148 = arith.muli %add3A_2146, %mul3A_2147 : i32
          %swap3A_2149 = arith.index_cast %mul3A_2148 : i32 to index
          %swap3A_2150 = tpu.vector_load %arg15[%swap3A_2149] {strides = array<i32>} : memref<1024xf32, #tpu.memory_space<vmem>>, vector<16xf32>,
          tpu.vector_store %arg15[%swap3A_2149], %gather3A_2101 {add = true, strides = array<i32>} : memref<1024xf32, #tpu.memory_space<vmem>>, vector<16xf32>,
          %mul3A_2151 = arith.constant 8 : i32
          %mul3A_2152 = arith.muli %scan3A_1812, %mul3A_2151 : i32
          %add3A_2153 = arith.constant 5 : i32
          %add3A_2154 = arith.addi %mul3A_2152, %add3A_2153 : i32
          %mul3A_2155 = arith.constant 16 : i32
          %mul3A_2156 = arith.muli %add3A_2154, %mul3A_2155 : i32
          %swap3A_2157 = arith.index_cast %mul3A_2156 : i32 to index
          %swap3A_2158 = tpu.vector_load %arg15[%swap3A_2157] {strides = array<i32>} : memref<1024xf32, #tpu.memory_space<vmem>>, vector<16xf32>,
          tpu.vector_store %arg15[%swap3A_2157], %gather3A_2104 {add = true, strides = array<i32>} : memref<1024xf32, #tpu.memory_space<vmem>>, vector<16xf32>,
          %mul3A_2159 = arith.constant 8 : i32
          %mul3A_2160 = arith.muli %scan3A_1812, %mul3A_2159 : i32
          %add3A_2161 = arith.constant 6 : i32
          %add3A_2162 = arith.addi %mul3A_2160, %add3A_2161 : i32
          %mul3A_2163 = arith.constant 16 : i32
          %mul3A_2164 = arith.muli %add3A_2162, %mul3A_2163 : i32
          %swap3A_2165 = arith.index_cast %mul3A_2164 : i32 to index
          %swap3A_2166 = tpu.vector_load %arg15[%swap3A_2165] {strides = array<i32>} : memref<1024xf32, #tpu.memory_space<vmem>>, vector<16xf32>,
          tpu.vector_store %arg15[%swap3A_2165], %gather3A_2107 {add = true, strides = array<i32>} : memref<1024xf32, #tpu.memory_space<vmem>>, vector<16xf32>,
          %mul3A_2167 = arith.constant 8 : i32
          %mul3A_2168 = arith.muli %scan3A_1812, %mul3A_2167 : i32
          %add3A_2169 = arith.constant 7 : i32
          %add3A_2170 = arith.addi %mul3A_2168, %add3A_2169 : i32
          %mul3A_2171 = arith.constant 16 : i32
          %mul3A_2172 = arith.muli %add3A_2170, %mul3A_2171 : i32
          %swap3A_2173 = arith.index_cast %mul3A_2172 : i32 to index
          %swap3A_2174 = tpu.vector_load %arg15[%swap3A_2173] {strides = array<i32>} : memref<1024xf32, #tpu.memory_space<vmem>>, vector<16xf32>,
          tpu.vector_store %arg15[%swap3A_2173], %gather3A_2110 {add = true, strides = array<i32>} : memref<1024xf32, #tpu.memory_space<vmem>>, vector<16xf32>,
        }
        %scan3A_1811 = arith.constant 8 : i32
      }
      %scan3A_1501 = arith.constant 32 : i32
      "tpu.region"() ({
        %run_scoped3A = tpu.sem_alloc : memref<!tpu.dma_semaphore, #tpu.memory_space<semaphore_mem>>
        %dma_start3A_1792 = tpu.memref_slice %arg6[%add3A_1231] : memref<524288xf32, #tpu.memory_space<hbm>> -> memref<1024xf32, #tpu.memory_space<hbm>>
        %dma_start3A_1793 = tpu.memref_slice %arg6[%add3A_1231] : memref<524288xf32, #tpu.memory_space<hbm>> -> memref<1024xf32, #tpu.memory_space<hbm>>
        tpu.enqueue_dma source(%arg15 : memref<1024xf32, #tpu.memory_space<vmem>>) target(%dma_start3A_1793 : memref<1024xf32, #tpu.memory_space<hbm>>) target_semaphore(%run_scoped3A : memref<!tpu.dma_semaphore, #tpu.memory_space<semaphore_mem>>)
        %dma_wait3A_1794 = tpu.memref_slice %arg6[%add3A_1231] : memref<524288xf32, #tpu.memory_space<hbm>> -> memref<1024xf32, #tpu.memory_space<hbm>>
        %dma_wait3A_1795 = tpu.memref_slice %arg6[%add3A_1231] : memref<524288xf32, #tpu.memory_space<hbm>> -> memref<1024xf32, #tpu.memory_space<hbm>>
        tpu.wait_dma2 semaphore(%run_scoped3A : memref<!tpu.dma_semaphore, #tpu.memory_space<semaphore_mem>>) src(%arg15 : memref<1024xf32, #tpu.memory_space<vmem>>) dst(%dma_wait3A_1795 : memref<1024xf32, #tpu.memory_space<hbm>>)
        tpu.yield
      }) : () -> ()
      %add3A_1502 = arith.constant 2 : i32
      %add3A_1503 = arith.addi %mul3A_1228, %add3A_1502 : i32
      %lt3A = arith.constant 16 : i32
      %lt3A_1504 = arith.cmpi slt, %add3A_1503, %lt3A : i32
      %convert_element_type3A_1505 = arith.extui %lt3A_1504 : i1 to i32
      %cond3A = arith.constant 0 : i32
      %cond3A_1506 = arith.cmpi ne, %convert_element_type3A_1505, %cond3A : i32
      scf.if %cond3A_1506 {
        %add3A_1792 = arith.constant 2 : i32
        %add3A_1793 = arith.addi %mul3A_1228, %add3A_1792 : i32
        %mul3A_1794 = arith.constant 1024 : i32
        %mul3A_1795 = arith.muli %add3A_1793, %mul3A_1794 : i32
        %add3A_1796 = arith.addi %mul3A_2, %mul3A_1795 : i32
        %add3A_1797 = arith.constant 0 : i32
        %add3A_1798 = arith.addi %add3A_1797, %add3A_1796 : i32
        %dma_start3A_1799 = arith.constant 0 : i32
        %dma_start3A_1800 = tpu.memref_slice %arg13[%dma_start3A_1799] : memref<32768xf32, #tpu.memory_space<vmem>> -> memref<1024xf32, #tpu.memory_space<vmem>>
        %dma_start3A_1801 = tpu.memref_slice %arg2[%add3A_1798] : memref<16777216xf32, #tpu.memory_space<hbm>> -> memref<1024xf32, #tpu.memory_space<hbm>>
        %dma_start3A_1802 = arith.constant 0 : i32
        %dma_start3A_1803 = tpu.memref_slice %arg13[%dma_start3A_1802] : memref<32768xf32, #tpu.memory_space<vmem>> -> memref<1024xf32, #tpu.memory_space<vmem>>
        %dma_start3A_1804 = tpu.memref_slice %arg2[%add3A_1798] : memref<16777216xf32, #tpu.memory_space<hbm>> -> memref<1024xf32, #tpu.memory_space<hbm>>
        tpu.enqueue_dma source(%dma_start3A_1804 : memref<1024xf32, #tpu.memory_space<hbm>>) target(%dma_start3A_1803 : memref<1024xf32, #tpu.memory_space<vmem>>) target_semaphore(%arg16 : memref<!tpu.dma_semaphore, #tpu.memory_space<semaphore_mem>>)
        %add3A_1805 = arith.constant 524288 : i32
        %add3A_1806 = arith.addi %add3A_1805, %add3A_1796 : i32
        %dma_start3A_1807 = arith.constant 1024 : i32
        %dma_start3A_1808 = tpu.memref_slice %arg13[%dma_start3A_1807] : memref<32768xf32, #tpu.memory_space<vmem>> -> memref<1024xf32, #tpu.memory_space<vmem>>
        %dma_start3A_1809 = tpu.memref_slice %arg2[%add3A_1806] : memref<16777216xf32, #tpu.memory_space<hbm>> -> memref<1024xf32, #tpu.memory_space<hbm>>
        %dma_start3A_1810 = arith.constant 1024 : i32
        %dma_start3A_1811 = tpu.memref_slice %arg13[%dma_start3A_1810] : memref<32768xf32, #tpu.memory_space<vmem>> -> memref<1024xf32, #tpu.memory_space<vmem>>
        %dma_start3A_1812 = tpu.memref_slice %arg2[%add3A_1806] : memref<16777216xf32, #tpu.memory_space<hbm>> -> memref<1024xf32, #tpu.memory_space<hbm>>
        tpu.enqueue_dma source(%dma_start3A_1812 : memref<1024xf32, #tpu.memory_space<hbm>>) target(%dma_start3A_1811 : memref<1024xf32, #tpu.memory_space<vmem>>) target_semaphore(%arg16 : memref<!tpu.dma_semaphore, #tpu.memory_space<semaphore_mem>>)
        %add3A_1813 = arith.constant 1048576 : i32
        %add3A_1814 = arith.addi %add3A_1813, %add3A_1796 : i32
        %dma_start3A_1815 = arith.constant 2048 : i32
        %dma_start3A_1816 = tpu.memref_slice %arg13[%dma_start3A_1815] : memref<32768xf32, #tpu.memory_space<vmem>> -> memref<1024xf32, #tpu.memory_space<vmem>>
        %dma_start3A_1817 = tpu.memref_slice %arg2[%add3A_1814] : memref<16777216xf32, #tpu.memory_space<hbm>> -> memref<1024xf32, #tpu.memory_space<hbm>>
        %dma_start3A_1818 = arith.constant 2048 : i32
        %dma_start3A_1819 = tpu.memref_slice %arg13[%dma_start3A_1818] : memref<32768xf32, #tpu.memory_space<vmem>> -> memref<1024xf32, #tpu.memory_space<vmem>>
        %dma_start3A_1820 = tpu.memref_slice %arg2[%add3A_1814] : memref<16777216xf32, #tpu.memory_space<hbm>> -> memref<1024xf32, #tpu.memory_space<hbm>>
        tpu.enqueue_dma source(%dma_start3A_1820 : memref<1024xf32, #tpu.memory_space<hbm>>) target(%dma_start3A_1819 : memref<1024xf32, #tpu.memory_space<vmem>>) target_semaphore(%arg16 : memref<!tpu.dma_semaphore, #tpu.memory_space<semaphore_mem>>)
        %add3A_1821 = arith.constant 1572864 : i32
        %add3A_1822 = arith.addi %add3A_1821, %add3A_1796 : i32
        %dma_start3A_1823 = arith.constant 3072 : i32
        %dma_start3A_1824 = tpu.memref_slice %arg13[%dma_start3A_1823] : memref<32768xf32, #tpu.memory_space<vmem>> -> memref<1024xf32, #tpu.memory_space<vmem>>
        %dma_start3A_1825 = tpu.memref_slice %arg2[%add3A_1822] : memref<16777216xf32, #tpu.memory_space<hbm>> -> memref<1024xf32, #tpu.memory_space<hbm>>
        %dma_start3A_1826 = arith.constant 3072 : i32
        %dma_start3A_1827 = tpu.memref_slice %arg13[%dma_start3A_1826] : memref<32768xf32, #tpu.memory_space<vmem>> -> memref<1024xf32, #tpu.memory_space<vmem>>
        %dma_start3A_1828 = tpu.memref_slice %arg2[%add3A_1822] : memref<16777216xf32, #tpu.memory_space<hbm>> -> memref<1024xf32, #tpu.memory_space<hbm>>
        tpu.enqueue_dma source(%dma_start3A_1828 : memref<1024xf32, #tpu.memory_space<hbm>>) target(%dma_start3A_1827 : memref<1024xf32, #tpu.memory_space<vmem>>) target_semaphore(%arg16 : memref<!tpu.dma_semaphore, #tpu.memory_space<semaphore_mem>>)
        %add3A_1829 = arith.constant 2097152 : i32
        %add3A_1830 = arith.addi %add3A_1829, %add3A_1796 : i32
        %dma_start3A_1831 = arith.constant 4096 : i32
        %dma_start3A_1832 = tpu.memref_slice %arg13[%dma_start3A_1831] : memref<32768xf32, #tpu.memory_space<vmem>> -> memref<1024xf32, #tpu.memory_space<vmem>>
        %dma_start3A_1833 = tpu.memref_slice %arg2[%add3A_1830] : memref<16777216xf32, #tpu.memory_space<hbm>> -> memref<1024xf32, #tpu.memory_space<hbm>>
        %dma_start3A_1834 = arith.constant 4096 : i32
        %dma_start3A_1835 = tpu.memref_slice %arg13[%dma_start3A_1834] : memref<32768xf32, #tpu.memory_space<vmem>> -> memref<1024xf32, #tpu.memory_space<vmem>>
        %dma_start3A_1836 = tpu.memref_slice %arg2[%add3A_1830] : memref<16777216xf32, #tpu.memory_space<hbm>> -> memref<1024xf32, #tpu.memory_space<hbm>>
        tpu.enqueue_dma source(%dma_start3A_1836 : memref<1024xf32, #tpu.memory_space<hbm>>) target(%dma_start3A_1835 : memref<1024xf32, #tpu.memory_space<vmem>>) target_semaphore(%arg16 : memref<!tpu.dma_semaphore, #tpu.memory_space<semaphore_mem>>)
        %add3A_1837 = arith.constant 2621440 : i32
        %add3A_1838 = arith.addi %add3A_1837, %add3A_1796 : i32
        %dma_start3A_1839 = arith.constant 5120 : i32
        %dma_start3A_1840 = tpu.memref_slice %arg13[%dma_start3A_1839] : memref<32768xf32, #tpu.memory_space<vmem>> -> memref<1024xf32, #tpu.memory_space<vmem>>
        %dma_start3A_1841 = tpu.memref_slice %arg2[%add3A_1838] : memref<16777216xf32, #tpu.memory_space<hbm>> -> memref<1024xf32, #tpu.memory_space<hbm>>
        %dma_start3A_1842 = arith.constant 5120 : i32
        %dma_start3A_1843 = tpu.memref_slice %arg13[%dma_start3A_1842] : memref<32768xf32, #tpu.memory_space<vmem>> -> memref<1024xf32, #tpu.memory_space<vmem>>
        %dma_start3A_1844 = tpu.memref_slice %arg2[%add3A_1838] : memref<16777216xf32, #tpu.memory_space<hbm>> -> memref<1024xf32, #tpu.memory_space<hbm>>
        tpu.enqueue_dma source(%dma_start3A_1844 : memref<1024xf32, #tpu.memory_space<hbm>>) target(%dma_start3A_1843 : memref<1024xf32, #tpu.memory_space<vmem>>) target_semaphore(%arg16 : memref<!tpu.dma_semaphore, #tpu.memory_space<semaphore_mem>>)
        %add3A_1845 = arith.constant 3145728 : i32
        %add3A_1846 = arith.addi %add3A_1845, %add3A_1796 : i32
        %dma_start3A_1847 = arith.constant 6144 : i32
        %dma_start3A_1848 = tpu.memref_slice %arg13[%dma_start3A_1847] : memref<32768xf32, #tpu.memory_space<vmem>> -> memref<1024xf32, #tpu.memory_space<vmem>>
        %dma_start3A_1849 = tpu.memref_slice %arg2[%add3A_1846] : memref<16777216xf32, #tpu.memory_space<hbm>> -> memref<1024xf32, #tpu.memory_space<hbm>>
        %dma_start3A_1850 = arith.constant 6144 : i32
        %dma_start3A_1851 = tpu.memref_slice %arg13[%dma_start3A_1850] : memref<32768xf32, #tpu.memory_space<vmem>> -> memref<1024xf32, #tpu.memory_space<vmem>>
        %dma_start3A_1852 = tpu.memref_slice %arg2[%add3A_1846] : memref<16777216xf32, #tpu.memory_space<hbm>> -> memref<1024xf32, #tpu.memory_space<hbm>>
        tpu.enqueue_dma source(%dma_start3A_1852 : memref<1024xf32, #tpu.memory_space<hbm>>) target(%dma_start3A_1851 : memref<1024xf32, #tpu.memory_space<vmem>>) target_semaphore(%arg16 : memref<!tpu.dma_semaphore, #tpu.memory_space<semaphore_mem>>)
        %add3A_1853 = arith.constant 3670016 : i32
        %add3A_1854 = arith.addi %add3A_1853, %add3A_1796 : i32
        %dma_start3A_1855 = arith.constant 7168 : i32
        %dma_start3A_1856 = tpu.memref_slice %arg13[%dma_start3A_1855] : memref<32768xf32, #tpu.memory_space<vmem>> -> memref<1024xf32, #tpu.memory_space<vmem>>
        %dma_start3A_1857 = tpu.memref_slice %arg2[%add3A_1854] : memref<16777216xf32, #tpu.memory_space<hbm>> -> memref<1024xf32, #tpu.memory_space<hbm>>
        %dma_start3A_1858 = arith.constant 7168 : i32
        %dma_start3A_1859 = tpu.memref_slice %arg13[%dma_start3A_1858] : memref<32768xf32, #tpu.memory_space<vmem>> -> memref<1024xf32, #tpu.memory_space<vmem>>
        %dma_start3A_1860 = tpu.memref_slice %arg2[%add3A_1854] : memref<16777216xf32, #tpu.memory_space<hbm>> -> memref<1024xf32, #tpu.memory_space<hbm>>
        tpu.enqueue_dma source(%dma_start3A_1860 : memref<1024xf32, #tpu.memory_space<hbm>>) target(%dma_start3A_1859 : memref<1024xf32, #tpu.memory_space<vmem>>) target_semaphore(%arg16 : memref<!tpu.dma_semaphore, #tpu.memory_space<semaphore_mem>>)
        %add3A_1861 = arith.constant 4194304 : i32
        %add3A_1862 = arith.addi %add3A_1861, %add3A_1796 : i32
        %dma_start3A_1863 = arith.constant 8192 : i32
        %dma_start3A_1864 = tpu.memref_slice %arg13[%dma_start3A_1863] : memref<32768xf32, #tpu.memory_space<vmem>> -> memref<1024xf32, #tpu.memory_space<vmem>>
        %dma_start3A_1865 = tpu.memref_slice %arg2[%add3A_1862] : memref<16777216xf32, #tpu.memory_space<hbm>> -> memref<1024xf32, #tpu.memory_space<hbm>>
        %dma_start3A_1866 = arith.constant 8192 : i32
        %dma_start3A_1867 = tpu.memref_slice %arg13[%dma_start3A_1866] : memref<32768xf32, #tpu.memory_space<vmem>> -> memref<1024xf32, #tpu.memory_space<vmem>>
        %dma_start3A_1868 = tpu.memref_slice %arg2[%add3A_1862] : memref<16777216xf32, #tpu.memory_space<hbm>> -> memref<1024xf32, #tpu.memory_space<hbm>>
        tpu.enqueue_dma source(%dma_start3A_1868 : memref<1024xf32, #tpu.memory_space<hbm>>) target(%dma_start3A_1867 : memref<1024xf32, #tpu.memory_space<vmem>>) target_semaphore(%arg16 : memref<!tpu.dma_semaphore, #tpu.memory_space<semaphore_mem>>)
        %add3A_1869 = arith.constant 4718592 : i32
        %add3A_1870 = arith.addi %add3A_1869, %add3A_1796 : i32
        %dma_start3A_1871 = arith.constant 9216 : i32
        %dma_start3A_1872 = tpu.memref_slice %arg13[%dma_start3A_1871] : memref<32768xf32, #tpu.memory_space<vmem>> -> memref<1024xf32, #tpu.memory_space<vmem>>
        %dma_start3A_1873 = tpu.memref_slice %arg2[%add3A_1870] : memref<16777216xf32, #tpu.memory_space<hbm>> -> memref<1024xf32, #tpu.memory_space<hbm>>
        %dma_start3A_1874 = arith.constant 9216 : i32
        %dma_start3A_1875 = tpu.memref_slice %arg13[%dma_start3A_1874] : memref<32768xf32, #tpu.memory_space<vmem>> -> memref<1024xf32, #tpu.memory_space<vmem>>
        %dma_start3A_1876 = tpu.memref_slice %arg2[%add3A_1870] : memref<16777216xf32, #tpu.memory_space<hbm>> -> memref<1024xf32, #tpu.memory_space<hbm>>
        tpu.enqueue_dma source(%dma_start3A_1876 : memref<1024xf32, #tpu.memory_space<hbm>>) target(%dma_start3A_1875 : memref<1024xf32, #tpu.memory_space<vmem>>) target_semaphore(%arg16 : memref<!tpu.dma_semaphore, #tpu.memory_space<semaphore_mem>>)
        %add3A_1877 = arith.constant 5242880 : i32
        %add3A_1878 = arith.addi %add3A_1877, %add3A_1796 : i32
        %dma_start3A_1879 = arith.constant 10240 : i32
        %dma_start3A_1880 = tpu.memref_slice %arg13[%dma_start3A_1879] : memref<32768xf32, #tpu.memory_space<vmem>> -> memref<1024xf32, #tpu.memory_space<vmem>>
        %dma_start3A_1881 = tpu.memref_slice %arg2[%add3A_1878] : memref<16777216xf32, #tpu.memory_space<hbm>> -> memref<1024xf32, #tpu.memory_space<hbm>>
        %dma_start3A_1882 = arith.constant 10240 : i32
        %dma_start3A_1883 = tpu.memref_slice %arg13[%dma_start3A_1882] : memref<32768xf32, #tpu.memory_space<vmem>> -> memref<1024xf32, #tpu.memory_space<vmem>>
        %dma_start3A_1884 = tpu.memref_slice %arg2[%add3A_1878] : memref<16777216xf32, #tpu.memory_space<hbm>> -> memref<1024xf32, #tpu.memory_space<hbm>>
        tpu.enqueue_dma source(%dma_start3A_1884 : memref<1024xf32, #tpu.memory_space<hbm>>) target(%dma_start3A_1883 : memref<1024xf32, #tpu.memory_space<vmem>>) target_semaphore(%arg16 : memref<!tpu.dma_semaphore, #tpu.memory_space<semaphore_mem>>)
        %add3A_1885 = arith.constant 5767168 : i32
        %add3A_1886 = arith.addi %add3A_1885, %add3A_1796 : i32
        %dma_start3A_1887 = arith.constant 11264 : i32
        %dma_start3A_1888 = tpu.memref_slice %arg13[%dma_start3A_1887] : memref<32768xf32, #tpu.memory_space<vmem>> -> memref<1024xf32, #tpu.memory_space<vmem>>
        %dma_start3A_1889 = tpu.memref_slice %arg2[%add3A_1886] : memref<16777216xf32, #tpu.memory_space<hbm>> -> memref<1024xf32, #tpu.memory_space<hbm>>
        %dma_start3A_1890 = arith.constant 11264 : i32
        %dma_start3A_1891 = tpu.memref_slice %arg13[%dma_start3A_1890] : memref<32768xf32, #tpu.memory_space<vmem>> -> memref<1024xf32, #tpu.memory_space<vmem>>
        %dma_start3A_1892 = tpu.memref_slice %arg2[%add3A_1886] : memref<16777216xf32, #tpu.memory_space<hbm>> -> memref<1024xf32, #tpu.memory_space<hbm>>
        tpu.enqueue_dma source(%dma_start3A_1892 : memref<1024xf32, #tpu.memory_space<hbm>>) target(%dma_start3A_1891 : memref<1024xf32, #tpu.memory_space<vmem>>) target_semaphore(%arg16 : memref<!tpu.dma_semaphore, #tpu.memory_space<semaphore_mem>>)
        %add3A_1893 = arith.constant 6291456 : i32
        %add3A_1894 = arith.addi %add3A_1893, %add3A_1796 : i32
        %dma_start3A_1895 = arith.constant 12288 : i32
        %dma_start3A_1896 = tpu.memref_slice %arg13[%dma_start3A_1895] : memref<32768xf32, #tpu.memory_space<vmem>> -> memref<1024xf32, #tpu.memory_space<vmem>>
        %dma_start3A_1897 = tpu.memref_slice %arg2[%add3A_1894] : memref<16777216xf32, #tpu.memory_space<hbm>> -> memref<1024xf32, #tpu.memory_space<hbm>>
        %dma_start3A_1898 = arith.constant 12288 : i32
        %dma_start3A_1899 = tpu.memref_slice %arg13[%dma_start3A_1898] : memref<32768xf32, #tpu.memory_space<vmem>> -> memref<1024xf32, #tpu.memory_space<vmem>>
        %dma_start3A_1900 = tpu.memref_slice %arg2[%add3A_1894] : memref<16777216xf32, #tpu.memory_space<hbm>> -> memref<1024xf32, #tpu.memory_space<hbm>>
        tpu.enqueue_dma source(%dma_start3A_1900 : memref<1024xf32, #tpu.memory_space<hbm>>) target(%dma_start3A_1899 : memref<1024xf32, #tpu.memory_space<vmem>>) target_semaphore(%arg16 : memref<!tpu.dma_semaphore, #tpu.memory_space<semaphore_mem>>)
        %add3A_1901 = arith.constant 6815744 : i32
        %add3A_1902 = arith.addi %add3A_1901, %add3A_1796 : i32
        %dma_start3A_1903 = arith.constant 13312 : i32
        %dma_start3A_1904 = tpu.memref_slice %arg13[%dma_start3A_1903] : memref<32768xf32, #tpu.memory_space<vmem>> -> memref<1024xf32, #tpu.memory_space<vmem>>
        %dma_start3A_1905 = tpu.memref_slice %arg2[%add3A_1902] : memref<16777216xf32, #tpu.memory_space<hbm>> -> memref<1024xf32, #tpu.memory_space<hbm>>
        %dma_start3A_1906 = arith.constant 13312 : i32
        %dma_start3A_1907 = tpu.memref_slice %arg13[%dma_start3A_1906] : memref<32768xf32, #tpu.memory_space<vmem>> -> memref<1024xf32, #tpu.memory_space<vmem>>
        %dma_start3A_1908 = tpu.memref_slice %arg2[%add3A_1902] : memref<16777216xf32, #tpu.memory_space<hbm>> -> memref<1024xf32, #tpu.memory_space<hbm>>
        tpu.enqueue_dma source(%dma_start3A_1908 : memref<1024xf32, #tpu.memory_space<hbm>>) target(%dma_start3A_1907 : memref<1024xf32, #tpu.memory_space<vmem>>) target_semaphore(%arg16 : memref<!tpu.dma_semaphore, #tpu.memory_space<semaphore_mem>>)
        %add3A_1909 = arith.constant 7340032 : i32
        %add3A_1910 = arith.addi %add3A_1909, %add3A_1796 : i32
        %dma_start3A_1911 = arith.constant 14336 : i32
        %dma_start3A_1912 = tpu.memref_slice %arg13[%dma_start3A_1911] : memref<32768xf32, #tpu.memory_space<vmem>> -> memref<1024xf32, #tpu.memory_space<vmem>>
        %dma_start3A_1913 = tpu.memref_slice %arg2[%add3A_1910] : memref<16777216xf32, #tpu.memory_space<hbm>> -> memref<1024xf32, #tpu.memory_space<hbm>>
        %dma_start3A_1914 = arith.constant 14336 : i32
        %dma_start3A_1915 = tpu.memref_slice %arg13[%dma_start3A_1914] : memref<32768xf32, #tpu.memory_space<vmem>> -> memref<1024xf32, #tpu.memory_space<vmem>>
        %dma_start3A_1916 = tpu.memref_slice %arg2[%add3A_1910] : memref<16777216xf32, #tpu.memory_space<hbm>> -> memref<1024xf32, #tpu.memory_space<hbm>>
        tpu.enqueue_dma source(%dma_start3A_1916 : memref<1024xf32, #tpu.memory_space<hbm>>) target(%dma_start3A_1915 : memref<1024xf32, #tpu.memory_space<vmem>>) target_semaphore(%arg16 : memref<!tpu.dma_semaphore, #tpu.memory_space<semaphore_mem>>)
        %add3A_1917 = arith.constant 7864320 : i32
        %add3A_1918 = arith.addi %add3A_1917, %add3A_1796 : i32
        %dma_start3A_1919 = arith.constant 15360 : i32
        %dma_start3A_1920 = tpu.memref_slice %arg13[%dma_start3A_1919] : memref<32768xf32, #tpu.memory_space<vmem>> -> memref<1024xf32, #tpu.memory_space<vmem>>
        %dma_start3A_1921 = tpu.memref_slice %arg2[%add3A_1918] : memref<16777216xf32, #tpu.memory_space<hbm>> -> memref<1024xf32, #tpu.memory_space<hbm>>
        %dma_start3A_1922 = arith.constant 15360 : i32
        %dma_start3A_1923 = tpu.memref_slice %arg13[%dma_start3A_1922] : memref<32768xf32, #tpu.memory_space<vmem>> -> memref<1024xf32, #tpu.memory_space<vmem>>
        %dma_start3A_1924 = tpu.memref_slice %arg2[%add3A_1918] : memref<16777216xf32, #tpu.memory_space<hbm>> -> memref<1024xf32, #tpu.memory_space<hbm>>
        tpu.enqueue_dma source(%dma_start3A_1924 : memref<1024xf32, #tpu.memory_space<hbm>>) target(%dma_start3A_1923 : memref<1024xf32, #tpu.memory_space<vmem>>) target_semaphore(%arg16 : memref<!tpu.dma_semaphore, #tpu.memory_space<semaphore_mem>>)
        %add3A_1925 = arith.constant 8388608 : i32
        %add3A_1926 = arith.addi %add3A_1925, %add3A_1796 : i32
        %dma_start3A_1927 = arith.constant 16384 : i32
        %dma_start3A_1928 = tpu.memref_slice %arg13[%dma_start3A_1927] : memref<32768xf32, #tpu.memory_space<vmem>> -> memref<1024xf32, #tpu.memory_space<vmem>>
        %dma_start3A_1929 = tpu.memref_slice %arg2[%add3A_1926] : memref<16777216xf32, #tpu.memory_space<hbm>> -> memref<1024xf32, #tpu.memory_space<hbm>>
        %dma_start3A_1930 = arith.constant 16384 : i32
        %dma_start3A_1931 = tpu.memref_slice %arg13[%dma_start3A_1930] : memref<32768xf32, #tpu.memory_space<vmem>> -> memref<1024xf32, #tpu.memory_space<vmem>>
        %dma_start3A_1932 = tpu.memref_slice %arg2[%add3A_1926] : memref<16777216xf32, #tpu.memory_space<hbm>> -> memref<1024xf32, #tpu.memory_space<hbm>>
        tpu.enqueue_dma source(%dma_start3A_1932 : memref<1024xf32, #tpu.memory_space<hbm>>) target(%dma_start3A_1931 : memref<1024xf32, #tpu.memory_space<vmem>>) target_semaphore(%arg16 : memref<!tpu.dma_semaphore, #tpu.memory_space<semaphore_mem>>)
        %add3A_1933 = arith.constant 8912896 : i32
        %add3A_1934 = arith.addi %add3A_1933, %add3A_1796 : i32
        %dma_start3A_1935 = arith.constant 17408 : i32
        %dma_start3A_1936 = tpu.memref_slice %arg13[%dma_start3A_1935] : memref<32768xf32, #tpu.memory_space<vmem>> -> memref<1024xf32, #tpu.memory_space<vmem>>
        %dma_start3A_1937 = tpu.memref_slice %arg2[%add3A_1934] : memref<16777216xf32, #tpu.memory_space<hbm>> -> memref<1024xf32, #tpu.memory_space<hbm>>
        %dma_start3A_1938 = arith.constant 17408 : i32
        %dma_start3A_1939 = tpu.memref_slice %arg13[%dma_start3A_1938] : memref<32768xf32, #tpu.memory_space<vmem>> -> memref<1024xf32, #tpu.memory_space<vmem>>
        %dma_start3A_1940 = tpu.memref_slice %arg2[%add3A_1934] : memref<16777216xf32, #tpu.memory_space<hbm>> -> memref<1024xf32, #tpu.memory_space<hbm>>
        tpu.enqueue_dma source(%dma_start3A_1940 : memref<1024xf32, #tpu.memory_space<hbm>>) target(%dma_start3A_1939 : memref<1024xf32, #tpu.memory_space<vmem>>) target_semaphore(%arg16 : memref<!tpu.dma_semaphore, #tpu.memory_space<semaphore_mem>>)
        %add3A_1941 = arith.constant 9437184 : i32
        %add3A_1942 = arith.addi %add3A_1941, %add3A_1796 : i32
        %dma_start3A_1943 = arith.constant 18432 : i32
        %dma_start3A_1944 = tpu.memref_slice %arg13[%dma_start3A_1943] : memref<32768xf32, #tpu.memory_space<vmem>> -> memref<1024xf32, #tpu.memory_space<vmem>>
        %dma_start3A_1945 = tpu.memref_slice %arg2[%add3A_1942] : memref<16777216xf32, #tpu.memory_space<hbm>> -> memref<1024xf32, #tpu.memory_space<hbm>>
        %dma_start3A_1946 = arith.constant 18432 : i32
        %dma_start3A_1947 = tpu.memref_slice %arg13[%dma_start3A_1946] : memref<32768xf32, #tpu.memory_space<vmem>> -> memref<1024xf32, #tpu.memory_space<vmem>>
        %dma_start3A_1948 = tpu.memref_slice %arg2[%add3A_1942] : memref<16777216xf32, #tpu.memory_space<hbm>> -> memref<1024xf32, #tpu.memory_space<hbm>>
        tpu.enqueue_dma source(%dma_start3A_1948 : memref<1024xf32, #tpu.memory_space<hbm>>) target(%dma_start3A_1947 : memref<1024xf32, #tpu.memory_space<vmem>>) target_semaphore(%arg16 : memref<!tpu.dma_semaphore, #tpu.memory_space<semaphore_mem>>)
        %add3A_1949 = arith.constant 9961472 : i32
        %add3A_1950 = arith.addi %add3A_1949, %add3A_1796 : i32
        %dma_start3A_1951 = arith.constant 19456 : i32
        %dma_start3A_1952 = tpu.memref_slice %arg13[%dma_start3A_1951] : memref<32768xf32, #tpu.memory_space<vmem>> -> memref<1024xf32, #tpu.memory_space<vmem>>
        %dma_start3A_1953 = tpu.memref_slice %arg2[%add3A_1950] : memref<16777216xf32, #tpu.memory_space<hbm>> -> memref<1024xf32, #tpu.memory_space<hbm>>
        %dma_start3A_1954 = arith.constant 19456 : i32
        %dma_start3A_1955 = tpu.memref_slice %arg13[%dma_start3A_1954] : memref<32768xf32, #tpu.memory_space<vmem>> -> memref<1024xf32, #tpu.memory_space<vmem>>
        %dma_start3A_1956 = tpu.memref_slice %arg2[%add3A_1950] : memref<16777216xf32, #tpu.memory_space<hbm>> -> memref<1024xf32, #tpu.memory_space<hbm>>
        tpu.enqueue_dma source(%dma_start3A_1956 : memref<1024xf32, #tpu.memory_space<hbm>>) target(%dma_start3A_1955 : memref<1024xf32, #tpu.memory_space<vmem>>) target_semaphore(%arg16 : memref<!tpu.dma_semaphore, #tpu.memory_space<semaphore_mem>>)
        %add3A_1957 = arith.constant 10485760 : i32
        %add3A_1958 = arith.addi %add3A_1957, %add3A_1796 : i32
        %dma_start3A_1959 = arith.constant 20480 : i32
        %dma_start3A_1960 = tpu.memref_slice %arg13[%dma_start3A_1959] : memref<32768xf32, #tpu.memory_space<vmem>> -> memref<1024xf32, #tpu.memory_space<vmem>>
        %dma_start3A_1961 = tpu.memref_slice %arg2[%add3A_1958] : memref<16777216xf32, #tpu.memory_space<hbm>> -> memref<1024xf32, #tpu.memory_space<hbm>>
        %dma_start3A_1962 = arith.constant 20480 : i32
        %dma_start3A_1963 = tpu.memref_slice %arg13[%dma_start3A_1962] : memref<32768xf32, #tpu.memory_space<vmem>> -> memref<1024xf32, #tpu.memory_space<vmem>>
        %dma_start3A_1964 = tpu.memref_slice %arg2[%add3A_1958] : memref<16777216xf32, #tpu.memory_space<hbm>> -> memref<1024xf32, #tpu.memory_space<hbm>>
        tpu.enqueue_dma source(%dma_start3A_1964 : memref<1024xf32, #tpu.memory_space<hbm>>) target(%dma_start3A_1963 : memref<1024xf32, #tpu.memory_space<vmem>>) target_semaphore(%arg16 : memref<!tpu.dma_semaphore, #tpu.memory_space<semaphore_mem>>)
        %add3A_1965 = arith.constant 11010048 : i32
        %add3A_1966 = arith.addi %add3A_1965, %add3A_1796 : i32
        %dma_start3A_1967 = arith.constant 21504 : i32
        %dma_start3A_1968 = tpu.memref_slice %arg13[%dma_start3A_1967] : memref<32768xf32, #tpu.memory_space<vmem>> -> memref<1024xf32, #tpu.memory_space<vmem>>
        %dma_start3A_1969 = tpu.memref_slice %arg2[%add3A_1966] : memref<16777216xf32, #tpu.memory_space<hbm>> -> memref<1024xf32, #tpu.memory_space<hbm>>
        %dma_start3A_1970 = arith.constant 21504 : i32
        %dma_start3A_1971 = tpu.memref_slice %arg13[%dma_start3A_1970] : memref<32768xf32, #tpu.memory_space<vmem>> -> memref<1024xf32, #tpu.memory_space<vmem>>
        %dma_start3A_1972 = tpu.memref_slice %arg2[%add3A_1966] : memref<16777216xf32, #tpu.memory_space<hbm>> -> memref<1024xf32, #tpu.memory_space<hbm>>
        tpu.enqueue_dma source(%dma_start3A_1972 : memref<1024xf32, #tpu.memory_space<hbm>>) target(%dma_start3A_1971 : memref<1024xf32, #tpu.memory_space<vmem>>) target_semaphore(%arg16 : memref<!tpu.dma_semaphore, #tpu.memory_space<semaphore_mem>>)
        %add3A_1973 = arith.constant 11534336 : i32
        %add3A_1974 = arith.addi %add3A_1973, %add3A_1796 : i32
        %dma_start3A_1975 = arith.constant 22528 : i32
        %dma_start3A_1976 = tpu.memref_slice %arg13[%dma_start3A_1975] : memref<32768xf32, #tpu.memory_space<vmem>> -> memref<1024xf32, #tpu.memory_space<vmem>>
        %dma_start3A_1977 = tpu.memref_slice %arg2[%add3A_1974] : memref<16777216xf32, #tpu.memory_space<hbm>> -> memref<1024xf32, #tpu.memory_space<hbm>>
        %dma_start3A_1978 = arith.constant 22528 : i32
        %dma_start3A_1979 = tpu.memref_slice %arg13[%dma_start3A_1978] : memref<32768xf32, #tpu.memory_space<vmem>> -> memref<1024xf32, #tpu.memory_space<vmem>>
        %dma_start3A_1980 = tpu.memref_slice %arg2[%add3A_1974] : memref<16777216xf32, #tpu.memory_space<hbm>> -> memref<1024xf32, #tpu.memory_space<hbm>>
        tpu.enqueue_dma source(%dma_start3A_1980 : memref<1024xf32, #tpu.memory_space<hbm>>) target(%dma_start3A_1979 : memref<1024xf32, #tpu.memory_space<vmem>>) target_semaphore(%arg16 : memref<!tpu.dma_semaphore, #tpu.memory_space<semaphore_mem>>)
        %add3A_1981 = arith.constant 12058624 : i32
        %add3A_1982 = arith.addi %add3A_1981, %add3A_1796 : i32
        %dma_start3A_1983 = arith.constant 23552 : i32
        %dma_start3A_1984 = tpu.memref_slice %arg13[%dma_start3A_1983] : memref<32768xf32, #tpu.memory_space<vmem>> -> memref<1024xf32, #tpu.memory_space<vmem>>
        %dma_start3A_1985 = tpu.memref_slice %arg2[%add3A_1982] : memref<16777216xf32, #tpu.memory_space<hbm>> -> memref<1024xf32, #tpu.memory_space<hbm>>
        %dma_start3A_1986 = arith.constant 23552 : i32
        %dma_start3A_1987 = tpu.memref_slice %arg13[%dma_start3A_1986] : memref<32768xf32, #tpu.memory_space<vmem>> -> memref<1024xf32, #tpu.memory_space<vmem>>
        %dma_start3A_1988 = tpu.memref_slice %arg2[%add3A_1982] : memref<16777216xf32, #tpu.memory_space<hbm>> -> memref<1024xf32, #tpu.memory_space<hbm>>
        tpu.enqueue_dma source(%dma_start3A_1988 : memref<1024xf32, #tpu.memory_space<hbm>>) target(%dma_start3A_1987 : memref<1024xf32, #tpu.memory_space<vmem>>) target_semaphore(%arg16 : memref<!tpu.dma_semaphore, #tpu.memory_space<semaphore_mem>>)
        %add3A_1989 = arith.constant 12582912 : i32
        %add3A_1990 = arith.addi %add3A_1989, %add3A_1796 : i32
        %dma_start3A_1991 = arith.constant 24576 : i32
        %dma_start3A_1992 = tpu.memref_slice %arg13[%dma_start3A_1991] : memref<32768xf32, #tpu.memory_space<vmem>> -> memref<1024xf32, #tpu.memory_space<vmem>>
        %dma_start3A_1993 = tpu.memref_slice %arg2[%add3A_1990] : memref<16777216xf32, #tpu.memory_space<hbm>> -> memref<1024xf32, #tpu.memory_space<hbm>>
        %dma_start3A_1994 = arith.constant 24576 : i32
        %dma_start3A_1995 = tpu.memref_slice %arg13[%dma_start3A_1994] : memref<32768xf32, #tpu.memory_space<vmem>> -> memref<1024xf32, #tpu.memory_space<vmem>>
        %dma_start3A_1996 = tpu.memref_slice %arg2[%add3A_1990] : memref<16777216xf32, #tpu.memory_space<hbm>> -> memref<1024xf32, #tpu.memory_space<hbm>>
        tpu.enqueue_dma source(%dma_start3A_1996 : memref<1024xf32, #tpu.memory_space<hbm>>) target(%dma_start3A_1995 : memref<1024xf32, #tpu.memory_space<vmem>>) target_semaphore(%arg16 : memref<!tpu.dma_semaphore, #tpu.memory_space<semaphore_mem>>)
        %add3A_1997 = arith.constant 13107200 : i32
        %add3A_1998 = arith.addi %add3A_1997, %add3A_1796 : i32
        %dma_start3A_1999 = arith.constant 25600 : i32
        %dma_start3A_2000 = tpu.memref_slice %arg13[%dma_start3A_1999] : memref<32768xf32, #tpu.memory_space<vmem>> -> memref<1024xf32, #tpu.memory_space<vmem>>
        %dma_start3A_2001 = tpu.memref_slice %arg2[%add3A_1998] : memref<16777216xf32, #tpu.memory_space<hbm>> -> memref<1024xf32, #tpu.memory_space<hbm>>
        %dma_start3A_2002 = arith.constant 25600 : i32
        %dma_start3A_2003 = tpu.memref_slice %arg13[%dma_start3A_2002] : memref<32768xf32, #tpu.memory_space<vmem>> -> memref<1024xf32, #tpu.memory_space<vmem>>
        %dma_start3A_2004 = tpu.memref_slice %arg2[%add3A_1998] : memref<16777216xf32, #tpu.memory_space<hbm>> -> memref<1024xf32, #tpu.memory_space<hbm>>
        tpu.enqueue_dma source(%dma_start3A_2004 : memref<1024xf32, #tpu.memory_space<hbm>>) target(%dma_start3A_2003 : memref<1024xf32, #tpu.memory_space<vmem>>) target_semaphore(%arg16 : memref<!tpu.dma_semaphore, #tpu.memory_space<semaphore_mem>>)
        %add3A_2005 = arith.constant 13631488 : i32
        %add3A_2006 = arith.addi %add3A_2005, %add3A_1796 : i32
        %dma_start3A_2007 = arith.constant 26624 : i32
        %dma_start3A_2008 = tpu.memref_slice %arg13[%dma_start3A_2007] : memref<32768xf32, #tpu.memory_space<vmem>> -> memref<1024xf32, #tpu.memory_space<vmem>>
        %dma_start3A_2009 = tpu.memref_slice %arg2[%add3A_2006] : memref<16777216xf32, #tpu.memory_space<hbm>> -> memref<1024xf32, #tpu.memory_space<hbm>>
        %dma_start3A_2010 = arith.constant 26624 : i32
        %dma_start3A_2011 = tpu.memref_slice %arg13[%dma_start3A_2010] : memref<32768xf32, #tpu.memory_space<vmem>> -> memref<1024xf32, #tpu.memory_space<vmem>>
        %dma_start3A_2012 = tpu.memref_slice %arg2[%add3A_2006] : memref<16777216xf32, #tpu.memory_space<hbm>> -> memref<1024xf32, #tpu.memory_space<hbm>>
        tpu.enqueue_dma source(%dma_start3A_2012 : memref<1024xf32, #tpu.memory_space<hbm>>) target(%dma_start3A_2011 : memref<1024xf32, #tpu.memory_space<vmem>>) target_semaphore(%arg16 : memref<!tpu.dma_semaphore, #tpu.memory_space<semaphore_mem>>)
        %add3A_2013 = arith.constant 14155776 : i32
        %add3A_2014 = arith.addi %add3A_2013, %add3A_1796 : i32
        %dma_start3A_2015 = arith.constant 27648 : i32
        %dma_start3A_2016 = tpu.memref_slice %arg13[%dma_start3A_2015] : memref<32768xf32, #tpu.memory_space<vmem>> -> memref<1024xf32, #tpu.memory_space<vmem>>
        %dma_start3A_2017 = tpu.memref_slice %arg2[%add3A_2014] : memref<16777216xf32, #tpu.memory_space<hbm>> -> memref<1024xf32, #tpu.memory_space<hbm>>
        %dma_start3A_2018 = arith.constant 27648 : i32
        %dma_start3A_2019 = tpu.memref_slice %arg13[%dma_start3A_2018] : memref<32768xf32, #tpu.memory_space<vmem>> -> memref<1024xf32, #tpu.memory_space<vmem>>
        %dma_start3A_2020 = tpu.memref_slice %arg2[%add3A_2014] : memref<16777216xf32, #tpu.memory_space<hbm>> -> memref<1024xf32, #tpu.memory_space<hbm>>
        tpu.enqueue_dma source(%dma_start3A_2020 : memref<1024xf32, #tpu.memory_space<hbm>>) target(%dma_start3A_2019 : memref<1024xf32, #tpu.memory_space<vmem>>) target_semaphore(%arg16 : memref<!tpu.dma_semaphore, #tpu.memory_space<semaphore_mem>>)
        %add3A_2021 = arith.constant 14680064 : i32
        %add3A_2022 = arith.addi %add3A_2021, %add3A_1796 : i32
        %dma_start3A_2023 = arith.constant 28672 : i32
        %dma_start3A_2024 = tpu.memref_slice %arg13[%dma_start3A_2023] : memref<32768xf32, #tpu.memory_space<vmem>> -> memref<1024xf32, #tpu.memory_space<vmem>>
        %dma_start3A_2025 = tpu.memref_slice %arg2[%add3A_2022] : memref<16777216xf32, #tpu.memory_space<hbm>> -> memref<1024xf32, #tpu.memory_space<hbm>>
        %dma_start3A_2026 = arith.constant 28672 : i32
        %dma_start3A_2027 = tpu.memref_slice %arg13[%dma_start3A_2026] : memref<32768xf32, #tpu.memory_space<vmem>> -> memref<1024xf32, #tpu.memory_space<vmem>>
        %dma_start3A_2028 = tpu.memref_slice %arg2[%add3A_2022] : memref<16777216xf32, #tpu.memory_space<hbm>> -> memref<1024xf32, #tpu.memory_space<hbm>>
        tpu.enqueue_dma source(%dma_start3A_2028 : memref<1024xf32, #tpu.memory_space<hbm>>) target(%dma_start3A_2027 : memref<1024xf32, #tpu.memory_space<vmem>>) target_semaphore(%arg16 : memref<!tpu.dma_semaphore, #tpu.memory_space<semaphore_mem>>)
        %add3A_2029 = arith.constant 15204352 : i32
        %add3A_2030 = arith.addi %add3A_2029, %add3A_1796 : i32
        %dma_start3A_2031 = arith.constant 29696 : i32
        %dma_start3A_2032 = tpu.memref_slice %arg13[%dma_start3A_2031] : memref<32768xf32, #tpu.memory_space<vmem>> -> memref<1024xf32, #tpu.memory_space<vmem>>
        %dma_start3A_2033 = tpu.memref_slice %arg2[%add3A_2030] : memref<16777216xf32, #tpu.memory_space<hbm>> -> memref<1024xf32, #tpu.memory_space<hbm>>
        %dma_start3A_2034 = arith.constant 29696 : i32
        %dma_start3A_2035 = tpu.memref_slice %arg13[%dma_start3A_2034] : memref<32768xf32, #tpu.memory_space<vmem>> -> memref<1024xf32, #tpu.memory_space<vmem>>
        %dma_start3A_2036 = tpu.memref_slice %arg2[%add3A_2030] : memref<16777216xf32, #tpu.memory_space<hbm>> -> memref<1024xf32, #tpu.memory_space<hbm>>
        tpu.enqueue_dma source(%dma_start3A_2036 : memref<1024xf32, #tpu.memory_space<hbm>>) target(%dma_start3A_2035 : memref<1024xf32, #tpu.memory_space<vmem>>) target_semaphore(%arg16 : memref<!tpu.dma_semaphore, #tpu.memory_space<semaphore_mem>>)
        %add3A_2037 = arith.constant 15728640 : i32
        %add3A_2038 = arith.addi %add3A_2037, %add3A_1796 : i32
        %dma_start3A_2039 = arith.constant 30720 : i32
        %dma_start3A_2040 = tpu.memref_slice %arg13[%dma_start3A_2039] : memref<32768xf32, #tpu.memory_space<vmem>> -> memref<1024xf32, #tpu.memory_space<vmem>>
        %dma_start3A_2041 = tpu.memref_slice %arg2[%add3A_2038] : memref<16777216xf32, #tpu.memory_space<hbm>> -> memref<1024xf32, #tpu.memory_space<hbm>>
        %dma_start3A_2042 = arith.constant 30720 : i32
        %dma_start3A_2043 = tpu.memref_slice %arg13[%dma_start3A_2042] : memref<32768xf32, #tpu.memory_space<vmem>> -> memref<1024xf32, #tpu.memory_space<vmem>>
        %dma_start3A_2044 = tpu.memref_slice %arg2[%add3A_2038] : memref<16777216xf32, #tpu.memory_space<hbm>> -> memref<1024xf32, #tpu.memory_space<hbm>>
        tpu.enqueue_dma source(%dma_start3A_2044 : memref<1024xf32, #tpu.memory_space<hbm>>) target(%dma_start3A_2043 : memref<1024xf32, #tpu.memory_space<vmem>>) target_semaphore(%arg16 : memref<!tpu.dma_semaphore, #tpu.memory_space<semaphore_mem>>)
        %add3A_2045 = arith.constant 16252928 : i32
        %add3A_2046 = arith.addi %add3A_2045, %add3A_1796 : i32
        %dma_start3A_2047 = arith.constant 31744 : i32
        %dma_start3A_2048 = tpu.memref_slice %arg13[%dma_start3A_2047] : memref<32768xf32, #tpu.memory_space<vmem>> -> memref<1024xf32, #tpu.memory_space<vmem>>
        %dma_start3A_2049 = tpu.memref_slice %arg2[%add3A_2046] : memref<16777216xf32, #tpu.memory_space<hbm>> -> memref<1024xf32, #tpu.memory_space<hbm>>
        %dma_start3A_2050 = arith.constant 31744 : i32
        %dma_start3A_2051 = tpu.memref_slice %arg13[%dma_start3A_2050] : memref<32768xf32, #tpu.memory_space<vmem>> -> memref<1024xf32, #tpu.memory_space<vmem>>
        %dma_start3A_2052 = tpu.memref_slice %arg2[%add3A_2046] : memref<16777216xf32, #tpu.memory_space<hbm>> -> memref<1024xf32, #tpu.memory_space<hbm>>
        tpu.enqueue_dma source(%dma_start3A_2052 : memref<1024xf32, #tpu.memory_space<hbm>>) target(%dma_start3A_2051 : memref<1024xf32, #tpu.memory_space<vmem>>) target_semaphore(%arg16 : memref<!tpu.dma_semaphore, #tpu.memory_space<semaphore_mem>>)
      } else {
      }
      %mul3A_1507 = arith.constant 2 : i32
      %mul3A_1508 = arith.muli %mul3A_1507, %scan3A_1226 : i32
      %add3A_1509 = arith.constant 1 : i32
      %add3A_1510 = arith.addi %mul3A_1508, %add3A_1509 : i32
      %mul3A_1511 = arith.constant 1024 : i32
      %mul3A_1512 = arith.muli %add3A_1510, %mul3A_1511 : i32
      %add3A_1513 = arith.addi %mul3A_2, %mul3A_1512 : i32
      %mul3A_1514 = arith.constant 1024 : i32
      %mul3A_1515 = arith.muli %add3A_1510, %mul3A_1514 : i32
      %add3A_1516 = arith.addi %mul3A_2, %mul3A_1515 : i32
      %add3A_1517 = arith.constant 0 : i32
      %add3A_1518 = arith.addi %add3A_1517, %add3A_1516 : i32
      %dma_wait3A_1519 = arith.constant 0 : i32
      %dma_wait3A_1520 = tpu.memref_slice %arg14[%dma_wait3A_1519] : memref<32768xf32, #tpu.memory_space<vmem>> -> memref<1024xf32, #tpu.memory_space<vmem>>
      %dma_wait3A_1521 = tpu.memref_slice %arg2[%add3A_1518] : memref<16777216xf32, #tpu.memory_space<hbm>> -> memref<1024xf32, #tpu.memory_space<hbm>>
      %dma_wait3A_1522 = arith.constant 0 : i32
      %dma_wait3A_1523 = tpu.memref_slice %arg14[%dma_wait3A_1522] : memref<32768xf32, #tpu.memory_space<vmem>> -> memref<1024xf32, #tpu.memory_space<vmem>>
      %dma_wait3A_1524 = tpu.memref_slice %arg2[%add3A_1518] : memref<16777216xf32, #tpu.memory_space<hbm>> -> memref<1024xf32, #tpu.memory_space<hbm>>
      tpu.wait_dma2 semaphore(%arg17 : memref<!tpu.dma_semaphore, #tpu.memory_space<semaphore_mem>>) src(%dma_wait3A_1524 : memref<1024xf32, #tpu.memory_space<hbm>>) dst(%dma_wait3A_1523 : memref<1024xf32, #tpu.memory_space<vmem>>)
      %add3A_1525 = arith.constant 524288 : i32
      %add3A_1526 = arith.addi %add3A_1525, %add3A_1516 : i32
      %dma_wait3A_1527 = arith.constant 1024 : i32
      %dma_wait3A_1528 = tpu.memref_slice %arg14[%dma_wait3A_1527] : memref<32768xf32, #tpu.memory_space<vmem>> -> memref<1024xf32, #tpu.memory_space<vmem>>
      %dma_wait3A_1529 = tpu.memref_slice %arg2[%add3A_1526] : memref<16777216xf32, #tpu.memory_space<hbm>> -> memref<1024xf32, #tpu.memory_space<hbm>>
      %dma_wait3A_1530 = arith.constant 1024 : i32
      %dma_wait3A_1531 = tpu.memref_slice %arg14[%dma_wait3A_1530] : memref<32768xf32, #tpu.memory_space<vmem>> -> memref<1024xf32, #tpu.memory_space<vmem>>
      %dma_wait3A_1532 = tpu.memref_slice %arg2[%add3A_1526] : memref<16777216xf32, #tpu.memory_space<hbm>> -> memref<1024xf32, #tpu.memory_space<hbm>>
      tpu.wait_dma2 semaphore(%arg17 : memref<!tpu.dma_semaphore, #tpu.memory_space<semaphore_mem>>) src(%dma_wait3A_1532 : memref<1024xf32, #tpu.memory_space<hbm>>) dst(%dma_wait3A_1531 : memref<1024xf32, #tpu.memory_space<vmem>>)
      %add3A_1533 = arith.constant 1048576 : i32
      %add3A_1534 = arith.addi %add3A_1533, %add3A_1516 : i32
      %dma_wait3A_1535 = arith.constant 2048 : i32
      %dma_wait3A_1536 = tpu.memref_slice %arg14[%dma_wait3A_1535] : memref<32768xf32, #tpu.memory_space<vmem>> -> memref<1024xf32, #tpu.memory_space<vmem>>
      %dma_wait3A_1537 = tpu.memref_slice %arg2[%add3A_1534] : memref<16777216xf32, #tpu.memory_space<hbm>> -> memref<1024xf32, #tpu.memory_space<hbm>>
      %dma_wait3A_1538 = arith.constant 2048 : i32
      %dma_wait3A_1539 = tpu.memref_slice %arg14[%dma_wait3A_1538] : memref<32768xf32, #tpu.memory_space<vmem>> -> memref<1024xf32, #tpu.memory_space<vmem>>
      %dma_wait3A_1540 = tpu.memref_slice %arg2[%add3A_1534] : memref<16777216xf32, #tpu.memory_space<hbm>> -> memref<1024xf32, #tpu.memory_space<hbm>>
      tpu.wait_dma2 semaphore(%arg17 : memref<!tpu.dma_semaphore, #tpu.memory_space<semaphore_mem>>) src(%dma_wait3A_1540 : memref<1024xf32, #tpu.memory_space<hbm>>) dst(%dma_wait3A_1539 : memref<1024xf32, #tpu.memory_space<vmem>>)
      %add3A_1541 = arith.constant 1572864 : i32
      %add3A_1542 = arith.addi %add3A_1541, %add3A_1516 : i32
      %dma_wait3A_1543 = arith.constant 3072 : i32
      %dma_wait3A_1544 = tpu.memref_slice %arg14[%dma_wait3A_1543] : memref<32768xf32, #tpu.memory_space<vmem>> -> memref<1024xf32, #tpu.memory_space<vmem>>
      %dma_wait3A_1545 = tpu.memref_slice %arg2[%add3A_1542] : memref<16777216xf32, #tpu.memory_space<hbm>> -> memref<1024xf32, #tpu.memory_space<hbm>>
      %dma_wait3A_1546 = arith.constant 3072 : i32
      %dma_wait3A_1547 = tpu.memref_slice %arg14[%dma_wait3A_1546] : memref<32768xf32, #tpu.memory_space<vmem>> -> memref<1024xf32, #tpu.memory_space<vmem>>
      %dma_wait3A_1548 = tpu.memref_slice %arg2[%add3A_1542] : memref<16777216xf32, #tpu.memory_space<hbm>> -> memref<1024xf32, #tpu.memory_space<hbm>>
      tpu.wait_dma2 semaphore(%arg17 : memref<!tpu.dma_semaphore, #tpu.memory_space<semaphore_mem>>) src(%dma_wait3A_1548 : memref<1024xf32, #tpu.memory_space<hbm>>) dst(%dma_wait3A_1547 : memref<1024xf32, #tpu.memory_space<vmem>>)
      %add3A_1549 = arith.constant 2097152 : i32
      %add3A_1550 = arith.addi %add3A_1549, %add3A_1516 : i32
      %dma_wait3A_1551 = arith.constant 4096 : i32
      %dma_wait3A_1552 = tpu.memref_slice %arg14[%dma_wait3A_1551] : memref<32768xf32, #tpu.memory_space<vmem>> -> memref<1024xf32, #tpu.memory_space<vmem>>
      %dma_wait3A_1553 = tpu.memref_slice %arg2[%add3A_1550] : memref<16777216xf32, #tpu.memory_space<hbm>> -> memref<1024xf32, #tpu.memory_space<hbm>>
      %dma_wait3A_1554 = arith.constant 4096 : i32
      %dma_wait3A_1555 = tpu.memref_slice %arg14[%dma_wait3A_1554] : memref<32768xf32, #tpu.memory_space<vmem>> -> memref<1024xf32, #tpu.memory_space<vmem>>
      %dma_wait3A_1556 = tpu.memref_slice %arg2[%add3A_1550] : memref<16777216xf32, #tpu.memory_space<hbm>> -> memref<1024xf32, #tpu.memory_space<hbm>>
      tpu.wait_dma2 semaphore(%arg17 : memref<!tpu.dma_semaphore, #tpu.memory_space<semaphore_mem>>) src(%dma_wait3A_1556 : memref<1024xf32, #tpu.memory_space<hbm>>) dst(%dma_wait3A_1555 : memref<1024xf32, #tpu.memory_space<vmem>>)
      %add3A_1557 = arith.constant 2621440 : i32
      %add3A_1558 = arith.addi %add3A_1557, %add3A_1516 : i32
      %dma_wait3A_1559 = arith.constant 5120 : i32
      %dma_wait3A_1560 = tpu.memref_slice %arg14[%dma_wait3A_1559] : memref<32768xf32, #tpu.memory_space<vmem>> -> memref<1024xf32, #tpu.memory_space<vmem>>
      %dma_wait3A_1561 = tpu.memref_slice %arg2[%add3A_1558] : memref<16777216xf32, #tpu.memory_space<hbm>> -> memref<1024xf32, #tpu.memory_space<hbm>>
      %dma_wait3A_1562 = arith.constant 5120 : i32
      %dma_wait3A_1563 = tpu.memref_slice %arg14[%dma_wait3A_1562] : memref<32768xf32, #tpu.memory_space<vmem>> -> memref<1024xf32, #tpu.memory_space<vmem>>
      %dma_wait3A_1564 = tpu.memref_slice %arg2[%add3A_1558] : memref<16777216xf32, #tpu.memory_space<hbm>> -> memref<1024xf32, #tpu.memory_space<hbm>>
      tpu.wait_dma2 semaphore(%arg17 : memref<!tpu.dma_semaphore, #tpu.memory_space<semaphore_mem>>) src(%dma_wait3A_1564 : memref<1024xf32, #tpu.memory_space<hbm>>) dst(%dma_wait3A_1563 : memref<1024xf32, #tpu.memory_space<vmem>>)
      %add3A_1565 = arith.constant 3145728 : i32
      %add3A_1566 = arith.addi %add3A_1565, %add3A_1516 : i32
      %dma_wait3A_1567 = arith.constant 6144 : i32
      %dma_wait3A_1568 = tpu.memref_slice %arg14[%dma_wait3A_1567] : memref<32768xf32, #tpu.memory_space<vmem>> -> memref<1024xf32, #tpu.memory_space<vmem>>
      %dma_wait3A_1569 = tpu.memref_slice %arg2[%add3A_1566] : memref<16777216xf32, #tpu.memory_space<hbm>> -> memref<1024xf32, #tpu.memory_space<hbm>>
      %dma_wait3A_1570 = arith.constant 6144 : i32
      %dma_wait3A_1571 = tpu.memref_slice %arg14[%dma_wait3A_1570] : memref<32768xf32, #tpu.memory_space<vmem>> -> memref<1024xf32, #tpu.memory_space<vmem>>
      %dma_wait3A_1572 = tpu.memref_slice %arg2[%add3A_1566] : memref<16777216xf32, #tpu.memory_space<hbm>> -> memref<1024xf32, #tpu.memory_space<hbm>>
      tpu.wait_dma2 semaphore(%arg17 : memref<!tpu.dma_semaphore, #tpu.memory_space<semaphore_mem>>) src(%dma_wait3A_1572 : memref<1024xf32, #tpu.memory_space<hbm>>) dst(%dma_wait3A_1571 : memref<1024xf32, #tpu.memory_space<vmem>>)
      %add3A_1573 = arith.constant 3670016 : i32
      %add3A_1574 = arith.addi %add3A_1573, %add3A_1516 : i32
      %dma_wait3A_1575 = arith.constant 7168 : i32
      %dma_wait3A_1576 = tpu.memref_slice %arg14[%dma_wait3A_1575] : memref<32768xf32, #tpu.memory_space<vmem>> -> memref<1024xf32, #tpu.memory_space<vmem>>
      %dma_wait3A_1577 = tpu.memref_slice %arg2[%add3A_1574] : memref<16777216xf32, #tpu.memory_space<hbm>> -> memref<1024xf32, #tpu.memory_space<hbm>>
      %dma_wait3A_1578 = arith.constant 7168 : i32
      %dma_wait3A_1579 = tpu.memref_slice %arg14[%dma_wait3A_1578] : memref<32768xf32, #tpu.memory_space<vmem>> -> memref<1024xf32, #tpu.memory_space<vmem>>
      %dma_wait3A_1580 = tpu.memref_slice %arg2[%add3A_1574] : memref<16777216xf32, #tpu.memory_space<hbm>> -> memref<1024xf32, #tpu.memory_space<hbm>>
      tpu.wait_dma2 semaphore(%arg17 : memref<!tpu.dma_semaphore, #tpu.memory_space<semaphore_mem>>) src(%dma_wait3A_1580 : memref<1024xf32, #tpu.memory_space<hbm>>) dst(%dma_wait3A_1579 : memref<1024xf32, #tpu.memory_space<vmem>>)
      %add3A_1581 = arith.constant 4194304 : i32
      %add3A_1582 = arith.addi %add3A_1581, %add3A_1516 : i32
      %dma_wait3A_1583 = arith.constant 8192 : i32
      %dma_wait3A_1584 = tpu.memref_slice %arg14[%dma_wait3A_1583] : memref<32768xf32, #tpu.memory_space<vmem>> -> memref<1024xf32, #tpu.memory_space<vmem>>
      %dma_wait3A_1585 = tpu.memref_slice %arg2[%add3A_1582] : memref<16777216xf32, #tpu.memory_space<hbm>> -> memref<1024xf32, #tpu.memory_space<hbm>>
      %dma_wait3A_1586 = arith.constant 8192 : i32
      %dma_wait3A_1587 = tpu.memref_slice %arg14[%dma_wait3A_1586] : memref<32768xf32, #tpu.memory_space<vmem>> -> memref<1024xf32, #tpu.memory_space<vmem>>
      %dma_wait3A_1588 = tpu.memref_slice %arg2[%add3A_1582] : memref<16777216xf32, #tpu.memory_space<hbm>> -> memref<1024xf32, #tpu.memory_space<hbm>>
      tpu.wait_dma2 semaphore(%arg17 : memref<!tpu.dma_semaphore, #tpu.memory_space<semaphore_mem>>) src(%dma_wait3A_1588 : memref<1024xf32, #tpu.memory_space<hbm>>) dst(%dma_wait3A_1587 : memref<1024xf32, #tpu.memory_space<vmem>>)
      %add3A_1589 = arith.constant 4718592 : i32
      %add3A_1590 = arith.addi %add3A_1589, %add3A_1516 : i32
      %dma_wait3A_1591 = arith.constant 9216 : i32
      %dma_wait3A_1592 = tpu.memref_slice %arg14[%dma_wait3A_1591] : memref<32768xf32, #tpu.memory_space<vmem>> -> memref<1024xf32, #tpu.memory_space<vmem>>
      %dma_wait3A_1593 = tpu.memref_slice %arg2[%add3A_1590] : memref<16777216xf32, #tpu.memory_space<hbm>> -> memref<1024xf32, #tpu.memory_space<hbm>>
      %dma_wait3A_1594 = arith.constant 9216 : i32
      %dma_wait3A_1595 = tpu.memref_slice %arg14[%dma_wait3A_1594] : memref<32768xf32, #tpu.memory_space<vmem>> -> memref<1024xf32, #tpu.memory_space<vmem>>
      %dma_wait3A_1596 = tpu.memref_slice %arg2[%add3A_1590] : memref<16777216xf32, #tpu.memory_space<hbm>> -> memref<1024xf32, #tpu.memory_space<hbm>>
      tpu.wait_dma2 semaphore(%arg17 : memref<!tpu.dma_semaphore, #tpu.memory_space<semaphore_mem>>) src(%dma_wait3A_1596 : memref<1024xf32, #tpu.memory_space<hbm>>) dst(%dma_wait3A_1595 : memref<1024xf32, #tpu.memory_space<vmem>>)
      %add3A_1597 = arith.constant 5242880 : i32
      %add3A_1598 = arith.addi %add3A_1597, %add3A_1516 : i32
      %dma_wait3A_1599 = arith.constant 10240 : i32
      %dma_wait3A_1600 = tpu.memref_slice %arg14[%dma_wait3A_1599] : memref<32768xf32, #tpu.memory_space<vmem>> -> memref<1024xf32, #tpu.memory_space<vmem>>
      %dma_wait3A_1601 = tpu.memref_slice %arg2[%add3A_1598] : memref<16777216xf32, #tpu.memory_space<hbm>> -> memref<1024xf32, #tpu.memory_space<hbm>>
      %dma_wait3A_1602 = arith.constant 10240 : i32
      %dma_wait3A_1603 = tpu.memref_slice %arg14[%dma_wait3A_1602] : memref<32768xf32, #tpu.memory_space<vmem>> -> memref<1024xf32, #tpu.memory_space<vmem>>
      %dma_wait3A_1604 = tpu.memref_slice %arg2[%add3A_1598] : memref<16777216xf32, #tpu.memory_space<hbm>> -> memref<1024xf32, #tpu.memory_space<hbm>>
      tpu.wait_dma2 semaphore(%arg17 : memref<!tpu.dma_semaphore, #tpu.memory_space<semaphore_mem>>) src(%dma_wait3A_1604 : memref<1024xf32, #tpu.memory_space<hbm>>) dst(%dma_wait3A_1603 : memref<1024xf32, #tpu.memory_space<vmem>>)
      %add3A_1605 = arith.constant 5767168 : i32
      %add3A_1606 = arith.addi %add3A_1605, %add3A_1516 : i32
      %dma_wait3A_1607 = arith.constant 11264 : i32
      %dma_wait3A_1608 = tpu.memref_slice %arg14[%dma_wait3A_1607] : memref<32768xf32, #tpu.memory_space<vmem>> -> memref<1024xf32, #tpu.memory_space<vmem>>
      %dma_wait3A_1609 = tpu.memref_slice %arg2[%add3A_1606] : memref<16777216xf32, #tpu.memory_space<hbm>> -> memref<1024xf32, #tpu.memory_space<hbm>>
      %dma_wait3A_1610 = arith.constant 11264 : i32
      %dma_wait3A_1611 = tpu.memref_slice %arg14[%dma_wait3A_1610] : memref<32768xf32, #tpu.memory_space<vmem>> -> memref<1024xf32, #tpu.memory_space<vmem>>
      %dma_wait3A_1612 = tpu.memref_slice %arg2[%add3A_1606] : memref<16777216xf32, #tpu.memory_space<hbm>> -> memref<1024xf32, #tpu.memory_space<hbm>>
      tpu.wait_dma2 semaphore(%arg17 : memref<!tpu.dma_semaphore, #tpu.memory_space<semaphore_mem>>) src(%dma_wait3A_1612 : memref<1024xf32, #tpu.memory_space<hbm>>) dst(%dma_wait3A_1611 : memref<1024xf32, #tpu.memory_space<vmem>>)
      %add3A_1613 = arith.constant 6291456 : i32
      %add3A_1614 = arith.addi %add3A_1613, %add3A_1516 : i32
      %dma_wait3A_1615 = arith.constant 12288 : i32
      %dma_wait3A_1616 = tpu.memref_slice %arg14[%dma_wait3A_1615] : memref<32768xf32, #tpu.memory_space<vmem>> -> memref<1024xf32, #tpu.memory_space<vmem>>
      %dma_wait3A_1617 = tpu.memref_slice %arg2[%add3A_1614] : memref<16777216xf32, #tpu.memory_space<hbm>> -> memref<1024xf32, #tpu.memory_space<hbm>>
      %dma_wait3A_1618 = arith.constant 12288 : i32
      %dma_wait3A_1619 = tpu.memref_slice %arg14[%dma_wait3A_1618] : memref<32768xf32, #tpu.memory_space<vmem>> -> memref<1024xf32, #tpu.memory_space<vmem>>
      %dma_wait3A_1620 = tpu.memref_slice %arg2[%add3A_1614] : memref<16777216xf32, #tpu.memory_space<hbm>> -> memref<1024xf32, #tpu.memory_space<hbm>>
      tpu.wait_dma2 semaphore(%arg17 : memref<!tpu.dma_semaphore, #tpu.memory_space<semaphore_mem>>) src(%dma_wait3A_1620 : memref<1024xf32, #tpu.memory_space<hbm>>) dst(%dma_wait3A_1619 : memref<1024xf32, #tpu.memory_space<vmem>>)
      %add3A_1621 = arith.constant 6815744 : i32
      %add3A_1622 = arith.addi %add3A_1621, %add3A_1516 : i32
      %dma_wait3A_1623 = arith.constant 13312 : i32
      %dma_wait3A_1624 = tpu.memref_slice %arg14[%dma_wait3A_1623] : memref<32768xf32, #tpu.memory_space<vmem>> -> memref<1024xf32, #tpu.memory_space<vmem>>
      %dma_wait3A_1625 = tpu.memref_slice %arg2[%add3A_1622] : memref<16777216xf32, #tpu.memory_space<hbm>> -> memref<1024xf32, #tpu.memory_space<hbm>>
      %dma_wait3A_1626 = arith.constant 13312 : i32
      %dma_wait3A_1627 = tpu.memref_slice %arg14[%dma_wait3A_1626] : memref<32768xf32, #tpu.memory_space<vmem>> -> memref<1024xf32, #tpu.memory_space<vmem>>
      %dma_wait3A_1628 = tpu.memref_slice %arg2[%add3A_1622] : memref<16777216xf32, #tpu.memory_space<hbm>> -> memref<1024xf32, #tpu.memory_space<hbm>>
      tpu.wait_dma2 semaphore(%arg17 : memref<!tpu.dma_semaphore, #tpu.memory_space<semaphore_mem>>) src(%dma_wait3A_1628 : memref<1024xf32, #tpu.memory_space<hbm>>) dst(%dma_wait3A_1627 : memref<1024xf32, #tpu.memory_space<vmem>>)
      %add3A_1629 = arith.constant 7340032 : i32
      %add3A_1630 = arith.addi %add3A_1629, %add3A_1516 : i32
      %dma_wait3A_1631 = arith.constant 14336 : i32
      %dma_wait3A_1632 = tpu.memref_slice %arg14[%dma_wait3A_1631] : memref<32768xf32, #tpu.memory_space<vmem>> -> memref<1024xf32, #tpu.memory_space<vmem>>
      %dma_wait3A_1633 = tpu.memref_slice %arg2[%add3A_1630] : memref<16777216xf32, #tpu.memory_space<hbm>> -> memref<1024xf32, #tpu.memory_space<hbm>>
      %dma_wait3A_1634 = arith.constant 14336 : i32
      %dma_wait3A_1635 = tpu.memref_slice %arg14[%dma_wait3A_1634] : memref<32768xf32, #tpu.memory_space<vmem>> -> memref<1024xf32, #tpu.memory_space<vmem>>
      %dma_wait3A_1636 = tpu.memref_slice %arg2[%add3A_1630] : memref<16777216xf32, #tpu.memory_space<hbm>> -> memref<1024xf32, #tpu.memory_space<hbm>>
      tpu.wait_dma2 semaphore(%arg17 : memref<!tpu.dma_semaphore, #tpu.memory_space<semaphore_mem>>) src(%dma_wait3A_1636 : memref<1024xf32, #tpu.memory_space<hbm>>) dst(%dma_wait3A_1635 : memref<1024xf32, #tpu.memory_space<vmem>>)
      %add3A_1637 = arith.constant 7864320 : i32
      %add3A_1638 = arith.addi %add3A_1637, %add3A_1516 : i32
      %dma_wait3A_1639 = arith.constant 15360 : i32
      %dma_wait3A_1640 = tpu.memref_slice %arg14[%dma_wait3A_1639] : memref<32768xf32, #tpu.memory_space<vmem>> -> memref<1024xf32, #tpu.memory_space<vmem>>
      %dma_wait3A_1641 = tpu.memref_slice %arg2[%add3A_1638] : memref<16777216xf32, #tpu.memory_space<hbm>> -> memref<1024xf32, #tpu.memory_space<hbm>>
      %dma_wait3A_1642 = arith.constant 15360 : i32
      %dma_wait3A_1643 = tpu.memref_slice %arg14[%dma_wait3A_1642] : memref<32768xf32, #tpu.memory_space<vmem>> -> memref<1024xf32, #tpu.memory_space<vmem>>
      %dma_wait3A_1644 = tpu.memref_slice %arg2[%add3A_1638] : memref<16777216xf32, #tpu.memory_space<hbm>> -> memref<1024xf32, #tpu.memory_space<hbm>>
      tpu.wait_dma2 semaphore(%arg17 : memref<!tpu.dma_semaphore, #tpu.memory_space<semaphore_mem>>) src(%dma_wait3A_1644 : memref<1024xf32, #tpu.memory_space<hbm>>) dst(%dma_wait3A_1643 : memref<1024xf32, #tpu.memory_space<vmem>>)
      %add3A_1645 = arith.constant 8388608 : i32
      %add3A_1646 = arith.addi %add3A_1645, %add3A_1516 : i32
      %dma_wait3A_1647 = arith.constant 16384 : i32
      %dma_wait3A_1648 = tpu.memref_slice %arg14[%dma_wait3A_1647] : memref<32768xf32, #tpu.memory_space<vmem>> -> memref<1024xf32, #tpu.memory_space<vmem>>
      %dma_wait3A_1649 = tpu.memref_slice %arg2[%add3A_1646] : memref<16777216xf32, #tpu.memory_space<hbm>> -> memref<1024xf32, #tpu.memory_space<hbm>>
      %dma_wait3A_1650 = arith.constant 16384 : i32
      %dma_wait3A_1651 = tpu.memref_slice %arg14[%dma_wait3A_1650] : memref<32768xf32, #tpu.memory_space<vmem>> -> memref<1024xf32, #tpu.memory_space<vmem>>
      %dma_wait3A_1652 = tpu.memref_slice %arg2[%add3A_1646] : memref<16777216xf32, #tpu.memory_space<hbm>> -> memref<1024xf32, #tpu.memory_space<hbm>>
      tpu.wait_dma2 semaphore(%arg17 : memref<!tpu.dma_semaphore, #tpu.memory_space<semaphore_mem>>) src(%dma_wait3A_1652 : memref<1024xf32, #tpu.memory_space<hbm>>) dst(%dma_wait3A_1651 : memref<1024xf32, #tpu.memory_space<vmem>>)
      %add3A_1653 = arith.constant 8912896 : i32
      %add3A_1654 = arith.addi %add3A_1653, %add3A_1516 : i32
      %dma_wait3A_1655 = arith.constant 17408 : i32
      %dma_wait3A_1656 = tpu.memref_slice %arg14[%dma_wait3A_1655] : memref<32768xf32, #tpu.memory_space<vmem>> -> memref<1024xf32, #tpu.memory_space<vmem>>
      %dma_wait3A_1657 = tpu.memref_slice %arg2[%add3A_1654] : memref<16777216xf32, #tpu.memory_space<hbm>> -> memref<1024xf32, #tpu.memory_space<hbm>>
      %dma_wait3A_1658 = arith.constant 17408 : i32
      %dma_wait3A_1659 = tpu.memref_slice %arg14[%dma_wait3A_1658] : memref<32768xf32, #tpu.memory_space<vmem>> -> memref<1024xf32, #tpu.memory_space<vmem>>
      %dma_wait3A_1660 = tpu.memref_slice %arg2[%add3A_1654] : memref<16777216xf32, #tpu.memory_space<hbm>> -> memref<1024xf32, #tpu.memory_space<hbm>>
      tpu.wait_dma2 semaphore(%arg17 : memref<!tpu.dma_semaphore, #tpu.memory_space<semaphore_mem>>) src(%dma_wait3A_1660 : memref<1024xf32, #tpu.memory_space<hbm>>) dst(%dma_wait3A_1659 : memref<1024xf32, #tpu.memory_space<vmem>>)
      %add3A_1661 = arith.constant 9437184 : i32
      %add3A_1662 = arith.addi %add3A_1661, %add3A_1516 : i32
      %dma_wait3A_1663 = arith.constant 18432 : i32
      %dma_wait3A_1664 = tpu.memref_slice %arg14[%dma_wait3A_1663] : memref<32768xf32, #tpu.memory_space<vmem>> -> memref<1024xf32, #tpu.memory_space<vmem>>
      %dma_wait3A_1665 = tpu.memref_slice %arg2[%add3A_1662] : memref<16777216xf32, #tpu.memory_space<hbm>> -> memref<1024xf32, #tpu.memory_space<hbm>>
      %dma_wait3A_1666 = arith.constant 18432 : i32
      %dma_wait3A_1667 = tpu.memref_slice %arg14[%dma_wait3A_1666] : memref<32768xf32, #tpu.memory_space<vmem>> -> memref<1024xf32, #tpu.memory_space<vmem>>
      %dma_wait3A_1668 = tpu.memref_slice %arg2[%add3A_1662] : memref<16777216xf32, #tpu.memory_space<hbm>> -> memref<1024xf32, #tpu.memory_space<hbm>>
      tpu.wait_dma2 semaphore(%arg17 : memref<!tpu.dma_semaphore, #tpu.memory_space<semaphore_mem>>) src(%dma_wait3A_1668 : memref<1024xf32, #tpu.memory_space<hbm>>) dst(%dma_wait3A_1667 : memref<1024xf32, #tpu.memory_space<vmem>>)
      %add3A_1669 = arith.constant 9961472 : i32
      %add3A_1670 = arith.addi %add3A_1669, %add3A_1516 : i32
      %dma_wait3A_1671 = arith.constant 19456 : i32
      %dma_wait3A_1672 = tpu.memref_slice %arg14[%dma_wait3A_1671] : memref<32768xf32, #tpu.memory_space<vmem>> -> memref<1024xf32, #tpu.memory_space<vmem>>
      %dma_wait3A_1673 = tpu.memref_slice %arg2[%add3A_1670] : memref<16777216xf32, #tpu.memory_space<hbm>> -> memref<1024xf32, #tpu.memory_space<hbm>>
      %dma_wait3A_1674 = arith.constant 19456 : i32
      %dma_wait3A_1675 = tpu.memref_slice %arg14[%dma_wait3A_1674] : memref<32768xf32, #tpu.memory_space<vmem>> -> memref<1024xf32, #tpu.memory_space<vmem>>
      %dma_wait3A_1676 = tpu.memref_slice %arg2[%add3A_1670] : memref<16777216xf32, #tpu.memory_space<hbm>> -> memref<1024xf32, #tpu.memory_space<hbm>>
      tpu.wait_dma2 semaphore(%arg17 : memref<!tpu.dma_semaphore, #tpu.memory_space<semaphore_mem>>) src(%dma_wait3A_1676 : memref<1024xf32, #tpu.memory_space<hbm>>) dst(%dma_wait3A_1675 : memref<1024xf32, #tpu.memory_space<vmem>>)
      %add3A_1677 = arith.constant 10485760 : i32
      %add3A_1678 = arith.addi %add3A_1677, %add3A_1516 : i32
      %dma_wait3A_1679 = arith.constant 20480 : i32
      %dma_wait3A_1680 = tpu.memref_slice %arg14[%dma_wait3A_1679] : memref<32768xf32, #tpu.memory_space<vmem>> -> memref<1024xf32, #tpu.memory_space<vmem>>
      %dma_wait3A_1681 = tpu.memref_slice %arg2[%add3A_1678] : memref<16777216xf32, #tpu.memory_space<hbm>> -> memref<1024xf32, #tpu.memory_space<hbm>>
      %dma_wait3A_1682 = arith.constant 20480 : i32
      %dma_wait3A_1683 = tpu.memref_slice %arg14[%dma_wait3A_1682] : memref<32768xf32, #tpu.memory_space<vmem>> -> memref<1024xf32, #tpu.memory_space<vmem>>
      %dma_wait3A_1684 = tpu.memref_slice %arg2[%add3A_1678] : memref<16777216xf32, #tpu.memory_space<hbm>> -> memref<1024xf32, #tpu.memory_space<hbm>>
      tpu.wait_dma2 semaphore(%arg17 : memref<!tpu.dma_semaphore, #tpu.memory_space<semaphore_mem>>) src(%dma_wait3A_1684 : memref<1024xf32, #tpu.memory_space<hbm>>) dst(%dma_wait3A_1683 : memref<1024xf32, #tpu.memory_space<vmem>>)
      %add3A_1685 = arith.constant 11010048 : i32
      %add3A_1686 = arith.addi %add3A_1685, %add3A_1516 : i32
      %dma_wait3A_1687 = arith.constant 21504 : i32
      %dma_wait3A_1688 = tpu.memref_slice %arg14[%dma_wait3A_1687] : memref<32768xf32, #tpu.memory_space<vmem>> -> memref<1024xf32, #tpu.memory_space<vmem>>
      %dma_wait3A_1689 = tpu.memref_slice %arg2[%add3A_1686] : memref<16777216xf32, #tpu.memory_space<hbm>> -> memref<1024xf32, #tpu.memory_space<hbm>>
      %dma_wait3A_1690 = arith.constant 21504 : i32
      %dma_wait3A_1691 = tpu.memref_slice %arg14[%dma_wait3A_1690] : memref<32768xf32, #tpu.memory_space<vmem>> -> memref<1024xf32, #tpu.memory_space<vmem>>
      %dma_wait3A_1692 = tpu.memref_slice %arg2[%add3A_1686] : memref<16777216xf32, #tpu.memory_space<hbm>> -> memref<1024xf32, #tpu.memory_space<hbm>>
      tpu.wait_dma2 semaphore(%arg17 : memref<!tpu.dma_semaphore, #tpu.memory_space<semaphore_mem>>) src(%dma_wait3A_1692 : memref<1024xf32, #tpu.memory_space<hbm>>) dst(%dma_wait3A_1691 : memref<1024xf32, #tpu.memory_space<vmem>>)
      %add3A_1693 = arith.constant 11534336 : i32
      %add3A_1694 = arith.addi %add3A_1693, %add3A_1516 : i32
      %dma_wait3A_1695 = arith.constant 22528 : i32
      %dma_wait3A_1696 = tpu.memref_slice %arg14[%dma_wait3A_1695] : memref<32768xf32, #tpu.memory_space<vmem>> -> memref<1024xf32, #tpu.memory_space<vmem>>
      %dma_wait3A_1697 = tpu.memref_slice %arg2[%add3A_1694] : memref<16777216xf32, #tpu.memory_space<hbm>> -> memref<1024xf32, #tpu.memory_space<hbm>>
      %dma_wait3A_1698 = arith.constant 22528 : i32
      %dma_wait3A_1699 = tpu.memref_slice %arg14[%dma_wait3A_1698] : memref<32768xf32, #tpu.memory_space<vmem>> -> memref<1024xf32, #tpu.memory_space<vmem>>
      %dma_wait3A_1700 = tpu.memref_slice %arg2[%add3A_1694] : memref<16777216xf32, #tpu.memory_space<hbm>> -> memref<1024xf32, #tpu.memory_space<hbm>>
      tpu.wait_dma2 semaphore(%arg17 : memref<!tpu.dma_semaphore, #tpu.memory_space<semaphore_mem>>) src(%dma_wait3A_1700 : memref<1024xf32, #tpu.memory_space<hbm>>) dst(%dma_wait3A_1699 : memref<1024xf32, #tpu.memory_space<vmem>>)
      %add3A_1701 = arith.constant 12058624 : i32
      %add3A_1702 = arith.addi %add3A_1701, %add3A_1516 : i32
      %dma_wait3A_1703 = arith.constant 23552 : i32
      %dma_wait3A_1704 = tpu.memref_slice %arg14[%dma_wait3A_1703] : memref<32768xf32, #tpu.memory_space<vmem>> -> memref<1024xf32, #tpu.memory_space<vmem>>
      %dma_wait3A_1705 = tpu.memref_slice %arg2[%add3A_1702] : memref<16777216xf32, #tpu.memory_space<hbm>> -> memref<1024xf32, #tpu.memory_space<hbm>>
      %dma_wait3A_1706 = arith.constant 23552 : i32
      %dma_wait3A_1707 = tpu.memref_slice %arg14[%dma_wait3A_1706] : memref<32768xf32, #tpu.memory_space<vmem>> -> memref<1024xf32, #tpu.memory_space<vmem>>
      %dma_wait3A_1708 = tpu.memref_slice %arg2[%add3A_1702] : memref<16777216xf32, #tpu.memory_space<hbm>> -> memref<1024xf32, #tpu.memory_space<hbm>>
      tpu.wait_dma2 semaphore(%arg17 : memref<!tpu.dma_semaphore, #tpu.memory_space<semaphore_mem>>) src(%dma_wait3A_1708 : memref<1024xf32, #tpu.memory_space<hbm>>) dst(%dma_wait3A_1707 : memref<1024xf32, #tpu.memory_space<vmem>>)
      %add3A_1709 = arith.constant 12582912 : i32
      %add3A_1710 = arith.addi %add3A_1709, %add3A_1516 : i32
      %dma_wait3A_1711 = arith.constant 24576 : i32
      %dma_wait3A_1712 = tpu.memref_slice %arg14[%dma_wait3A_1711] : memref<32768xf32, #tpu.memory_space<vmem>> -> memref<1024xf32, #tpu.memory_space<vmem>>
      %dma_wait3A_1713 = tpu.memref_slice %arg2[%add3A_1710] : memref<16777216xf32, #tpu.memory_space<hbm>> -> memref<1024xf32, #tpu.memory_space<hbm>>
      %dma_wait3A_1714 = arith.constant 24576 : i32
      %dma_wait3A_1715 = tpu.memref_slice %arg14[%dma_wait3A_1714] : memref<32768xf32, #tpu.memory_space<vmem>> -> memref<1024xf32, #tpu.memory_space<vmem>>
      %dma_wait3A_1716 = tpu.memref_slice %arg2[%add3A_1710] : memref<16777216xf32, #tpu.memory_space<hbm>> -> memref<1024xf32, #tpu.memory_space<hbm>>
      tpu.wait_dma2 semaphore(%arg17 : memref<!tpu.dma_semaphore, #tpu.memory_space<semaphore_mem>>) src(%dma_wait3A_1716 : memref<1024xf32, #tpu.memory_space<hbm>>) dst(%dma_wait3A_1715 : memref<1024xf32, #tpu.memory_space<vmem>>)
      %add3A_1717 = arith.constant 13107200 : i32
      %add3A_1718 = arith.addi %add3A_1717, %add3A_1516 : i32
      %dma_wait3A_1719 = arith.constant 25600 : i32
      %dma_wait3A_1720 = tpu.memref_slice %arg14[%dma_wait3A_1719] : memref<32768xf32, #tpu.memory_space<vmem>> -> memref<1024xf32, #tpu.memory_space<vmem>>
      %dma_wait3A_1721 = tpu.memref_slice %arg2[%add3A_1718] : memref<16777216xf32, #tpu.memory_space<hbm>> -> memref<1024xf32, #tpu.memory_space<hbm>>
      %dma_wait3A_1722 = arith.constant 25600 : i32
      %dma_wait3A_1723 = tpu.memref_slice %arg14[%dma_wait3A_1722] : memref<32768xf32, #tpu.memory_space<vmem>> -> memref<1024xf32, #tpu.memory_space<vmem>>
      %dma_wait3A_1724 = tpu.memref_slice %arg2[%add3A_1718] : memref<16777216xf32, #tpu.memory_space<hbm>> -> memref<1024xf32, #tpu.memory_space<hbm>>
      tpu.wait_dma2 semaphore(%arg17 : memref<!tpu.dma_semaphore, #tpu.memory_space<semaphore_mem>>) src(%dma_wait3A_1724 : memref<1024xf32, #tpu.memory_space<hbm>>) dst(%dma_wait3A_1723 : memref<1024xf32, #tpu.memory_space<vmem>>)
      %add3A_1725 = arith.constant 13631488 : i32
      %add3A_1726 = arith.addi %add3A_1725, %add3A_1516 : i32
      %dma_wait3A_1727 = arith.constant 26624 : i32
      %dma_wait3A_1728 = tpu.memref_slice %arg14[%dma_wait3A_1727] : memref<32768xf32, #tpu.memory_space<vmem>> -> memref<1024xf32, #tpu.memory_space<vmem>>
      %dma_wait3A_1729 = tpu.memref_slice %arg2[%add3A_1726] : memref<16777216xf32, #tpu.memory_space<hbm>> -> memref<1024xf32, #tpu.memory_space<hbm>>
      %dma_wait3A_1730 = arith.constant 26624 : i32
      %dma_wait3A_1731 = tpu.memref_slice %arg14[%dma_wait3A_1730] : memref<32768xf32, #tpu.memory_space<vmem>> -> memref<1024xf32, #tpu.memory_space<vmem>>
      %dma_wait3A_1732 = tpu.memref_slice %arg2[%add3A_1726] : memref<16777216xf32, #tpu.memory_space<hbm>> -> memref<1024xf32, #tpu.memory_space<hbm>>
      tpu.wait_dma2 semaphore(%arg17 : memref<!tpu.dma_semaphore, #tpu.memory_space<semaphore_mem>>) src(%dma_wait3A_1732 : memref<1024xf32, #tpu.memory_space<hbm>>) dst(%dma_wait3A_1731 : memref<1024xf32, #tpu.memory_space<vmem>>)
      %add3A_1733 = arith.constant 14155776 : i32
      %add3A_1734 = arith.addi %add3A_1733, %add3A_1516 : i32
      %dma_wait3A_1735 = arith.constant 27648 : i32
      %dma_wait3A_1736 = tpu.memref_slice %arg14[%dma_wait3A_1735] : memref<32768xf32, #tpu.memory_space<vmem>> -> memref<1024xf32, #tpu.memory_space<vmem>>
      %dma_wait3A_1737 = tpu.memref_slice %arg2[%add3A_1734] : memref<16777216xf32, #tpu.memory_space<hbm>> -> memref<1024xf32, #tpu.memory_space<hbm>>
      %dma_wait3A_1738 = arith.constant 27648 : i32
      %dma_wait3A_1739 = tpu.memref_slice %arg14[%dma_wait3A_1738] : memref<32768xf32, #tpu.memory_space<vmem>> -> memref<1024xf32, #tpu.memory_space<vmem>>
      %dma_wait3A_1740 = tpu.memref_slice %arg2[%add3A_1734] : memref<16777216xf32, #tpu.memory_space<hbm>> -> memref<1024xf32, #tpu.memory_space<hbm>>
      tpu.wait_dma2 semaphore(%arg17 : memref<!tpu.dma_semaphore, #tpu.memory_space<semaphore_mem>>) src(%dma_wait3A_1740 : memref<1024xf32, #tpu.memory_space<hbm>>) dst(%dma_wait3A_1739 : memref<1024xf32, #tpu.memory_space<vmem>>)
      %add3A_1741 = arith.constant 14680064 : i32
      %add3A_1742 = arith.addi %add3A_1741, %add3A_1516 : i32
      %dma_wait3A_1743 = arith.constant 28672 : i32
      %dma_wait3A_1744 = tpu.memref_slice %arg14[%dma_wait3A_1743] : memref<32768xf32, #tpu.memory_space<vmem>> -> memref<1024xf32, #tpu.memory_space<vmem>>
      %dma_wait3A_1745 = tpu.memref_slice %arg2[%add3A_1742] : memref<16777216xf32, #tpu.memory_space<hbm>> -> memref<1024xf32, #tpu.memory_space<hbm>>
      %dma_wait3A_1746 = arith.constant 28672 : i32
      %dma_wait3A_1747 = tpu.memref_slice %arg14[%dma_wait3A_1746] : memref<32768xf32, #tpu.memory_space<vmem>> -> memref<1024xf32, #tpu.memory_space<vmem>>
      %dma_wait3A_1748 = tpu.memref_slice %arg2[%add3A_1742] : memref<16777216xf32, #tpu.memory_space<hbm>> -> memref<1024xf32, #tpu.memory_space<hbm>>
      tpu.wait_dma2 semaphore(%arg17 : memref<!tpu.dma_semaphore, #tpu.memory_space<semaphore_mem>>) src(%dma_wait3A_1748 : memref<1024xf32, #tpu.memory_space<hbm>>) dst(%dma_wait3A_1747 : memref<1024xf32, #tpu.memory_space<vmem>>)
      %add3A_1749 = arith.constant 15204352 : i32
      %add3A_1750 = arith.addi %add3A_1749, %add3A_1516 : i32
      %dma_wait3A_1751 = arith.constant 29696 : i32
      %dma_wait3A_1752 = tpu.memref_slice %arg14[%dma_wait3A_1751] : memref<32768xf32, #tpu.memory_space<vmem>> -> memref<1024xf32, #tpu.memory_space<vmem>>
      %dma_wait3A_1753 = tpu.memref_slice %arg2[%add3A_1750] : memref<16777216xf32, #tpu.memory_space<hbm>> -> memref<1024xf32, #tpu.memory_space<hbm>>
      %dma_wait3A_1754 = arith.constant 29696 : i32
      %dma_wait3A_1755 = tpu.memref_slice %arg14[%dma_wait3A_1754] : memref<32768xf32, #tpu.memory_space<vmem>> -> memref<1024xf32, #tpu.memory_space<vmem>>
      %dma_wait3A_1756 = tpu.memref_slice %arg2[%add3A_1750] : memref<16777216xf32, #tpu.memory_space<hbm>> -> memref<1024xf32, #tpu.memory_space<hbm>>
      tpu.wait_dma2 semaphore(%arg17 : memref<!tpu.dma_semaphore, #tpu.memory_space<semaphore_mem>>) src(%dma_wait3A_1756 : memref<1024xf32, #tpu.memory_space<hbm>>) dst(%dma_wait3A_1755 : memref<1024xf32, #tpu.memory_space<vmem>>)
      %add3A_1757 = arith.constant 15728640 : i32
      %add3A_1758 = arith.addi %add3A_1757, %add3A_1516 : i32
      %dma_wait3A_1759 = arith.constant 30720 : i32
      %dma_wait3A_1760 = tpu.memref_slice %arg14[%dma_wait3A_1759] : memref<32768xf32, #tpu.memory_space<vmem>> -> memref<1024xf32, #tpu.memory_space<vmem>>
      %dma_wait3A_1761 = tpu.memref_slice %arg2[%add3A_1758] : memref<16777216xf32, #tpu.memory_space<hbm>> -> memref<1024xf32, #tpu.memory_space<hbm>>
      %dma_wait3A_1762 = arith.constant 30720 : i32
      %dma_wait3A_1763 = tpu.memref_slice %arg14[%dma_wait3A_1762] : memref<32768xf32, #tpu.memory_space<vmem>> -> memref<1024xf32, #tpu.memory_space<vmem>>
      %dma_wait3A_1764 = tpu.memref_slice %arg2[%add3A_1758] : memref<16777216xf32, #tpu.memory_space<hbm>> -> memref<1024xf32, #tpu.memory_space<hbm>>
      tpu.wait_dma2 semaphore(%arg17 : memref<!tpu.dma_semaphore, #tpu.memory_space<semaphore_mem>>) src(%dma_wait3A_1764 : memref<1024xf32, #tpu.memory_space<hbm>>) dst(%dma_wait3A_1763 : memref<1024xf32, #tpu.memory_space<vmem>>)
      %add3A_1765 = arith.constant 16252928 : i32
      %add3A_1766 = arith.addi %add3A_1765, %add3A_1516 : i32
      %dma_wait3A_1767 = arith.constant 31744 : i32
      %dma_wait3A_1768 = tpu.memref_slice %arg14[%dma_wait3A_1767] : memref<32768xf32, #tpu.memory_space<vmem>> -> memref<1024xf32, #tpu.memory_space<vmem>>
      %dma_wait3A_1769 = tpu.memref_slice %arg2[%add3A_1766] : memref<16777216xf32, #tpu.memory_space<hbm>> -> memref<1024xf32, #tpu.memory_space<hbm>>
      %dma_wait3A_1770 = arith.constant 31744 : i32
      %dma_wait3A_1771 = tpu.memref_slice %arg14[%dma_wait3A_1770] : memref<32768xf32, #tpu.memory_space<vmem>> -> memref<1024xf32, #tpu.memory_space<vmem>>
      %dma_wait3A_1772 = tpu.memref_slice %arg2[%add3A_1766] : memref<16777216xf32, #tpu.memory_space<hbm>> -> memref<1024xf32, #tpu.memory_space<hbm>>
      tpu.wait_dma2 semaphore(%arg17 : memref<!tpu.dma_semaphore, #tpu.memory_space<semaphore_mem>>) src(%dma_wait3A_1772 : memref<1024xf32, #tpu.memory_space<hbm>>) dst(%dma_wait3A_1771 : memref<1024xf32, #tpu.memory_space<vmem>>)
      %scan3A_1773 = arith.constant 0 : i32
      %scan3A_1774 = arith.constant 0 : i32
      %scan3A_1775 = arith.constant 64 : i32
      %scan3A_1776 = arith.addi %scan3A_1774, %scan3A_1775 : i32
      %scan3A_1777 = arith.constant 1 : i32
      scf.for %scan3A_1792 = %scan3A_1774 to %scan3A_1776 step %scan3A_1777  : i32 {
        %mul3A_1793 = arith.constant 16 : i32
        %mul3A_1794 = arith.muli %scan3A_1792, %mul3A_1793 : i32
        %swap3A_1795 = arith.index_cast %mul3A_1794 : i32 to index
        %swap3A_1796 = tpu.vector_load %arg15[%swap3A_1795] {strides = array<i32>} : memref<1024xf32, #tpu.memory_space<vmem>>, vector<16xf32>,
        tpu.vector_store %arg15[%swap3A_1795], %mul3A_5 {strides = array<i32>} : memref<1024xf32, #tpu.memory_space<vmem>>, vector<16xf32>,
      }
      %scan3A_1778 = arith.constant 64 : i32
      %scan3A_1779 = arith.constant 0 : i32
      %scan3A_1780 = arith.constant 0 : i32
      %scan3A_1781 = arith.constant 32 : i32
      %scan3A_1782 = arith.addi %scan3A_1780, %scan3A_1781 : i32
      %scan3A_1783 = arith.constant 1 : i32
      scf.for %scan3A_1792 = %scan3A_1780 to %scan3A_1782 step %scan3A_1783  : i32 {
        %mul3A_1793 = arith.constant 16 : i32
        %mul3A_1794 = arith.muli %scan3A_1792, %mul3A_1793 : i32
        %get3A = arith.index_cast %mul3A_1794 : i32 to index
        %get3A_1795 = tpu.vector_load %arg10[%get3A] {strides = array<i32>} : memref<512xf32, #tpu.memory_space<vmem>>, vector<16xf32>,
        %mul3A_1796 = arith.constant 16 : i32
        %mul3A_1797 = arith.muli %scan3A_1792, %mul3A_1796 : i32
        %get3A_1798 = arith.index_cast %mul3A_1797 : i32 to index
        %get3A_1799 = tpu.vector_load %arg11[%get3A_1798] {strides = array<i32>} : memref<512xf32, #tpu.memory_space<vmem>>, vector<16xf32>,
        %mul3A_1800 = arith.constant 16 : i32
        %mul3A_1801 = arith.muli %scan3A_1792, %mul3A_1800 : i32
        %get3A_1802 = arith.index_cast %mul3A_1801 : i32 to index
        %get3A_1803 = tpu.vector_load %arg12[%get3A_1802] {strides = array<i32>} : memref<512xf32, #tpu.memory_space<vmem>>, vector<16xf32>,
        %mul3A_1804 = arith.constant 256 : i32
        %mul3A_1805 = arith.muli %scan3A_1792, %mul3A_1804 : i32
        %scan3A_1806 = arith.constant 0 : i32
        %scan3A_1807 = arith.constant 0 : i32
        %scan3A_1808 = arith.constant 8 : i32
        %scan3A_1809 = arith.addi %scan3A_1807, %scan3A_1808 : i32
        %scan3A_1810 = arith.constant 1 : i32
        scf.for %scan3A_1812 = %scan3A_1807 to %scan3A_1809 step %scan3A_1810  : i32 {
          %mul3A_1813 = arith.constant 1024 : i32
          %mul3A_1814 = arith.muli %scan3A_1792, %mul3A_1813 : i32
          %mul3A_1815 = arith.constant 8 : i32
          %mul3A_1816 = arith.muli %scan3A_1812, %mul3A_1815 : i32
          %add3A_1817 = arith.constant 0 : i32
          %add3A_1818 = arith.addi %mul3A_1816, %add3A_1817 : i32
          %mul3A_1819 = arith.constant 16 : i32
          %mul3A_1820 = arith.muli %add3A_1818, %mul3A_1819 : i32
          %add3A_1821 = arith.addi %mul3A_1814, %mul3A_1820 : i32
          %get3A_1822 = arith.index_cast %add3A_1821 : i32 to index
          %get3A_1823 = tpu.vector_load %arg14[%get3A_1822] {strides = array<i32>} : memref<32768xf32, #tpu.memory_space<vmem>>, vector<16xf32>,
          %mul3A_1824 = arith.constant 1024 : i32
          %mul3A_1825 = arith.muli %scan3A_1792, %mul3A_1824 : i32
          %mul3A_1826 = arith.constant 8 : i32
          %mul3A_1827 = arith.muli %scan3A_1812, %mul3A_1826 : i32
          %add3A_1828 = arith.constant 1 : i32
          %add3A_1829 = arith.addi %mul3A_1827, %add3A_1828 : i32
          %mul3A_1830 = arith.constant 16 : i32
          %mul3A_1831 = arith.muli %add3A_1829, %mul3A_1830 : i32
          %add3A_1832 = arith.addi %mul3A_1825, %mul3A_1831 : i32
          %get3A_1833 = arith.index_cast %add3A_1832 : i32 to index
          %get3A_1834 = tpu.vector_load %arg14[%get3A_1833] {strides = array<i32>} : memref<32768xf32, #tpu.memory_space<vmem>>, vector<16xf32>,
          %mul3A_1835 = arith.constant 1024 : i32
          %mul3A_1836 = arith.muli %scan3A_1792, %mul3A_1835 : i32
          %mul3A_1837 = arith.constant 8 : i32
          %mul3A_1838 = arith.muli %scan3A_1812, %mul3A_1837 : i32
          %add3A_1839 = arith.constant 2 : i32
          %add3A_1840 = arith.addi %mul3A_1838, %add3A_1839 : i32
          %mul3A_1841 = arith.constant 16 : i32
          %mul3A_1842 = arith.muli %add3A_1840, %mul3A_1841 : i32
          %add3A_1843 = arith.addi %mul3A_1836, %mul3A_1842 : i32
          %get3A_1844 = arith.index_cast %add3A_1843 : i32 to index
          %get3A_1845 = tpu.vector_load %arg14[%get3A_1844] {strides = array<i32>} : memref<32768xf32, #tpu.memory_space<vmem>>, vector<16xf32>,
          %mul3A_1846 = arith.constant 1024 : i32
          %mul3A_1847 = arith.muli %scan3A_1792, %mul3A_1846 : i32
          %mul3A_1848 = arith.constant 8 : i32
          %mul3A_1849 = arith.muli %scan3A_1812, %mul3A_1848 : i32
          %add3A_1850 = arith.constant 3 : i32
          %add3A_1851 = arith.addi %mul3A_1849, %add3A_1850 : i32
          %mul3A_1852 = arith.constant 16 : i32
          %mul3A_1853 = arith.muli %add3A_1851, %mul3A_1852 : i32
          %add3A_1854 = arith.addi %mul3A_1847, %mul3A_1853 : i32
          %get3A_1855 = arith.index_cast %add3A_1854 : i32 to index
          %get3A_1856 = tpu.vector_load %arg14[%get3A_1855] {strides = array<i32>} : memref<32768xf32, #tpu.memory_space<vmem>>, vector<16xf32>,
          %mul3A_1857 = arith.constant 1024 : i32
          %mul3A_1858 = arith.muli %scan3A_1792, %mul3A_1857 : i32
          %mul3A_1859 = arith.constant 8 : i32
          %mul3A_1860 = arith.muli %scan3A_1812, %mul3A_1859 : i32
          %add3A_1861 = arith.constant 4 : i32
          %add3A_1862 = arith.addi %mul3A_1860, %add3A_1861 : i32
          %mul3A_1863 = arith.constant 16 : i32
          %mul3A_1864 = arith.muli %add3A_1862, %mul3A_1863 : i32
          %add3A_1865 = arith.addi %mul3A_1858, %mul3A_1864 : i32
          %get3A_1866 = arith.index_cast %add3A_1865 : i32 to index
          %get3A_1867 = tpu.vector_load %arg14[%get3A_1866] {strides = array<i32>} : memref<32768xf32, #tpu.memory_space<vmem>>, vector<16xf32>,
          %mul3A_1868 = arith.constant 1024 : i32
          %mul3A_1869 = arith.muli %scan3A_1792, %mul3A_1868 : i32
          %mul3A_1870 = arith.constant 8 : i32
          %mul3A_1871 = arith.muli %scan3A_1812, %mul3A_1870 : i32
          %add3A_1872 = arith.constant 5 : i32
          %add3A_1873 = arith.addi %mul3A_1871, %add3A_1872 : i32
          %mul3A_1874 = arith.constant 16 : i32
          %mul3A_1875 = arith.muli %add3A_1873, %mul3A_1874 : i32
          %add3A_1876 = arith.addi %mul3A_1869, %mul3A_1875 : i32
          %get3A_1877 = arith.index_cast %add3A_1876 : i32 to index
          %get3A_1878 = tpu.vector_load %arg14[%get3A_1877] {strides = array<i32>} : memref<32768xf32, #tpu.memory_space<vmem>>, vector<16xf32>,
          %mul3A_1879 = arith.constant 1024 : i32
          %mul3A_1880 = arith.muli %scan3A_1792, %mul3A_1879 : i32
          %mul3A_1881 = arith.constant 8 : i32
          %mul3A_1882 = arith.muli %scan3A_1812, %mul3A_1881 : i32
          %add3A_1883 = arith.constant 6 : i32
          %add3A_1884 = arith.addi %mul3A_1882, %add3A_1883 : i32
          %mul3A_1885 = arith.constant 16 : i32
          %mul3A_1886 = arith.muli %add3A_1884, %mul3A_1885 : i32
          %add3A_1887 = arith.addi %mul3A_1880, %mul3A_1886 : i32
          %get3A_1888 = arith.index_cast %add3A_1887 : i32 to index
          %get3A_1889 = tpu.vector_load %arg14[%get3A_1888] {strides = array<i32>} : memref<32768xf32, #tpu.memory_space<vmem>>, vector<16xf32>,
          %mul3A_1890 = arith.constant 1024 : i32
          %mul3A_1891 = arith.muli %scan3A_1792, %mul3A_1890 : i32
          %mul3A_1892 = arith.constant 8 : i32
          %mul3A_1893 = arith.muli %scan3A_1812, %mul3A_1892 : i32
          %add3A_1894 = arith.constant 7 : i32
          %add3A_1895 = arith.addi %mul3A_1893, %add3A_1894 : i32
          %mul3A_1896 = arith.constant 16 : i32
          %mul3A_1897 = arith.muli %add3A_1895, %mul3A_1896 : i32
          %add3A_1898 = arith.addi %mul3A_1891, %mul3A_1897 : i32
          %get3A_1899 = arith.index_cast %add3A_1898 : i32 to index
          %get3A_1900 = tpu.vector_load %arg14[%get3A_1899] {strides = array<i32>} : memref<32768xf32, #tpu.memory_space<vmem>>, vector<16xf32>,
          %sub3A_1901 = arith.subf %get3A_1823, %get3A_1795 : vector<16xf32>
          %mul3A_1902 = arith.mulf %sub3A_1901, %get3A_1803 : vector<16xf32>
          %convert_element_type3A_1903 = arith.fptosi %mul3A_1902 : vector<16xf32> to vector<16xi32>
          %convert_element_type3A_1904 = arith.sitofp %convert_element_type3A_1903 : vector<16xi32> to vector<16xf32>
          %mul3A_1905 = arith.mulf %convert_element_type3A_1904, %get3A_1799 : vector<16xf32>
          %add3A_1906 = arith.addf %get3A_1795, %mul3A_1905 : vector<16xf32>
          %add3A_1907 = arith.addf %add3A_1906, %get3A_1799 : vector<16xf32>
          %ge3A = arith.cmpf oge, %get3A_1823, %add3A_1907 : vector<16xf32>
          %lt3A_1908 = arith.cmpf olt, %get3A_1823, %add3A_1906 : vector<16xf32>
          %jit3A = arith.constant -1 : i32
          %jit3A_1909 = arith.constant 0 : i32
          %broadcast_in_dim3A = vector.broadcast %jit3A : i32 to vector<16xi32>
          %broadcast_in_dim3A_1910 = vector.broadcast %jit3A_1909 : i32 to vector<16xi32>
          %select_n3A = arith.select %lt3A_1908, %broadcast_in_dim3A, %broadcast_in_dim3A_1910 : vector<16xi1>, vector<16xi32>
          %jit3A_1911 = arith.constant 1 : i32
          %broadcast_in_dim3A_1912 = vector.broadcast %jit3A_1911 : i32 to vector<16xi32>
          %select_n3A_1913 = arith.select %ge3A, %broadcast_in_dim3A_1912, %select_n3A : vector<16xi1>, vector<16xi32>
          %add3A_1914 = arith.addi %convert_element_type3A_1903, %select_n3A_1913 : vector<16xi32>
          %jit3A_1915 = arith.constant 0 : i32
          %jit3A_1916 = arith.constant 255 : i32
          %max3A = vector.broadcast %jit3A_1915 : i32 to vector<16xi32>
          %max3A_1917 = arith.maxsi %max3A, %add3A_1914 : vector<16xi32>
          %min3A = vector.broadcast %jit3A_1916 : i32 to vector<16xi32>
          %min3A_1918 = arith.minsi %min3A, %max3A_1917 : vector<16xi32>
          %sub3A_1919 = arith.subf %get3A_1834, %get3A_1795 : vector<16xf32>
          %mul3A_1920 = arith.mulf %sub3A_1919, %get3A_1803 : vector<16xf32>
          %convert_element_type3A_1921 = arith.fptosi %mul3A_1920 : vector<16xf32> to vector<16xi32>
          %convert_element_type3A_1922 = arith.sitofp %convert_element_type3A_1921 : vector<16xi32> to vector<16xf32>
          %mul3A_1923 = arith.mulf %convert_element_type3A_1922, %get3A_1799 : vector<16xf32>
          %add3A_1924 = arith.addf %get3A_1795, %mul3A_1923 : vector<16xf32>
          %add3A_1925 = arith.addf %add3A_1924, %get3A_1799 : vector<16xf32>
          %ge3A_1926 = arith.cmpf oge, %get3A_1834, %add3A_1925 : vector<16xf32>
          %lt3A_1927 = arith.cmpf olt, %get3A_1834, %add3A_1924 : vector<16xf32>
          %jit3A_1928 = arith.constant -1 : i32
          %jit3A_1929 = arith.constant 0 : i32
          %broadcast_in_dim3A_1930 = vector.broadcast %jit3A_1928 : i32 to vector<16xi32>
          %broadcast_in_dim3A_1931 = vector.broadcast %jit3A_1929 : i32 to vector<16xi32>
          %select_n3A_1932 = arith.select %lt3A_1927, %broadcast_in_dim3A_1930, %broadcast_in_dim3A_1931 : vector<16xi1>, vector<16xi32>
          %jit3A_1933 = arith.constant 1 : i32
          %broadcast_in_dim3A_1934 = vector.broadcast %jit3A_1933 : i32 to vector<16xi32>
          %select_n3A_1935 = arith.select %ge3A_1926, %broadcast_in_dim3A_1934, %select_n3A_1932 : vector<16xi1>, vector<16xi32>
          %add3A_1936 = arith.addi %convert_element_type3A_1921, %select_n3A_1935 : vector<16xi32>
          %jit3A_1937 = arith.constant 0 : i32
          %jit3A_1938 = arith.constant 255 : i32
          %max3A_1939 = vector.broadcast %jit3A_1937 : i32 to vector<16xi32>
          %max3A_1940 = arith.maxsi %max3A_1939, %add3A_1936 : vector<16xi32>
          %min3A_1941 = vector.broadcast %jit3A_1938 : i32 to vector<16xi32>
          %min3A_1942 = arith.minsi %min3A_1941, %max3A_1940 : vector<16xi32>
          %sub3A_1943 = arith.subf %get3A_1845, %get3A_1795 : vector<16xf32>
          %mul3A_1944 = arith.mulf %sub3A_1943, %get3A_1803 : vector<16xf32>
          %convert_element_type3A_1945 = arith.fptosi %mul3A_1944 : vector<16xf32> to vector<16xi32>
          %convert_element_type3A_1946 = arith.sitofp %convert_element_type3A_1945 : vector<16xi32> to vector<16xf32>
          %mul3A_1947 = arith.mulf %convert_element_type3A_1946, %get3A_1799 : vector<16xf32>
          %add3A_1948 = arith.addf %get3A_1795, %mul3A_1947 : vector<16xf32>
          %add3A_1949 = arith.addf %add3A_1948, %get3A_1799 : vector<16xf32>
          %ge3A_1950 = arith.cmpf oge, %get3A_1845, %add3A_1949 : vector<16xf32>
          %lt3A_1951 = arith.cmpf olt, %get3A_1845, %add3A_1948 : vector<16xf32>
          %jit3A_1952 = arith.constant -1 : i32
          %jit3A_1953 = arith.constant 0 : i32
          %broadcast_in_dim3A_1954 = vector.broadcast %jit3A_1952 : i32 to vector<16xi32>
          %broadcast_in_dim3A_1955 = vector.broadcast %jit3A_1953 : i32 to vector<16xi32>
          %select_n3A_1956 = arith.select %lt3A_1951, %broadcast_in_dim3A_1954, %broadcast_in_dim3A_1955 : vector<16xi1>, vector<16xi32>
          %jit3A_1957 = arith.constant 1 : i32
          %broadcast_in_dim3A_1958 = vector.broadcast %jit3A_1957 : i32 to vector<16xi32>
          %select_n3A_1959 = arith.select %ge3A_1950, %broadcast_in_dim3A_1958, %select_n3A_1956 : vector<16xi1>, vector<16xi32>
          %add3A_1960 = arith.addi %convert_element_type3A_1945, %select_n3A_1959 : vector<16xi32>
          %jit3A_1961 = arith.constant 0 : i32
          %jit3A_1962 = arith.constant 255 : i32
          %max3A_1963 = vector.broadcast %jit3A_1961 : i32 to vector<16xi32>
          %max3A_1964 = arith.maxsi %max3A_1963, %add3A_1960 : vector<16xi32>
          %min3A_1965 = vector.broadcast %jit3A_1962 : i32 to vector<16xi32>
          %min3A_1966 = arith.minsi %min3A_1965, %max3A_1964 : vector<16xi32>
          %sub3A_1967 = arith.subf %get3A_1856, %get3A_1795 : vector<16xf32>
          %mul3A_1968 = arith.mulf %sub3A_1967, %get3A_1803 : vector<16xf32>
          %convert_element_type3A_1969 = arith.fptosi %mul3A_1968 : vector<16xf32> to vector<16xi32>
          %convert_element_type3A_1970 = arith.sitofp %convert_element_type3A_1969 : vector<16xi32> to vector<16xf32>
          %mul3A_1971 = arith.mulf %convert_element_type3A_1970, %get3A_1799 : vector<16xf32>
          %add3A_1972 = arith.addf %get3A_1795, %mul3A_1971 : vector<16xf32>
          %add3A_1973 = arith.addf %add3A_1972, %get3A_1799 : vector<16xf32>
          %ge3A_1974 = arith.cmpf oge, %get3A_1856, %add3A_1973 : vector<16xf32>
          %lt3A_1975 = arith.cmpf olt, %get3A_1856, %add3A_1972 : vector<16xf32>
          %jit3A_1976 = arith.constant -1 : i32
          %jit3A_1977 = arith.constant 0 : i32
          %broadcast_in_dim3A_1978 = vector.broadcast %jit3A_1976 : i32 to vector<16xi32>
          %broadcast_in_dim3A_1979 = vector.broadcast %jit3A_1977 : i32 to vector<16xi32>
          %select_n3A_1980 = arith.select %lt3A_1975, %broadcast_in_dim3A_1978, %broadcast_in_dim3A_1979 : vector<16xi1>, vector<16xi32>
          %jit3A_1981 = arith.constant 1 : i32
          %broadcast_in_dim3A_1982 = vector.broadcast %jit3A_1981 : i32 to vector<16xi32>
          %select_n3A_1983 = arith.select %ge3A_1974, %broadcast_in_dim3A_1982, %select_n3A_1980 : vector<16xi1>, vector<16xi32>
          %add3A_1984 = arith.addi %convert_element_type3A_1969, %select_n3A_1983 : vector<16xi32>
          %jit3A_1985 = arith.constant 0 : i32
          %jit3A_1986 = arith.constant 255 : i32
          %max3A_1987 = vector.broadcast %jit3A_1985 : i32 to vector<16xi32>
          %max3A_1988 = arith.maxsi %max3A_1987, %add3A_1984 : vector<16xi32>
          %min3A_1989 = vector.broadcast %jit3A_1986 : i32 to vector<16xi32>
          %min3A_1990 = arith.minsi %min3A_1989, %max3A_1988 : vector<16xi32>
          %sub3A_1991 = arith.subf %get3A_1867, %get3A_1795 : vector<16xf32>
          %mul3A_1992 = arith.mulf %sub3A_1991, %get3A_1803 : vector<16xf32>
          %convert_element_type3A_1993 = arith.fptosi %mul3A_1992 : vector<16xf32> to vector<16xi32>
          %convert_element_type3A_1994 = arith.sitofp %convert_element_type3A_1993 : vector<16xi32> to vector<16xf32>
          %mul3A_1995 = arith.mulf %convert_element_type3A_1994, %get3A_1799 : vector<16xf32>
          %add3A_1996 = arith.addf %get3A_1795, %mul3A_1995 : vector<16xf32>
          %add3A_1997 = arith.addf %add3A_1996, %get3A_1799 : vector<16xf32>
          %ge3A_1998 = arith.cmpf oge, %get3A_1867, %add3A_1997 : vector<16xf32>
          %lt3A_1999 = arith.cmpf olt, %get3A_1867, %add3A_1996 : vector<16xf32>
          %jit3A_2000 = arith.constant -1 : i32
          %jit3A_2001 = arith.constant 0 : i32
          %broadcast_in_dim3A_2002 = vector.broadcast %jit3A_2000 : i32 to vector<16xi32>
          %broadcast_in_dim3A_2003 = vector.broadcast %jit3A_2001 : i32 to vector<16xi32>
          %select_n3A_2004 = arith.select %lt3A_1999, %broadcast_in_dim3A_2002, %broadcast_in_dim3A_2003 : vector<16xi1>, vector<16xi32>
          %jit3A_2005 = arith.constant 1 : i32
          %broadcast_in_dim3A_2006 = vector.broadcast %jit3A_2005 : i32 to vector<16xi32>
          %select_n3A_2007 = arith.select %ge3A_1998, %broadcast_in_dim3A_2006, %select_n3A_2004 : vector<16xi1>, vector<16xi32>
          %add3A_2008 = arith.addi %convert_element_type3A_1993, %select_n3A_2007 : vector<16xi32>
          %jit3A_2009 = arith.constant 0 : i32
          %jit3A_2010 = arith.constant 255 : i32
          %max3A_2011 = vector.broadcast %jit3A_2009 : i32 to vector<16xi32>
          %max3A_2012 = arith.maxsi %max3A_2011, %add3A_2008 : vector<16xi32>
          %min3A_2013 = vector.broadcast %jit3A_2010 : i32 to vector<16xi32>
          %min3A_2014 = arith.minsi %min3A_2013, %max3A_2012 : vector<16xi32>
          %sub3A_2015 = arith.subf %get3A_1878, %get3A_1795 : vector<16xf32>
          %mul3A_2016 = arith.mulf %sub3A_2015, %get3A_1803 : vector<16xf32>
          %convert_element_type3A_2017 = arith.fptosi %mul3A_2016 : vector<16xf32> to vector<16xi32>
          %convert_element_type3A_2018 = arith.sitofp %convert_element_type3A_2017 : vector<16xi32> to vector<16xf32>
          %mul3A_2019 = arith.mulf %convert_element_type3A_2018, %get3A_1799 : vector<16xf32>
          %add3A_2020 = arith.addf %get3A_1795, %mul3A_2019 : vector<16xf32>
          %add3A_2021 = arith.addf %add3A_2020, %get3A_1799 : vector<16xf32>
          %ge3A_2022 = arith.cmpf oge, %get3A_1878, %add3A_2021 : vector<16xf32>
          %lt3A_2023 = arith.cmpf olt, %get3A_1878, %add3A_2020 : vector<16xf32>
          %jit3A_2024 = arith.constant -1 : i32
          %jit3A_2025 = arith.constant 0 : i32
          %broadcast_in_dim3A_2026 = vector.broadcast %jit3A_2024 : i32 to vector<16xi32>
          %broadcast_in_dim3A_2027 = vector.broadcast %jit3A_2025 : i32 to vector<16xi32>
          %select_n3A_2028 = arith.select %lt3A_2023, %broadcast_in_dim3A_2026, %broadcast_in_dim3A_2027 : vector<16xi1>, vector<16xi32>
          %jit3A_2029 = arith.constant 1 : i32
          %broadcast_in_dim3A_2030 = vector.broadcast %jit3A_2029 : i32 to vector<16xi32>
          %select_n3A_2031 = arith.select %ge3A_2022, %broadcast_in_dim3A_2030, %select_n3A_2028 : vector<16xi1>, vector<16xi32>
          %add3A_2032 = arith.addi %convert_element_type3A_2017, %select_n3A_2031 : vector<16xi32>
          %jit3A_2033 = arith.constant 0 : i32
          %jit3A_2034 = arith.constant 255 : i32
          %max3A_2035 = vector.broadcast %jit3A_2033 : i32 to vector<16xi32>
          %max3A_2036 = arith.maxsi %max3A_2035, %add3A_2032 : vector<16xi32>
          %min3A_2037 = vector.broadcast %jit3A_2034 : i32 to vector<16xi32>
          %min3A_2038 = arith.minsi %min3A_2037, %max3A_2036 : vector<16xi32>
          %sub3A_2039 = arith.subf %get3A_1889, %get3A_1795 : vector<16xf32>
          %mul3A_2040 = arith.mulf %sub3A_2039, %get3A_1803 : vector<16xf32>
          %convert_element_type3A_2041 = arith.fptosi %mul3A_2040 : vector<16xf32> to vector<16xi32>
          %convert_element_type3A_2042 = arith.sitofp %convert_element_type3A_2041 : vector<16xi32> to vector<16xf32>
          %mul3A_2043 = arith.mulf %convert_element_type3A_2042, %get3A_1799 : vector<16xf32>
          %add3A_2044 = arith.addf %get3A_1795, %mul3A_2043 : vector<16xf32>
          %add3A_2045 = arith.addf %add3A_2044, %get3A_1799 : vector<16xf32>
          %ge3A_2046 = arith.cmpf oge, %get3A_1889, %add3A_2045 : vector<16xf32>
          %lt3A_2047 = arith.cmpf olt, %get3A_1889, %add3A_2044 : vector<16xf32>
          %jit3A_2048 = arith.constant -1 : i32
          %jit3A_2049 = arith.constant 0 : i32
          %broadcast_in_dim3A_2050 = vector.broadcast %jit3A_2048 : i32 to vector<16xi32>
          %broadcast_in_dim3A_2051 = vector.broadcast %jit3A_2049 : i32 to vector<16xi32>
          %select_n3A_2052 = arith.select %lt3A_2047, %broadcast_in_dim3A_2050, %broadcast_in_dim3A_2051 : vector<16xi1>, vector<16xi32>
          %jit3A_2053 = arith.constant 1 : i32
          %broadcast_in_dim3A_2054 = vector.broadcast %jit3A_2053 : i32 to vector<16xi32>
          %select_n3A_2055 = arith.select %ge3A_2046, %broadcast_in_dim3A_2054, %select_n3A_2052 : vector<16xi1>, vector<16xi32>
          %add3A_2056 = arith.addi %convert_element_type3A_2041, %select_n3A_2055 : vector<16xi32>
          %jit3A_2057 = arith.constant 0 : i32
          %jit3A_2058 = arith.constant 255 : i32
          %max3A_2059 = vector.broadcast %jit3A_2057 : i32 to vector<16xi32>
          %max3A_2060 = arith.maxsi %max3A_2059, %add3A_2056 : vector<16xi32>
          %min3A_2061 = vector.broadcast %jit3A_2058 : i32 to vector<16xi32>
          %min3A_2062 = arith.minsi %min3A_2061, %max3A_2060 : vector<16xi32>
          %sub3A_2063 = arith.subf %get3A_1900, %get3A_1795 : vector<16xf32>
          %mul3A_2064 = arith.mulf %sub3A_2063, %get3A_1803 : vector<16xf32>
          %convert_element_type3A_2065 = arith.fptosi %mul3A_2064 : vector<16xf32> to vector<16xi32>
          %convert_element_type3A_2066 = arith.sitofp %convert_element_type3A_2065 : vector<16xi32> to vector<16xf32>
          %mul3A_2067 = arith.mulf %convert_element_type3A_2066, %get3A_1799 : vector<16xf32>
          %add3A_2068 = arith.addf %get3A_1795, %mul3A_2067 : vector<16xf32>
          %add3A_2069 = arith.addf %add3A_2068, %get3A_1799 : vector<16xf32>
          %ge3A_2070 = arith.cmpf oge, %get3A_1900, %add3A_2069 : vector<16xf32>
          %lt3A_2071 = arith.cmpf olt, %get3A_1900, %add3A_2068 : vector<16xf32>
          %jit3A_2072 = arith.constant -1 : i32
          %jit3A_2073 = arith.constant 0 : i32
          %broadcast_in_dim3A_2074 = vector.broadcast %jit3A_2072 : i32 to vector<16xi32>
          %broadcast_in_dim3A_2075 = vector.broadcast %jit3A_2073 : i32 to vector<16xi32>
          %select_n3A_2076 = arith.select %lt3A_2071, %broadcast_in_dim3A_2074, %broadcast_in_dim3A_2075 : vector<16xi1>, vector<16xi32>
          %jit3A_2077 = arith.constant 1 : i32
          %broadcast_in_dim3A_2078 = vector.broadcast %jit3A_2077 : i32 to vector<16xi32>
          %select_n3A_2079 = arith.select %ge3A_2070, %broadcast_in_dim3A_2078, %select_n3A_2076 : vector<16xi1>, vector<16xi32>
          %add3A_2080 = arith.addi %convert_element_type3A_2065, %select_n3A_2079 : vector<16xi32>
          %jit3A_2081 = arith.constant 0 : i32
          %jit3A_2082 = arith.constant 255 : i32
          %max3A_2083 = vector.broadcast %jit3A_2081 : i32 to vector<16xi32>
          %max3A_2084 = arith.maxsi %max3A_2083, %add3A_2080 : vector<16xi32>
          %min3A_2085 = vector.broadcast %jit3A_2082 : i32 to vector<16xi32>
          %min3A_2086 = arith.minsi %min3A_2085, %max3A_2084 : vector<16xi32>
          %add3A_2087 = vector.broadcast %mul3A_1805 : i32 to vector<16xi32>
          %add3A_2088 = arith.addi %min3A_1918, %add3A_2087 : vector<16xi32>
          %gather3A_2089 = tpu.vector_load_idx %arg7[%add3A_2088] : memref<8192xf32, #tpu.memory_space<vmem>>[vector<16xi32>], vector<16xf32>,
          %add3A_2090 = vector.broadcast %mul3A_1805 : i32 to vector<16xi32>
          %add3A_2091 = arith.addi %min3A_1942, %add3A_2090 : vector<16xi32>
          %gather3A_2092 = tpu.vector_load_idx %arg7[%add3A_2091] : memref<8192xf32, #tpu.memory_space<vmem>>[vector<16xi32>], vector<16xf32>,
          %add3A_2093 = vector.broadcast %mul3A_1805 : i32 to vector<16xi32>
          %add3A_2094 = arith.addi %min3A_1966, %add3A_2093 : vector<16xi32>
          %gather3A_2095 = tpu.vector_load_idx %arg7[%add3A_2094] : memref<8192xf32, #tpu.memory_space<vmem>>[vector<16xi32>], vector<16xf32>,
          %add3A_2096 = vector.broadcast %mul3A_1805 : i32 to vector<16xi32>
          %add3A_2097 = arith.addi %min3A_1990, %add3A_2096 : vector<16xi32>
          %gather3A_2098 = tpu.vector_load_idx %arg7[%add3A_2097] : memref<8192xf32, #tpu.memory_space<vmem>>[vector<16xi32>], vector<16xf32>,
          %add3A_2099 = vector.broadcast %mul3A_1805 : i32 to vector<16xi32>
          %add3A_2100 = arith.addi %min3A_2014, %add3A_2099 : vector<16xi32>
          %gather3A_2101 = tpu.vector_load_idx %arg7[%add3A_2100] : memref<8192xf32, #tpu.memory_space<vmem>>[vector<16xi32>], vector<16xf32>,
          %add3A_2102 = vector.broadcast %mul3A_1805 : i32 to vector<16xi32>
          %add3A_2103 = arith.addi %min3A_2038, %add3A_2102 : vector<16xi32>
          %gather3A_2104 = tpu.vector_load_idx %arg7[%add3A_2103] : memref<8192xf32, #tpu.memory_space<vmem>>[vector<16xi32>], vector<16xf32>,
          %add3A_2105 = vector.broadcast %mul3A_1805 : i32 to vector<16xi32>
          %add3A_2106 = arith.addi %min3A_2062, %add3A_2105 : vector<16xi32>
          %gather3A_2107 = tpu.vector_load_idx %arg7[%add3A_2106] : memref<8192xf32, #tpu.memory_space<vmem>>[vector<16xi32>], vector<16xf32>,
          %add3A_2108 = vector.broadcast %mul3A_1805 : i32 to vector<16xi32>
          %add3A_2109 = arith.addi %min3A_2086, %add3A_2108 : vector<16xi32>
          %gather3A_2110 = tpu.vector_load_idx %arg7[%add3A_2109] : memref<8192xf32, #tpu.memory_space<vmem>>[vector<16xi32>], vector<16xf32>,
          %mul3A_2111 = arith.constant 8 : i32
          %mul3A_2112 = arith.muli %scan3A_1812, %mul3A_2111 : i32
          %add3A_2113 = arith.constant 0 : i32
          %add3A_2114 = arith.addi %mul3A_2112, %add3A_2113 : i32
          %mul3A_2115 = arith.constant 16 : i32
          %mul3A_2116 = arith.muli %add3A_2114, %mul3A_2115 : i32
          %swap3A_2117 = arith.index_cast %mul3A_2116 : i32 to index
          %swap3A_2118 = tpu.vector_load %arg15[%swap3A_2117] {strides = array<i32>} : memref<1024xf32, #tpu.memory_space<vmem>>, vector<16xf32>,
          tpu.vector_store %arg15[%swap3A_2117], %gather3A_2089 {add = true, strides = array<i32>} : memref<1024xf32, #tpu.memory_space<vmem>>, vector<16xf32>,
          %mul3A_2119 = arith.constant 8 : i32
          %mul3A_2120 = arith.muli %scan3A_1812, %mul3A_2119 : i32
          %add3A_2121 = arith.constant 1 : i32
          %add3A_2122 = arith.addi %mul3A_2120, %add3A_2121 : i32
          %mul3A_2123 = arith.constant 16 : i32
          %mul3A_2124 = arith.muli %add3A_2122, %mul3A_2123 : i32
          %swap3A_2125 = arith.index_cast %mul3A_2124 : i32 to index
          %swap3A_2126 = tpu.vector_load %arg15[%swap3A_2125] {strides = array<i32>} : memref<1024xf32, #tpu.memory_space<vmem>>, vector<16xf32>,
          tpu.vector_store %arg15[%swap3A_2125], %gather3A_2092 {add = true, strides = array<i32>} : memref<1024xf32, #tpu.memory_space<vmem>>, vector<16xf32>,
          %mul3A_2127 = arith.constant 8 : i32
          %mul3A_2128 = arith.muli %scan3A_1812, %mul3A_2127 : i32
          %add3A_2129 = arith.constant 2 : i32
          %add3A_2130 = arith.addi %mul3A_2128, %add3A_2129 : i32
          %mul3A_2131 = arith.constant 16 : i32
          %mul3A_2132 = arith.muli %add3A_2130, %mul3A_2131 : i32
          %swap3A_2133 = arith.index_cast %mul3A_2132 : i32 to index
          %swap3A_2134 = tpu.vector_load %arg15[%swap3A_2133] {strides = array<i32>} : memref<1024xf32, #tpu.memory_space<vmem>>, vector<16xf32>,
          tpu.vector_store %arg15[%swap3A_2133], %gather3A_2095 {add = true, strides = array<i32>} : memref<1024xf32, #tpu.memory_space<vmem>>, vector<16xf32>,
          %mul3A_2135 = arith.constant 8 : i32
          %mul3A_2136 = arith.muli %scan3A_1812, %mul3A_2135 : i32
          %add3A_2137 = arith.constant 3 : i32
          %add3A_2138 = arith.addi %mul3A_2136, %add3A_2137 : i32
          %mul3A_2139 = arith.constant 16 : i32
          %mul3A_2140 = arith.muli %add3A_2138, %mul3A_2139 : i32
          %swap3A_2141 = arith.index_cast %mul3A_2140 : i32 to index
          %swap3A_2142 = tpu.vector_load %arg15[%swap3A_2141] {strides = array<i32>} : memref<1024xf32, #tpu.memory_space<vmem>>, vector<16xf32>,
          tpu.vector_store %arg15[%swap3A_2141], %gather3A_2098 {add = true, strides = array<i32>} : memref<1024xf32, #tpu.memory_space<vmem>>, vector<16xf32>,
          %mul3A_2143 = arith.constant 8 : i32
          %mul3A_2144 = arith.muli %scan3A_1812, %mul3A_2143 : i32
          %add3A_2145 = arith.constant 4 : i32
          %add3A_2146 = arith.addi %mul3A_2144, %add3A_2145 : i32
          %mul3A_2147 = arith.constant 16 : i32
          %mul3A_2148 = arith.muli %add3A_2146, %mul3A_2147 : i32
          %swap3A_2149 = arith.index_cast %mul3A_2148 : i32 to index
          %swap3A_2150 = tpu.vector_load %arg15[%swap3A_2149] {strides = array<i32>} : memref<1024xf32, #tpu.memory_space<vmem>>, vector<16xf32>,
          tpu.vector_store %arg15[%swap3A_2149], %gather3A_2101 {add = true, strides = array<i32>} : memref<1024xf32, #tpu.memory_space<vmem>>, vector<16xf32>,
          %mul3A_2151 = arith.constant 8 : i32
          %mul3A_2152 = arith.muli %scan3A_1812, %mul3A_2151 : i32
          %add3A_2153 = arith.constant 5 : i32
          %add3A_2154 = arith.addi %mul3A_2152, %add3A_2153 : i32
          %mul3A_2155 = arith.constant 16 : i32
          %mul3A_2156 = arith.muli %add3A_2154, %mul3A_2155 : i32
          %swap3A_2157 = arith.index_cast %mul3A_2156 : i32 to index
          %swap3A_2158 = tpu.vector_load %arg15[%swap3A_2157] {strides = array<i32>} : memref<1024xf32, #tpu.memory_space<vmem>>, vector<16xf32>,
          tpu.vector_store %arg15[%swap3A_2157], %gather3A_2104 {add = true, strides = array<i32>} : memref<1024xf32, #tpu.memory_space<vmem>>, vector<16xf32>,
          %mul3A_2159 = arith.constant 8 : i32
          %mul3A_2160 = arith.muli %scan3A_1812, %mul3A_2159 : i32
          %add3A_2161 = arith.constant 6 : i32
          %add3A_2162 = arith.addi %mul3A_2160, %add3A_2161 : i32
          %mul3A_2163 = arith.constant 16 : i32
          %mul3A_2164 = arith.muli %add3A_2162, %mul3A_2163 : i32
          %swap3A_2165 = arith.index_cast %mul3A_2164 : i32 to index
          %swap3A_2166 = tpu.vector_load %arg15[%swap3A_2165] {strides = array<i32>} : memref<1024xf32, #tpu.memory_space<vmem>>, vector<16xf32>,
          tpu.vector_store %arg15[%swap3A_2165], %gather3A_2107 {add = true, strides = array<i32>} : memref<1024xf32, #tpu.memory_space<vmem>>, vector<16xf32>,
          %mul3A_2167 = arith.constant 8 : i32
          %mul3A_2168 = arith.muli %scan3A_1812, %mul3A_2167 : i32
          %add3A_2169 = arith.constant 7 : i32
          %add3A_2170 = arith.addi %mul3A_2168, %add3A_2169 : i32
          %mul3A_2171 = arith.constant 16 : i32
          %mul3A_2172 = arith.muli %add3A_2170, %mul3A_2171 : i32
          %swap3A_2173 = arith.index_cast %mul3A_2172 : i32 to index
          %swap3A_2174 = tpu.vector_load %arg15[%swap3A_2173] {strides = array<i32>} : memref<1024xf32, #tpu.memory_space<vmem>>, vector<16xf32>,
          tpu.vector_store %arg15[%swap3A_2173], %gather3A_2110 {add = true, strides = array<i32>} : memref<1024xf32, #tpu.memory_space<vmem>>, vector<16xf32>,
        }
        %scan3A_1811 = arith.constant 8 : i32
      }
      %scan3A_1784 = arith.constant 32 : i32
      "tpu.region"() ({
        %run_scoped3A = tpu.sem_alloc : memref<!tpu.dma_semaphore, #tpu.memory_space<semaphore_mem>>
        %dma_start3A_1792 = tpu.memref_slice %arg6[%add3A_1513] : memref<524288xf32, #tpu.memory_space<hbm>> -> memref<1024xf32, #tpu.memory_space<hbm>>
        %dma_start3A_1793 = tpu.memref_slice %arg6[%add3A_1513] : memref<524288xf32, #tpu.memory_space<hbm>> -> memref<1024xf32, #tpu.memory_space<hbm>>
        tpu.enqueue_dma source(%arg15 : memref<1024xf32, #tpu.memory_space<vmem>>) target(%dma_start3A_1793 : memref<1024xf32, #tpu.memory_space<hbm>>) target_semaphore(%run_scoped3A : memref<!tpu.dma_semaphore, #tpu.memory_space<semaphore_mem>>)
        %dma_wait3A_1794 = tpu.memref_slice %arg6[%add3A_1513] : memref<524288xf32, #tpu.memory_space<hbm>> -> memref<1024xf32, #tpu.memory_space<hbm>>
        %dma_wait3A_1795 = tpu.memref_slice %arg6[%add3A_1513] : memref<524288xf32, #tpu.memory_space<hbm>> -> memref<1024xf32, #tpu.memory_space<hbm>>
        tpu.wait_dma2 semaphore(%run_scoped3A : memref<!tpu.dma_semaphore, #tpu.memory_space<semaphore_mem>>) src(%arg15 : memref<1024xf32, #tpu.memory_space<vmem>>) dst(%dma_wait3A_1795 : memref<1024xf32, #tpu.memory_space<hbm>>)
        tpu.yield
      }) : () -> ()
      %add3A_1785 = arith.constant 2 : i32
      %add3A_1786 = arith.addi %add3A_1510, %add3A_1785 : i32
      %lt3A_1787 = arith.constant 16 : i32
      %lt3A_1788 = arith.cmpi slt, %add3A_1786, %lt3A_1787 : i32
      %convert_element_type3A_1789 = arith.extui %lt3A_1788 : i1 to i32
      %cond3A_1790 = arith.constant 0 : i32
      %cond3A_1791 = arith.cmpi ne, %convert_element_type3A_1789, %cond3A_1790 : i32
      scf.if %cond3A_1791 {
        %add3A_1792 = arith.constant 2 : i32
        %add3A_1793 = arith.addi %add3A_1510, %add3A_1792 : i32
        %mul3A_1794 = arith.constant 1024 : i32
        %mul3A_1795 = arith.muli %add3A_1793, %mul3A_1794 : i32
        %add3A_1796 = arith.addi %mul3A_2, %mul3A_1795 : i32
        %add3A_1797 = arith.constant 0 : i32
        %add3A_1798 = arith.addi %add3A_1797, %add3A_1796 : i32
        %dma_start3A_1799 = arith.constant 0 : i32
        %dma_start3A_1800 = tpu.memref_slice %arg14[%dma_start3A_1799] : memref<32768xf32, #tpu.memory_space<vmem>> -> memref<1024xf32, #tpu.memory_space<vmem>>
        %dma_start3A_1801 = tpu.memref_slice %arg2[%add3A_1798] : memref<16777216xf32, #tpu.memory_space<hbm>> -> memref<1024xf32, #tpu.memory_space<hbm>>
        %dma_start3A_1802 = arith.constant 0 : i32
        %dma_start3A_1803 = tpu.memref_slice %arg14[%dma_start3A_1802] : memref<32768xf32, #tpu.memory_space<vmem>> -> memref<1024xf32, #tpu.memory_space<vmem>>
        %dma_start3A_1804 = tpu.memref_slice %arg2[%add3A_1798] : memref<16777216xf32, #tpu.memory_space<hbm>> -> memref<1024xf32, #tpu.memory_space<hbm>>
        tpu.enqueue_dma source(%dma_start3A_1804 : memref<1024xf32, #tpu.memory_space<hbm>>) target(%dma_start3A_1803 : memref<1024xf32, #tpu.memory_space<vmem>>) target_semaphore(%arg17 : memref<!tpu.dma_semaphore, #tpu.memory_space<semaphore_mem>>)
        %add3A_1805 = arith.constant 524288 : i32
        %add3A_1806 = arith.addi %add3A_1805, %add3A_1796 : i32
        %dma_start3A_1807 = arith.constant 1024 : i32
        %dma_start3A_1808 = tpu.memref_slice %arg14[%dma_start3A_1807] : memref<32768xf32, #tpu.memory_space<vmem>> -> memref<1024xf32, #tpu.memory_space<vmem>>
        %dma_start3A_1809 = tpu.memref_slice %arg2[%add3A_1806] : memref<16777216xf32, #tpu.memory_space<hbm>> -> memref<1024xf32, #tpu.memory_space<hbm>>
        %dma_start3A_1810 = arith.constant 1024 : i32
        %dma_start3A_1811 = tpu.memref_slice %arg14[%dma_start3A_1810] : memref<32768xf32, #tpu.memory_space<vmem>> -> memref<1024xf32, #tpu.memory_space<vmem>>
        %dma_start3A_1812 = tpu.memref_slice %arg2[%add3A_1806] : memref<16777216xf32, #tpu.memory_space<hbm>> -> memref<1024xf32, #tpu.memory_space<hbm>>
        tpu.enqueue_dma source(%dma_start3A_1812 : memref<1024xf32, #tpu.memory_space<hbm>>) target(%dma_start3A_1811 : memref<1024xf32, #tpu.memory_space<vmem>>) target_semaphore(%arg17 : memref<!tpu.dma_semaphore, #tpu.memory_space<semaphore_mem>>)
        %add3A_1813 = arith.constant 1048576 : i32
        %add3A_1814 = arith.addi %add3A_1813, %add3A_1796 : i32
        %dma_start3A_1815 = arith.constant 2048 : i32
        %dma_start3A_1816 = tpu.memref_slice %arg14[%dma_start3A_1815] : memref<32768xf32, #tpu.memory_space<vmem>> -> memref<1024xf32, #tpu.memory_space<vmem>>
        %dma_start3A_1817 = tpu.memref_slice %arg2[%add3A_1814] : memref<16777216xf32, #tpu.memory_space<hbm>> -> memref<1024xf32, #tpu.memory_space<hbm>>
        %dma_start3A_1818 = arith.constant 2048 : i32
        %dma_start3A_1819 = tpu.memref_slice %arg14[%dma_start3A_1818] : memref<32768xf32, #tpu.memory_space<vmem>> -> memref<1024xf32, #tpu.memory_space<vmem>>
        %dma_start3A_1820 = tpu.memref_slice %arg2[%add3A_1814] : memref<16777216xf32, #tpu.memory_space<hbm>> -> memref<1024xf32, #tpu.memory_space<hbm>>
        tpu.enqueue_dma source(%dma_start3A_1820 : memref<1024xf32, #tpu.memory_space<hbm>>) target(%dma_start3A_1819 : memref<1024xf32, #tpu.memory_space<vmem>>) target_semaphore(%arg17 : memref<!tpu.dma_semaphore, #tpu.memory_space<semaphore_mem>>)
        %add3A_1821 = arith.constant 1572864 : i32
        %add3A_1822 = arith.addi %add3A_1821, %add3A_1796 : i32
        %dma_start3A_1823 = arith.constant 3072 : i32
        %dma_start3A_1824 = tpu.memref_slice %arg14[%dma_start3A_1823] : memref<32768xf32, #tpu.memory_space<vmem>> -> memref<1024xf32, #tpu.memory_space<vmem>>
        %dma_start3A_1825 = tpu.memref_slice %arg2[%add3A_1822] : memref<16777216xf32, #tpu.memory_space<hbm>> -> memref<1024xf32, #tpu.memory_space<hbm>>
        %dma_start3A_1826 = arith.constant 3072 : i32
        %dma_start3A_1827 = tpu.memref_slice %arg14[%dma_start3A_1826] : memref<32768xf32, #tpu.memory_space<vmem>> -> memref<1024xf32, #tpu.memory_space<vmem>>
        %dma_start3A_1828 = tpu.memref_slice %arg2[%add3A_1822] : memref<16777216xf32, #tpu.memory_space<hbm>> -> memref<1024xf32, #tpu.memory_space<hbm>>
        tpu.enqueue_dma source(%dma_start3A_1828 : memref<1024xf32, #tpu.memory_space<hbm>>) target(%dma_start3A_1827 : memref<1024xf32, #tpu.memory_space<vmem>>) target_semaphore(%arg17 : memref<!tpu.dma_semaphore, #tpu.memory_space<semaphore_mem>>)
        %add3A_1829 = arith.constant 2097152 : i32
        %add3A_1830 = arith.addi %add3A_1829, %add3A_1796 : i32
        %dma_start3A_1831 = arith.constant 4096 : i32
        %dma_start3A_1832 = tpu.memref_slice %arg14[%dma_start3A_1831] : memref<32768xf32, #tpu.memory_space<vmem>> -> memref<1024xf32, #tpu.memory_space<vmem>>
        %dma_start3A_1833 = tpu.memref_slice %arg2[%add3A_1830] : memref<16777216xf32, #tpu.memory_space<hbm>> -> memref<1024xf32, #tpu.memory_space<hbm>>
        %dma_start3A_1834 = arith.constant 4096 : i32
        %dma_start3A_1835 = tpu.memref_slice %arg14[%dma_start3A_1834] : memref<32768xf32, #tpu.memory_space<vmem>> -> memref<1024xf32, #tpu.memory_space<vmem>>
        %dma_start3A_1836 = tpu.memref_slice %arg2[%add3A_1830] : memref<16777216xf32, #tpu.memory_space<hbm>> -> memref<1024xf32, #tpu.memory_space<hbm>>
        tpu.enqueue_dma source(%dma_start3A_1836 : memref<1024xf32, #tpu.memory_space<hbm>>) target(%dma_start3A_1835 : memref<1024xf32, #tpu.memory_space<vmem>>) target_semaphore(%arg17 : memref<!tpu.dma_semaphore, #tpu.memory_space<semaphore_mem>>)
        %add3A_1837 = arith.constant 2621440 : i32
        %add3A_1838 = arith.addi %add3A_1837, %add3A_1796 : i32
        %dma_start3A_1839 = arith.constant 5120 : i32
        %dma_start3A_1840 = tpu.memref_slice %arg14[%dma_start3A_1839] : memref<32768xf32, #tpu.memory_space<vmem>> -> memref<1024xf32, #tpu.memory_space<vmem>>
        %dma_start3A_1841 = tpu.memref_slice %arg2[%add3A_1838] : memref<16777216xf32, #tpu.memory_space<hbm>> -> memref<1024xf32, #tpu.memory_space<hbm>>
        %dma_start3A_1842 = arith.constant 5120 : i32
        %dma_start3A_1843 = tpu.memref_slice %arg14[%dma_start3A_1842] : memref<32768xf32, #tpu.memory_space<vmem>> -> memref<1024xf32, #tpu.memory_space<vmem>>
        %dma_start3A_1844 = tpu.memref_slice %arg2[%add3A_1838] : memref<16777216xf32, #tpu.memory_space<hbm>> -> memref<1024xf32, #tpu.memory_space<hbm>>
        tpu.enqueue_dma source(%dma_start3A_1844 : memref<1024xf32, #tpu.memory_space<hbm>>) target(%dma_start3A_1843 : memref<1024xf32, #tpu.memory_space<vmem>>) target_semaphore(%arg17 : memref<!tpu.dma_semaphore, #tpu.memory_space<semaphore_mem>>)
        %add3A_1845 = arith.constant 3145728 : i32
        %add3A_1846 = arith.addi %add3A_1845, %add3A_1796 : i32
        %dma_start3A_1847 = arith.constant 6144 : i32
        %dma_start3A_1848 = tpu.memref_slice %arg14[%dma_start3A_1847] : memref<32768xf32, #tpu.memory_space<vmem>> -> memref<1024xf32, #tpu.memory_space<vmem>>
        %dma_start3A_1849 = tpu.memref_slice %arg2[%add3A_1846] : memref<16777216xf32, #tpu.memory_space<hbm>> -> memref<1024xf32, #tpu.memory_space<hbm>>
        %dma_start3A_1850 = arith.constant 6144 : i32
        %dma_start3A_1851 = tpu.memref_slice %arg14[%dma_start3A_1850] : memref<32768xf32, #tpu.memory_space<vmem>> -> memref<1024xf32, #tpu.memory_space<vmem>>
        %dma_start3A_1852 = tpu.memref_slice %arg2[%add3A_1846] : memref<16777216xf32, #tpu.memory_space<hbm>> -> memref<1024xf32, #tpu.memory_space<hbm>>
        tpu.enqueue_dma source(%dma_start3A_1852 : memref<1024xf32, #tpu.memory_space<hbm>>) target(%dma_start3A_1851 : memref<1024xf32, #tpu.memory_space<vmem>>) target_semaphore(%arg17 : memref<!tpu.dma_semaphore, #tpu.memory_space<semaphore_mem>>)
        %add3A_1853 = arith.constant 3670016 : i32
        %add3A_1854 = arith.addi %add3A_1853, %add3A_1796 : i32
        %dma_start3A_1855 = arith.constant 7168 : i32
        %dma_start3A_1856 = tpu.memref_slice %arg14[%dma_start3A_1855] : memref<32768xf32, #tpu.memory_space<vmem>> -> memref<1024xf32, #tpu.memory_space<vmem>>
        %dma_start3A_1857 = tpu.memref_slice %arg2[%add3A_1854] : memref<16777216xf32, #tpu.memory_space<hbm>> -> memref<1024xf32, #tpu.memory_space<hbm>>
        %dma_start3A_1858 = arith.constant 7168 : i32
        %dma_start3A_1859 = tpu.memref_slice %arg14[%dma_start3A_1858] : memref<32768xf32, #tpu.memory_space<vmem>> -> memref<1024xf32, #tpu.memory_space<vmem>>
        %dma_start3A_1860 = tpu.memref_slice %arg2[%add3A_1854] : memref<16777216xf32, #tpu.memory_space<hbm>> -> memref<1024xf32, #tpu.memory_space<hbm>>
        tpu.enqueue_dma source(%dma_start3A_1860 : memref<1024xf32, #tpu.memory_space<hbm>>) target(%dma_start3A_1859 : memref<1024xf32, #tpu.memory_space<vmem>>) target_semaphore(%arg17 : memref<!tpu.dma_semaphore, #tpu.memory_space<semaphore_mem>>)
        %add3A_1861 = arith.constant 4194304 : i32
        %add3A_1862 = arith.addi %add3A_1861, %add3A_1796 : i32
        %dma_start3A_1863 = arith.constant 8192 : i32
        %dma_start3A_1864 = tpu.memref_slice %arg14[%dma_start3A_1863] : memref<32768xf32, #tpu.memory_space<vmem>> -> memref<1024xf32, #tpu.memory_space<vmem>>
        %dma_start3A_1865 = tpu.memref_slice %arg2[%add3A_1862] : memref<16777216xf32, #tpu.memory_space<hbm>> -> memref<1024xf32, #tpu.memory_space<hbm>>
        %dma_start3A_1866 = arith.constant 8192 : i32
        %dma_start3A_1867 = tpu.memref_slice %arg14[%dma_start3A_1866] : memref<32768xf32, #tpu.memory_space<vmem>> -> memref<1024xf32, #tpu.memory_space<vmem>>
        %dma_start3A_1868 = tpu.memref_slice %arg2[%add3A_1862] : memref<16777216xf32, #tpu.memory_space<hbm>> -> memref<1024xf32, #tpu.memory_space<hbm>>
        tpu.enqueue_dma source(%dma_start3A_1868 : memref<1024xf32, #tpu.memory_space<hbm>>) target(%dma_start3A_1867 : memref<1024xf32, #tpu.memory_space<vmem>>) target_semaphore(%arg17 : memref<!tpu.dma_semaphore, #tpu.memory_space<semaphore_mem>>)
        %add3A_1869 = arith.constant 4718592 : i32
        %add3A_1870 = arith.addi %add3A_1869, %add3A_1796 : i32
        %dma_start3A_1871 = arith.constant 9216 : i32
        %dma_start3A_1872 = tpu.memref_slice %arg14[%dma_start3A_1871] : memref<32768xf32, #tpu.memory_space<vmem>> -> memref<1024xf32, #tpu.memory_space<vmem>>
        %dma_start3A_1873 = tpu.memref_slice %arg2[%add3A_1870] : memref<16777216xf32, #tpu.memory_space<hbm>> -> memref<1024xf32, #tpu.memory_space<hbm>>
        %dma_start3A_1874 = arith.constant 9216 : i32
        %dma_start3A_1875 = tpu.memref_slice %arg14[%dma_start3A_1874] : memref<32768xf32, #tpu.memory_space<vmem>> -> memref<1024xf32, #tpu.memory_space<vmem>>
        %dma_start3A_1876 = tpu.memref_slice %arg2[%add3A_1870] : memref<16777216xf32, #tpu.memory_space<hbm>> -> memref<1024xf32, #tpu.memory_space<hbm>>
        tpu.enqueue_dma source(%dma_start3A_1876 : memref<1024xf32, #tpu.memory_space<hbm>>) target(%dma_start3A_1875 : memref<1024xf32, #tpu.memory_space<vmem>>) target_semaphore(%arg17 : memref<!tpu.dma_semaphore, #tpu.memory_space<semaphore_mem>>)
        %add3A_1877 = arith.constant 5242880 : i32
        %add3A_1878 = arith.addi %add3A_1877, %add3A_1796 : i32
        %dma_start3A_1879 = arith.constant 10240 : i32
        %dma_start3A_1880 = tpu.memref_slice %arg14[%dma_start3A_1879] : memref<32768xf32, #tpu.memory_space<vmem>> -> memref<1024xf32, #tpu.memory_space<vmem>>
        %dma_start3A_1881 = tpu.memref_slice %arg2[%add3A_1878] : memref<16777216xf32, #tpu.memory_space<hbm>> -> memref<1024xf32, #tpu.memory_space<hbm>>
        %dma_start3A_1882 = arith.constant 10240 : i32
        %dma_start3A_1883 = tpu.memref_slice %arg14[%dma_start3A_1882] : memref<32768xf32, #tpu.memory_space<vmem>> -> memref<1024xf32, #tpu.memory_space<vmem>>
        %dma_start3A_1884 = tpu.memref_slice %arg2[%add3A_1878] : memref<16777216xf32, #tpu.memory_space<hbm>> -> memref<1024xf32, #tpu.memory_space<hbm>>
        tpu.enqueue_dma source(%dma_start3A_1884 : memref<1024xf32, #tpu.memory_space<hbm>>) target(%dma_start3A_1883 : memref<1024xf32, #tpu.memory_space<vmem>>) target_semaphore(%arg17 : memref<!tpu.dma_semaphore, #tpu.memory_space<semaphore_mem>>)
        %add3A_1885 = arith.constant 5767168 : i32
        %add3A_1886 = arith.addi %add3A_1885, %add3A_1796 : i32
        %dma_start3A_1887 = arith.constant 11264 : i32
        %dma_start3A_1888 = tpu.memref_slice %arg14[%dma_start3A_1887] : memref<32768xf32, #tpu.memory_space<vmem>> -> memref<1024xf32, #tpu.memory_space<vmem>>
        %dma_start3A_1889 = tpu.memref_slice %arg2[%add3A_1886] : memref<16777216xf32, #tpu.memory_space<hbm>> -> memref<1024xf32, #tpu.memory_space<hbm>>
        %dma_start3A_1890 = arith.constant 11264 : i32
        %dma_start3A_1891 = tpu.memref_slice %arg14[%dma_start3A_1890] : memref<32768xf32, #tpu.memory_space<vmem>> -> memref<1024xf32, #tpu.memory_space<vmem>>
        %dma_start3A_1892 = tpu.memref_slice %arg2[%add3A_1886] : memref<16777216xf32, #tpu.memory_space<hbm>> -> memref<1024xf32, #tpu.memory_space<hbm>>
        tpu.enqueue_dma source(%dma_start3A_1892 : memref<1024xf32, #tpu.memory_space<hbm>>) target(%dma_start3A_1891 : memref<1024xf32, #tpu.memory_space<vmem>>) target_semaphore(%arg17 : memref<!tpu.dma_semaphore, #tpu.memory_space<semaphore_mem>>)
        %add3A_1893 = arith.constant 6291456 : i32
        %add3A_1894 = arith.addi %add3A_1893, %add3A_1796 : i32
        %dma_start3A_1895 = arith.constant 12288 : i32
        %dma_start3A_1896 = tpu.memref_slice %arg14[%dma_start3A_1895] : memref<32768xf32, #tpu.memory_space<vmem>> -> memref<1024xf32, #tpu.memory_space<vmem>>
        %dma_start3A_1897 = tpu.memref_slice %arg2[%add3A_1894] : memref<16777216xf32, #tpu.memory_space<hbm>> -> memref<1024xf32, #tpu.memory_space<hbm>>
        %dma_start3A_1898 = arith.constant 12288 : i32
        %dma_start3A_1899 = tpu.memref_slice %arg14[%dma_start3A_1898] : memref<32768xf32, #tpu.memory_space<vmem>> -> memref<1024xf32, #tpu.memory_space<vmem>>
        %dma_start3A_1900 = tpu.memref_slice %arg2[%add3A_1894] : memref<16777216xf32, #tpu.memory_space<hbm>> -> memref<1024xf32, #tpu.memory_space<hbm>>
        tpu.enqueue_dma source(%dma_start3A_1900 : memref<1024xf32, #tpu.memory_space<hbm>>) target(%dma_start3A_1899 : memref<1024xf32, #tpu.memory_space<vmem>>) target_semaphore(%arg17 : memref<!tpu.dma_semaphore, #tpu.memory_space<semaphore_mem>>)
        %add3A_1901 = arith.constant 6815744 : i32
        %add3A_1902 = arith.addi %add3A_1901, %add3A_1796 : i32
        %dma_start3A_1903 = arith.constant 13312 : i32
        %dma_start3A_1904 = tpu.memref_slice %arg14[%dma_start3A_1903] : memref<32768xf32, #tpu.memory_space<vmem>> -> memref<1024xf32, #tpu.memory_space<vmem>>
        %dma_start3A_1905 = tpu.memref_slice %arg2[%add3A_1902] : memref<16777216xf32, #tpu.memory_space<hbm>> -> memref<1024xf32, #tpu.memory_space<hbm>>
        %dma_start3A_1906 = arith.constant 13312 : i32
        %dma_start3A_1907 = tpu.memref_slice %arg14[%dma_start3A_1906] : memref<32768xf32, #tpu.memory_space<vmem>> -> memref<1024xf32, #tpu.memory_space<vmem>>
        %dma_start3A_1908 = tpu.memref_slice %arg2[%add3A_1902] : memref<16777216xf32, #tpu.memory_space<hbm>> -> memref<1024xf32, #tpu.memory_space<hbm>>
        tpu.enqueue_dma source(%dma_start3A_1908 : memref<1024xf32, #tpu.memory_space<hbm>>) target(%dma_start3A_1907 : memref<1024xf32, #tpu.memory_space<vmem>>) target_semaphore(%arg17 : memref<!tpu.dma_semaphore, #tpu.memory_space<semaphore_mem>>)
        %add3A_1909 = arith.constant 7340032 : i32
        %add3A_1910 = arith.addi %add3A_1909, %add3A_1796 : i32
        %dma_start3A_1911 = arith.constant 14336 : i32
        %dma_start3A_1912 = tpu.memref_slice %arg14[%dma_start3A_1911] : memref<32768xf32, #tpu.memory_space<vmem>> -> memref<1024xf32, #tpu.memory_space<vmem>>
        %dma_start3A_1913 = tpu.memref_slice %arg2[%add3A_1910] : memref<16777216xf32, #tpu.memory_space<hbm>> -> memref<1024xf32, #tpu.memory_space<hbm>>
        %dma_start3A_1914 = arith.constant 14336 : i32
        %dma_start3A_1915 = tpu.memref_slice %arg14[%dma_start3A_1914] : memref<32768xf32, #tpu.memory_space<vmem>> -> memref<1024xf32, #tpu.memory_space<vmem>>
        %dma_start3A_1916 = tpu.memref_slice %arg2[%add3A_1910] : memref<16777216xf32, #tpu.memory_space<hbm>> -> memref<1024xf32, #tpu.memory_space<hbm>>
        tpu.enqueue_dma source(%dma_start3A_1916 : memref<1024xf32, #tpu.memory_space<hbm>>) target(%dma_start3A_1915 : memref<1024xf32, #tpu.memory_space<vmem>>) target_semaphore(%arg17 : memref<!tpu.dma_semaphore, #tpu.memory_space<semaphore_mem>>)
        %add3A_1917 = arith.constant 7864320 : i32
        %add3A_1918 = arith.addi %add3A_1917, %add3A_1796 : i32
        %dma_start3A_1919 = arith.constant 15360 : i32
        %dma_start3A_1920 = tpu.memref_slice %arg14[%dma_start3A_1919] : memref<32768xf32, #tpu.memory_space<vmem>> -> memref<1024xf32, #tpu.memory_space<vmem>>
        %dma_start3A_1921 = tpu.memref_slice %arg2[%add3A_1918] : memref<16777216xf32, #tpu.memory_space<hbm>> -> memref<1024xf32, #tpu.memory_space<hbm>>
        %dma_start3A_1922 = arith.constant 15360 : i32
        %dma_start3A_1923 = tpu.memref_slice %arg14[%dma_start3A_1922] : memref<32768xf32, #tpu.memory_space<vmem>> -> memref<1024xf32, #tpu.memory_space<vmem>>
        %dma_start3A_1924 = tpu.memref_slice %arg2[%add3A_1918] : memref<16777216xf32, #tpu.memory_space<hbm>> -> memref<1024xf32, #tpu.memory_space<hbm>>
        tpu.enqueue_dma source(%dma_start3A_1924 : memref<1024xf32, #tpu.memory_space<hbm>>) target(%dma_start3A_1923 : memref<1024xf32, #tpu.memory_space<vmem>>) target_semaphore(%arg17 : memref<!tpu.dma_semaphore, #tpu.memory_space<semaphore_mem>>)
        %add3A_1925 = arith.constant 8388608 : i32
        %add3A_1926 = arith.addi %add3A_1925, %add3A_1796 : i32
        %dma_start3A_1927 = arith.constant 16384 : i32
        %dma_start3A_1928 = tpu.memref_slice %arg14[%dma_start3A_1927] : memref<32768xf32, #tpu.memory_space<vmem>> -> memref<1024xf32, #tpu.memory_space<vmem>>
        %dma_start3A_1929 = tpu.memref_slice %arg2[%add3A_1926] : memref<16777216xf32, #tpu.memory_space<hbm>> -> memref<1024xf32, #tpu.memory_space<hbm>>
        %dma_start3A_1930 = arith.constant 16384 : i32
        %dma_start3A_1931 = tpu.memref_slice %arg14[%dma_start3A_1930] : memref<32768xf32, #tpu.memory_space<vmem>> -> memref<1024xf32, #tpu.memory_space<vmem>>
        %dma_start3A_1932 = tpu.memref_slice %arg2[%add3A_1926] : memref<16777216xf32, #tpu.memory_space<hbm>> -> memref<1024xf32, #tpu.memory_space<hbm>>
        tpu.enqueue_dma source(%dma_start3A_1932 : memref<1024xf32, #tpu.memory_space<hbm>>) target(%dma_start3A_1931 : memref<1024xf32, #tpu.memory_space<vmem>>) target_semaphore(%arg17 : memref<!tpu.dma_semaphore, #tpu.memory_space<semaphore_mem>>)
        %add3A_1933 = arith.constant 8912896 : i32
        %add3A_1934 = arith.addi %add3A_1933, %add3A_1796 : i32
        %dma_start3A_1935 = arith.constant 17408 : i32
        %dma_start3A_1936 = tpu.memref_slice %arg14[%dma_start3A_1935] : memref<32768xf32, #tpu.memory_space<vmem>> -> memref<1024xf32, #tpu.memory_space<vmem>>
        %dma_start3A_1937 = tpu.memref_slice %arg2[%add3A_1934] : memref<16777216xf32, #tpu.memory_space<hbm>> -> memref<1024xf32, #tpu.memory_space<hbm>>
        %dma_start3A_1938 = arith.constant 17408 : i32
        %dma_start3A_1939 = tpu.memref_slice %arg14[%dma_start3A_1938] : memref<32768xf32, #tpu.memory_space<vmem>> -> memref<1024xf32, #tpu.memory_space<vmem>>
        %dma_start3A_1940 = tpu.memref_slice %arg2[%add3A_1934] : memref<16777216xf32, #tpu.memory_space<hbm>> -> memref<1024xf32, #tpu.memory_space<hbm>>
        tpu.enqueue_dma source(%dma_start3A_1940 : memref<1024xf32, #tpu.memory_space<hbm>>) target(%dma_start3A_1939 : memref<1024xf32, #tpu.memory_space<vmem>>) target_semaphore(%arg17 : memref<!tpu.dma_semaphore, #tpu.memory_space<semaphore_mem>>)
        %add3A_1941 = arith.constant 9437184 : i32
        %add3A_1942 = arith.addi %add3A_1941, %add3A_1796 : i32
        %dma_start3A_1943 = arith.constant 18432 : i32
        %dma_start3A_1944 = tpu.memref_slice %arg14[%dma_start3A_1943] : memref<32768xf32, #tpu.memory_space<vmem>> -> memref<1024xf32, #tpu.memory_space<vmem>>
        %dma_start3A_1945 = tpu.memref_slice %arg2[%add3A_1942] : memref<16777216xf32, #tpu.memory_space<hbm>> -> memref<1024xf32, #tpu.memory_space<hbm>>
        %dma_start3A_1946 = arith.constant 18432 : i32
        %dma_start3A_1947 = tpu.memref_slice %arg14[%dma_start3A_1946] : memref<32768xf32, #tpu.memory_space<vmem>> -> memref<1024xf32, #tpu.memory_space<vmem>>
        %dma_start3A_1948 = tpu.memref_slice %arg2[%add3A_1942] : memref<16777216xf32, #tpu.memory_space<hbm>> -> memref<1024xf32, #tpu.memory_space<hbm>>
        tpu.enqueue_dma source(%dma_start3A_1948 : memref<1024xf32, #tpu.memory_space<hbm>>) target(%dma_start3A_1947 : memref<1024xf32, #tpu.memory_space<vmem>>) target_semaphore(%arg17 : memref<!tpu.dma_semaphore, #tpu.memory_space<semaphore_mem>>)
        %add3A_1949 = arith.constant 9961472 : i32
        %add3A_1950 = arith.addi %add3A_1949, %add3A_1796 : i32
        %dma_start3A_1951 = arith.constant 19456 : i32
        %dma_start3A_1952 = tpu.memref_slice %arg14[%dma_start3A_1951] : memref<32768xf32, #tpu.memory_space<vmem>> -> memref<1024xf32, #tpu.memory_space<vmem>>
        %dma_start3A_1953 = tpu.memref_slice %arg2[%add3A_1950] : memref<16777216xf32, #tpu.memory_space<hbm>> -> memref<1024xf32, #tpu.memory_space<hbm>>
        %dma_start3A_1954 = arith.constant 19456 : i32
        %dma_start3A_1955 = tpu.memref_slice %arg14[%dma_start3A_1954] : memref<32768xf32, #tpu.memory_space<vmem>> -> memref<1024xf32, #tpu.memory_space<vmem>>
        %dma_start3A_1956 = tpu.memref_slice %arg2[%add3A_1950] : memref<16777216xf32, #tpu.memory_space<hbm>> -> memref<1024xf32, #tpu.memory_space<hbm>>
        tpu.enqueue_dma source(%dma_start3A_1956 : memref<1024xf32, #tpu.memory_space<hbm>>) target(%dma_start3A_1955 : memref<1024xf32, #tpu.memory_space<vmem>>) target_semaphore(%arg17 : memref<!tpu.dma_semaphore, #tpu.memory_space<semaphore_mem>>)
        %add3A_1957 = arith.constant 10485760 : i32
        %add3A_1958 = arith.addi %add3A_1957, %add3A_1796 : i32
        %dma_start3A_1959 = arith.constant 20480 : i32
        %dma_start3A_1960 = tpu.memref_slice %arg14[%dma_start3A_1959] : memref<32768xf32, #tpu.memory_space<vmem>> -> memref<1024xf32, #tpu.memory_space<vmem>>
        %dma_start3A_1961 = tpu.memref_slice %arg2[%add3A_1958] : memref<16777216xf32, #tpu.memory_space<hbm>> -> memref<1024xf32, #tpu.memory_space<hbm>>
        %dma_start3A_1962 = arith.constant 20480 : i32
        %dma_start3A_1963 = tpu.memref_slice %arg14[%dma_start3A_1962] : memref<32768xf32, #tpu.memory_space<vmem>> -> memref<1024xf32, #tpu.memory_space<vmem>>
        %dma_start3A_1964 = tpu.memref_slice %arg2[%add3A_1958] : memref<16777216xf32, #tpu.memory_space<hbm>> -> memref<1024xf32, #tpu.memory_space<hbm>>
        tpu.enqueue_dma source(%dma_start3A_1964 : memref<1024xf32, #tpu.memory_space<hbm>>) target(%dma_start3A_1963 : memref<1024xf32, #tpu.memory_space<vmem>>) target_semaphore(%arg17 : memref<!tpu.dma_semaphore, #tpu.memory_space<semaphore_mem>>)
        %add3A_1965 = arith.constant 11010048 : i32
        %add3A_1966 = arith.addi %add3A_1965, %add3A_1796 : i32
        %dma_start3A_1967 = arith.constant 21504 : i32
        %dma_start3A_1968 = tpu.memref_slice %arg14[%dma_start3A_1967] : memref<32768xf32, #tpu.memory_space<vmem>> -> memref<1024xf32, #tpu.memory_space<vmem>>
        %dma_start3A_1969 = tpu.memref_slice %arg2[%add3A_1966] : memref<16777216xf32, #tpu.memory_space<hbm>> -> memref<1024xf32, #tpu.memory_space<hbm>>
        %dma_start3A_1970 = arith.constant 21504 : i32
        %dma_start3A_1971 = tpu.memref_slice %arg14[%dma_start3A_1970] : memref<32768xf32, #tpu.memory_space<vmem>> -> memref<1024xf32, #tpu.memory_space<vmem>>
        %dma_start3A_1972 = tpu.memref_slice %arg2[%add3A_1966] : memref<16777216xf32, #tpu.memory_space<hbm>> -> memref<1024xf32, #tpu.memory_space<hbm>>
        tpu.enqueue_dma source(%dma_start3A_1972 : memref<1024xf32, #tpu.memory_space<hbm>>) target(%dma_start3A_1971 : memref<1024xf32, #tpu.memory_space<vmem>>) target_semaphore(%arg17 : memref<!tpu.dma_semaphore, #tpu.memory_space<semaphore_mem>>)
        %add3A_1973 = arith.constant 11534336 : i32
        %add3A_1974 = arith.addi %add3A_1973, %add3A_1796 : i32
        %dma_start3A_1975 = arith.constant 22528 : i32
        %dma_start3A_1976 = tpu.memref_slice %arg14[%dma_start3A_1975] : memref<32768xf32, #tpu.memory_space<vmem>> -> memref<1024xf32, #tpu.memory_space<vmem>>
        %dma_start3A_1977 = tpu.memref_slice %arg2[%add3A_1974] : memref<16777216xf32, #tpu.memory_space<hbm>> -> memref<1024xf32, #tpu.memory_space<hbm>>
        %dma_start3A_1978 = arith.constant 22528 : i32
        %dma_start3A_1979 = tpu.memref_slice %arg14[%dma_start3A_1978] : memref<32768xf32, #tpu.memory_space<vmem>> -> memref<1024xf32, #tpu.memory_space<vmem>>
        %dma_start3A_1980 = tpu.memref_slice %arg2[%add3A_1974] : memref<16777216xf32, #tpu.memory_space<hbm>> -> memref<1024xf32, #tpu.memory_space<hbm>>
        tpu.enqueue_dma source(%dma_start3A_1980 : memref<1024xf32, #tpu.memory_space<hbm>>) target(%dma_start3A_1979 : memref<1024xf32, #tpu.memory_space<vmem>>) target_semaphore(%arg17 : memref<!tpu.dma_semaphore, #tpu.memory_space<semaphore_mem>>)
        %add3A_1981 = arith.constant 12058624 : i32
        %add3A_1982 = arith.addi %add3A_1981, %add3A_1796 : i32
        %dma_start3A_1983 = arith.constant 23552 : i32
        %dma_start3A_1984 = tpu.memref_slice %arg14[%dma_start3A_1983] : memref<32768xf32, #tpu.memory_space<vmem>> -> memref<1024xf32, #tpu.memory_space<vmem>>
        %dma_start3A_1985 = tpu.memref_slice %arg2[%add3A_1982] : memref<16777216xf32, #tpu.memory_space<hbm>> -> memref<1024xf32, #tpu.memory_space<hbm>>
        %dma_start3A_1986 = arith.constant 23552 : i32
        %dma_start3A_1987 = tpu.memref_slice %arg14[%dma_start3A_1986] : memref<32768xf32, #tpu.memory_space<vmem>> -> memref<1024xf32, #tpu.memory_space<vmem>>
        %dma_start3A_1988 = tpu.memref_slice %arg2[%add3A_1982] : memref<16777216xf32, #tpu.memory_space<hbm>> -> memref<1024xf32, #tpu.memory_space<hbm>>
        tpu.enqueue_dma source(%dma_start3A_1988 : memref<1024xf32, #tpu.memory_space<hbm>>) target(%dma_start3A_1987 : memref<1024xf32, #tpu.memory_space<vmem>>) target_semaphore(%arg17 : memref<!tpu.dma_semaphore, #tpu.memory_space<semaphore_mem>>)
        %add3A_1989 = arith.constant 12582912 : i32
        %add3A_1990 = arith.addi %add3A_1989, %add3A_1796 : i32
        %dma_start3A_1991 = arith.constant 24576 : i32
        %dma_start3A_1992 = tpu.memref_slice %arg14[%dma_start3A_1991] : memref<32768xf32, #tpu.memory_space<vmem>> -> memref<1024xf32, #tpu.memory_space<vmem>>
        %dma_start3A_1993 = tpu.memref_slice %arg2[%add3A_1990] : memref<16777216xf32, #tpu.memory_space<hbm>> -> memref<1024xf32, #tpu.memory_space<hbm>>
        %dma_start3A_1994 = arith.constant 24576 : i32
        %dma_start3A_1995 = tpu.memref_slice %arg14[%dma_start3A_1994] : memref<32768xf32, #tpu.memory_space<vmem>> -> memref<1024xf32, #tpu.memory_space<vmem>>
        %dma_start3A_1996 = tpu.memref_slice %arg2[%add3A_1990] : memref<16777216xf32, #tpu.memory_space<hbm>> -> memref<1024xf32, #tpu.memory_space<hbm>>
        tpu.enqueue_dma source(%dma_start3A_1996 : memref<1024xf32, #tpu.memory_space<hbm>>) target(%dma_start3A_1995 : memref<1024xf32, #tpu.memory_space<vmem>>) target_semaphore(%arg17 : memref<!tpu.dma_semaphore, #tpu.memory_space<semaphore_mem>>)
        %add3A_1997 = arith.constant 13107200 : i32
        %add3A_1998 = arith.addi %add3A_1997, %add3A_1796 : i32
        %dma_start3A_1999 = arith.constant 25600 : i32
        %dma_start3A_2000 = tpu.memref_slice %arg14[%dma_start3A_1999] : memref<32768xf32, #tpu.memory_space<vmem>> -> memref<1024xf32, #tpu.memory_space<vmem>>
        %dma_start3A_2001 = tpu.memref_slice %arg2[%add3A_1998] : memref<16777216xf32, #tpu.memory_space<hbm>> -> memref<1024xf32, #tpu.memory_space<hbm>>
        %dma_start3A_2002 = arith.constant 25600 : i32
        %dma_start3A_2003 = tpu.memref_slice %arg14[%dma_start3A_2002] : memref<32768xf32, #tpu.memory_space<vmem>> -> memref<1024xf32, #tpu.memory_space<vmem>>
        %dma_start3A_2004 = tpu.memref_slice %arg2[%add3A_1998] : memref<16777216xf32, #tpu.memory_space<hbm>> -> memref<1024xf32, #tpu.memory_space<hbm>>
        tpu.enqueue_dma source(%dma_start3A_2004 : memref<1024xf32, #tpu.memory_space<hbm>>) target(%dma_start3A_2003 : memref<1024xf32, #tpu.memory_space<vmem>>) target_semaphore(%arg17 : memref<!tpu.dma_semaphore, #tpu.memory_space<semaphore_mem>>)
        %add3A_2005 = arith.constant 13631488 : i32
        %add3A_2006 = arith.addi %add3A_2005, %add3A_1796 : i32
        %dma_start3A_2007 = arith.constant 26624 : i32
        %dma_start3A_2008 = tpu.memref_slice %arg14[%dma_start3A_2007] : memref<32768xf32, #tpu.memory_space<vmem>> -> memref<1024xf32, #tpu.memory_space<vmem>>
        %dma_start3A_2009 = tpu.memref_slice %arg2[%add3A_2006] : memref<16777216xf32, #tpu.memory_space<hbm>> -> memref<1024xf32, #tpu.memory_space<hbm>>
        %dma_start3A_2010 = arith.constant 26624 : i32
        %dma_start3A_2011 = tpu.memref_slice %arg14[%dma_start3A_2010] : memref<32768xf32, #tpu.memory_space<vmem>> -> memref<1024xf32, #tpu.memory_space<vmem>>
        %dma_start3A_2012 = tpu.memref_slice %arg2[%add3A_2006] : memref<16777216xf32, #tpu.memory_space<hbm>> -> memref<1024xf32, #tpu.memory_space<hbm>>
        tpu.enqueue_dma source(%dma_start3A_2012 : memref<1024xf32, #tpu.memory_space<hbm>>) target(%dma_start3A_2011 : memref<1024xf32, #tpu.memory_space<vmem>>) target_semaphore(%arg17 : memref<!tpu.dma_semaphore, #tpu.memory_space<semaphore_mem>>)
        %add3A_2013 = arith.constant 14155776 : i32
        %add3A_2014 = arith.addi %add3A_2013, %add3A_1796 : i32
        %dma_start3A_2015 = arith.constant 27648 : i32
        %dma_start3A_2016 = tpu.memref_slice %arg14[%dma_start3A_2015] : memref<32768xf32, #tpu.memory_space<vmem>> -> memref<1024xf32, #tpu.memory_space<vmem>>
        %dma_start3A_2017 = tpu.memref_slice %arg2[%add3A_2014] : memref<16777216xf32, #tpu.memory_space<hbm>> -> memref<1024xf32, #tpu.memory_space<hbm>>
        %dma_start3A_2018 = arith.constant 27648 : i32
        %dma_start3A_2019 = tpu.memref_slice %arg14[%dma_start3A_2018] : memref<32768xf32, #tpu.memory_space<vmem>> -> memref<1024xf32, #tpu.memory_space<vmem>>
        %dma_start3A_2020 = tpu.memref_slice %arg2[%add3A_2014] : memref<16777216xf32, #tpu.memory_space<hbm>> -> memref<1024xf32, #tpu.memory_space<hbm>>
        tpu.enqueue_dma source(%dma_start3A_2020 : memref<1024xf32, #tpu.memory_space<hbm>>) target(%dma_start3A_2019 : memref<1024xf32, #tpu.memory_space<vmem>>) target_semaphore(%arg17 : memref<!tpu.dma_semaphore, #tpu.memory_space<semaphore_mem>>)
        %add3A_2021 = arith.constant 14680064 : i32
        %add3A_2022 = arith.addi %add3A_2021, %add3A_1796 : i32
        %dma_start3A_2023 = arith.constant 28672 : i32
        %dma_start3A_2024 = tpu.memref_slice %arg14[%dma_start3A_2023] : memref<32768xf32, #tpu.memory_space<vmem>> -> memref<1024xf32, #tpu.memory_space<vmem>>
        %dma_start3A_2025 = tpu.memref_slice %arg2[%add3A_2022] : memref<16777216xf32, #tpu.memory_space<hbm>> -> memref<1024xf32, #tpu.memory_space<hbm>>
        %dma_start3A_2026 = arith.constant 28672 : i32
        %dma_start3A_2027 = tpu.memref_slice %arg14[%dma_start3A_2026] : memref<32768xf32, #tpu.memory_space<vmem>> -> memref<1024xf32, #tpu.memory_space<vmem>>
        %dma_start3A_2028 = tpu.memref_slice %arg2[%add3A_2022] : memref<16777216xf32, #tpu.memory_space<hbm>> -> memref<1024xf32, #tpu.memory_space<hbm>>
        tpu.enqueue_dma source(%dma_start3A_2028 : memref<1024xf32, #tpu.memory_space<hbm>>) target(%dma_start3A_2027 : memref<1024xf32, #tpu.memory_space<vmem>>) target_semaphore(%arg17 : memref<!tpu.dma_semaphore, #tpu.memory_space<semaphore_mem>>)
        %add3A_2029 = arith.constant 15204352 : i32
        %add3A_2030 = arith.addi %add3A_2029, %add3A_1796 : i32
        %dma_start3A_2031 = arith.constant 29696 : i32
        %dma_start3A_2032 = tpu.memref_slice %arg14[%dma_start3A_2031] : memref<32768xf32, #tpu.memory_space<vmem>> -> memref<1024xf32, #tpu.memory_space<vmem>>
        %dma_start3A_2033 = tpu.memref_slice %arg2[%add3A_2030] : memref<16777216xf32, #tpu.memory_space<hbm>> -> memref<1024xf32, #tpu.memory_space<hbm>>
        %dma_start3A_2034 = arith.constant 29696 : i32
        %dma_start3A_2035 = tpu.memref_slice %arg14[%dma_start3A_2034] : memref<32768xf32, #tpu.memory_space<vmem>> -> memref<1024xf32, #tpu.memory_space<vmem>>
        %dma_start3A_2036 = tpu.memref_slice %arg2[%add3A_2030] : memref<16777216xf32, #tpu.memory_space<hbm>> -> memref<1024xf32, #tpu.memory_space<hbm>>
        tpu.enqueue_dma source(%dma_start3A_2036 : memref<1024xf32, #tpu.memory_space<hbm>>) target(%dma_start3A_2035 : memref<1024xf32, #tpu.memory_space<vmem>>) target_semaphore(%arg17 : memref<!tpu.dma_semaphore, #tpu.memory_space<semaphore_mem>>)
        %add3A_2037 = arith.constant 15728640 : i32
        %add3A_2038 = arith.addi %add3A_2037, %add3A_1796 : i32
        %dma_start3A_2039 = arith.constant 30720 : i32
        %dma_start3A_2040 = tpu.memref_slice %arg14[%dma_start3A_2039] : memref<32768xf32, #tpu.memory_space<vmem>> -> memref<1024xf32, #tpu.memory_space<vmem>>
        %dma_start3A_2041 = tpu.memref_slice %arg2[%add3A_2038] : memref<16777216xf32, #tpu.memory_space<hbm>> -> memref<1024xf32, #tpu.memory_space<hbm>>
        %dma_start3A_2042 = arith.constant 30720 : i32
        %dma_start3A_2043 = tpu.memref_slice %arg14[%dma_start3A_2042] : memref<32768xf32, #tpu.memory_space<vmem>> -> memref<1024xf32, #tpu.memory_space<vmem>>
        %dma_start3A_2044 = tpu.memref_slice %arg2[%add3A_2038] : memref<16777216xf32, #tpu.memory_space<hbm>> -> memref<1024xf32, #tpu.memory_space<hbm>>
        tpu.enqueue_dma source(%dma_start3A_2044 : memref<1024xf32, #tpu.memory_space<hbm>>) target(%dma_start3A_2043 : memref<1024xf32, #tpu.memory_space<vmem>>) target_semaphore(%arg17 : memref<!tpu.dma_semaphore, #tpu.memory_space<semaphore_mem>>)
        %add3A_2045 = arith.constant 16252928 : i32
        %add3A_2046 = arith.addi %add3A_2045, %add3A_1796 : i32
        %dma_start3A_2047 = arith.constant 31744 : i32
        %dma_start3A_2048 = tpu.memref_slice %arg14[%dma_start3A_2047] : memref<32768xf32, #tpu.memory_space<vmem>> -> memref<1024xf32, #tpu.memory_space<vmem>>
        %dma_start3A_2049 = tpu.memref_slice %arg2[%add3A_2046] : memref<16777216xf32, #tpu.memory_space<hbm>> -> memref<1024xf32, #tpu.memory_space<hbm>>
        %dma_start3A_2050 = arith.constant 31744 : i32
        %dma_start3A_2051 = tpu.memref_slice %arg14[%dma_start3A_2050] : memref<32768xf32, #tpu.memory_space<vmem>> -> memref<1024xf32, #tpu.memory_space<vmem>>
        %dma_start3A_2052 = tpu.memref_slice %arg2[%add3A_2046] : memref<16777216xf32, #tpu.memory_space<hbm>> -> memref<1024xf32, #tpu.memory_space<hbm>>
        tpu.enqueue_dma source(%dma_start3A_2052 : memref<1024xf32, #tpu.memory_space<hbm>>) target(%dma_start3A_2051 : memref<1024xf32, #tpu.memory_space<vmem>>) target_semaphore(%arg17 : memref<!tpu.dma_semaphore, #tpu.memory_space<semaphore_mem>>)
      } else {
      }
    }
    %scan3A_1225 = arith.constant 8 : i32
    return
  }
}

module attributes {stable_mosaic.version = 14 : i64} {
  func.func @_log_table_body(%arg0: memref<256x32xf32, #tpu.memory_space<vmem>>, %arg1: memref<32x256xf32, #tpu.memory_space<vmem>>) attributes {dimension_semantics = [], scalar_prefetch = 0 : i64, scratch_operands = 0 : i64, tpu.core_type = #tpu.core_type<tc>} {
    %get3A = arith.constant 0 : index
    %get3A_0 = arith.constant 0 : index
    %get3A_1 = vector.load %arg0[%get3A, %get3A_0] : memref<256x32xf32, #tpu.memory_space<vmem>>, vector<256x32xf32>
    %reduce_sum3A = arith.constant dense<0.000000e+00> : vector<32xf32>
    %reduce_sum3A_2 = vector.multi_reduction <add>, %get3A_1, %reduce_sum3A [0] : vector<256x32xf32> to vector<32xf32>
    %broadcast_in_dim3A = vector.shape_cast %reduce_sum3A_2 : vector<32xf32> to vector<1x32xf32>
    %div3A = vector.broadcast %broadcast_in_dim3A : vector<1x32xf32> to vector<256x32xf32>
    %div3A_3 = arith.divf %get3A_1, %div3A : vector<256x32xf32>
    %log3A = math.log %div3A_3 : vector<256x32xf32>
    %transpose3A = tpu.transpose %log3A, [1, 0] : vector<256x32xf32> -> vector<32x256xf32>
    %swap3A = arith.constant 0 : index
    %swap3A_4 = arith.constant 0 : index
    %swap3A_5 = vector.load %arg1[%swap3A, %swap3A_4] : memref<32x256xf32, #tpu.memory_space<vmem>>, vector<32x256xf32>
    tpu.vector_store %arg1[%swap3A, %swap3A_4], %transpose3A {strides = array<i32>} : memref<32x256xf32, #tpu.memory_space<vmem>>, vector<32x256xf32>,
    return
  }
}

module attributes {stable_mosaic.version = 14 : i64} {
  func.func @_softmax_body(%arg0: memref<4096x128xf32, #tpu.memory_space<vmem>>, %arg1: memref<4096x128xf32, #tpu.memory_space<vmem>>) attributes {dimension_semantics = [], scalar_prefetch = 0 : i64, scratch_operands = 0 : i64, tpu.core_type = #tpu.core_type<tc>} {
    %get3A = arith.constant 0 : index
    %get3A_0 = arith.constant 0 : index
    %get3A_1 = vector.load %arg0[%get3A, %get3A_0] : memref<4096x128xf32, #tpu.memory_space<vmem>>, vector<4096x128xf32>
    %reduce_sum3A = vector.shape_cast %get3A_1 : vector<4096x128xf32> to vector<1x4096x128xf32>
    %reduce_sum3A_2 = arith.constant dense<0.000000e+00> : vector<1xf32>
    %reduce_sum3A_3 = vector.multi_reduction <add>, %reduce_sum3A, %reduce_sum3A_2 [1, 2] : vector<1x4096x128xf32> to vector<1xf32>
    %reduce_sum3A_4 = vector.shape_cast %reduce_sum3A_3 : vector<1xf32> to vector<1x1x1xf32>
    %reduce_sum3A_5 = vector.extract %reduce_sum3A_4[0, 0, 0] : f32 from vector<1x1x1xf32>
    %div3A = arith.constant 5.242880e+05 : f32
    %div3A_6 = arith.divf %reduce_sum3A_5, %div3A : f32
    %sub3A = vector.broadcast %div3A_6 : f32 to vector<4096x128xf32>
    %sub3A_7 = arith.subf %get3A_1, %sub3A : vector<4096x128xf32>
    %reduce_max3A = vector.shape_cast %sub3A_7 : vector<4096x128xf32> to vector<1x4096x128xf32>
    %reduce_max3A_8 = arith.constant dense<0xFF800000> : vector<1xf32>
    %reduce_max3A_9 = vector.multi_reduction <maximumf>, %reduce_max3A, %reduce_max3A_8 [1, 2] : vector<1x4096x128xf32> to vector<1xf32>
    %reduce_max3A_10 = vector.shape_cast %reduce_max3A_9 : vector<1xf32> to vector<1x1x1xf32>
    %reduce_max3A_11 = vector.extract %reduce_max3A_10[0, 0, 0] : f32 from vector<1x1x1xf32>
    %sub3A_12 = vector.broadcast %reduce_max3A_11 : f32 to vector<4096x128xf32>
    %sub3A_13 = arith.subf %sub3A_7, %sub3A_12 : vector<4096x128xf32>
    %exp3A = math.exp %sub3A_13 : vector<4096x128xf32>
    %reduce_sum3A_14 = vector.shape_cast %exp3A : vector<4096x128xf32> to vector<1x4096x128xf32>
    %reduce_sum3A_15 = arith.constant dense<0.000000e+00> : vector<1xf32>
    %reduce_sum3A_16 = vector.multi_reduction <add>, %reduce_sum3A_14, %reduce_sum3A_15 [1, 2] : vector<1x4096x128xf32> to vector<1xf32>
    %reduce_sum3A_17 = vector.shape_cast %reduce_sum3A_16 : vector<1xf32> to vector<1x1x1xf32>
    %reduce_sum3A_18 = vector.extract %reduce_sum3A_17[0, 0, 0] : f32 from vector<1x1x1xf32>
    %div3A_19 = vector.broadcast %reduce_sum3A_18 : f32 to vector<4096x128xf32>
    %div3A_20 = arith.divf %exp3A, %div3A_19 : vector<4096x128xf32>
    %swap3A = arith.constant 0 : index
    %swap3A_21 = arith.constant 0 : index
    %swap3A_22 = vector.load %arg1[%swap3A, %swap3A_21] : memref<4096x128xf32, #tpu.memory_space<vmem>>, vector<4096x128xf32>
    tpu.vector_store %arg1[%swap3A, %swap3A_21], %div3A_20 {strides = array<i32>} : memref<4096x128xf32, #tpu.memory_space<vmem>>, vector<4096x128xf32>,
    return
  }
}

</mosaic_0001>

<sc_bundles>
// kernel: kernel.5.cloned.1.call-start
scs
__scs_entry_jumppad:
0x0: {  	(pc) =	sbr.rel $0x88, $3  }
0x1: {  	(tag) =	ssettag $0x0;
	lr =	simm.s32 $0x1  }
0x2: {  	[smem:$0x3F9E] =	sst lr;
	_ =	strace $0xD0000000  }
0x3: {  	_ = 	snop  }
0x4: {  	_ = 	snop  }
0x5: {  	_ = 	snop  }
0x6: {  	_ = 	snop  }
0x7: {  	_ = 	snop  }
__scs_overlays_trampoline_lowered:
0x8: {  	[smem:$0x3FAD] =	sst s0  }
0x9: {  	[smem:$0x3FAE] =	sst s1  }
0xa: {  	[smem:$0x3FAF] =	sst s2  }
0xb: {  	[smem:$0x3FB0] =	sst s3  }
0xc: {  	[smem:$0x3FB1] =	sst s4  }
0xd: {  	[smem:$0x3FB2] =	sst s5  }
0xe: {  	[smem:$0x3FB3] =	sst s6  }
0xf: {  	[smem:$0x3FB4] =	sst s7  }
0x10: {  	[smem:$0x3FB5] =	sst s8  }
0x11: {  	[smem:$0x3FB6] =	sst s9;
	s0 =	simm.s32 @!p0 $0x0  }
0x12: {  	s1 =	sld [smem:$0x3F9C];
	s0 =	simm.s32 @p0 $0x1  }
0x13: {  	[smem:$0x3FB7] =	sst s0;
	s0 =	simm.s32 @!p1 $0x0  }
0x14: {  	s2 =	sld [smem:$0x3F9B];
	s0 =	simm.s32 @p1 $0x1  }
0x15: {  	[smem:$0x3FB8] =	sst s0;
	s0 =	simm.s32 @!p2 $0x0  }
0x16: {  	s3 =	sld [smem:$0x3FDB];
	s0 =	simm.s32 @p2 $0x1  }
0x17: {  	s4 =	simm.s32 $0x1BF5;
	[smem:$0x3FBA] =	sst s0  }
0x18: {  	s0 =	sld [smem:$0x3F9D];
	_ =	swait.ge [sflag:s4], $0x0  }
0x19: {  	s7 =	sld [smem:$0x3F9E]  }
0x1a: {  	s8 =	sadd.s32 $0xFFFFE003, lr  }
0x1b: {  	s9 =	sadd.s32 $0xFFFFFEF7, lr;
	s5 =	simm.s32 $0xFFFFFFFF;
	p2 =	slt.u32 s8, $0xFFFFF086  }
0x1c: {  	p1 =	slt.u32 s9, $0xF7A;
	s5 =	simm.s32 @!p2 $0x0  }
0x1d: {  	s5 =	simm.s32 @p1 $0x1;
	p0 =	seq.s32 s7, s2  }
0x1e: {  	s7 =	smul.u32 @!p0 $0xF7A, s2;
	p2 =	seq.s32 @!p0 s5, $0x0  }
0x1f: {  	s9 =	smul.u32 $0xF7A, s1;
	s8 =	simm.s32 @!p0 $0x1BF5;
	p2 =	por !p2, p0  }
0x20: {  	[sflag:s8] =	ssyncset.s32 @!p0 $0xFFFFF086;
	s6 =	sadd.s32 @!p0 s3, s7;
	s7 =	simm.s32 @!p0 $0x108  }
0x21: {  	s3 =	sadd.s32 s3, s9;
	s6 =	sadd.s32 @!p0 $0x88, s6;
	s7 =	simm.s32 @p2 $0x1082  }
0x22: {  	[simem:s7], [sflag:s8] =	dma.local @!p0 [hbm:s6], $0xF7A  }
0x23: {  	s9 =	sor.u32 $0xD0000000, s2;
	s6 =	simm.s32 $0x108;
	_ =	swait.ge @!p0 [sflag:s8], $0x0  }
0x24: {  	s3 =	sadd.s32 $0x88, s3;
	s6 =	simm.s32 @!p1 $0x1082;
	[sflag:s4] =	ssyncset.s32 $0xFFFFF086  }
0x25: {  	[simem:s6], [sflag:s4] =	dma.local [hbm:s3], $0xF7A  }
0x26: {  	[smem:$0x3F9E] =	sst s1;
	(tag) =	ssettag s2;
	_ =	strace s9  }
0x27: {  	s1 =	sld [smem:$0x3FAE]  }
0x28: {  	s2 =	sld [smem:$0x3FAF]  }
0x29: {  	s4 =	sld [smem:$0x3FB1]  }
0x2a: {  	p0 =	seq.s32 s5, $0x0;
	s5 =	sld [smem:$0x3FB2]  }
0x2b: {  	s6 =	sld [smem:$0x3FB3]  }
0x2c: {  	s7 =	sld [smem:$0x3FB4]  }
0x2d: {  	s3 =	simm.s32 $0x108;
	s8 =	sld [smem:$0x3FB5]  }
0x2e: {  	s3 =	simm.s32 @!p0 $0x1082;
	s9 =	sld [smem:$0x3FB6]  }
0x2f: {  	lr =	sadd.s32 s0, s3;
	s0 =	sld [smem:$0x3FAD]  }
0x30: {  	s3 =	sld [smem:$0x3FB0]  }
0x31: {  	[smem:$0x3FB9] =	sst s10  }
0x32: {  	s10 =	sld [smem:$0x3FB7];
	_ =	sdelay $0x3  }
0x33: {  	p0 =	seq.s32 s10, $0x1;
	s10 =	sld [smem:$0x3FB9];
	_ =	sdelay $0x3  }
0x34: {  	[smem:$0x3FB9] =	sst s10  }
0x35: {  	s10 =	sld [smem:$0x3FB8];
	_ =	sdelay $0x3  }
0x36: {  	p1 =	seq.s32 s10, $0x1;
	s10 =	sld [smem:$0x3FB9];
	_ =	sdelay $0x3  }
0x37: {  	[smem:$0x3FB9] =	sst s10  }
0x38: {  	s10 =	sld [smem:$0x3FBA]  }
0x39: {  	_ = 	snop;
	(pc) =	sbr.ind lr, $3  }
0x3a: {  	_ = 	snop  }
0x3b: {  	_ = 	snop  }
0x3c: {  	p2 =	seq.s32 s10, $0x1;
	s10 =	sld [smem:$0x3FB9]  }
0x3d: {  	_ =	shalt  }
0x3e: {  	_ =	shalt  }
0x3f: {  	_ =	shalt  }
0x40: {  	_ =	shalt  }
0x41: {  	_ =	shalt  }
0x42: {  	_ =	shalt  }
0x43: {  	_ =	shalt  }
0x44: {  	_ =	shalt  }
0x45: {  	_ =	shalt  }
0x46: {  	_ =	shalt  }
0x47: {  	_ =	shalt  }
0x48: {  	_ =	shalt  }
0x49: {  	_ =	shalt  }
0x4a: {  	_ =	shalt  }
0x4b: {  	_ =	shalt  }
0x4c: {  	_ =	shalt  }
0x4d: {  	_ =	shalt  }
0x4e: {  	_ =	shalt  }
0x4f: {  	_ =	shalt  }
0x50: {  	_ =	shalt  }
0x51: {  	_ =	shalt  }
0x52: {  	_ =	shalt  }
0x53: {  	_ =	shalt  }
0x54: {  	_ =	shalt  }
0x55: {  	_ =	shalt  }
0x56: {  	_ =	shalt  }
0x57: {  	_ =	shalt  }
0x58: {  	_ =	shalt  }
0x59: {  	_ =	shalt  }
0x5a: {  	_ =	shalt  }
0x5b: {  	_ =	shalt  }
0x5c: {  	_ =	shalt  }
0x5d: {  	_ =	shalt  }
0x5e: {  	_ =	shalt  }
0x5f: {  	_ =	shalt  }
0x60: {  	_ =	shalt  }
0x61: {  	_ =	shalt  }
0x62: {  	_ =	shalt  }
0x63: {  	_ =	shalt  }
0x64: {  	_ =	shalt  }
0x65: {  	_ =	shalt  }
0x66: {  	_ =	shalt  }
0x67: {  	_ =	shalt  }
0x68: {  	_ =	shalt  }
0x69: {  	_ =	shalt  }
0x6a: {  	_ =	shalt  }
0x6b: {  	_ =	shalt  }
0x6c: {  	_ =	shalt  }
0x6d: {  	_ =	shalt  }
0x6e: {  	_ =	shalt  }
0x6f: {  	_ =	shalt  }
0x70: {  	_ =	shalt  }
0x71: {  	_ =	shalt  }
0x72: {  	_ =	shalt  }
0x73: {  	_ =	shalt  }
0x74: {  	_ =	shalt  }
0x75: {  	_ =	shalt  }
0x76: {  	_ =	shalt  }
0x77: {  	_ =	shalt  }
0x78: {  	_ =	shalt  }
0x79: {  	_ =	shalt  }
0x7a: {  	_ =	shalt  }
0x7b: {  	_ =	shalt  }
0x7c: {  	_ =	shalt  }
0x7d: {  	_ =	shalt  }
0x7e: {  	_ =	shalt  }
0x7f: {  	_ =	shalt  }
0x80: {  	_ =	shalt  }
0x81: {  	_ =	shalt  }
0x82: {  	_ =	shalt  }
0x83: {  	_ =	shalt  }
0x84: {  	_ =	shalt  }
0x85: {  	_ =	shalt  }
0x86: {  	_ =	shalt  }
0x87: {  	_ =	shalt  }
.Lfunc_end0:
.L_simem_size_0:
called_computation.1_lowered:
.L_overlay_start_0:
0x88: {  	s2 =	sld [smem:$0x3FD9]  }
0x89: {  	s3 =	sld [smem:$0x3FFE];
	_ =	sdelay $0x1  }
0x8a: {  	s1 =	srdreg.scid  }
0x8b: {  	s0 =	sand.u32 $0x1, s1  }
0x8c: {  	s17 =	sshll.u32 s0, $0xA;
	s2 =	sadd.s32 s3, s2  }
0x8d: {  	s2 =	sadd.s32 s2, s17  }
0x8e: {  	[smem:$0x3FC5] =	sst s2  }
0x8f: {  	_ = 	snop  }
0x90: {  	s2 =	sld [smem:$0x3FD0];
	(tm) =	ssettm $0x1  }
0x91: {  	s18 =	sld [smem:$0x3FFB];
	_ =	sdelay $0x3  }
0x92: {  	_ =	strace s18  }
0x93: {  	s3 =	sld [smem:$0x3FFC];
	_ =	sdelay $0x3  }
0x94: {  	_ =	strace s3  }
0x95: {  	s3 =	sld [smem:$0x3FFD];
	_ =	sdelay $0x3  }
0x96: {  	_ =	strace s3  }
0x97: {  	_ =	strace $0x8FFFFFFF  }
0x98: {  	s19 =	sld [smem:$0x3FDB];
	_ =	sdelay $0x1  }
0x99: {  	s4 =	simm.s32 $_scs_section_size  }
0x9a: {  	s5 =	simm.s32 $_size__tile_overlayer_lowered;
	s6 =	simm.s32 $_tile_overlayer_lowered  }
0x9b: {  	s22 =	simm.s32 $0x1BFF;
	s21 =	sshll.u32 s6, $0x1;
	s3 =	sadd.s32 s4, s19  }
0x9c: {  	s7 =	simm.s32 $0x0;
	s20 =	sshll.u32 s5, $0x1;
	s5 =	sadd.s32 s21, s3  }
0x9d: {  	[timem:s7], [sflag:s22] =	dma.local [hbm:s5], s20  }
0x9e: {  	_ =	swait.ge [sflag:s22], s20  }
0x9f: {  	s4 =	ssub.s32 $0x0, s20;
	[sflag:s22] =	ssyncset.done $0x0  }
0xa0: {  	[sflag:s22] =	ssyncadd.s32 s4;
	_ =	sdelay $0x1  }
0xa1: {  	s23 =	simm.s32 $0x1B8B  }
0xa2: {  	_ =	swait.ge [sflag:s23], $0x1  }
0xa3: {  	[sflag:s23] =	ssyncset.done $0x0  }
0xa4: {  	s25 =	simm.s32 $0x1B8E;
	s24 =	sld [smem:$0x3FFE];
	[sflag:s23] =	ssyncadd.s32 $0xFFFFFFFF  }
0xa5: {  	s26 =	simm.s32 $execute0_lowered;
	[smem:$0x3FD2] =	sst s25  }
0xa6: {  	s5 =	sshll.u32 s26, $0x1;
	_ =	strace $0x80000049;
	[dreg:$0x1] =	wrdreg $0xFFFFFFFF  }
0xa7: {  	s28 =	simm.s32 $_size_execute0_lowered;
	s3 =	sadd.s32 s3, s5;
	[dreg:$0x0] =	wrdreg $0x0  }
0xa8: {  	s5 =	sshll.u32 s28, $0x1;
	[dreg:$0x2] =	wrdreg s3  }
0xa9: {  	[dreg:$0x3] =	wrdreg s5  }
0xaa: {  	[dreg:$0x4] =	wrdreg $0xC0  }
0xab: {  	_ =	task [dreg:s7], $0x5FFFF  }
0xac: {  	[dreg:$0x1] =	wrdreg $0xFFFFFFFF  }
0xad: {  	[dreg:$0x0] =	wrdreg $0x60  }
0xae: {  	[dreg:$0x2] =	wrdreg s24  }
0xaf: {  	[dreg:$0x3] =	wrdreg s2  }
0xb0: {  	[dreg:$0x4] =	wrdreg $0x9  }
0xb1: {  	_ =	task.clear_ibuf [dreg:s7], $0x5FFFF;
	_ =	strace $0x90000049  }
0xb2: {  	s29 =	simm.s32 $0x9;
	_ =	strace $0x8000004B  }
0xb3: {  	_ =	swait.ge [sflag:s29], $0x1  }
0xb4: {  	[sflag:s29] =	ssyncadd.s32 $0xFFFFFFFF  }
0xb5: {  	_ =	strace $0x9000004B  }
0xb6: {  	_ =	sfence  }
0xb7: {  	s30 =	sld [smem:$0x0];
	_ =	sdelay $0x2  }
0xb8: {  	s31 =	sshll.u32 s1, $0xD;
	s1 =	sshrl.u32 s1, $0x2  }
0xb9: {  	s3 =	sand.u32 $0x4000, s31;
	s1 =	sadd.s32 s1, s30  }
0xba: {  	s0 =	sor.u32 s3, s0;
	s1 =	sshll.u32 s1, $0x11  }
0xbb: {  	s0 =	sor.u32 s1, s0  }
0xbc: {  	s0 =	sadd.s32 $0x8F2B, s0  }
0xbd: {  	[sflag:s0] =	ssyncadd.remote.s32 $0x1  }
0xbe: {  	_ =	sfence.sel $0xFFFF  }
0xbf: {  	[dreg:$0x0] =	wrdreg $0xFFFFFFFF;
	(pc) =	sbr.abs _section_cstart, $3  }
0xc0: {  	[dreg:$0x1] =	wrdreg $0xFFFFFFFF  }
0xc1: {  	_ =	task.clear_ibuf [dreg:s7], $0x2FFFF;
	_ =	strace $0x9FFFFFFF  }
0xc2: {  	(tm) =	ssettm $0x7FFFFFFF  }
0xc3: {  	_ =	shalt  }
tec
execute0_lowered:
.L_overlay_start_1:
0x0: {  	(tag) =	ssettag $0x1  }
0x1: {  	s1 =	rddreg [dreg:$0x0]  }
0x2: {  	s29 =	rddreg [dreg:$0x1];
	s2 =	simm.s32 $0x0;
	s0 =	srdreg.scid  }
0x3: {  	s6 =	stileid.u32;
	[smem:$0x7FF] =	sst s2  }
0x4: {  	s3 =	sand.u32 $0x1, s0;
	s21 =	sadd.s32 $0x200600, s1;
	s5 =	sadd.s32 $0x200C00, s1  }
0x5: {  	s4 =	sadd.s32 $0x600, s1;
	s7 =	sadd.s32 $0x200A00, s1;
	s24 =	sshll.u32 s6, $0xF  }
0x6: {  	s8 =	sadd.s32 $0x20600, s1;
	s9 =	sadd.s32 $0x40600, s1;
	s10 =	sadd.s32 $0x60600, s1  }
0x7: {  	s11 =	sadd.s32 $0x80600, s1;
	s22 =	ssub.s32 $0x2, s3;
	s3 =	sshll.u32 s3, $0xE  }
0x8: {  	_ =	strace $0x8000004A;
	[dreg:$0x4] =	wrdreg s5;
	s5 =	sor.u32 s3, s24  }
0x9: {  	s12 =	sadd.s32 $0xA0600, s1;
	[dreg:$0x3] =	wrdreg s21;
	s3 =	sshrl.u32 s5, $0x3  }
0xa: {  	s13 =	sadd.s32 $0xC0600, s1;
	[dreg:$0x5] =	wrdreg s7;
	s26 =	sadd.s32 s3, s8  }
0xb: {  	s23 =	sshrl.u32 s22, $0x1;
	s7 =	sadd.s32 s3, s9;
	[dreg:$0x8] =	wrdreg s26  }
0xc: {  	s0 =	ssub.s32 s22, s23;
	s21 =	sadd.s32 s3, s10;
	[dreg:$0xa] =	wrdreg s7  }
0xd: {  	s14 =	sadd.s32 $0xE0600, s1;
	s0 =	smax.u32 s0, $0x1;
	[dreg:$0xc] =	wrdreg s21  }
0xe: {  	s15 =	sadd.s32 $0x100600, s1;
	s6 =	sadd.s32 s4, s3;
	[smem:$0x7F4] =	sst s0  }
0xf: {  	s17 =	sadd.s32 $0x120600, s1;
	s25 =	sadd.s32 $0x10000, s6;
	[dreg:$0x6] =	wrdreg s6  }
0x10: {  	s18 =	sadd.s32 $0x140600, s1;
	s28 =	sadd.s32 $0x30000, s6;
	[dreg:$0x7] =	wrdreg s25  }
0x11: {  	s19 =	sadd.s32 $0x160600, s1;
	s16 =	sadd.s32 $0x50000, s6;
	[dreg:$0x9] =	wrdreg s28  }
0x12: {  	s20 =	sadd.s32 $0x180600, s1;
	s26 =	sadd.s32 s3, s11;
	[dreg:$0xb] =	wrdreg s16  }
0x13: {  	s24 =	sadd.s32 $0x1E0600, s1;
	s7 =	sadd.s32 s3, s12;
	[dreg:$0xe] =	wrdreg s26  }
0x14: {  	s22 =	sadd.s32 $0x1A0600, s1;
	s21 =	sadd.s32 s3, s13;
	[dreg:$0x10] =	wrdreg s7  }
0x15: {  	s23 =	sadd.s32 $0x1C0600, s1;
	s1 =	sadd.s32 $0x1C0080, s6;
	[dreg:$0x12] =	wrdreg s21  }
0x16: {  	s25 =	sadd.s32 $0x70000, s6;
	[smem:$0x7F6] =	sst s1  }
0x17: {  	s28 =	sadd.s32 $0x90000, s6;
	[dreg:$0xd] =	wrdreg s25  }
0x18: {  	s16 =	sadd.s32 $0xB0000, s6;
	[dreg:$0xf] =	wrdreg s28  }
0x19: {  	s26 =	sadd.s32 s3, s14;
	[dreg:$0x11] =	wrdreg s16  }
0x1a: {  	s7 =	sadd.s32 s3, s15;
	[dreg:$0x14] =	wrdreg s26  }
0x1b: {  	s21 =	sadd.s32 s3, s17;
	[dreg:$0x16] =	wrdreg s7  }
0x1c: {  	s25 =	sadd.s32 $0xD0000, s6;
	[dreg:$0x18] =	wrdreg s21  }
0x1d: {  	s28 =	sadd.s32 $0xF0000, s6;
	[dreg:$0x13] =	wrdreg s25  }
0x1e: {  	s16 =	sadd.s32 $0x110000, s6;
	[dreg:$0x15] =	wrdreg s28  }
0x1f: {  	s26 =	sadd.s32 s3, s18;
	[dreg:$0x17] =	wrdreg s16  }
0x20: {  	s7 =	sadd.s32 $0x170000, s6;
	[dreg:$0x1a] =	wrdreg s26  }
0x21: {  	s21 =	sadd.s32 $0x1B0000, s6;
	[dreg:$0x1c] =	wrdreg s7  }
0x22: {  	s25 =	sadd.s32 $0x130000, s6;
	[dreg:$0x1e] =	wrdreg s21  }
0x23: {  	s28 =	sadd.s32 $0x150000, s6;
	[dreg:$0x19] =	wrdreg s25  }
0x24: {  	s16 =	sadd.s32 $0x190000, s6;
	[dreg:$0x1b] =	wrdreg s28  }
0x25: {  	s26 =	sadd.s32 $0x1F0000, s6;
	[dreg:$0x1d] =	wrdreg s16  }
0x26: {  	s7 =	sadd.s32 $0x20080, s6;
	[smem:$0x7D5] =	sst s26  }
0x27: {  	s21 =	sadd.s32 $0x40080, s6;
	[smem:$0x7D7] =	sst s7  }
0x28: {  	s25 =	sadd.s32 $0x1D0000, s6;
	[smem:$0x7D9] =	sst s21  }
0x29: {  	s28 =	sadd.s32 $0x10080, s6;
	[dreg:$0x1f] =	wrdreg s25  }
0x2a: {  	s16 =	sadd.s32 $0x30080, s6;
	[smem:$0x7D6] =	sst s28  }
0x2b: {  	s26 =	sadd.s32 $0x60080, s6;
	[smem:$0x7D8] =	sst s16  }
0x2c: {  	s7 =	sadd.s32 $0x80080, s6;
	[smem:$0x7DB] =	sst s26  }
0x2d: {  	s21 =	sadd.s32 $0xA0080, s6;
	[smem:$0x7DD] =	sst s7  }
0x2e: {  	s25 =	sadd.s32 $0x50080, s6;
	[smem:$0x7DF] =	sst s21  }
0x2f: {  	s28 =	sadd.s32 $0x70080, s6;
	[smem:$0x7DA] =	sst s25  }
0x30: {  	s16 =	sadd.s32 $0x90080, s6;
	[smem:$0x7DC] =	sst s28  }
0x31: {  	s26 =	sadd.s32 $0xC0080, s6;
	[smem:$0x7DE] =	sst s16  }
0x32: {  	s7 =	sadd.s32 $0xE0080, s6;
	[smem:$0x7E1] =	sst s26  }
0x33: {  	s21 =	sadd.s32 s3, s19;
	[smem:$0x7E3] =	sst s7  }
0x34: {  	s25 =	sadd.s32 $0xB0080, s6;
	[smem:$0x7E5] =	sst s21  }
0x35: {  	s28 =	sadd.s32 $0xD0080, s6;
	[smem:$0x7E0] =	sst s25  }
0x36: {  	s16 =	sadd.s32 $0x100080, s6;
	[smem:$0x7E2] =	sst s28  }
0x37: {  	s26 =	sadd.s32 $0x120080, s6;
	[smem:$0x7E4] =	sst s16  }
0x38: {  	s7 =	sadd.s32 $0x130080, s6;
	[smem:$0x7E7] =	sst s26  }
0x39: {  	s21 =	sadd.s32 s3, s22;
	[smem:$0x7E9] =	sst s7  }
0x3a: {  	s25 =	sadd.s32 $0x110080, s6;
	[smem:$0x7EB] =	sst s21  }
0x3b: {  	s28 =	sadd.s32 s3, s20;
	[smem:$0x7E6] =	sst s25  }
0x3c: {  	s16 =	sadd.s32 $0x140080, s6;
	[smem:$0x7E8] =	sst s28  }
0x3d: {  	s26 =	sadd.s32 $0x160080, s6;
	[smem:$0x7EA] =	sst s16  }
0x3e: {  	s7 =	sadd.s32 $0x170080, s6;
	[smem:$0x7ED] =	sst s26  }
0x3f: {  	s21 =	sadd.s32 s3, s24;
	[smem:$0x7EF] =	sst s7  }
0x40: {  	s25 =	sadd.s32 $0x150080, s6;
	[smem:$0x7F1] =	sst s21  }
0x41: {  	s28 =	sadd.s32 s3, s23;
	[smem:$0x7EC] =	sst s25  }
0x42: {  	s16 =	sadd.s32 $0x180080, s6;
	[smem:$0x7EE] =	sst s28  }
0x43: {  	v0 =	vimm.s32 $0x1;
	v1 =	vimm.s32 $0x2;
	v2 =	vimm.s32 $0x3;
	s26 =	sadd.s32 $0x1A0080, s6;
	[smem:$0x7F0] =	sst s16  }
0x44: {  	v3 =	vimm.s32 $0x4;
	v4 =	vimm.s32 $0x5;
	v5 =	vimm.s32 $0x6;
	s3 =	sadd.s32 $0x80, s6;
	[smem:$0x7F3] =	sst s26  }
0x45: {  	v6 =	vimm.s32 $0x7;
	v8 =	vimm.s32 $0x9;
	v9 =	vimm.s32 $0xA;
	s7 =	sadd.s32 $0x1D0080, s6;
	[smem:$0x7F7] =	sst s3  }
0x46: {  	v10 =	vimm.s32 $0xB;
	v11 =	vimm.s32 $0xC;
	v12 =	vimm.s32 $0xD;
	s21 =	sadd.s32 $0xF0080, s6;
	[smem:$0x7F8] =	sst s7  }
0x47: {  	v13 =	vimm.s32 $0xE;
	v14 =	vimm.s32 $0xF;
	v15 =	vimm.s32 $0x10;
	s25 =	sadd.s32 $0x190080, s6;
	[smem:$0x7FA] =	sst s21  }
0x48: {  	v16 =	vimm.s32 $0x11;
	v17 =	vimm.s32 $0x12;
	v18 =	vimm.s32 $0x13;
	s30 =	simm.s32 $0x1;
	s28 =	sadd.s32 $0x1B0080, s6;
	[smem:$0x7F2] =	sst s25  }
.Ltmp0:
0x49: {  	v7 =	vimm.s32 $0x8;
	v19 =	vimm.s32 $0x14;
	v20 =	vimm.s32 $0x15;
	s16 =	sadd.s32 $0x1E0080, s6;
	[smem:$0x7F5] =	sst s28;
	(pc) =	sbr.rel .LBB2_1-.Ltmp0, $4  }
0x4a: {  	v21 =	vimm.s32 $0x16;
	v22 =	vimm.s32 $0x17;
	v23 =	vimm.s32 $0x18;
	s31 =	simm.s32 $0x12700;
	s26 =	sor.u32 $0x800, s5;
	[smem:$0x7F9] =	sst s16  }
0x4b: {  	v24 =	vimm.s32 $0x19;
	v25 =	vimm.s32 $0x1A;
	v26 =	vimm.s32 $0x1B;
	s0 =	simm.s32 $0x2;
	s25 =	sadd.s32 $0x1F0080, s6;
	[smem:$0x7FC] =	sst s26  }
0x4c: {  	v27 =	vimm.s32 $0x1C;
	v28 =	vimm.s32 $0x1D;
	v29 =	vimm.s32 $0x1E;
	s7 =	smov.u32 s5;
	s28 =	sor.u32 $0xC00, s5;
	[smem:$0x7FB] =	sst s25  }
0x4d: {  	v30 =	vimm.s32 $0x1F;
	v31 =	vimm.f32 $0.0e+00;
	v32 =	vimm.s32 $0x0;
	s3 =	simm.s32 $0x0;
	[smem:$0x7FD] =	sst s28;
	s25 =	simm.s32 $0x3  }
.LBB2_18:
0x4e: {  	s3 =	sld [smem:$0x7D4]  }
0x4f: {  	s1 =	sld [smem:$0x7F4];
	_ =	sdelay $0x1  }
0x50: {  	s3 =	sadd.s32 $0x1, s3  }
0x51: {  	p0 =	sne.s32 s3, s1  }
.Ltmp1:
0x52: {  	_ = 	snop;
	(pc) =	sbr.rel @!p0 .LBB2_19-.Ltmp1, $1  }
0x53: {  	_ =	sdelay $0x3  }
.LBB2_1:
0x54: {  	[smem:$0x7D4] =	sst s3  }
0x55: {  	s1 =	rddreg [dreg:$0x3]  }
0x56: {  	[tilespmem:s2], [sflag:$0x3] =	stream.linear.gather [hbm4b:s1+s2], $0x2000, $0x38;
	[tilespmem:$0x12B00] =	vst v63  }
0x57: {  	_ =	swait.ge [sflag:s25], $0x2000  }
0x58: {  	[sflag:s25] =	ssyncset.done $0x0  }
0x59: {  	s16 =	simm.s32 $0x2000;
	s6 =	rddreg [dreg:$0x4];
	[sflag:s25] =	ssyncadd.s32 $0xFFFFE000  }
0x5a: {  	[tilespmem:s16], [sflag:$0x3] =	stream.linear.gather [hbm4b:s6+s2], $0x80, $0x38;
	[tilespmem:$0x12B00] =	vst v63  }
0x5b: {  	_ =	swait.ge [sflag:s25], $0x80  }
0x5c: {  	[sflag:s25] =	ssyncset.done $0x0  }
0x5d: {  	s5 =	simm.s32 $0x2080;
	s21 =	rddreg [dreg:$0x5];
	[sflag:s25] =	ssyncadd.s32 $0xFFFFFF80  }
0x5e: {  	[tilespmem:s5], [sflag:$0x3] =	stream.linear.gather [hbm4b:s21+s2], $0x80, $0x38;
	[tilespmem:$0x12B00] =	vst v63  }
0x5f: {  	_ =	swait.ge [sflag:s25], $0x80  }
0x60: {  	[sflag:s25] =	ssyncset.done $0x0  }
0x61: {  	[sflag:s25] =	ssyncadd.s32 $0xFFFFFF80  }
0x62: {  	v33 =	vld.msk [tilespmem:s16+$0x0], $0xffff  }
0x63: {  	v34 =	vld.msk [tilespmem:s5+$0x0], $0xffff;
	_ =	sdelay $0x4  }
0x64: {  	v34 =	vsub.f32 v34, v33;
	_ =	sdelay $0x1  }
0x65: {  	(erf) = vrcp.f32 v34;
	_ =	sdelay $0x8  }
0x66: {  	v34 =	vmul.f32 $3.906250000e-03, v34;
	v35 =	vpop (erf)  }
0x67: {  	[tilespmem:$0x2100] =	vst v33;
	v57 =	vmul.f32 $2.560000000e+02, v35  }
0x68: {  	[tilespmem:$0x2300] =	vst v34  }
0x69: {  	[tilespmem:$0x2500] =	vst v57  }
0x6a: {  	v33 =	vld.idx.msk [tilespmem:v0+s16+$0x0], $0xffff  }
0x6b: {  	v34 =	vld.idx.msk [tilespmem:v0+s5+$0x0], $0xffff;
	_ =	sdelay $0x4  }
0x6c: {  	v34 =	vsub.f32 v34, v33;
	_ =	sdelay $0x1  }
0x6d: {  	(erf) = vrcp.f32 v34;
	_ =	sdelay $0x8  }
0x6e: {  	v34 =	vmul.f32 $3.906250000e-03, v34;
	v58 =	vpop (erf)  }
0x6f: {  	[tilespmem:$0x2110] =	vst v33;
	v59 =	vmul.f32 $2.560000000e+02, v58  }
0x70: {  	[tilespmem:$0x2310] =	vst v34  }
0x71: {  	[tilespmem:$0x2510] =	vst v59  }
0x72: {  	v33 =	vld.idx.msk [tilespmem:v1+s16+$0x0], $0xffff  }
0x73: {  	v34 =	vld.idx.msk [tilespmem:v1+s5+$0x0], $0xffff;
	_ =	sdelay $0x4  }
0x74: {  	v34 =	vsub.f32 v34, v33;
	_ =	sdelay $0x1  }
0x75: {  	(erf) = vrcp.f32 v34;
	_ =	sdelay $0x8  }
0x76: {  	v34 =	vmul.f32 $3.906250000e-03, v34;
	v60 =	vpop (erf)  }
0x77: {  	[tilespmem:$0x2120] =	vst v33;
	v61 =	vmul.f32 $2.560000000e+02, v60  }
0x78: {  	[tilespmem:$0x2320] =	vst v34  }
0x79: {  	[tilespmem:$0x2520] =	vst v61  }
0x7a: {  	v33 =	vld.idx.msk [tilespmem:v2+s16+$0x0], $0xffff  }
0x7b: {  	v34 =	vld.idx.msk [tilespmem:v2+s5+$0x0], $0xffff;
	_ =	sdelay $0x4  }
0x7c: {  	v34 =	vsub.f32 v34, v33;
	_ =	sdelay $0x1  }
0x7d: {  	(erf) = vrcp.f32 v34;
	_ =	sdelay $0x8  }
0x7e: {  	v34 =	vmul.f32 $3.906250000e-03, v34;
	v62 =	vpop (erf)  }
0x7f: {  	[tilespmem:$0x2130] =	vst v33;
	v63 =	vmul.f32 $2.560000000e+02, v62  }
0x80: {  	[tilespmem:$0x2330] =	vst v34  }
0x81: {  	[tilespmem:$0x2530] =	vst v63  }
0x82: {  	v33 =	vld.idx.msk [tilespmem:v3+s16+$0x0], $0xffff  }
0x83: {  	v34 =	vld.idx.msk [tilespmem:v3+s5+$0x0], $0xffff;
	_ =	sdelay $0x4  }
0x84: {  	v34 =	vsub.f32 v34, v33;
	_ =	sdelay $0x1  }
0x85: {  	(erf) = vrcp.f32 v34;
	_ =	sdelay $0x8  }
0x86: {  	v34 =	vmul.f32 $3.906250000e-03, v34;
	v36 =	vpop (erf)  }
0x87: {  	[tilespmem:$0x2140] =	vst v33;
	v37 =	vmul.f32 $2.560000000e+02, v36  }
0x88: {  	[tilespmem:$0x2340] =	vst v34  }
0x89: {  	[tilespmem:$0x2540] =	vst v37  }
0x8a: {  	v33 =	vld.idx.msk [tilespmem:v4+s16+$0x0], $0xffff  }
0x8b: {  	v34 =	vld.idx.msk [tilespmem:v4+s5+$0x0], $0xffff;
	_ =	sdelay $0x4  }
0x8c: {  	v34 =	vsub.f32 v34, v33;
	_ =	sdelay $0x1  }
0x8d: {  	(erf) = vrcp.f32 v34;
	_ =	sdelay $0x8  }
0x8e: {  	v34 =	vmul.f32 $3.906250000e-03, v34;
	v38 =	vpop (erf)  }
0x8f: {  	[tilespmem:$0x2150] =	vst v33;
	v39 =	vmul.f32 $2.560000000e+02, v38  }
0x90: {  	[tilespmem:$0x2350] =	vst v34  }
0x91: {  	[tilespmem:$0x2550] =	vst v39  }
0x92: {  	v33 =	vld.idx.msk [tilespmem:v5+s16+$0x0], $0xffff  }
0x93: {  	v34 =	vld.idx.msk [tilespmem:v5+s5+$0x0], $0xffff;
	_ =	sdelay $0x4  }
0x94: {  	v34 =	vsub.f32 v34, v33;
	_ =	sdelay $0x1  }
0x95: {  	(erf) = vrcp.f32 v34;
	_ =	sdelay $0x8  }
0x96: {  	v34 =	vmul.f32 $3.906250000e-03, v34;
	v40 =	vpop (erf)  }
0x97: {  	[tilespmem:$0x2160] =	vst v33;
	v41 =	vmul.f32 $2.560000000e+02, v40  }
0x98: {  	[tilespmem:$0x2360] =	vst v34  }
0x99: {  	[tilespmem:$0x2560] =	vst v41  }
0x9a: {  	v33 =	vld.idx.msk [tilespmem:v6+s16+$0x0], $0xffff  }
0x9b: {  	v34 =	vld.idx.msk [tilespmem:v6+s5+$0x0], $0xffff;
	_ =	sdelay $0x4  }
0x9c: {  	v34 =	vsub.f32 v34, v33;
	_ =	sdelay $0x1  }
0x9d: {  	(erf) = vrcp.f32 v34;
	_ =	sdelay $0x8  }
0x9e: {  	v34 =	vmul.f32 $3.906250000e-03, v34;
	v42 =	vpop (erf)  }
0x9f: {  	[tilespmem:$0x2170] =	vst v33;
	v43 =	vmul.f32 $2.560000000e+02, v42  }
0xa0: {  	[tilespmem:$0x2370] =	vst v34  }
0xa1: {  	[tilespmem:$0x2570] =	vst v43  }
0xa2: {  	v33 =	vld.idx.msk [tilespmem:v7+s16+$0x0], $0xffff  }
0xa3: {  	v34 =	vld.idx.msk [tilespmem:v7+s5+$0x0], $0xffff;
	_ =	sdelay $0x4  }
0xa4: {  	v34 =	vsub.f32 v34, v33;
	_ =	sdelay $0x1  }
0xa5: {  	(erf) = vrcp.f32 v34;
	_ =	sdelay $0x8  }
0xa6: {  	v34 =	vmul.f32 $3.906250000e-03, v34;
	v44 =	vpop (erf)  }
0xa7: {  	[tilespmem:$0x2180] =	vst v33;
	v45 =	vmul.f32 $2.560000000e+02, v44  }
0xa8: {  	[tilespmem:$0x2380] =	vst v34  }
0xa9: {  	[tilespmem:$0x2580] =	vst v45  }
0xaa: {  	v33 =	vld.idx.msk [tilespmem:v8+s16+$0x0], $0xffff  }
0xab: {  	v34 =	vld.idx.msk [tilespmem:v8+s5+$0x0], $0xffff;
	_ =	sdelay $0x4  }
0xac: {  	v34 =	vsub.f32 v34, v33;
	_ =	sdelay $0x1  }
0xad: {  	(erf) = vrcp.f32 v34;
	_ =	sdelay $0x8  }
0xae: {  	v34 =	vmul.f32 $3.906250000e-03, v34;
	v46 =	vpop (erf)  }
0xaf: {  	[tilespmem:$0x2190] =	vst v33;
	v47 =	vmul.f32 $2.560000000e+02, v46  }
0xb0: {  	[tilespmem:$0x2390] =	vst v34  }
0xb1: {  	[tilespmem:$0x2590] =	vst v47  }
0xb2: {  	v33 =	vld.idx.msk [tilespmem:v9+s16+$0x0], $0xffff  }
0xb3: {  	v34 =	vld.idx.msk [tilespmem:v9+s5+$0x0], $0xffff;
	_ =	sdelay $0x4  }
0xb4: {  	v34 =	vsub.f32 v34, v33;
	_ =	sdelay $0x1  }
0xb5: {  	(erf) = vrcp.f32 v34;
	_ =	sdelay $0x8  }
0xb6: {  	v34 =	vmul.f32 $3.906250000e-03, v34;
	v48 =	vpop (erf)  }
0xb7: {  	[tilespmem:$0x21A0] =	vst v33;
	v49 =	vmul.f32 $2.560000000e+02, v48  }
0xb8: {  	[tilespmem:$0x23A0] =	vst v34  }
0xb9: {  	[tilespmem:$0x25A0] =	vst v49  }
0xba: {  	v33 =	vld.idx.msk [tilespmem:v10+s16+$0x0], $0xffff  }
0xbb: {  	v34 =	vld.idx.msk [tilespmem:v10+s5+$0x0], $0xffff;
	_ =	sdelay $0x4  }
0xbc: {  	v34 =	vsub.f32 v34, v33;
	_ =	sdelay $0x1  }
0xbd: {  	(erf) = vrcp.f32 v34;
	_ =	sdelay $0x8  }
0xbe: {  	v34 =	vmul.f32 $3.906250000e-03, v34;
	v50 =	vpop (erf)  }
0xbf: {  	[tilespmem:$0x21B0] =	vst v33;
	v51 =	vmul.f32 $2.560000000e+02, v50  }
0xc0: {  	[tilespmem:$0x23B0] =	vst v34  }
0xc1: {  	[tilespmem:$0x25B0] =	vst v51  }
0xc2: {  	v33 =	vld.idx.msk [tilespmem:v11+s16+$0x0], $0xffff  }
0xc3: {  	v34 =	vld.idx.msk [tilespmem:v11+s5+$0x0], $0xffff;
	_ =	sdelay $0x4  }
0xc4: {  	v34 =	vsub.f32 v34, v33;
	_ =	sdelay $0x1  }
0xc5: {  	(erf) = vrcp.f32 v34;
	_ =	sdelay $0x8  }
0xc6: {  	v34 =	vmul.f32 $3.906250000e-03, v34;
	v52 =	vpop (erf)  }
0xc7: {  	[tilespmem:$0x21C0] =	vst v33;
	v53 =	vmul.f32 $2.560000000e+02, v52  }
0xc8: {  	[tilespmem:$0x23C0] =	vst v34  }
0xc9: {  	[tilespmem:$0x25C0] =	vst v53  }
0xca: {  	v33 =	vld.idx.msk [tilespmem:v12+s16+$0x0], $0xffff  }
0xcb: {  	v34 =	vld.idx.msk [tilespmem:v12+s5+$0x0], $0xffff;
	_ =	sdelay $0x4  }
0xcc: {  	v34 =	vsub.f32 v34, v33;
	_ =	sdelay $0x1  }
0xcd: {  	(erf) = vrcp.f32 v34;
	_ =	sdelay $0x8  }
0xce: {  	v34 =	vmul.f32 $3.906250000e-03, v34;
	v54 =	vpop (erf)  }
0xcf: {  	[tilespmem:$0x21D0] =	vst v33;
	v55 =	vmul.f32 $2.560000000e+02, v54  }
0xd0: {  	[tilespmem:$0x23D0] =	vst v34  }
0xd1: {  	[tilespmem:$0x25D0] =	vst v55  }
0xd2: {  	v33 =	vld.idx.msk [tilespmem:v13+s16+$0x0], $0xffff  }
0xd3: {  	v34 =	vld.idx.msk [tilespmem:v13+s5+$0x0], $0xffff;
	_ =	sdelay $0x4  }
0xd4: {  	v34 =	vsub.f32 v34, v33;
	_ =	sdelay $0x1  }
0xd5: {  	(erf) = vrcp.f32 v34;
	_ =	sdelay $0x8  }
0xd6: {  	v34 =	vmul.f32 $3.906250000e-03, v34;
	v56 =	vpop (erf)  }
0xd7: {  	[tilespmem:$0x21E0] =	vst v33;
	v57 =	vmul.f32 $2.560000000e+02, v56  }
0xd8: {  	[tilespmem:$0x23E0] =	vst v34  }
0xd9: {  	[tilespmem:$0x25E0] =	vst v57  }
0xda: {  	v33 =	vld.idx.msk [tilespmem:v14+s16+$0x0], $0xffff  }
0xdb: {  	v34 =	vld.idx.msk [tilespmem:v14+s5+$0x0], $0xffff;
	_ =	sdelay $0x4  }
0xdc: {  	v34 =	vsub.f32 v34, v33;
	_ =	sdelay $0x1  }
0xdd: {  	(erf) = vrcp.f32 v34;
	_ =	sdelay $0x8  }
0xde: {  	v34 =	vmul.f32 $3.906250000e-03, v34;
	v58 =	vpop (erf)  }
0xdf: {  	[tilespmem:$0x21F0] =	vst v33;
	v59 =	vmul.f32 $2.560000000e+02, v58  }
0xe0: {  	[tilespmem:$0x23F0] =	vst v34  }
0xe1: {  	[tilespmem:$0x25F0] =	vst v59  }
0xe2: {  	v33 =	vld.idx.msk [tilespmem:v15+s16+$0x0], $0xffff  }
0xe3: {  	v34 =	vld.idx.msk [tilespmem:v15+s5+$0x0], $0xffff;
	_ =	sdelay $0x4  }
0xe4: {  	v34 =	vsub.f32 v34, v33;
	_ =	sdelay $0x1  }
0xe5: {  	(erf) = vrcp.f32 v34;
	_ =	sdelay $0x8  }
0xe6: {  	v34 =	vmul.f32 $3.906250000e-03, v34;
	v60 =	vpop (erf)  }
0xe7: {  	[tilespmem:$0x2200] =	vst v33;
	v61 =	vmul.f32 $2.560000000e+02, v60  }
0xe8: {  	[tilespmem:$0x2400] =	vst v34  }
0xe9: {  	[tilespmem:$0x2600] =	vst v61  }
0xea: {  	v33 =	vld.idx.msk [tilespmem:v16+s16+$0x0], $0xffff  }
0xeb: {  	v34 =	vld.idx.msk [tilespmem:v16+s5+$0x0], $0xffff;
	_ =	sdelay $0x4  }
0xec: {  	v34 =	vsub.f32 v34, v33;
	_ =	sdelay $0x1  }
0xed: {  	(erf) = vrcp.f32 v34;
	_ =	sdelay $0x8  }
0xee: {  	v34 =	vmul.f32 $3.906250000e-03, v34;
	v62 =	vpop (erf)  }
0xef: {  	[tilespmem:$0x2210] =	vst v33;
	v63 =	vmul.f32 $2.560000000e+02, v62  }
0xf0: {  	[tilespmem:$0x2410] =	vst v34  }
0xf1: {  	[tilespmem:$0x2610] =	vst v63  }
0xf2: {  	v33 =	vld.idx.msk [tilespmem:v17+s16+$0x0], $0xffff  }
0xf3: {  	v34 =	vld.idx.msk [tilespmem:v17+s5+$0x0], $0xffff;
	_ =	sdelay $0x4  }
0xf4: {  	v34 =	vsub.f32 v34, v33;
	_ =	sdelay $0x1  }
0xf5: {  	(erf) = vrcp.f32 v34;
	_ =	sdelay $0x8  }
0xf6: {  	v34 =	vmul.f32 $3.906250000e-03, v34;
	v36 =	vpop (erf)  }
0xf7: {  	[tilespmem:$0x2220] =	vst v33;
	v37 =	vmul.f32 $2.560000000e+02, v36  }
0xf8: {  	[tilespmem:$0x2420] =	vst v34  }
0xf9: {  	[tilespmem:$0x2620] =	vst v37  }
0xfa: {  	v33 =	vld.idx.msk [tilespmem:v18+s16+$0x0], $0xffff  }
0xfb: {  	v34 =	vld.idx.msk [tilespmem:v18+s5+$0x0], $0xffff;
	_ =	sdelay $0x4  }
0xfc: {  	v34 =	vsub.f32 v34, v33;
	_ =	sdelay $0x1  }
0xfd: {  	(erf) = vrcp.f32 v34;
	_ =	sdelay $0x8  }
0xfe: {  	v34 =	vmul.f32 $3.906250000e-03, v34;
	v38 =	vpop (erf)  }
0xff: {  	[tilespmem:$0x2230] =	vst v33;
	v39 =	vmul.f32 $2.560000000e+02, v38  }
0x100: {  	[tilespmem:$0x2430] =	vst v34  }
0x101: {  	[tilespmem:$0x2630] =	vst v39  }
0x102: {  	v33 =	vld.idx.msk [tilespmem:v19+s16+$0x0], $0xffff  }
0x103: {  	v34 =	vld.idx.msk [tilespmem:v19+s5+$0x0], $0xffff;
	_ =	sdelay $0x4  }
0x104: {  	v34 =	vsub.f32 v34, v33;
	_ =	sdelay $0x1  }
0x105: {  	(erf) = vrcp.f32 v34;
	_ =	sdelay $0x8  }
0x106: {  	v34 =	vmul.f32 $3.906250000e-03, v34;
	v40 =	vpop (erf)  }
0x107: {  	[tilespmem:$0x2240] =	vst v33;
	v41 =	vmul.f32 $2.560000000e+02, v40  }
0x108: {  	[tilespmem:$0x2440] =	vst v34  }
0x109: {  	[tilespmem:$0x2640] =	vst v41  }
0x10a: {  	v33 =	vld.idx.msk [tilespmem:v20+s16+$0x0], $0xffff  }
0x10b: {  	v34 =	vld.idx.msk [tilespmem:v20+s5+$0x0], $0xffff;
	_ =	sdelay $0x4  }
0x10c: {  	v34 =	vsub.f32 v34, v33;
	_ =	sdelay $0x1  }
0x10d: {  	(erf) = vrcp.f32 v34;
	_ =	sdelay $0x8  }
0x10e: {  	v34 =	vmul.f32 $3.906250000e-03, v34;
	v42 =	vpop (erf)  }
0x10f: {  	[tilespmem:$0x2250] =	vst v33;
	v43 =	vmul.f32 $2.560000000e+02, v42  }
0x110: {  	[tilespmem:$0x2450] =	vst v34  }
0x111: {  	[tilespmem:$0x2650] =	vst v43  }
0x112: {  	v33 =	vld.idx.msk [tilespmem:v21+s16+$0x0], $0xffff  }
0x113: {  	v34 =	vld.idx.msk [tilespmem:v21+s5+$0x0], $0xffff;
	_ =	sdelay $0x4  }
0x114: {  	v34 =	vsub.f32 v34, v33;
	_ =	sdelay $0x1  }
0x115: {  	(erf) = vrcp.f32 v34;
	_ =	sdelay $0x8  }
0x116: {  	v34 =	vmul.f32 $3.906250000e-03, v34;
	v44 =	vpop (erf)  }
0x117: {  	[tilespmem:$0x2260] =	vst v33;
	v45 =	vmul.f32 $2.560000000e+02, v44  }
0x118: {  	[tilespmem:$0x2460] =	vst v34  }
0x119: {  	[tilespmem:$0x2660] =	vst v45  }
0x11a: {  	v33 =	vld.idx.msk [tilespmem:v22+s16+$0x0], $0xffff  }
0x11b: {  	v34 =	vld.idx.msk [tilespmem:v22+s5+$0x0], $0xffff;
	_ =	sdelay $0x4  }
0x11c: {  	v34 =	vsub.f32 v34, v33;
	_ =	sdelay $0x1  }
0x11d: {  	(erf) = vrcp.f32 v34;
	_ =	sdelay $0x8  }
0x11e: {  	v34 =	vmul.f32 $3.906250000e-03, v34;
	v46 =	vpop (erf)  }
0x11f: {  	[tilespmem:$0x2270] =	vst v33;
	v47 =	vmul.f32 $2.560000000e+02, v46  }
0x120: {  	[tilespmem:$0x2470] =	vst v34  }
0x121: {  	[tilespmem:$0x2670] =	vst v47  }
0x122: {  	v33 =	vld.idx.msk [tilespmem:v23+s16+$0x0], $0xffff  }
0x123: {  	v34 =	vld.idx.msk [tilespmem:v23+s5+$0x0], $0xffff;
	_ =	sdelay $0x4  }
0x124: {  	v34 =	vsub.f32 v34, v33;
	_ =	sdelay $0x1  }
0x125: {  	(erf) = vrcp.f32 v34;
	_ =	sdelay $0x8  }
0x126: {  	v34 =	vmul.f32 $3.906250000e-03, v34;
	v48 =	vpop (erf)  }
0x127: {  	[tilespmem:$0x2280] =	vst v33;
	v49 =	vmul.f32 $2.560000000e+02, v48  }
0x128: {  	[tilespmem:$0x2480] =	vst v34  }
0x129: {  	[tilespmem:$0x2680] =	vst v49  }
0x12a: {  	v33 =	vld.idx.msk [tilespmem:v24+s16+$0x0], $0xffff  }
0x12b: {  	v34 =	vld.idx.msk [tilespmem:v24+s5+$0x0], $0xffff;
	_ =	sdelay $0x4  }
0x12c: {  	v34 =	vsub.f32 v34, v33;
	_ =	sdelay $0x1  }
0x12d: {  	(erf) = vrcp.f32 v34;
	_ =	sdelay $0x8  }
0x12e: {  	v34 =	vmul.f32 $3.906250000e-03, v34;
	v50 =	vpop (erf)  }
0x12f: {  	[tilespmem:$0x2290] =	vst v33;
	v51 =	vmul.f32 $2.560000000e+02, v50  }
0x130: {  	[tilespmem:$0x2490] =	vst v34  }
0x131: {  	[tilespmem:$0x2690] =	vst v51  }
0x132: {  	v33 =	vld.idx.msk [tilespmem:v25+s16+$0x0], $0xffff  }
0x133: {  	v34 =	vld.idx.msk [tilespmem:v25+s5+$0x0], $0xffff;
	_ =	sdelay $0x4  }
0x134: {  	v34 =	vsub.f32 v34, v33;
	_ =	sdelay $0x1  }
0x135: {  	(erf) = vrcp.f32 v34;
	_ =	sdelay $0x8  }
0x136: {  	v34 =	vmul.f32 $3.906250000e-03, v34;
	v52 =	vpop (erf)  }
0x137: {  	[tilespmem:$0x22A0] =	vst v33;
	v53 =	vmul.f32 $2.560000000e+02, v52  }
0x138: {  	[tilespmem:$0x24A0] =	vst v34  }
0x139: {  	[tilespmem:$0x26A0] =	vst v53  }
0x13a: {  	v33 =	vld.idx.msk [tilespmem:v26+s16+$0x0], $0xffff  }
0x13b: {  	v34 =	vld.idx.msk [tilespmem:v26+s5+$0x0], $0xffff;
	_ =	sdelay $0x4  }
0x13c: {  	v34 =	vsub.f32 v34, v33;
	_ =	sdelay $0x1  }
0x13d: {  	(erf) = vrcp.f32 v34;
	_ =	sdelay $0x8  }
0x13e: {  	v34 =	vmul.f32 $3.906250000e-03, v34;
	v54 =	vpop (erf)  }
0x13f: {  	[tilespmem:$0x22B0] =	vst v33;
	v55 =	vmul.f32 $2.560000000e+02, v54  }
0x140: {  	[tilespmem:$0x24B0] =	vst v34  }
0x141: {  	[tilespmem:$0x26B0] =	vst v55  }
0x142: {  	v33 =	vld.idx.msk [tilespmem:v27+s16+$0x0], $0xffff  }
0x143: {  	v34 =	vld.idx.msk [tilespmem:v27+s5+$0x0], $0xffff;
	_ =	sdelay $0x4  }
0x144: {  	v34 =	vsub.f32 v34, v33;
	_ =	sdelay $0x1  }
0x145: {  	(erf) = vrcp.f32 v34;
	_ =	sdelay $0x8  }
0x146: {  	v34 =	vmul.f32 $3.906250000e-03, v34;
	v56 =	vpop (erf)  }
0x147: {  	[tilespmem:$0x22C0] =	vst v33;
	v57 =	vmul.f32 $2.560000000e+02, v56  }
0x148: {  	[tilespmem:$0x24C0] =	vst v34  }
0x149: {  	[tilespmem:$0x26C0] =	vst v57  }
0x14a: {  	v33 =	vld.idx.msk [tilespmem:v28+s16+$0x0], $0xffff  }
0x14b: {  	v34 =	vld.idx.msk [tilespmem:v28+s5+$0x0], $0xffff;
	_ =	sdelay $0x4  }
0x14c: {  	v34 =	vsub.f32 v34, v33;
	_ =	sdelay $0x1  }
0x14d: {  	(erf) = vrcp.f32 v34;
	_ =	sdelay $0x8  }
0x14e: {  	v34 =	vmul.f32 $3.906250000e-03, v34;
	v58 =	vpop (erf)  }
0x14f: {  	[tilespmem:$0x22D0] =	vst v33;
	v59 =	vmul.f32 $2.560000000e+02, v58  }
0x150: {  	[tilespmem:$0x24D0] =	vst v34  }
0x151: {  	[tilespmem:$0x26D0] =	vst v59  }
0x152: {  	v33 =	vld.idx.msk [tilespmem:v29+s16+$0x0], $0xffff  }
0x153: {  	v34 =	vld.idx.msk [tilespmem:v29+s5+$0x0], $0xffff;
	_ =	sdelay $0x4  }
0x154: {  	v34 =	vsub.f32 v34, v33;
	_ =	sdelay $0x1  }
0x155: {  	(erf) = vrcp.f32 v34;
	_ =	sdelay $0x8  }
0x156: {  	v34 =	vmul.f32 $3.906250000e-03, v34;
	v60 =	vpop (erf)  }
0x157: {  	[tilespmem:$0x22E0] =	vst v33;
	v61 =	vmul.f32 $2.560000000e+02, v60  }
0x158: {  	[tilespmem:$0x24E0] =	vst v34  }
0x159: {  	[tilespmem:$0x26E0] =	vst v61  }
0x15a: {  	v33 =	vld.idx.msk [tilespmem:v30+s16+$0x0], $0xffff  }
0x15b: {  	v34 =	vld.idx.msk [tilespmem:v30+s5+$0x0], $0xffff;
	_ =	sdelay $0x4  }
0x15c: {  	v34 =	vsub.f32 v34, v33;
	_ =	sdelay $0x1  }
0x15d: {  	(erf) = vrcp.f32 v34;
	_ =	sdelay $0x8  }
0x15e: {  	v34 =	vmul.f32 $3.906250000e-03, v34;
	v62 =	vpop (erf)  }
0x15f: {  	[tilespmem:$0x22F0] =	vst v33;
	v63 =	vmul.f32 $2.560000000e+02, v62  }
0x160: {  	s26 =	rddreg [dreg:$0x6];
	[tilespmem:$0x24F0] =	vst v34  }
0x161: {  	s28 =	simm.s32 $0x2700;
	s5 =	rddreg [dreg:$0x7];
	[tilespmem:$0x26F0] =	vst v63  }
0x162: {  	[tilespmem:s28], [sflag:$0x1] =	stream.linear.gather [hbm4b:s26+s2], $0x400, $0x38;
	[tilespmem:$0x12B00] =	vst v63  }
0x163: {  	s6 =	simm.s32 $0x2B00;
	s16 =	rddreg [dreg:$0x8]  }
0x164: {  	[tilespmem:s6], [sflag:$0x1] =	stream.linear.gather [hbm4b:s5+s2], $0x400, $0x38;
	[tilespmem:$0x12B00] =	vst v63  }
0x165: {  	s21 =	simm.s32 $0x2F00;
	s26 =	rddreg [dreg:$0x9]  }
0x166: {  	[tilespmem:s21], [sflag:$0x1] =	stream.linear.gather [hbm4b:s16+s2], $0x400, $0x38;
	[tilespmem:$0x12B00] =	vst v63  }
0x167: {  	s28 =	simm.s32 $0x3300;
	s5 =	rddreg [dreg:$0xa]  }
0x168: {  	[tilespmem:s28], [sflag:$0x1] =	stream.linear.gather [hbm4b:s26+s2], $0x400, $0x38;
	[tilespmem:$0x12B00] =	vst v63  }
0x169: {  	s6 =	simm.s32 $0x3700;
	s16 =	rddreg [dreg:$0xb]  }
0x16a: {  	[tilespmem:s6], [sflag:$0x1] =	stream.linear.gather [hbm4b:s5+s2], $0x400, $0x38;
	[tilespmem:$0x12B00] =	vst v63  }
0x16b: {  	s21 =	simm.s32 $0x3B00;
	s26 =	rddreg [dreg:$0xc]  }
0x16c: {  	[tilespmem:s21], [sflag:$0x1] =	stream.linear.gather [hbm4b:s16+s2], $0x400, $0x38;
	[tilespmem:$0x12B00] =	vst v63  }
0x16d: {  	s28 =	simm.s32 $0x3F00;
	s5 =	rddreg [dreg:$0xd]  }
0x16e: {  	[tilespmem:s28], [sflag:$0x1] =	stream.linear.gather [hbm4b:s26+s2], $0x400, $0x38;
	[tilespmem:$0x12B00] =	vst v63  }
0x16f: {  	s6 =	simm.s32 $0x4300;
	s16 =	rddreg [dreg:$0xe]  }
0x170: {  	[tilespmem:s6], [sflag:$0x1] =	stream.linear.gather [hbm4b:s5+s2], $0x400, $0x38;
	[tilespmem:$0x12B00] =	vst v63  }
0x171: {  	s21 =	simm.s32 $0x4700;
	s26 =	rddreg [dreg:$0xf]  }
0x172: {  	[tilespmem:s21], [sflag:$0x1] =	stream.linear.gather [hbm4b:s16+s2], $0x400, $0x38;
	[tilespmem:$0x12B00] =	vst v63  }
0x173: {  	s28 =	simm.s32 $0x4B00;
	s5 =	rddreg [dreg:$0x10]  }
0x174: {  	[tilespmem:s28], [sflag:$0x1] =	stream.linear.gather [hbm4b:s26+s2], $0x400, $0x38;
	[tilespmem:$0x12B00] =	vst v63  }
0x175: {  	s6 =	simm.s32 $0x4F00;
	s16 =	rddreg [dreg:$0x11]  }
0x176: {  	[tilespmem:s6], [sflag:$0x1] =	stream.linear.gather [hbm4b:s5+s2], $0x400, $0x38;
	[tilespmem:$0x12B00] =	vst v63  }
0x177: {  	s21 =	simm.s32 $0x5300;
	s26 =	rddreg [dreg:$0x12]  }
0x178: {  	[tilespmem:s21], [sflag:$0x1] =	stream.linear.gather [hbm4b:s16+s2], $0x400, $0x38;
	[tilespmem:$0x12B00] =	vst v63  }
0x179: {  	s28 =	simm.s32 $0x5700;
	s5 =	rddreg [dreg:$0x13]  }
0x17a: {  	[tilespmem:s28], [sflag:$0x1] =	stream.linear.gather [hbm4b:s26+s2], $0x400, $0x38;
	[tilespmem:$0x12B00] =	vst v63  }
0x17b: {  	s6 =	simm.s32 $0x5B00;
	s16 =	rddreg [dreg:$0x14]  }
0x17c: {  	[tilespmem:s6], [sflag:$0x1] =	stream.linear.gather [hbm4b:s5+s2], $0x400, $0x38;
	[tilespmem:$0x12B00] =	vst v63  }
0x17d: {  	s21 =	simm.s32 $0x5F00;
	s26 =	rddreg [dreg:$0x15]  }
0x17e: {  	[tilespmem:s21], [sflag:$0x1] =	stream.linear.gather [hbm4b:s16+s2], $0x400, $0x38;
	[tilespmem:$0x12B00] =	vst v63  }
0x17f: {  	s28 =	simm.s32 $0x6300;
	s5 =	rddreg [dreg:$0x16]  }
0x180: {  	[tilespmem:s28], [sflag:$0x1] =	stream.linear.gather [hbm4b:s26+s2], $0x400, $0x38;
	[tilespmem:$0x12B00] =	vst v63  }
0x181: {  	s6 =	simm.s32 $0x6700;
	s16 =	rddreg [dreg:$0x17]  }
0x182: {  	[tilespmem:s6], [sflag:$0x1] =	stream.linear.gather [hbm4b:s5+s2], $0x400, $0x38;
	[tilespmem:$0x12B00] =	vst v63  }
0x183: {  	s21 =	simm.s32 $0x6B00;
	s26 =	rddreg [dreg:$0x18]  }
0x184: {  	[tilespmem:s21], [sflag:$0x1] =	stream.linear.gather [hbm4b:s16+s2], $0x400, $0x38;
	[tilespmem:$0x12B00] =	vst v63  }
0x185: {  	s28 =	simm.s32 $0x6F00;
	s5 =	rddreg [dreg:$0x19]  }
0x186: {  	[tilespmem:s28], [sflag:$0x1] =	stream.linear.gather [hbm4b:s26+s2], $0x400, $0x38;
	[tilespmem:$0x12B00] =	vst v63  }
0x187: {  	s6 =	simm.s32 $0x7300;
	s16 =	rddreg [dreg:$0x1a]  }
0x188: {  	[tilespmem:s6], [sflag:$0x1] =	stream.linear.gather [hbm4b:s5+s2], $0x400, $0x38;
	[tilespmem:$0x12B00] =	vst v63  }
0x189: {  	s21 =	simm.s32 $0x7700;
	s26 =	rddreg [dreg:$0x1b]  }
0x18a: {  	[tilespmem:s21], [sflag:$0x1] =	stream.linear.gather [hbm4b:s16+s2], $0x400, $0x38;
	[tilespmem:$0x12B00] =	vst v63  }
0x18b: {  	s28 =	simm.s32 $0x7B00;
	s5 =	sld [smem:$0x7E5]  }
0x18c: {  	[tilespmem:s28], [sflag:$0x1] =	stream.linear.gather [hbm4b:s26+s2], $0x400, $0x38;
	[tilespmem:$0x12B00] =	vst v63  }
0x18d: {  	s6 =	simm.s32 $0x7F00;
	s16 =	rddreg [dreg:$0x1c]  }
0x18e: {  	[tilespmem:s6], [sflag:$0x1] =	stream.linear.gather [hbm4b:s5+s2], $0x400, $0x38;
	[tilespmem:$0x12B00] =	vst v63  }
0x18f: {  	s21 =	simm.s32 $0x8300;
	s26 =	sld [smem:$0x7E8]  }
0x190: {  	[tilespmem:s21], [sflag:$0x1] =	stream.linear.gather [hbm4b:s16+s2], $0x400, $0x38;
	[tilespmem:$0x12B00] =	vst v63  }
0x191: {  	s28 =	simm.s32 $0x8700;
	s5 =	rddreg [dreg:$0x1d]  }
0x192: {  	[tilespmem:s28], [sflag:$0x1] =	stream.linear.gather [hbm4b:s26+s2], $0x400, $0x38;
	[tilespmem:$0x12B00] =	vst v63  }
0x193: {  	s6 =	simm.s32 $0x8B00;
	s16 =	sld [smem:$0x7EB]  }
0x194: {  	[tilespmem:s6], [sflag:$0x1] =	stream.linear.gather [hbm4b:s5+s2], $0x400, $0x38;
	[tilespmem:$0x12B00] =	vst v63  }
0x195: {  	s21 =	simm.s32 $0x8F00;
	s26 =	rddreg [dreg:$0x1e]  }
0x196: {  	[tilespmem:s21], [sflag:$0x1] =	stream.linear.gather [hbm4b:s16+s2], $0x400, $0x38;
	[tilespmem:$0x12B00] =	vst v63  }
0x197: {  	s28 =	simm.s32 $0x9300;
	s5 =	sld [smem:$0x7EE]  }
0x198: {  	[tilespmem:s28], [sflag:$0x1] =	stream.linear.gather [hbm4b:s26+s2], $0x400, $0x38;
	[tilespmem:$0x12B00] =	vst v63  }
0x199: {  	s6 =	simm.s32 $0x9700;
	s16 =	rddreg [dreg:$0x1f]  }
0x19a: {  	[tilespmem:s6], [sflag:$0x1] =	stream.linear.gather [hbm4b:s5+s2], $0x400, $0x38;
	[tilespmem:$0x12B00] =	vst v63  }
0x19b: {  	s21 =	simm.s32 $0x9B00;
	s26 =	sld [smem:$0x7F1]  }
0x19c: {  	[tilespmem:s21], [sflag:$0x1] =	stream.linear.gather [hbm4b:s16+s2], $0x400, $0x38;
	[tilespmem:$0x12B00] =	vst v63  }
0x19d: {  	s28 =	simm.s32 $0x9F00;
	s5 =	sld [smem:$0x7D5]  }
0x19e: {  	[tilespmem:s28], [sflag:$0x1] =	stream.linear.gather [hbm4b:s26+s2], $0x400, $0x38;
	[tilespmem:$0x12B00] =	vst v63  }
0x19f: {  	s6 =	simm.s32 $0xA300;
	s16 =	sld [smem:$0x7F7]  }
0x1a0: {  	[tilespmem:s6], [sflag:$0x1] =	stream.linear.gather [hbm4b:s5+s2], $0x400, $0x38;
	[tilespmem:$0x12B00] =	vst v63  }
0x1a1: {  	s21 =	simm.s32 $0xA700;
	s26 =	sld [smem:$0x7D6]  }
0x1a2: {  	[tilespmem:s21], [sflag:$0x2] =	stream.linear.gather [hbm4b:s16+s2], $0x400, $0x38;
	[tilespmem:$0x12B00] =	vst v63  }
0x1a3: {  	s28 =	simm.s32 $0xAB00;
	s5 =	sld [smem:$0x7D7]  }
0x1a4: {  	[tilespmem:s28], [sflag:$0x2] =	stream.linear.gather [hbm4b:s26+s2], $0x400, $0x38;
	[tilespmem:$0x12B00] =	vst v63  }
0x1a5: {  	s6 =	simm.s32 $0xAF00;
	s16 =	sld [smem:$0x7D8]  }
0x1a6: {  	[tilespmem:s6], [sflag:$0x2] =	stream.linear.gather [hbm4b:s5+s2], $0x400, $0x38;
	[tilespmem:$0x12B00] =	vst v63  }
0x1a7: {  	s21 =	simm.s32 $0xB300;
	s26 =	sld [smem:$0x7D9]  }
0x1a8: {  	[tilespmem:s21], [sflag:$0x2] =	stream.linear.gather [hbm4b:s16+s2], $0x400, $0x38;
	[tilespmem:$0x12B00] =	vst v63  }
0x1a9: {  	s28 =	simm.s32 $0xB700;
	s5 =	sld [smem:$0x7DA]  }
0x1aa: {  	[tilespmem:s28], [sflag:$0x2] =	stream.linear.gather [hbm4b:s26+s2], $0x400, $0x38;
	[tilespmem:$0x12B00] =	vst v63  }
0x1ab: {  	s6 =	simm.s32 $0xBB00;
	s16 =	sld [smem:$0x7DB]  }
0x1ac: {  	[tilespmem:s6], [sflag:$0x2] =	stream.linear.gather [hbm4b:s5+s2], $0x400, $0x38;
	[tilespmem:$0x12B00] =	vst v63  }
0x1ad: {  	s21 =	simm.s32 $0xBF00;
	s26 =	sld [smem:$0x7DC]  }
0x1ae: {  	[tilespmem:s21], [sflag:$0x2] =	stream.linear.gather [hbm4b:s16+s2], $0x400, $0x38;
	[tilespmem:$0x12B00] =	vst v63  }
0x1af: {  	s28 =	simm.s32 $0xC300;
	s5 =	sld [smem:$0x7DD]  }
0x1b0: {  	[tilespmem:s28], [sflag:$0x2] =	stream.linear.gather [hbm4b:s26+s2], $0x400, $0x38;
	[tilespmem:$0x12B00] =	vst v63  }
0x1b1: {  	s6 =	simm.s32 $0xC700;
	s16 =	sld [smem:$0x7DE]  }
0x1b2: {  	[tilespmem:s6], [sflag:$0x2] =	stream.linear.gather [hbm4b:s5+s2], $0x400, $0x38;
	[tilespmem:$0x12B00] =	vst v63  }
0x1b3: {  	s21 =	simm.s32 $0xCB00;
	s26 =	sld [smem:$0x7DF]  }
0x1b4: {  	[tilespmem:s21], [sflag:$0x2] =	stream.linear.gather [hbm4b:s16+s2], $0x400, $0x38;
	[tilespmem:$0x12B00] =	vst v63  }
0x1b5: {  	s28 =	simm.s32 $0xCF00;
	s5 =	sld [smem:$0x7E0]  }
0x1b6: {  	[tilespmem:s28], [sflag:$0x2] =	stream.linear.gather [hbm4b:s26+s2], $0x400, $0x38;
	[tilespmem:$0x12B00] =	vst v63  }
0x1b7: {  	s6 =	simm.s32 $0xD300;
	s16 =	sld [smem:$0x7E1]  }
0x1b8: {  	[tilespmem:s6], [sflag:$0x2] =	stream.linear.gather [hbm4b:s5+s2], $0x400, $0x38;
	[tilespmem:$0x12B00] =	vst v63  }
0x1b9: {  	s21 =	simm.s32 $0xD700;
	s26 =	sld [smem:$0x7E2]  }
0x1ba: {  	[tilespmem:s21], [sflag:$0x2] =	stream.linear.gather [hbm4b:s16+s2], $0x400, $0x38;
	[tilespmem:$0x12B00] =	vst v63  }
0x1bb: {  	s28 =	simm.s32 $0xDB00;
	s5 =	sld [smem:$0x7E3]  }
0x1bc: {  	[tilespmem:s28], [sflag:$0x2] =	stream.linear.gather [hbm4b:s26+s2], $0x400, $0x38;
	[tilespmem:$0x12B00] =	vst v63  }
0x1bd: {  	s6 =	simm.s32 $0xDF00;
	s16 =	sld [smem:$0x7FA]  }
0x1be: {  	[tilespmem:s6], [sflag:$0x2] =	stream.linear.gather [hbm4b:s5+s2], $0x400, $0x38;
	[tilespmem:$0x12B00] =	vst v63  }
0x1bf: {  	s21 =	simm.s32 $0xE300;
	s26 =	sld [smem:$0x7E4]  }
0x1c0: {  	[tilespmem:s21], [sflag:$0x2] =	stream.linear.gather [hbm4b:s16+s2], $0x400, $0x38;
	[tilespmem:$0x12B00] =	vst v63  }
0x1c1: {  	s28 =	simm.s32 $0xE700;
	s5 =	sld [smem:$0x7E6]  }
0x1c2: {  	[tilespmem:s28], [sflag:$0x2] =	stream.linear.gather [hbm4b:s26+s2], $0x400, $0x38;
	[tilespmem:$0x12B00] =	vst v63  }
0x1c3: {  	s6 =	simm.s32 $0xEB00;
	s16 =	sld [smem:$0x7E7]  }
0x1c4: {  	[tilespmem:s6], [sflag:$0x2] =	stream.linear.gather [hbm4b:s5+s2], $0x400, $0x38;
	[tilespmem:$0x12B00] =	vst v63  }
0x1c5: {  	s21 =	simm.s32 $0xEF00;
	s26 =	sld [smem:$0x7E9]  }
0x1c6: {  	[tilespmem:s21], [sflag:$0x2] =	stream.linear.gather [hbm4b:s16+s2], $0x400, $0x38;
	[tilespmem:$0x12B00] =	vst v63  }
0x1c7: {  	s28 =	simm.s32 $0xF300;
	s5 =	sld [smem:$0x7EA]  }
0x1c8: {  	[tilespmem:s28], [sflag:$0x2] =	stream.linear.gather [hbm4b:s26+s2], $0x400, $0x38;
	[tilespmem:$0x12B00] =	vst v63  }
0x1c9: {  	s6 =	simm.s32 $0xF700;
	s16 =	sld [smem:$0x7EC]  }
0x1ca: {  	[tilespmem:s6], [sflag:$0x2] =	stream.linear.gather [hbm4b:s5+s2], $0x400, $0x38;
	[tilespmem:$0x12B00] =	vst v63  }
0x1cb: {  	s21 =	simm.s32 $0xFB00;
	s26 =	sld [smem:$0x7ED]  }
0x1cc: {  	[tilespmem:s21], [sflag:$0x2] =	stream.linear.gather [hbm4b:s16+s2], $0x400, $0x38;
	[tilespmem:$0x12B00] =	vst v63  }
0x1cd: {  	s28 =	simm.s32 $0xFF00;
	s5 =	sld [smem:$0x7EF]  }
0x1ce: {  	[tilespmem:s28], [sflag:$0x2] =	stream.linear.gather [hbm4b:s26+s2], $0x400, $0x38;
	[tilespmem:$0x12B00] =	vst v63  }
0x1cf: {  	s6 =	simm.s32 $0x10300;
	s16 =	sld [smem:$0x7F0]  }
0x1d0: {  	[tilespmem:s6], [sflag:$0x2] =	stream.linear.gather [hbm4b:s5+s2], $0x400, $0x38;
	[tilespmem:$0x12B00] =	vst v63  }
0x1d1: {  	s21 =	simm.s32 $0x10700;
	s26 =	sld [smem:$0x7F2]  }
0x1d2: {  	[tilespmem:s21], [sflag:$0x2] =	stream.linear.gather [hbm4b:s16+s2], $0x400, $0x38;
	[tilespmem:$0x12B00] =	vst v63  }
0x1d3: {  	s28 =	simm.s32 $0x10B00;
	s5 =	sld [smem:$0x7F3]  }
0x1d4: {  	[tilespmem:s28], [sflag:$0x2] =	stream.linear.gather [hbm4b:s26+s2], $0x400, $0x38;
	[tilespmem:$0x12B00] =	vst v63  }
0x1d5: {  	s6 =	simm.s32 $0x10F00;
	s16 =	sld [smem:$0x7F5]  }
0x1d6: {  	[tilespmem:s6], [sflag:$0x2] =	stream.linear.gather [hbm4b:s5+s2], $0x400, $0x38;
	[tilespmem:$0x12B00] =	vst v63  }
0x1d7: {  	s21 =	simm.s32 $0x11300;
	s26 =	sld [smem:$0x7F6]  }
0x1d8: {  	[tilespmem:s21], [sflag:$0x2] =	stream.linear.gather [hbm4b:s16+s2], $0x400, $0x38;
	[tilespmem:$0x12B00] =	vst v63  }
0x1d9: {  	s28 =	simm.s32 $0x11700;
	s5 =	sld [smem:$0x7F8]  }
0x1da: {  	[tilespmem:s28], [sflag:$0x2] =	stream.linear.gather [hbm4b:s26+s2], $0x400, $0x38;
	[tilespmem:$0x12B00] =	vst v63  }
0x1db: {  	s6 =	simm.s32 $0x11B00;
	s16 =	sld [smem:$0x7F9]  }
0x1dc: {  	[tilespmem:s6], [sflag:$0x2] =	stream.linear.gather [hbm4b:s5+s2], $0x400, $0x38;
	[tilespmem:$0x12B00] =	vst v63  }
0x1dd: {  	s21 =	simm.s32 $0x11F00;
	s26 =	sld [smem:$0x7FB]  }
0x1de: {  	[tilespmem:s21], [sflag:$0x2] =	stream.linear.gather [hbm4b:s16+s2], $0x400, $0x38;
	[tilespmem:$0x12B00] =	vst v63  }
0x1df: {  	s28 =	simm.s32 $0x12300;
	s6 =	simm.s32 $0x0  }
0x1e0: {  	[tilespmem:s28], [sflag:$0x2] =	stream.linear.gather [hbm4b:s26+s2], $0x400, $0x38;
	[tilespmem:$0x12B00] =	vst v63  }
.LBB2_2:
0x1e1: {  	_ =	swait.ge [sflag:s30], $0x400  }
0x1e2: {  	[sflag:s30] =	ssyncset.done $0x0  }
0x1e3: {  	[sflag:s30] =	ssyncadd.s32 $0xFFFFFC00  }
0x1e4: {  	_ =	swait.ge [sflag:s30], $0x400  }
0x1e5: {  	[sflag:s30] =	ssyncset.done $0x0  }
0x1e6: {  	[sflag:s30] =	ssyncadd.s32 $0xFFFFFC00  }
0x1e7: {  	_ =	swait.ge [sflag:s30], $0x400  }
0x1e8: {  	[sflag:s30] =	ssyncset.done $0x0  }
0x1e9: {  	[sflag:s30] =	ssyncadd.s32 $0xFFFFFC00  }
0x1ea: {  	_ =	swait.ge [sflag:s30], $0x400  }
0x1eb: {  	[sflag:s30] =	ssyncset.done $0x0  }
0x1ec: {  	[sflag:s30] =	ssyncadd.s32 $0xFFFFFC00  }
0x1ed: {  	_ =	swait.ge [sflag:s30], $0x400  }
0x1ee: {  	[sflag:s30] =	ssyncset.done $0x0  }
0x1ef: {  	[sflag:s30] =	ssyncadd.s32 $0xFFFFFC00  }
0x1f0: {  	_ =	swait.ge [sflag:s30], $0x400  }
0x1f1: {  	[sflag:s30] =	ssyncset.done $0x0  }
0x1f2: {  	[sflag:s30] =	ssyncadd.s32 $0xFFFFFC00  }
0x1f3: {  	_ =	swait.ge [sflag:s30], $0x400  }
0x1f4: {  	[sflag:s30] =	ssyncset.done $0x0  }
0x1f5: {  	[sflag:s30] =	ssyncadd.s32 $0xFFFFFC00  }
0x1f6: {  	_ =	swait.ge [sflag:s30], $0x400  }
0x1f7: {  	[sflag:s30] =	ssyncset.done $0x0  }
0x1f8: {  	[sflag:s30] =	ssyncadd.s32 $0xFFFFFC00  }
0x1f9: {  	_ =	swait.ge [sflag:s30], $0x400  }
0x1fa: {  	[sflag:s30] =	ssyncset.done $0x0  }
0x1fb: {  	[sflag:s30] =	ssyncadd.s32 $0xFFFFFC00  }
0x1fc: {  	_ =	swait.ge [sflag:s30], $0x400  }
0x1fd: {  	[sflag:s30] =	ssyncset.done $0x0  }
0x1fe: {  	[sflag:s30] =	ssyncadd.s32 $0xFFFFFC00  }
0x1ff: {  	_ =	swait.ge [sflag:s30], $0x400  }
0x200: {  	[sflag:s30] =	ssyncset.done $0x0  }
0x201: {  	[sflag:s30] =	ssyncadd.s32 $0xFFFFFC00  }
0x202: {  	_ =	swait.ge [sflag:s30], $0x400  }
0x203: {  	[sflag:s30] =	ssyncset.done $0x0  }
0x204: {  	[sflag:s30] =	ssyncadd.s32 $0xFFFFFC00  }
0x205: {  	_ =	swait.ge [sflag:s30], $0x400  }
0x206: {  	[sflag:s30] =	ssyncset.done $0x0  }
0x207: {  	[sflag:s30] =	ssyncadd.s32 $0xFFFFFC00  }
0x208: {  	_ =	swait.ge [sflag:s30], $0x400  }
0x209: {  	[sflag:s30] =	ssyncset.done $0x0  }
0x20a: {  	[sflag:s30] =	ssyncadd.s32 $0xFFFFFC00  }
0x20b: {  	_ =	swait.ge [sflag:s30], $0x400  }
0x20c: {  	[sflag:s30] =	ssyncset.done $0x0  }
0x20d: {  	[sflag:s30] =	ssyncadd.s32 $0xFFFFFC00  }
0x20e: {  	_ =	swait.ge [sflag:s30], $0x400  }
0x20f: {  	[sflag:s30] =	ssyncset.done $0x0  }
0x210: {  	[sflag:s30] =	ssyncadd.s32 $0xFFFFFC00  }
0x211: {  	_ =	swait.ge [sflag:s30], $0x400  }
0x212: {  	[sflag:s30] =	ssyncset.done $0x0  }
0x213: {  	[sflag:s30] =	ssyncadd.s32 $0xFFFFFC00  }
0x214: {  	_ =	swait.ge [sflag:s30], $0x400  }
0x215: {  	[sflag:s30] =	ssyncset.done $0x0  }
0x216: {  	[sflag:s30] =	ssyncadd.s32 $0xFFFFFC00  }
0x217: {  	_ =	swait.ge [sflag:s30], $0x400  }
0x218: {  	[sflag:s30] =	ssyncset.done $0x0  }
0x219: {  	[sflag:s30] =	ssyncadd.s32 $0xFFFFFC00  }
0x21a: {  	_ =	swait.ge [sflag:s30], $0x400  }
0x21b: {  	[sflag:s30] =	ssyncset.done $0x0  }
0x21c: {  	[sflag:s30] =	ssyncadd.s32 $0xFFFFFC00  }
0x21d: {  	_ =	swait.ge [sflag:s30], $0x400  }
0x21e: {  	[sflag:s30] =	ssyncset.done $0x0  }
0x21f: {  	[sflag:s30] =	ssyncadd.s32 $0xFFFFFC00  }
0x220: {  	_ =	swait.ge [sflag:s30], $0x400  }
0x221: {  	[sflag:s30] =	ssyncset.done $0x0  }
0x222: {  	[sflag:s30] =	ssyncadd.s32 $0xFFFFFC00  }
0x223: {  	_ =	swait.ge [sflag:s30], $0x400  }
0x224: {  	[sflag:s30] =	ssyncset.done $0x0  }
0x225: {  	[sflag:s30] =	ssyncadd.s32 $0xFFFFFC00  }
0x226: {  	_ =	swait.ge [sflag:s30], $0x400  }
0x227: {  	[sflag:s30] =	ssyncset.done $0x0  }
0x228: {  	[sflag:s30] =	ssyncadd.s32 $0xFFFFFC00  }
0x229: {  	_ =	swait.ge [sflag:s30], $0x400  }
0x22a: {  	[sflag:s30] =	ssyncset.done $0x0  }
0x22b: {  	[sflag:s30] =	ssyncadd.s32 $0xFFFFFC00  }
0x22c: {  	_ =	swait.ge [sflag:s30], $0x400  }
0x22d: {  	[sflag:s30] =	ssyncset.done $0x0  }
0x22e: {  	[sflag:s30] =	ssyncadd.s32 $0xFFFFFC00  }
0x22f: {  	_ =	swait.ge [sflag:s30], $0x400  }
0x230: {  	[sflag:s30] =	ssyncset.done $0x0  }
0x231: {  	[sflag:s30] =	ssyncadd.s32 $0xFFFFFC00  }
0x232: {  	_ =	swait.ge [sflag:s30], $0x400  }
0x233: {  	[sflag:s30] =	ssyncset.done $0x0  }
0x234: {  	[sflag:s30] =	ssyncadd.s32 $0xFFFFFC00  }
0x235: {  	_ =	swait.ge [sflag:s30], $0x400  }
0x236: {  	[sflag:s30] =	ssyncset.done $0x0  }
0x237: {  	[sflag:s30] =	ssyncadd.s32 $0xFFFFFC00  }
0x238: {  	_ =	swait.ge [sflag:s30], $0x400  }
0x239: {  	[sflag:s30] =	ssyncset.done $0x0  }
0x23a: {  	[sflag:s30] =	ssyncadd.s32 $0xFFFFFC00  }
0x23b: {  	_ =	swait.ge [sflag:s30], $0x400  }
0x23c: {  	[sflag:s30] =	ssyncset.done $0x0  }
0x23d: {  	[sflag:s30] =	ssyncadd.s32 $0xFFFFFC00  }
0x23e: {  	_ =	swait.ge [sflag:s30], $0x400  }
0x23f: {  	[sflag:s30] =	ssyncset.done $0x0  }
0x240: {  	s3 =	simm.s32 $0x0;
	s1 =	simm.s32 $0x0;
	[sflag:s30] =	ssyncadd.s32 $0xFFFFFC00  }
.LBB2_3:
0x241: {  	p0 =	sne.s32 s1, $0xFC0  }
.Ltmp2:
0x242: {  	_ = 	snop;
	(pc) =	sbr.rel @p0 .LBB2_3-.Ltmp2, $3  }
0x243: {  	_ =	sdelay $0x1  }
0x244: {  	s5 =	sshra.s32 s1, $0x2  }
0x245: {  	s1 =	sadd.s32 $0x40, s1;
	[tilespmem:s5+$0x12700] =	vst v31  }
0x246: {  	s5 =	simm.s32 $0x2740  }
.LBB2_5:
0x247: {  	v37 =	vmov s5  }
0x248: {  	s1 =	sshll.u32 s3, $0x4  }
0x249: {  	v35 =	vld [tilespmem:s1+$0x2100]  }
0x24a: {  	v34 =	vld [tilespmem:s1+$0x2300]  }
0x24b: {  	s21 =	simm.s32 $0x0;
	v36 =	vld [tilespmem:s1+$0x2500]  }
0x24c: {  	s28 =	sshll.u32 s3, $0x8;
	v38 =	vld.idx.msk [tilespmem:v37+s21+$0x30 ss:$0x1], $0xffff  }
0x24d: {  	s26 =	simm.s32 $0x200;
	v33 =	vmov s28;
	v41 =	vld.idx.msk [tilespmem:v37+s21+$0x20 ss:$0x1], $0xffff  }
.LBB2_6:
0x24e: {  	p0 =	sne.s32 s26, $0xE00;
	v42 =	vld.idx.msk [tilespmem:v37+s21+$0x10 ss:$0x1], $0xffff;
	s1 =	smov.u32 s26;
	s26 =	sadd.s32 $0x200, s26  }
0x24f: {  	_ =	sdelay $0x1  }
0x250: {  	v43 =	vld.idx.msk [tilespmem:v37+s21+$0xFFFFFFC0 ss:$0x1], $0xffff  }
0x251: {  	v44 =	vld.idx.msk [tilespmem:v37+s21+$0xFFFFFFE0 ss:$0x1], $0xffff  }
0x252: {  	v45 =	vsub.f32 v38, v35;
	v39 =	vsub.f32 v41, v35  }
0x253: {  	v46 =	vsub.f32 v42, v35  }
0x254: {  	v39 =	vmul.f32 v39, v36  }
0x255: {  	v45 =	vmul.f32 v45, v36;
	v46 =	vmul.f32 v46, v36;
	v40 =	vld.idx.msk [tilespmem:v37+s21+$0x0 ss:$0x1], $0xffff  }
0x256: {  	v47 =	vsub.f32 v43, v35;
	v39 =	vtrunc.f32 v39  }
0x257: {  	v48 =	vsub.f32 v44, v35;
	v46 =	vtrunc.f32 v46;
	v39 =	vcvt.f32.s32 v39  }
0x258: {  	v47 =	vmul.f32 v47, v36;
	v46 =	vcvt.f32.s32 v46  }
0x259: {  	v49 =	vcvt.s32.f32 v39  }
0x25a: {  	v45 =	vtrunc.f32 v45;
	v47 =	vtrunc.f32 v47  }
0x25b: {  	v45 =	vcvt.f32.s32 v45;
	v47 =	vcvt.f32.s32 v47  }
0x25c: {  	v51 =	vcvt.s32.f32 v46;
	v50 =	vsub.f32 v40, v35;
	v49 =	vmul.f32 v49, v34  }
0x25d: {  	v48 =	vmul.f32 v48, v36;
	v52 =	vcvt.s32.f32 v47  }
0x25e: {  	v54 =	vcvt.s32.f32 v45;
	v51 =	vmul.f32 v51, v34;
	v49 =	vadd.f32 v49, v35;
	v53 =	vld.idx.msk [tilespmem:v37+s21+$0xFFFFFFF0 ss:$0x1], $0xffff  }
0x25f: {  	v48 =	vtrunc.f32 v48;
	v52 =	vmul.f32 v52, v34  }
0x260: {  	v48 =	vcvt.f32.s32 v48;
	v51 =	vadd.f32 v51, v35;
	v55 =	vadd.f32 v49, v34  }
0x261: {  	vm1 =	vlt.f32 v41, v49;
	v49 =	vmul.f32 v54, v34;
	v52 =	vadd.f32 v52, v35  }
0x262: {  	v54 =	vcvt.s32.f32 v48;
	v56 =	vadd.f32 v51, v34;
	vm2 =	vlt.f32 v42, v51  }
0x263: {  	vm0 =	vge.f32 v41, v55;
	v41 =	vsel vm1, $0xFFFFFFFF, v32;
	vm3 =	vlt.f32 v43, v52  }
0x264: {  	vm1 =	vge.f32 v42, v56;
	v42 =	vsel vm2, $0xFFFFFFFF, v32;
	v51 =	vadd.f32 v52, v34  }
0x265: {  	v54 =	vmul.f32 v54, v34;
	v55 =	vsel vm3, $0xFFFFFFFF, v32;
	v56 =	vsub.f32 v53, v35;
	v52 =	vld.idx.msk [tilespmem:v37+s21+$0xFFFFFFD0 ss:$0x1], $0xffff  }
0x266: {  	v42 =	vsel vm1, $0x1, v42;
	vm2 =	vge.f32 v43, v51;
	v43 =	vmul.f32 v50, v36  }
0x267: {  	v49 =	vadd.f32 v49, v35;
	v50 =	vsel vm2, $0x1, v55;
	v51 =	vmul.f32 v56, v36  }
0x268: {  	v54 =	vadd.f32 v54, v35;
	v42 =	vadd.s32 v46, v42;
	v43 =	vtrunc.f32 v43  }
0x269: {  	v46 =	vtrunc.f32 v51;
	v43 =	vcvt.f32.s32 v43;
	v51 =	vadd.f32 v49, v34  }
0x26a: {  	vm1 =	vlt.f32 v38, v49;
	v55 =	vadd.f32 v54, v34;
	v46 =	vcvt.f32.s32 v46  }
0x26b: {  	v49 =	vcvt.s32.f32 v43;
	vm2 =	vge.f32 v38, v51;
	v38 =	vsel vm1, $0xFFFFFFFF, v32  }
0x26c: {  	vm3 =	vlt.f32 v44, v54;
	v51 =	vsub.f32 v52, v35;
	v54 =	vcvt.s32.f32 v46  }
0x26d: {  	vm4 =	vge.f32 v44, v55;
	vm1 =	vgt.s32 v42, $0x0;
	v38 =	vsel vm2, $0x1, v38  }
0x26e: {  	v38 =	vadd.s32 v45, v38;
	v44 =	vmul.f32 v51, v36;
	v51 =	vmul.f32 v54, v34  }
0x26f: {  	s28 =	sshra.s32 s1, $0x2;
	v45 =	vadd.s32 v47, v50;
	v47 =	vsel vm3, $0xFFFFFFFF, v32;
	vm2 =	vgt.s32 v38, $0x0  }
0x270: {  	vm3 =	vgt.s32 v45, $0x0;
	v47 =	vsel vm4, $0x1, v47;
	v38 =	vnsel vm2, $0x0, v38  }
0x271: {  	v45 =	vnsel vm3, $0x0, v45;
	v50 =	vadd.f32 v51, v35;
	v38 =	vmin.u32 v38, $0xFF  }
0x272: {  	v47 =	vadd.s32 v48, v47;
	v48 =	vmul.f32 v49, v34;
	v44 =	vtrunc.f32 v44  }
0x273: {  	vm2 =	vgt.s32 v47, $0x0;
	v49 =	vadd.f32 v50, v34;
	vm3 =	vlt.f32 v53, v50  }
0x274: {  	v44 =	vcvt.f32.s32 v44;
	v47 =	vnsel vm2, $0x0, v47;
	v48 =	vadd.f32 v48, v35  }
0x275: {  	v45 =	vmin.u32 v45, $0xFF;
	vm2 =	vge.f32 v53, v49;
	v49 =	vsel vm3, $0xFFFFFFFF, v32  }
0x276: {  	v47 =	vmin.u32 v47, $0xFF;
	v49 =	vsel vm2, $0x1, v49;
	vm2 =	vlt.f32 v40, v48  }
0x277: {  	v47 =	vor.u32 v33, v47;
	v48 =	vadd.f32 v48, v34;
	v46 =	vadd.s32 v46, v49  }
0x278: {  	v49 =	vcvt.s32.f32 v44;
	v50 =	vsel vm2, $0xFFFFFFFF, v32;
	vm3 =	vgt.s32 v46, $0x0  }
0x279: {  	vm2 =	vge.f32 v40, v48;
	v40 =	vor.u32 v33, v45;
	v46 =	vnsel vm3, $0x0, v46  }
0x27a: {  	v45 =	vmul.f32 v49, v34;
	v48 =	vsel vm2, $0x1, v50;
	v46 =	vmin.u32 v46, $0xFF  }
0x27b: {  	v38 =	vor.u32 v33, v38;
	v43 =	vadd.s32 v43, v48;
	v46 =	vor.u32 v33, v46  }
0x27c: {  	v42 =	vnsel vm1, $0x0, v42;
	v45 =	vadd.f32 v45, v35;
	vm2 =	vgt.s32 v43, $0x0  }
0x27d: {  	v41 =	vsel vm0, $0x1, v41;
	v42 =	vmin.u32 v42, $0xFF;
	v43 =	vnsel vm2, $0x0, v43  }
0x27e: {  	v48 =	vadd.f32 v45, v34;
	vm0 =	vlt.f32 v52, v45;
	v43 =	vmin.u32 v43, $0xFF  }
0x27f: {  	v42 =	vor.u32 v33, v42;
	v45 =	vsel vm0, $0xFFFFFFFF, v32;
	v43 =	vor.u32 v33, v43  }
0x280: {  	v39 =	vadd.s32 v39, v41;
	vm0 =	vge.f32 v52, v48  }
0x281: {  	v41 =	vsel vm0, $0x1, v45;
	vm0 =	vgt.s32 v39, $0x0  }
0x282: {  	v41 =	vadd.s32 v44, v41;
	v39 =	vnsel vm0, $0x0, v39  }
0x283: {  	vm0 =	vgt.s32 v41, $0x0;
	v39 =	vmin.u32 v39, $0xFF;
	v44 =	vld.idx.msk [tilespmem:v46+s2+$0x0], $0xffff  }
0x284: {  	v41 =	vnsel vm0, $0x0, v41;
	v39 =	vor.u32 v33, v39;
	v45 =	vld.idx.msk [tilespmem:v47+s2+$0x0], $0xffff  }
0x285: {  	v41 =	vmin.u32 v41, $0xFF  }
0x286: {  	v41 =	vor.u32 v33, v41;
	v40 =	vld.idx.msk [tilespmem:v40+s2+$0x0], $0xffff  }
0x287: {  	v42 =	vld.idx.msk [tilespmem:v42+s2+$0x0], $0xffff  }
0x288: {  	v43 =	vld.idx.msk [tilespmem:v43+s2+$0x0], $0xffff  }
0x289: {  	v39 =	vld.idx.msk [tilespmem:v39+s2+$0x0], $0xffff  }
0x28a: {  	v38 =	vld.idx.msk [tilespmem:v38+s2+$0x0], $0xffff  }
0x28b: {  	v41 =	vld.idx.msk [tilespmem:v41+s2+$0x0], $0xffff  }
0x28c: {  	[tilespmem:s21+$0x12700] =	vst.add.f32.msk $0xffff, v40  }
0x28d: {  	[tilespmem:s21+$0x12720] =	vst.add.f32.msk $0xffff, v45  }
0x28e: {  	[tilespmem:s21+$0x12740] =	vst.add.f32.msk $0xffff, v43  }
0x28f: {  	[tilespmem:s21+$0x12730] =	vst.add.f32.msk $0xffff, v44  }
0x290: {  	[tilespmem:s21+$0x12770] =	vst.add.f32.msk $0xffff, v38  }
.Ltmp3:
0x291: {  	[tilespmem:s21+$0x12710] =	vst.add.f32.msk $0xffff, v41;
	(pc) =	sbr.rel @p0 .LBB2_6-.Ltmp3, $4  }
0x292: {  	[tilespmem:s21+$0x12750] =	vst.add.f32.msk $0xffff, v42  }
0x293: {  	[tilespmem:s21+$0x12760] =	vst.add.f32.msk $0xffff, v39;
	s21 =	smov.u32 s28  }
0x294: {  	v38 =	vld.idx.msk [tilespmem:v37+s21+$0x30 ss:$0x1], $0xffff  }
0x295: {  	v41 =	vld.idx.msk [tilespmem:v37+s21+$0x20 ss:$0x1], $0xffff  }
0x296: {  	_ =	sdelay $0x3  }
0x297: {  	v39 =	vld.idx.msk [tilespmem:v37+s21+$0x10 ss:$0x1], $0xffff  }
0x298: {  	v40 =	vld.idx.msk [tilespmem:v37+s21+$0xFFFFFFC0 ss:$0x1], $0xffff  }
0x299: {  	v45 =	vld.idx.msk [tilespmem:v37+s21+$0xFFFFFFE0 ss:$0x1], $0xffff;
	_ =	sdelay $0x2  }
0x29a: {  	v44 =	vsub.f32 v38, v35;
	v42 =	vsub.f32 v41, v35  }
0x29b: {  	v43 =	vsub.f32 v39, v35;
	v46 =	vsub.f32 v40, v35  }
0x29c: {  	v44 =	vmul.f32 v44, v36;
	v49 =	vsub.f32 v45, v35;
	v42 =	vmul.f32 v42, v36  }
0x29d: {  	v43 =	vmul.f32 v43, v36;
	v46 =	vmul.f32 v46, v36  }
0x29e: {  	v44 =	vtrunc.f32 v44;
	v49 =	vmul.f32 v49, v36  }
0x29f: {  	v42 =	vtrunc.f32 v42;
	v44 =	vcvt.f32.s32 v44  }
0x2a0: {  	v48 =	vld.idx.msk [tilespmem:v37+s21+$0x0 ss:$0x1], $0xffff;
	v42 =	vcvt.f32.s32 v42;
	v43 =	vtrunc.f32 v43  }
0x2a1: {  	v54 =	vld.idx.msk [tilespmem:v37+s21+$0xFFFFFFF0 ss:$0x1], $0xffff;
	v46 =	vtrunc.f32 v46;
	v43 =	vcvt.f32.s32 v43  }
0x2a2: {  	v46 =	vcvt.f32.s32 v46;
	v47 =	vcvt.s32.f32 v42  }
0x2a3: {  	v49 =	vtrunc.f32 v49;
	v50 =	vcvt.s32.f32 v43  }
0x2a4: {  	v51 =	vcvt.s32.f32 v46;
	v47 =	vmul.f32 v47, v34  }
0x2a5: {  	v53 =	vsub.f32 v48, v35;
	v49 =	vcvt.f32.s32 v49;
	v50 =	vmul.f32 v50, v34  }
0x2a6: {  	v62 =	vsub.f32 v54, v35;
	v51 =	vmul.f32 v51, v34;
	v47 =	vadd.f32 v47, v35  }
0x2a7: {  	v52 =	vcvt.s32.f32 v44;
	v63 =	vcvt.s32.f32 v49;
	v50 =	vadd.f32 v50, v35  }
0x2a8: {  	v51 =	vadd.f32 v51, v35;
	v55 =	vadd.f32 v47, v34  }
0x2a9: {  	vm1 =	vlt.f32 v41, v47;
	v47 =	vmul.f32 v52, v34;
	v52 =	vmul.f32 v63, v34  }
0x2aa: {  	v37 =	vld.idx.msk [tilespmem:v37+s21+$0xFFFFFFD0 ss:$0x1], $0xffff;
	v63 =	vmul.f32 v53, v36;
	v56 =	vadd.f32 v50, v34;
	vm2 =	vlt.f32 v39, v50  }
0x2ab: {  	vm3 =	vlt.f32 v40, v51;
	v59 =	vadd.f32 v51, v34;
	vm0 =	vge.f32 v41, v55  }
0x2ac: {  	v41 =	vsel vm1, $0xFFFFFFFF, v32;
	v60 =	vsel vm2, $0xFFFFFFFF, v32;
	v61 =	vsel vm3, $0xFFFFFFFF, v32  }
0x2ad: {  	v47 =	vadd.f32 v47, v35;
	v52 =	vadd.f32 v52, v35;
	vm6 =	vge.f32 v39, v56  }
0x2ae: {  	vm7 =	vge.f32 v40, v59;
	v56 =	vmul.f32 v62, v36;
	v40 =	vtrunc.f32 v63  }
0x2af: {  	v62 =	vsub.f32 v37, v35;
	v41 =	vsel vm0, $0x1, v41;
	v39 =	vsel vm6, $0x1, v60  }
0x2b0: {  	v50 =	vsel vm7, $0x1, v61;
	v40 =	vcvt.f32.s32 v40;
	v58 =	vadd.f32 v47, v34  }
0x2b1: {  	v59 =	vadd.f32 v52, v34;
	vm8 =	vlt.f32 v38, v47;
	vm10 =	vlt.f32 v45, v52  }
0x2b2: {  	v39 =	vadd.s32 v43, v39;
	v57 =	vtrunc.f32 v56;
	v55 =	vmul.f32 v62, v36  }
0x2b3: {  	v61 =	vsel vm8, $0xFFFFFFFF, v32;
	v43 =	vcvt.f32.s32 v57;
	v60 =	vcvt.s32.f32 v40  }
0x2b4: {  	vm9 =	vge.f32 v38, v58;
	vm4 =	vge.f32 v45, v59;
	vm1 =	vgt.s32 v39, $0x0  }
0x2b5: {  	v57 =	vadd.s32 v46, v50;
	v58 =	vsel vm10, $0xFFFFFFFF, v32;
	v38 =	vsel vm9, $0x1, v61  }
0x2b6: {  	vm12 =	vgt.s32 v57, $0x0;
	v46 =	vsel vm4, $0x1, v58;
	v36 =	vtrunc.f32 v55  }
0x2b7: {  	v39 =	vnsel vm1, $0x0, v39;
	v55 =	vadd.s32 v42, v41;
	v63 =	vcvt.s32.f32 v43  }
0x2b8: {  	v38 =	vadd.s32 v44, v38;
	v44 =	vnsel vm12, $0x0, v57;
	v46 =	vadd.s32 v49, v46  }
0x2b9: {  	v47 =	vmul.f32 v60, v34;
	v36 =	vcvt.f32.s32 v36;
	v39 =	vmin.u32 v39, $0xFF  }
0x2ba: {  	vm11 =	vgt.s32 v38, $0x0;
	vm13 =	vgt.s32 v46, $0x0;
	v44 =	vmin.u32 v44, $0xFF  }
0x2bb: {  	v39 =	vor.u32 v33, v39;
	v56 =	vmul.f32 v63, v34;
	v38 =	vnsel vm11, $0x0, v38  }
0x2bc: {  	v60 =	vadd.f32 v47, v35;
	v46 =	vnsel vm13, $0x0, v46;
	v63 =	vcvt.s32.f32 v36  }
0x2bd: {  	v44 =	vor.u32 v33, v44;
	v46 =	vmin.u32 v46, $0xFF;
	v45 =	vadd.f32 v56, v35  }
0x2be: {  	v58 =	vmin.u32 v38, $0xFF;
	v62 =	vadd.f32 v60, v34;
	vm8 =	vlt.f32 v48, v60  }
0x2bf: {  	v52 =	vmul.f32 v63, v34;
	v46 =	vor.u32 v33, v46;
	v59 =	vadd.f32 v45, v34  }
0x2c0: {  	vm14 =	vlt.f32 v54, v45;
	v45 =	vsel vm8, $0xFFFFFFFF, v32;
	vm10 =	vge.f32 v48, v62  }
0x2c1: {  	v53 =	vadd.f32 v52, v35;
	v61 =	vsel vm14, $0xFFFFFFFF, v32;
	v45 =	vsel vm10, $0x1, v45  }
0x2c2: {  	vm14 =	vgt.s32 v55, $0x0;
	vm15 =	vge.f32 v54, v59;
	v40 =	vadd.s32 v40, v45  }
0x2c3: {  	v54 =	vadd.f32 v53, v34;
	vm12 =	vlt.f32 v37, v53;
	v34 =	vnsel vm14, $0x0, v55  }
0x2c4: {  	v47 =	vsel vm15, $0x1, v61;
	vm11 =	vgt.s32 v40, $0x0;
	v35 =	vsel vm12, $0xFFFFFFFF, v32  }
0x2c5: {  	v34 =	vmin.u32 v34, $0xFF;
	v43 =	vadd.s32 v43, v47;
	vm13 =	vge.f32 v37, v54  }
0x2c6: {  	v40 =	vnsel vm11, $0x0, v40;
	v34 =	vor.u32 v33, v34;
	v35 =	vsel vm13, $0x1, v35  }
0x2c7: {  	v37 =	vor.u32 v33, v58;
	vm9 =	vgt.s32 v43, $0x0;
	v35 =	vadd.s32 v36, v35  }
0x2c8: {  	v56 =	vmin.u32 v40, $0xFF;
	v43 =	vnsel vm9, $0x0, v43;
	vm15 =	vgt.s32 v35, $0x0  }
0x2c9: {  	v63 =	vld.idx.msk [tilespmem:v39+s2+$0x0], $0xffff;
	v57 =	vor.u32 v33, v56;
	v43 =	vmin.u32 v43, $0xFF;
	v35 =	vnsel vm15, $0x0, v35  }
0x2ca: {  	v60 =	vld.idx.msk [tilespmem:v46+s2+$0x0], $0xffff;
	v43 =	vor.u32 v33, v43;
	v35 =	vmin.u32 v35, $0xFF  }
0x2cb: {  	v61 =	vld.idx.msk [tilespmem:v44+s2+$0x0], $0xffff;
	v62 =	vor.u32 v33, v35  }
0x2cc: {  	v34 =	vld.idx.msk [tilespmem:v34+s2+$0x0], $0xffff  }
0x2cd: {  	v37 =	vld.idx.msk [tilespmem:v37+s2+$0x0], $0xffff  }
0x2ce: {  	v36 =	vld.idx.msk [tilespmem:v57+s2+$0x0], $0xffff  }
0x2cf: {  	v59 =	vld.idx.msk [tilespmem:v43+s2+$0x0], $0xffff  }
0x2d0: {  	v33 =	vld.idx.msk [tilespmem:v62+s2+$0x0], $0xffff  }
0x2d1: {  	[tilespmem:s21+$0x12700] =	vst.add.f32.msk $0xffff, v61  }
0x2d2: {  	s3 =	sadd.s32 $0x1, s3;
	[tilespmem:s21+$0x12720] =	vst.add.f32.msk $0xffff, v60  }
0x2d3: {  	p0 =	sne.s32 s3, $0x20;
	[tilespmem:s21+$0x12770] =	vst.add.f32.msk $0xffff, v37  }
.Ltmp4:
0x2d4: {  	[tilespmem:s21+$0x12750] =	vst.add.f32.msk $0xffff, v63;
	(pc) =	sbr.rel @p0 .LBB2_5-.Ltmp4, $4  }
0x2d5: {  	[tilespmem:s21+$0x12760] =	vst.add.f32.msk $0xffff, v34  }
0x2d6: {  	[tilespmem:s21+$0x12740] =	vst.add.f32.msk $0xffff, v36  }
0x2d7: {  	[tilespmem:s21+$0x12730] =	vst.add.f32.msk $0xffff, v59  }
0x2d8: {  	s5 =	sadd.s32 $0x400, s5;
	[tilespmem:s21+$0x12710] =	vst.add.f32.msk $0xffff, v33  }
0x2d9: {  	s3 =	sshll.u32 s6, $0xB  }
0x2da: {  	s1 =	sor.u32 s7, s3  }
0x2db: {  	p0 =	seq.s32 s6, $0x7;
	s5 =	sshrl.u32 s1, $0x3  }
.Ltmp5:
0x2dc: {  	s1 =	sadd.s32 s29, s5;
	(pc) =	sbr.rel @p0 .LBB2_10-.Ltmp5, $4  }
0x2dd: {  	[hbm4b:s1+s2] =	stream.linear.scatter [tilespmem:s31], [sflag:$0x3], $0x400, $0x38;
	[tilespmem:$0x12B00] =	vst v63  }
0x2de: {  	_ =	swait.ge [sflag:s25], $0x400  }
0x2df: {  	[sflag:s25] =	ssyncset.done $0x0  }
0x2e0: {  	[sflag:s25] =	ssyncadd.s32 $0xFFFFFC00  }
0x2e1: {  	s1 =	sld [smem:$0x7FC];
	_ =	sdelay $0x2  }
0x2e2: {  	s1 =	sadd.s32 s3, s1  }
0x2e3: {  	s1 =	sshrl.u32 s1, $0x3  }
0x2e4: {  	s16 =	simm.s32 $0x2700;
	s21 =	sadd.s32 s4, s1  }
0x2e5: {  	[tilespmem:s16], [sflag:$0x1] =	stream.linear.gather [hbm4b:s21+s2], $0x400, $0x38;
	[tilespmem:$0x12B00] =	vst v63  }
0x2e6: {  	s28 =	simm.s32 $0x2B00;
	s26 =	sadd.s32 $0x10000, s21  }
0x2e7: {  	[tilespmem:s28], [sflag:$0x1] =	stream.linear.gather [hbm4b:s26+s2], $0x400, $0x38;
	[tilespmem:$0x12B00] =	vst v63  }
0x2e8: {  	s16 =	sadd.s32 s1, s8;
	s28 =	simm.s32 $0x2F00  }
0x2e9: {  	[tilespmem:s28], [sflag:$0x1] =	stream.linear.gather [hbm4b:s16+s2], $0x400, $0x38;
	[tilespmem:$0x12B00] =	vst v63  }
0x2ea: {  	s16 =	sadd.s32 $0x30000, s21;
	s28 =	simm.s32 $0x3300  }
0x2eb: {  	[tilespmem:s28], [sflag:$0x1] =	stream.linear.gather [hbm4b:s16+s2], $0x400, $0x38;
	[tilespmem:$0x12B00] =	vst v63  }
0x2ec: {  	s16 =	sadd.s32 s1, s9;
	s28 =	simm.s32 $0x3700  }
0x2ed: {  	[tilespmem:s28], [sflag:$0x1] =	stream.linear.gather [hbm4b:s16+s2], $0x400, $0x38;
	[tilespmem:$0x12B00] =	vst v63  }
0x2ee: {  	s16 =	sadd.s32 $0x50000, s21;
	s28 =	simm.s32 $0x3B00  }
0x2ef: {  	[tilespmem:s28], [sflag:$0x1] =	stream.linear.gather [hbm4b:s16+s2], $0x400, $0x38;
	[tilespmem:$0x12B00] =	vst v63  }
0x2f0: {  	s16 =	sadd.s32 s1, s10;
	s28 =	simm.s32 $0x3F00  }
0x2f1: {  	[tilespmem:s28], [sflag:$0x1] =	stream.linear.gather [hbm4b:s16+s2], $0x400, $0x38;
	[tilespmem:$0x12B00] =	vst v63  }
0x2f2: {  	s16 =	sadd.s32 $0x70000, s21;
	s28 =	simm.s32 $0x4300  }
0x2f3: {  	[tilespmem:s28], [sflag:$0x1] =	stream.linear.gather [hbm4b:s16+s2], $0x400, $0x38;
	[tilespmem:$0x12B00] =	vst v63  }
0x2f4: {  	s16 =	sadd.s32 s1, s11;
	s28 =	simm.s32 $0x4700  }
0x2f5: {  	[tilespmem:s28], [sflag:$0x1] =	stream.linear.gather [hbm4b:s16+s2], $0x400, $0x38;
	[tilespmem:$0x12B00] =	vst v63  }
0x2f6: {  	s16 =	sadd.s32 $0x90000, s21;
	s28 =	simm.s32 $0x4B00  }
0x2f7: {  	[tilespmem:s28], [sflag:$0x1] =	stream.linear.gather [hbm4b:s16+s2], $0x400, $0x38;
	[tilespmem:$0x12B00] =	vst v63  }
0x2f8: {  	s16 =	sadd.s32 s1, s12;
	s28 =	simm.s32 $0x4F00  }
0x2f9: {  	[tilespmem:s28], [sflag:$0x1] =	stream.linear.gather [hbm4b:s16+s2], $0x400, $0x38;
	[tilespmem:$0x12B00] =	vst v63  }
0x2fa: {  	s16 =	sadd.s32 $0xB0000, s21;
	s28 =	simm.s32 $0x5300  }
0x2fb: {  	[tilespmem:s28], [sflag:$0x1] =	stream.linear.gather [hbm4b:s16+s2], $0x400, $0x38;
	[tilespmem:$0x12B00] =	vst v63  }
0x2fc: {  	s16 =	sadd.s32 s1, s13;
	s28 =	simm.s32 $0x5700  }
0x2fd: {  	[tilespmem:s28], [sflag:$0x1] =	stream.linear.gather [hbm4b:s16+s2], $0x400, $0x38;
	[tilespmem:$0x12B00] =	vst v63  }
0x2fe: {  	s16 =	sadd.s32 $0xD0000, s21;
	s28 =	simm.s32 $0x5B00  }
0x2ff: {  	[tilespmem:s28], [sflag:$0x1] =	stream.linear.gather [hbm4b:s16+s2], $0x400, $0x38;
	[tilespmem:$0x12B00] =	vst v63  }
0x300: {  	s16 =	sadd.s32 s1, s14;
	s28 =	simm.s32 $0x5F00  }
0x301: {  	[tilespmem:s28], [sflag:$0x1] =	stream.linear.gather [hbm4b:s16+s2], $0x400, $0x38;
	[tilespmem:$0x12B00] =	vst v63  }
0x302: {  	s16 =	sadd.s32 $0xF0000, s21;
	s28 =	simm.s32 $0x6300  }
0x303: {  	[tilespmem:s28], [sflag:$0x1] =	stream.linear.gather [hbm4b:s16+s2], $0x400, $0x38;
	[tilespmem:$0x12B00] =	vst v63  }
0x304: {  	s16 =	sadd.s32 s1, s15;
	s28 =	simm.s32 $0x6700  }
0x305: {  	[tilespmem:s28], [sflag:$0x1] =	stream.linear.gather [hbm4b:s16+s2], $0x400, $0x38;
	[tilespmem:$0x12B00] =	vst v63  }
0x306: {  	s16 =	sadd.s32 $0x110000, s21;
	s28 =	simm.s32 $0x6B00  }
0x307: {  	[tilespmem:s28], [sflag:$0x1] =	stream.linear.gather [hbm4b:s16+s2], $0x400, $0x38;
	[tilespmem:$0x12B00] =	vst v63  }
0x308: {  	s16 =	sadd.s32 s1, s17;
	s28 =	simm.s32 $0x6F00  }
0x309: {  	[tilespmem:s28], [sflag:$0x1] =	stream.linear.gather [hbm4b:s16+s2], $0x400, $0x38;
	[tilespmem:$0x12B00] =	vst v63  }
0x30a: {  	s16 =	sadd.s32 $0x130000, s21;
	s28 =	simm.s32 $0x7300  }
0x30b: {  	[tilespmem:s28], [sflag:$0x1] =	stream.linear.gather [hbm4b:s16+s2], $0x400, $0x38;
	[tilespmem:$0x12B00] =	vst v63  }
0x30c: {  	s16 =	sadd.s32 s1, s18;
	s28 =	simm.s32 $0x7700  }
0x30d: {  	[tilespmem:s28], [sflag:$0x1] =	stream.linear.gather [hbm4b:s16+s2], $0x400, $0x38;
	[tilespmem:$0x12B00] =	vst v63  }
0x30e: {  	s16 =	sadd.s32 $0x150000, s21;
	s28 =	simm.s32 $0x7B00  }
0x30f: {  	[tilespmem:s28], [sflag:$0x1] =	stream.linear.gather [hbm4b:s16+s2], $0x400, $0x38;
	[tilespmem:$0x12B00] =	vst v63  }
0x310: {  	s16 =	sadd.s32 s1, s19;
	s28 =	simm.s32 $0x7F00  }
0x311: {  	[tilespmem:s28], [sflag:$0x1] =	stream.linear.gather [hbm4b:s16+s2], $0x400, $0x38;
	[tilespmem:$0x12B00] =	vst v63  }
0x312: {  	s16 =	sadd.s32 $0x170000, s21;
	s28 =	simm.s32 $0x8300  }
0x313: {  	[tilespmem:s28], [sflag:$0x1] =	stream.linear.gather [hbm4b:s16+s2], $0x400, $0x38;
	[tilespmem:$0x12B00] =	vst v63  }
0x314: {  	s16 =	sadd.s32 s1, s20;
	s28 =	simm.s32 $0x8700  }
0x315: {  	[tilespmem:s28], [sflag:$0x1] =	stream.linear.gather [hbm4b:s16+s2], $0x400, $0x38;
	[tilespmem:$0x12B00] =	vst v63  }
0x316: {  	s16 =	sadd.s32 $0x190000, s21;
	s28 =	simm.s32 $0x8B00  }
0x317: {  	[tilespmem:s28], [sflag:$0x1] =	stream.linear.gather [hbm4b:s16+s2], $0x400, $0x38;
	[tilespmem:$0x12B00] =	vst v63  }
0x318: {  	s16 =	sadd.s32 s1, s22;
	s28 =	simm.s32 $0x8F00  }
0x319: {  	[tilespmem:s28], [sflag:$0x1] =	stream.linear.gather [hbm4b:s16+s2], $0x400, $0x38;
	[tilespmem:$0x12B00] =	vst v63  }
0x31a: {  	s16 =	sadd.s32 $0x1B0000, s21;
	s28 =	simm.s32 $0x9300  }
0x31b: {  	[tilespmem:s28], [sflag:$0x1] =	stream.linear.gather [hbm4b:s16+s2], $0x400, $0x38;
	[tilespmem:$0x12B00] =	vst v63  }
0x31c: {  	s16 =	sadd.s32 s1, s23;
	s28 =	simm.s32 $0x9700  }
0x31d: {  	[tilespmem:s28], [sflag:$0x1] =	stream.linear.gather [hbm4b:s16+s2], $0x400, $0x38;
	[tilespmem:$0x12B00] =	vst v63  }
0x31e: {  	s16 =	sadd.s32 $0x1D0000, s21;
	s28 =	simm.s32 $0x9B00  }
0x31f: {  	[tilespmem:s28], [sflag:$0x1] =	stream.linear.gather [hbm4b:s16+s2], $0x400, $0x38;
	[tilespmem:$0x12B00] =	vst v63  }
0x320: {  	s1 =	sadd.s32 s1, s24;
	s28 =	simm.s32 $0x9F00  }
0x321: {  	[tilespmem:s28], [sflag:$0x1] =	stream.linear.gather [hbm4b:s1+s2], $0x400, $0x38;
	[tilespmem:$0x12B00] =	vst v63  }
0x322: {  	s26 =	sadd.s32 $0x1F0000, s21;
	s28 =	simm.s32 $0xA300  }
0x323: {  	[tilespmem:s28], [sflag:$0x1] =	stream.linear.gather [hbm4b:s26+s2], $0x400, $0x38;
	[tilespmem:$0x12B00] =	vst v63  }
.LBB2_10:
0x324: {  	_ =	swait.ge [sflag:s0], $0x400  }
0x325: {  	[sflag:s0] =	ssyncset.done $0x0  }
0x326: {  	[sflag:s0] =	ssyncadd.s32 $0xFFFFFC00  }
0x327: {  	_ =	swait.ge [sflag:s0], $0x400  }
0x328: {  	[sflag:s0] =	ssyncset.done $0x0  }
0x329: {  	[sflag:s0] =	ssyncadd.s32 $0xFFFFFC00  }
0x32a: {  	_ =	swait.ge [sflag:s0], $0x400  }
0x32b: {  	[sflag:s0] =	ssyncset.done $0x0  }
0x32c: {  	[sflag:s0] =	ssyncadd.s32 $0xFFFFFC00  }
0x32d: {  	_ =	swait.ge [sflag:s0], $0x400  }
0x32e: {  	[sflag:s0] =	ssyncset.done $0x0  }
0x32f: {  	[sflag:s0] =	ssyncadd.s32 $0xFFFFFC00  }
0x330: {  	_ =	swait.ge [sflag:s0], $0x400  }
0x331: {  	[sflag:s0] =	ssyncset.done $0x0  }
0x332: {  	[sflag:s0] =	ssyncadd.s32 $0xFFFFFC00  }
0x333: {  	_ =	swait.ge [sflag:s0], $0x400  }
0x334: {  	[sflag:s0] =	ssyncset.done $0x0  }
0x335: {  	[sflag:s0] =	ssyncadd.s32 $0xFFFFFC00  }
0x336: {  	_ =	swait.ge [sflag:s0], $0x400  }
0x337: {  	[sflag:s0] =	ssyncset.done $0x0  }
0x338: {  	[sflag:s0] =	ssyncadd.s32 $0xFFFFFC00  }
0x339: {  	_ =	swait.ge [sflag:s0], $0x400  }
0x33a: {  	[sflag:s0] =	ssyncset.done $0x0  }
0x33b: {  	[sflag:s0] =	ssyncadd.s32 $0xFFFFFC00  }
0x33c: {  	_ =	swait.ge [sflag:s0], $0x400  }
0x33d: {  	[sflag:s0] =	ssyncset.done $0x0  }
0x33e: {  	[sflag:s0] =	ssyncadd.s32 $0xFFFFFC00  }
0x33f: {  	_ =	swait.ge [sflag:s0], $0x400  }
0x340: {  	[sflag:s0] =	ssyncset.done $0x0  }
0x341: {  	[sflag:s0] =	ssyncadd.s32 $0xFFFFFC00  }
0x342: {  	_ =	swait.ge [sflag:s0], $0x400  }
0x343: {  	[sflag:s0] =	ssyncset.done $0x0  }
0x344: {  	[sflag:s0] =	ssyncadd.s32 $0xFFFFFC00  }
0x345: {  	_ =	swait.ge [sflag:s0], $0x400  }
0x346: {  	[sflag:s0] =	ssyncset.done $0x0  }
0x347: {  	[sflag:s0] =	ssyncadd.s32 $0xFFFFFC00  }
0x348: {  	_ =	swait.ge [sflag:s0], $0x400  }
0x349: {  	[sflag:s0] =	ssyncset.done $0x0  }
0x34a: {  	[sflag:s0] =	ssyncadd.s32 $0xFFFFFC00  }
0x34b: {  	_ =	swait.ge [sflag:s0], $0x400  }
0x34c: {  	[sflag:s0] =	ssyncset.done $0x0  }
0x34d: {  	[sflag:s0] =	ssyncadd.s32 $0xFFFFFC00  }
0x34e: {  	_ =	swait.ge [sflag:s0], $0x400  }
0x34f: {  	[sflag:s0] =	ssyncset.done $0x0  }
0x350: {  	[sflag:s0] =	ssyncadd.s32 $0xFFFFFC00  }
0x351: {  	_ =	swait.ge [sflag:s0], $0x400  }
0x352: {  	[sflag:s0] =	ssyncset.done $0x0  }
0x353: {  	[sflag:s0] =	ssyncadd.s32 $0xFFFFFC00  }
0x354: {  	_ =	swait.ge [sflag:s0], $0x400  }
0x355: {  	[sflag:s0] =	ssyncset.done $0x0  }
0x356: {  	[sflag:s0] =	ssyncadd.s32 $0xFFFFFC00  }
0x357: {  	_ =	swait.ge [sflag:s0], $0x400  }
0x358: {  	[sflag:s0] =	ssyncset.done $0x0  }
0x359: {  	[sflag:s0] =	ssyncadd.s32 $0xFFFFFC00  }
0x35a: {  	_ =	swait.ge [sflag:s0], $0x400  }
0x35b: {  	[sflag:s0] =	ssyncset.done $0x0  }
0x35c: {  	[sflag:s0] =	ssyncadd.s32 $0xFFFFFC00  }
0x35d: {  	_ =	swait.ge [sflag:s0], $0x400  }
0x35e: {  	[sflag:s0] =	ssyncset.done $0x0  }
0x35f: {  	[sflag:s0] =	ssyncadd.s32 $0xFFFFFC00  }
0x360: {  	_ =	swait.ge [sflag:s0], $0x400  }
0x361: {  	[sflag:s0] =	ssyncset.done $0x0  }
0x362: {  	[sflag:s0] =	ssyncadd.s32 $0xFFFFFC00  }
0x363: {  	_ =	swait.ge [sflag:s0], $0x400  }
0x364: {  	[sflag:s0] =	ssyncset.done $0x0  }
0x365: {  	[sflag:s0] =	ssyncadd.s32 $0xFFFFFC00  }
0x366: {  	_ =	swait.ge [sflag:s0], $0x400  }
0x367: {  	[sflag:s0] =	ssyncset.done $0x0  }
0x368: {  	[sflag:s0] =	ssyncadd.s32 $0xFFFFFC00  }
0x369: {  	_ =	swait.ge [sflag:s0], $0x400  }
0x36a: {  	[sflag:s0] =	ssyncset.done $0x0  }
0x36b: {  	[sflag:s0] =	ssyncadd.s32 $0xFFFFFC00  }
0x36c: {  	_ =	swait.ge [sflag:s0], $0x400  }
0x36d: {  	[sflag:s0] =	ssyncset.done $0x0  }
0x36e: {  	[sflag:s0] =	ssyncadd.s32 $0xFFFFFC00  }
0x36f: {  	_ =	swait.ge [sflag:s0], $0x400  }
0x370: {  	[sflag:s0] =	ssyncset.done $0x0  }
0x371: {  	[sflag:s0] =	ssyncadd.s32 $0xFFFFFC00  }
0x372: {  	_ =	swait.ge [sflag:s0], $0x400  }
0x373: {  	[sflag:s0] =	ssyncset.done $0x0  }
0x374: {  	[sflag:s0] =	ssyncadd.s32 $0xFFFFFC00  }
0x375: {  	_ =	swait.ge [sflag:s0], $0x400  }
0x376: {  	[sflag:s0] =	ssyncset.done $0x0  }
0x377: {  	[sflag:s0] =	ssyncadd.s32 $0xFFFFFC00  }
0x378: {  	_ =	swait.ge [sflag:s0], $0x400  }
0x379: {  	[sflag:s0] =	ssyncset.done $0x0  }
0x37a: {  	[sflag:s0] =	ssyncadd.s32 $0xFFFFFC00  }
0x37b: {  	_ =	swait.ge [sflag:s0], $0x400  }
0x37c: {  	[sflag:s0] =	ssyncset.done $0x0  }
0x37d: {  	[sflag:s0] =	ssyncadd.s32 $0xFFFFFC00  }
0x37e: {  	_ =	swait.ge [sflag:s0], $0x400  }
0x37f: {  	[sflag:s0] =	ssyncset.done $0x0  }
0x380: {  	[sflag:s0] =	ssyncadd.s32 $0xFFFFFC00  }
0x381: {  	_ =	swait.ge [sflag:s0], $0x400  }
0x382: {  	s16 =	smov.u32 s29;
	[sflag:s0] =	ssyncset.done $0x0  }
0x383: {  	s26 =	simm.s32 $0x0;
	s1 =	simm.s32 $0x0;
	[sflag:s0] =	ssyncadd.s32 $0xFFFFFC00  }
.LBB2_11:
0x384: {  	p1 =	sne.s32 s1, $0xFC0  }
.Ltmp6:
0x385: {  	_ = 	snop;
	(pc) =	sbr.rel @p1 .LBB2_11-.Ltmp6, $3  }
0x386: {  	_ =	sdelay $0x1  }
0x387: {  	s21 =	sshra.s32 s1, $0x2  }
0x388: {  	s1 =	sadd.s32 $0x40, s1;
	[tilespmem:s21+$0x12700] =	vst v31  }
0x389: {  	s21 =	simm.s32 $0xA740  }
.LBB2_13:
0x38a: {  	v37 =	vmov s21  }
0x38b: {  	s1 =	sshll.u32 s26, $0x4  }
0x38c: {  	v35 =	vld [tilespmem:s1+$0x2100]  }
0x38d: {  	v34 =	vld [tilespmem:s1+$0x2300]  }
0x38e: {  	s28 =	simm.s32 $0x0;
	v36 =	vld [tilespmem:s1+$0x2500]  }
0x38f: {  	s1 =	sshll.u32 s26, $0x8;
	v38 =	vld.idx.msk [tilespmem:v37+s28+$0x30 ss:$0x1], $0xffff  }
0x390: {  	s29 =	simm.s32 $0x200;
	v33 =	vmov s1;
	v41 =	vld.idx.msk [tilespmem:v37+s28+$0x20 ss:$0x1], $0xffff  }
.LBB2_14:
0x391: {  	p1 =	sne.s32 s29, $0xE00;
	v42 =	vld.idx.msk [tilespmem:v37+s28+$0x10 ss:$0x1], $0xffff;
	s1 =	smov.u32 s29;
	s29 =	sadd.s32 $0x200, s29  }
0x392: {  	_ =	sdelay $0x1  }
0x393: {  	v43 =	vld.idx.msk [tilespmem:v37+s28+$0xFFFFFFC0 ss:$0x1], $0xffff  }
0x394: {  	v44 =	vld.idx.msk [tilespmem:v37+s28+$0xFFFFFFE0 ss:$0x1], $0xffff  }
0x395: {  	v45 =	vsub.f32 v38, v35;
	v39 =	vsub.f32 v41, v35  }
0x396: {  	v46 =	vsub.f32 v42, v35  }
0x397: {  	v39 =	vmul.f32 v39, v36  }
0x398: {  	v45 =	vmul.f32 v45, v36;
	v46 =	vmul.f32 v46, v36;
	v40 =	vld.idx.msk [tilespmem:v37+s28+$0x0 ss:$0x1], $0xffff  }
0x399: {  	v47 =	vsub.f32 v43, v35;
	v39 =	vtrunc.f32 v39  }
0x39a: {  	v48 =	vsub.f32 v44, v35;
	v46 =	vtrunc.f32 v46;
	v39 =	vcvt.f32.s32 v39  }
0x39b: {  	v47 =	vmul.f32 v47, v36;
	v46 =	vcvt.f32.s32 v46  }
0x39c: {  	v49 =	vcvt.s32.f32 v39  }
0x39d: {  	v45 =	vtrunc.f32 v45;
	v47 =	vtrunc.f32 v47  }
0x39e: {  	v45 =	vcvt.f32.s32 v45;
	v47 =	vcvt.f32.s32 v47  }
0x39f: {  	v51 =	vcvt.s32.f32 v46;
	v50 =	vsub.f32 v40, v35;
	v49 =	vmul.f32 v49, v34  }
0x3a0: {  	v48 =	vmul.f32 v48, v36;
	v52 =	vcvt.s32.f32 v47  }
0x3a1: {  	v54 =	vcvt.s32.f32 v45;
	v51 =	vmul.f32 v51, v34;
	v49 =	vadd.f32 v49, v35;
	v53 =	vld.idx.msk [tilespmem:v37+s28+$0xFFFFFFF0 ss:$0x1], $0xffff  }
0x3a2: {  	v48 =	vtrunc.f32 v48;
	v52 =	vmul.f32 v52, v34  }
0x3a3: {  	v48 =	vcvt.f32.s32 v48;
	v51 =	vadd.f32 v51, v35;
	v55 =	vadd.f32 v49, v34  }
0x3a4: {  	vm1 =	vlt.f32 v41, v49;
	v49 =	vmul.f32 v54, v34;
	v52 =	vadd.f32 v52, v35  }
0x3a5: {  	v54 =	vcvt.s32.f32 v48;
	v56 =	vadd.f32 v51, v34;
	vm2 =	vlt.f32 v42, v51  }
0x3a6: {  	vm0 =	vge.f32 v41, v55;
	v41 =	vsel vm1, $0xFFFFFFFF, v32;
	vm3 =	vlt.f32 v43, v52  }
0x3a7: {  	vm1 =	vge.f32 v42, v56;
	v42 =	vsel vm2, $0xFFFFFFFF, v32;
	v51 =	vadd.f32 v52, v34  }
0x3a8: {  	v54 =	vmul.f32 v54, v34;
	v55 =	vsel vm3, $0xFFFFFFFF, v32;
	v56 =	vsub.f32 v53, v35;
	v52 =	vld.idx.msk [tilespmem:v37+s28+$0xFFFFFFD0 ss:$0x1], $0xffff  }
0x3a9: {  	v42 =	vsel vm1, $0x1, v42;
	vm2 =	vge.f32 v43, v51;
	v43 =	vmul.f32 v50, v36  }
0x3aa: {  	v49 =	vadd.f32 v49, v35;
	v50 =	vsel vm2, $0x1, v55;
	v51 =	vmul.f32 v56, v36  }
0x3ab: {  	v54 =	vadd.f32 v54, v35;
	v42 =	vadd.s32 v46, v42;
	v43 =	vtrunc.f32 v43  }
0x3ac: {  	v46 =	vtrunc.f32 v51;
	v43 =	vcvt.f32.s32 v43;
	v51 =	vadd.f32 v49, v34  }
0x3ad: {  	vm1 =	vlt.f32 v38, v49;
	v55 =	vadd.f32 v54, v34;
	v46 =	vcvt.f32.s32 v46  }
0x3ae: {  	v49 =	vcvt.s32.f32 v43;
	vm2 =	vge.f32 v38, v51;
	v38 =	vsel vm1, $0xFFFFFFFF, v32  }
0x3af: {  	vm3 =	vlt.f32 v44, v54;
	v51 =	vsub.f32 v52, v35;
	v54 =	vcvt.s32.f32 v46  }
0x3b0: {  	vm4 =	vge.f32 v44, v55;
	vm1 =	vgt.s32 v42, $0x0;
	v38 =	vsel vm2, $0x1, v38  }
0x3b1: {  	v38 =	vadd.s32 v45, v38;
	v44 =	vmul.f32 v51, v36;
	v51 =	vmul.f32 v54, v34  }
0x3b2: {  	s1 =	sshra.s32 s1, $0x2;
	v45 =	vadd.s32 v47, v50;
	v47 =	vsel vm3, $0xFFFFFFFF, v32;
	vm2 =	vgt.s32 v38, $0x0  }
0x3b3: {  	vm3 =	vgt.s32 v45, $0x0;
	v47 =	vsel vm4, $0x1, v47;
	v38 =	vnsel vm2, $0x0, v38  }
0x3b4: {  	v45 =	vnsel vm3, $0x0, v45;
	v50 =	vadd.f32 v51, v35;
	v38 =	vmin.u32 v38, $0xFF  }
0x3b5: {  	v47 =	vadd.s32 v48, v47;
	v48 =	vmul.f32 v49, v34;
	v44 =	vtrunc.f32 v44  }
0x3b6: {  	vm2 =	vgt.s32 v47, $0x0;
	v49 =	vadd.f32 v50, v34;
	vm3 =	vlt.f32 v53, v50  }
0x3b7: {  	v44 =	vcvt.f32.s32 v44;
	v47 =	vnsel vm2, $0x0, v47;
	v48 =	vadd.f32 v48, v35  }
0x3b8: {  	v45 =	vmin.u32 v45, $0xFF;
	vm2 =	vge.f32 v53, v49;
	v49 =	vsel vm3, $0xFFFFFFFF, v32  }
0x3b9: {  	v47 =	vmin.u32 v47, $0xFF;
	v49 =	vsel vm2, $0x1, v49;
	vm2 =	vlt.f32 v40, v48  }
0x3ba: {  	v47 =	vor.u32 v33, v47;
	v48 =	vadd.f32 v48, v34;
	v46 =	vadd.s32 v46, v49  }
0x3bb: {  	v49 =	vcvt.s32.f32 v44;
	v50 =	vsel vm2, $0xFFFFFFFF, v32;
	vm3 =	vgt.s32 v46, $0x0  }
0x3bc: {  	vm2 =	vge.f32 v40, v48;
	v40 =	vor.u32 v33, v45;
	v46 =	vnsel vm3, $0x0, v46  }
0x3bd: {  	v45 =	vmul.f32 v49, v34;
	v48 =	vsel vm2, $0x1, v50;
	v46 =	vmin.u32 v46, $0xFF  }
0x3be: {  	v38 =	vor.u32 v33, v38;
	v43 =	vadd.s32 v43, v48;
	v46 =	vor.u32 v33, v46  }
0x3bf: {  	v42 =	vnsel vm1, $0x0, v42;
	v45 =	vadd.f32 v45, v35;
	vm2 =	vgt.s32 v43, $0x0  }
0x3c0: {  	v41 =	vsel vm0, $0x1, v41;
	v42 =	vmin.u32 v42, $0xFF;
	v43 =	vnsel vm2, $0x0, v43  }
0x3c1: {  	v48 =	vadd.f32 v45, v34;
	vm0 =	vlt.f32 v52, v45;
	v43 =	vmin.u32 v43, $0xFF  }
0x3c2: {  	v42 =	vor.u32 v33, v42;
	v45 =	vsel vm0, $0xFFFFFFFF, v32;
	v43 =	vor.u32 v33, v43  }
0x3c3: {  	v39 =	vadd.s32 v39, v41;
	vm0 =	vge.f32 v52, v48  }
0x3c4: {  	v41 =	vsel vm0, $0x1, v45;
	vm0 =	vgt.s32 v39, $0x0  }
0x3c5: {  	v41 =	vadd.s32 v44, v41;
	v39 =	vnsel vm0, $0x0, v39  }
0x3c6: {  	vm0 =	vgt.s32 v41, $0x0;
	v39 =	vmin.u32 v39, $0xFF;
	v44 =	vld.idx.msk [tilespmem:v46+s2+$0x0], $0xffff  }
0x3c7: {  	v41 =	vnsel vm0, $0x0, v41;
	v39 =	vor.u32 v33, v39;
	v45 =	vld.idx.msk [tilespmem:v47+s2+$0x0], $0xffff  }
0x3c8: {  	v41 =	vmin.u32 v41, $0xFF  }
0x3c9: {  	v41 =	vor.u32 v33, v41;
	v40 =	vld.idx.msk [tilespmem:v40+s2+$0x0], $0xffff  }
0x3ca: {  	v42 =	vld.idx.msk [tilespmem:v42+s2+$0x0], $0xffff  }
0x3cb: {  	v43 =	vld.idx.msk [tilespmem:v43+s2+$0x0], $0xffff  }
0x3cc: {  	v39 =	vld.idx.msk [tilespmem:v39+s2+$0x0], $0xffff  }
0x3cd: {  	v38 =	vld.idx.msk [tilespmem:v38+s2+$0x0], $0xffff  }
0x3ce: {  	v41 =	vld.idx.msk [tilespmem:v41+s2+$0x0], $0xffff  }
0x3cf: {  	[tilespmem:s28+$0x12700] =	vst.add.f32.msk $0xffff, v40  }
0x3d0: {  	[tilespmem:s28+$0x12720] =	vst.add.f32.msk $0xffff, v45  }
0x3d1: {  	[tilespmem:s28+$0x12740] =	vst.add.f32.msk $0xffff, v43  }
0x3d2: {  	[tilespmem:s28+$0x12730] =	vst.add.f32.msk $0xffff, v44  }
0x3d3: {  	[tilespmem:s28+$0x12770] =	vst.add.f32.msk $0xffff, v38  }
.Ltmp7:
0x3d4: {  	[tilespmem:s28+$0x12710] =	vst.add.f32.msk $0xffff, v41;
	(pc) =	sbr.rel @p1 .LBB2_14-.Ltmp7, $4  }
0x3d5: {  	[tilespmem:s28+$0x12750] =	vst.add.f32.msk $0xffff, v42  }
0x3d6: {  	[tilespmem:s28+$0x12760] =	vst.add.f32.msk $0xffff, v39;
	s28 =	smov.u32 s1  }
0x3d7: {  	v38 =	vld.idx.msk [tilespmem:v37+s28+$0x30 ss:$0x1], $0xffff  }
0x3d8: {  	v41 =	vld.idx.msk [tilespmem:v37+s28+$0x20 ss:$0x1], $0xffff  }
0x3d9: {  	_ =	sdelay $0x3  }
0x3da: {  	v39 =	vld.idx.msk [tilespmem:v37+s28+$0x10 ss:$0x1], $0xffff  }
0x3db: {  	v40 =	vld.idx.msk [tilespmem:v37+s28+$0xFFFFFFC0 ss:$0x1], $0xffff  }
0x3dc: {  	v45 =	vld.idx.msk [tilespmem:v37+s28+$0xFFFFFFE0 ss:$0x1], $0xffff;
	_ =	sdelay $0x2  }
0x3dd: {  	v44 =	vsub.f32 v38, v35;
	v42 =	vsub.f32 v41, v35  }
0x3de: {  	v43 =	vsub.f32 v39, v35;
	v46 =	vsub.f32 v40, v35  }
0x3df: {  	v44 =	vmul.f32 v44, v36;
	v49 =	vsub.f32 v45, v35;
	v42 =	vmul.f32 v42, v36  }
0x3e0: {  	v43 =	vmul.f32 v43, v36;
	v46 =	vmul.f32 v46, v36  }
0x3e1: {  	v44 =	vtrunc.f32 v44;
	v49 =	vmul.f32 v49, v36  }
0x3e2: {  	v42 =	vtrunc.f32 v42;
	v44 =	vcvt.f32.s32 v44  }
0x3e3: {  	v48 =	vld.idx.msk [tilespmem:v37+s28+$0x0 ss:$0x1], $0xffff;
	v42 =	vcvt.f32.s32 v42;
	v43 =	vtrunc.f32 v43  }
0x3e4: {  	v54 =	vld.idx.msk [tilespmem:v37+s28+$0xFFFFFFF0 ss:$0x1], $0xffff;
	v46 =	vtrunc.f32 v46;
	v43 =	vcvt.f32.s32 v43  }
0x3e5: {  	v46 =	vcvt.f32.s32 v46;
	v47 =	vcvt.s32.f32 v42  }
0x3e6: {  	v49 =	vtrunc.f32 v49;
	v50 =	vcvt.s32.f32 v43  }
0x3e7: {  	v51 =	vcvt.s32.f32 v46;
	v47 =	vmul.f32 v47, v34  }
0x3e8: {  	v53 =	vsub.f32 v48, v35;
	v49 =	vcvt.f32.s32 v49;
	v50 =	vmul.f32 v50, v34  }
0x3e9: {  	v62 =	vsub.f32 v54, v35;
	v51 =	vmul.f32 v51, v34;
	v47 =	vadd.f32 v47, v35  }
0x3ea: {  	v52 =	vcvt.s32.f32 v44;
	v63 =	vcvt.s32.f32 v49;
	v50 =	vadd.f32 v50, v35  }
0x3eb: {  	v51 =	vadd.f32 v51, v35;
	v55 =	vadd.f32 v47, v34  }
0x3ec: {  	vm1 =	vlt.f32 v41, v47;
	v47 =	vmul.f32 v52, v34;
	v52 =	vmul.f32 v63, v34  }
0x3ed: {  	v37 =	vld.idx.msk [tilespmem:v37+s28+$0xFFFFFFD0 ss:$0x1], $0xffff;
	v63 =	vmul.f32 v53, v36;
	v56 =	vadd.f32 v50, v34;
	vm2 =	vlt.f32 v39, v50  }
0x3ee: {  	vm3 =	vlt.f32 v40, v51;
	v59 =	vadd.f32 v51, v34;
	vm0 =	vge.f32 v41, v55  }
0x3ef: {  	v41 =	vsel vm1, $0xFFFFFFFF, v32;
	v60 =	vsel vm2, $0xFFFFFFFF, v32;
	v61 =	vsel vm3, $0xFFFFFFFF, v32  }
0x3f0: {  	v47 =	vadd.f32 v47, v35;
	v52 =	vadd.f32 v52, v35;
	vm6 =	vge.f32 v39, v56  }
0x3f1: {  	vm7 =	vge.f32 v40, v59;
	v56 =	vmul.f32 v62, v36;
	v40 =	vtrunc.f32 v63  }
0x3f2: {  	v62 =	vsub.f32 v37, v35;
	v41 =	vsel vm0, $0x1, v41;
	v39 =	vsel vm6, $0x1, v60  }
0x3f3: {  	v50 =	vsel vm7, $0x1, v61;
	v40 =	vcvt.f32.s32 v40;
	v58 =	vadd.f32 v47, v34  }
0x3f4: {  	v59 =	vadd.f32 v52, v34;
	vm8 =	vlt.f32 v38, v47;
	vm10 =	vlt.f32 v45, v52  }
0x3f5: {  	v39 =	vadd.s32 v43, v39;
	v57 =	vtrunc.f32 v56;
	v55 =	vmul.f32 v62, v36  }
0x3f6: {  	v61 =	vsel vm8, $0xFFFFFFFF, v32;
	v43 =	vcvt.f32.s32 v57;
	v60 =	vcvt.s32.f32 v40  }
0x3f7: {  	vm9 =	vge.f32 v38, v58;
	vm4 =	vge.f32 v45, v59;
	vm1 =	vgt.s32 v39, $0x0  }
0x3f8: {  	v57 =	vadd.s32 v46, v50;
	v58 =	vsel vm10, $0xFFFFFFFF, v32;
	v38 =	vsel vm9, $0x1, v61  }
0x3f9: {  	vm12 =	vgt.s32 v57, $0x0;
	v46 =	vsel vm4, $0x1, v58;
	v36 =	vtrunc.f32 v55  }
0x3fa: {  	v39 =	vnsel vm1, $0x0, v39;
	v55 =	vadd.s32 v42, v41;
	v63 =	vcvt.s32.f32 v43  }
0x3fb: {  	v38 =	vadd.s32 v44, v38;
	v44 =	vnsel vm12, $0x0, v57;
	v46 =	vadd.s32 v49, v46  }
0x3fc: {  	v47 =	vmul.f32 v60, v34;
	v36 =	vcvt.f32.s32 v36;
	v39 =	vmin.u32 v39, $0xFF  }
0x3fd: {  	vm11 =	vgt.s32 v38, $0x0;
	vm13 =	vgt.s32 v46, $0x0;
	v44 =	vmin.u32 v44, $0xFF  }
0x3fe: {  	v39 =	vor.u32 v33, v39;
	v56 =	vmul.f32 v63, v34;
	v38 =	vnsel vm11, $0x0, v38  }
0x3ff: {  	v60 =	vadd.f32 v47, v35;
	v46 =	vnsel vm13, $0x0, v46;
	v63 =	vcvt.s32.f32 v36  }
0x400: {  	v44 =	vor.u32 v33, v44;
	v46 =	vmin.u32 v46, $0xFF;
	v45 =	vadd.f32 v56, v35  }
0x401: {  	v58 =	vmin.u32 v38, $0xFF;
	v62 =	vadd.f32 v60, v34;
	vm8 =	vlt.f32 v48, v60  }
0x402: {  	v52 =	vmul.f32 v63, v34;
	v46 =	vor.u32 v33, v46;
	v59 =	vadd.f32 v45, v34  }
0x403: {  	vm14 =	vlt.f32 v54, v45;
	v45 =	vsel vm8, $0xFFFFFFFF, v32;
	vm10 =	vge.f32 v48, v62  }
0x404: {  	v53 =	vadd.f32 v52, v35;
	v61 =	vsel vm14, $0xFFFFFFFF, v32;
	v45 =	vsel vm10, $0x1, v45  }
0x405: {  	vm14 =	vgt.s32 v55, $0x0;
	vm15 =	vge.f32 v54, v59;
	v40 =	vadd.s32 v40, v45  }
0x406: {  	v54 =	vadd.f32 v53, v34;
	vm12 =	vlt.f32 v37, v53;
	v34 =	vnsel vm14, $0x0, v55  }
0x407: {  	v47 =	vsel vm15, $0x1, v61;
	vm11 =	vgt.s32 v40, $0x0;
	v35 =	vsel vm12, $0xFFFFFFFF, v32  }
0x408: {  	v34 =	vmin.u32 v34, $0xFF;
	v43 =	vadd.s32 v43, v47;
	vm13 =	vge.f32 v37, v54  }
0x409: {  	v40 =	vnsel vm11, $0x0, v40;
	v34 =	vor.u32 v33, v34;
	v35 =	vsel vm13, $0x1, v35  }
0x40a: {  	v37 =	vor.u32 v33, v58;
	vm9 =	vgt.s32 v43, $0x0;
	v35 =	vadd.s32 v36, v35  }
0x40b: {  	v56 =	vmin.u32 v40, $0xFF;
	v43 =	vnsel vm9, $0x0, v43;
	vm15 =	vgt.s32 v35, $0x0  }
0x40c: {  	v63 =	vld.idx.msk [tilespmem:v39+s2+$0x0], $0xffff;
	v57 =	vor.u32 v33, v56;
	v43 =	vmin.u32 v43, $0xFF;
	v35 =	vnsel vm15, $0x0, v35  }
0x40d: {  	v60 =	vld.idx.msk [tilespmem:v46+s2+$0x0], $0xffff;
	v43 =	vor.u32 v33, v43;
	v35 =	vmin.u32 v35, $0xFF  }
0x40e: {  	v61 =	vld.idx.msk [tilespmem:v44+s2+$0x0], $0xffff;
	v62 =	vor.u32 v33, v35  }
0x40f: {  	v34 =	vld.idx.msk [tilespmem:v34+s2+$0x0], $0xffff  }
0x410: {  	v37 =	vld.idx.msk [tilespmem:v37+s2+$0x0], $0xffff  }
0x411: {  	v36 =	vld.idx.msk [tilespmem:v57+s2+$0x0], $0xffff  }
0x412: {  	v59 =	vld.idx.msk [tilespmem:v43+s2+$0x0], $0xffff  }
0x413: {  	v33 =	vld.idx.msk [tilespmem:v62+s2+$0x0], $0xffff  }
0x414: {  	[tilespmem:s28+$0x12700] =	vst.add.f32.msk $0xffff, v61  }
0x415: {  	s26 =	sadd.s32 $0x1, s26;
	[tilespmem:s28+$0x12720] =	vst.add.f32.msk $0xffff, v60  }
0x416: {  	p1 =	sne.s32 s26, $0x20;
	[tilespmem:s28+$0x12770] =	vst.add.f32.msk $0xffff, v37  }
.Ltmp8:
0x417: {  	[tilespmem:s28+$0x12750] =	vst.add.f32.msk $0xffff, v63;
	(pc) =	sbr.rel @p1 .LBB2_13-.Ltmp8, $4  }
0x418: {  	[tilespmem:s28+$0x12760] =	vst.add.f32.msk $0xffff, v34  }
0x419: {  	[tilespmem:s28+$0x12740] =	vst.add.f32.msk $0xffff, v36  }
0x41a: {  	[tilespmem:s28+$0x12730] =	vst.add.f32.msk $0xffff, v59  }
0x41b: {  	s21 =	sadd.s32 $0x400, s21;
	[tilespmem:s28+$0x12710] =	vst.add.f32.msk $0xffff, v33  }
0x41c: {  	s1 =	sadd.s32 s5, s16  }
.Ltmp9:
0x41d: {  	s1 =	sadd.s32 $0x80, s1;
	(pc) =	sbr.rel @p0 .LBB2_18-.Ltmp9, $4  }
0x41e: {  	[hbm4b:s1+s2] =	stream.linear.scatter [tilespmem:s31], [sflag:$0x3], $0x400, $0x38;
	[tilespmem:$0x12B00] =	vst v63  }
0x41f: {  	_ =	swait.ge [sflag:s25], $0x400  }
0x420: {  	[sflag:s25] =	ssyncset.done $0x0  }
0x421: {  	s29 =	smov.u32 s16;
	[sflag:s25] =	ssyncadd.s32 $0xFFFFFC00  }
0x422: {  	s1 =	sld [smem:$0x7FD];
	_ =	sdelay $0x2  }
0x423: {  	s1 =	sadd.s32 s3, s1  }
0x424: {  	s1 =	sshrl.u32 s1, $0x3  }
0x425: {  	s5 =	simm.s32 $0xA700;
	s3 =	sadd.s32 s4, s1  }
0x426: {  	[tilespmem:s5], [sflag:$0x2] =	stream.linear.gather [hbm4b:s3+s2], $0x400, $0x38;
	[tilespmem:$0x12B00] =	vst v63  }
0x427: {  	s16 =	simm.s32 $0xAB00;
	s28 =	sadd.s32 $0x10000, s3  }
0x428: {  	[tilespmem:s16], [sflag:$0x2] =	stream.linear.gather [hbm4b:s28+s2], $0x400, $0x38;
	[tilespmem:$0x12B00] =	vst v63  }
0x429: {  	s21 =	simm.s32 $0xAF00;
	s16 =	sadd.s32 s1, s8  }
0x42a: {  	[tilespmem:s21], [sflag:$0x2] =	stream.linear.gather [hbm4b:s16+s2], $0x400, $0x38;
	[tilespmem:$0x12B00] =	vst v63  }
0x42b: {  	s26 =	sadd.s32 $0x30000, s3;
	s28 =	simm.s32 $0xB300  }
0x42c: {  	[tilespmem:s28], [sflag:$0x2] =	stream.linear.gather [hbm4b:s26+s2], $0x400, $0x38;
	[tilespmem:$0x12B00] =	vst v63  }
0x42d: {  	s16 =	sadd.s32 s1, s9;
	s21 =	simm.s32 $0xB700  }
0x42e: {  	[tilespmem:s21], [sflag:$0x2] =	stream.linear.gather [hbm4b:s16+s2], $0x400, $0x38;
	[tilespmem:$0x12B00] =	vst v63  }
0x42f: {  	s26 =	sadd.s32 $0x50000, s3;
	s28 =	simm.s32 $0xBB00  }
0x430: {  	[tilespmem:s28], [sflag:$0x2] =	stream.linear.gather [hbm4b:s26+s2], $0x400, $0x38;
	[tilespmem:$0x12B00] =	vst v63  }
0x431: {  	s16 =	sadd.s32 s1, s10;
	s21 =	simm.s32 $0xBF00  }
0x432: {  	[tilespmem:s21], [sflag:$0x2] =	stream.linear.gather [hbm4b:s16+s2], $0x400, $0x38;
	[tilespmem:$0x12B00] =	vst v63  }
0x433: {  	s26 =	sadd.s32 $0x70000, s3;
	s28 =	simm.s32 $0xC300  }
0x434: {  	[tilespmem:s28], [sflag:$0x2] =	stream.linear.gather [hbm4b:s26+s2], $0x400, $0x38;
	[tilespmem:$0x12B00] =	vst v63  }
0x435: {  	s16 =	sadd.s32 s1, s11;
	s21 =	simm.s32 $0xC700  }
0x436: {  	[tilespmem:s21], [sflag:$0x2] =	stream.linear.gather [hbm4b:s16+s2], $0x400, $0x38;
	[tilespmem:$0x12B00] =	vst v63  }
0x437: {  	s26 =	sadd.s32 $0x90000, s3;
	s28 =	simm.s32 $0xCB00  }
0x438: {  	[tilespmem:s28], [sflag:$0x2] =	stream.linear.gather [hbm4b:s26+s2], $0x400, $0x38;
	[tilespmem:$0x12B00] =	vst v63  }
0x439: {  	s16 =	sadd.s32 s1, s12;
	s21 =	simm.s32 $0xCF00  }
0x43a: {  	[tilespmem:s21], [sflag:$0x2] =	stream.linear.gather [hbm4b:s16+s2], $0x400, $0x38;
	[tilespmem:$0x12B00] =	vst v63  }
0x43b: {  	s26 =	sadd.s32 $0xB0000, s3;
	s28 =	simm.s32 $0xD300  }
0x43c: {  	[tilespmem:s28], [sflag:$0x2] =	stream.linear.gather [hbm4b:s26+s2], $0x400, $0x38;
	[tilespmem:$0x12B00] =	vst v63  }
0x43d: {  	s16 =	sadd.s32 s1, s13;
	s21 =	simm.s32 $0xD700  }
0x43e: {  	[tilespmem:s21], [sflag:$0x2] =	stream.linear.gather [hbm4b:s16+s2], $0x400, $0x38;
	[tilespmem:$0x12B00] =	vst v63  }
0x43f: {  	s26 =	sadd.s32 $0xD0000, s3;
	s28 =	simm.s32 $0xDB00  }
0x440: {  	[tilespmem:s28], [sflag:$0x2] =	stream.linear.gather [hbm4b:s26+s2], $0x400, $0x38;
	[tilespmem:$0x12B00] =	vst v63  }
0x441: {  	s16 =	sadd.s32 s1, s14;
	s21 =	simm.s32 $0xDF00  }
0x442: {  	[tilespmem:s21], [sflag:$0x2] =	stream.linear.gather [hbm4b:s16+s2], $0x400, $0x38;
	[tilespmem:$0x12B00] =	vst v63  }
0x443: {  	s26 =	sadd.s32 $0xF0000, s3;
	s28 =	simm.s32 $0xE300  }
0x444: {  	[tilespmem:s28], [sflag:$0x2] =	stream.linear.gather [hbm4b:s26+s2], $0x400, $0x38;
	[tilespmem:$0x12B00] =	vst v63  }
0x445: {  	s16 =	sadd.s32 s1, s15;
	s21 =	simm.s32 $0xE700  }
0x446: {  	[tilespmem:s21], [sflag:$0x2] =	stream.linear.gather [hbm4b:s16+s2], $0x400, $0x38;
	[tilespmem:$0x12B00] =	vst v63  }
0x447: {  	s26 =	sadd.s32 $0x110000, s3;
	s28 =	simm.s32 $0xEB00  }
0x448: {  	[tilespmem:s28], [sflag:$0x2] =	stream.linear.gather [hbm4b:s26+s2], $0x400, $0x38;
	[tilespmem:$0x12B00] =	vst v63  }
0x449: {  	s16 =	sadd.s32 s1, s17;
	s21 =	simm.s32 $0xEF00  }
0x44a: {  	[tilespmem:s21], [sflag:$0x2] =	stream.linear.gather [hbm4b:s16+s2], $0x400, $0x38;
	[tilespmem:$0x12B00] =	vst v63  }
0x44b: {  	s26 =	sadd.s32 $0x130000, s3;
	s28 =	simm.s32 $0xF300  }
0x44c: {  	[tilespmem:s28], [sflag:$0x2] =	stream.linear.gather [hbm4b:s26+s2], $0x400, $0x38;
	[tilespmem:$0x12B00] =	vst v63  }
0x44d: {  	s16 =	sadd.s32 s1, s18;
	s21 =	simm.s32 $0xF700  }
0x44e: {  	[tilespmem:s21], [sflag:$0x2] =	stream.linear.gather [hbm4b:s16+s2], $0x400, $0x38;
	[tilespmem:$0x12B00] =	vst v63  }
0x44f: {  	s26 =	sadd.s32 $0x150000, s3;
	s28 =	simm.s32 $0xFB00  }
0x450: {  	[tilespmem:s28], [sflag:$0x2] =	stream.linear.gather [hbm4b:s26+s2], $0x400, $0x38;
	[tilespmem:$0x12B00] =	vst v63  }
0x451: {  	s16 =	sadd.s32 s1, s19;
	s21 =	simm.s32 $0xFF00  }
0x452: {  	[tilespmem:s21], [sflag:$0x2] =	stream.linear.gather [hbm4b:s16+s2], $0x400, $0x38;
	[tilespmem:$0x12B00] =	vst v63  }
0x453: {  	s26 =	sadd.s32 $0x170000, s3;
	s28 =	simm.s32 $0x10300  }
0x454: {  	[tilespmem:s28], [sflag:$0x2] =	stream.linear.gather [hbm4b:s26+s2], $0x400, $0x38;
	[tilespmem:$0x12B00] =	vst v63  }
0x455: {  	s16 =	sadd.s32 s1, s20;
	s21 =	simm.s32 $0x10700  }
0x456: {  	[tilespmem:s21], [sflag:$0x2] =	stream.linear.gather [hbm4b:s16+s2], $0x400, $0x38;
	[tilespmem:$0x12B00] =	vst v63  }
0x457: {  	s26 =	sadd.s32 $0x190000, s3;
	s28 =	simm.s32 $0x10B00  }
0x458: {  	[tilespmem:s28], [sflag:$0x2] =	stream.linear.gather [hbm4b:s26+s2], $0x400, $0x38;
	[tilespmem:$0x12B00] =	vst v63  }
0x459: {  	s16 =	sadd.s32 s1, s22;
	s21 =	simm.s32 $0x10F00  }
0x45a: {  	[tilespmem:s21], [sflag:$0x2] =	stream.linear.gather [hbm4b:s16+s2], $0x400, $0x38;
	[tilespmem:$0x12B00] =	vst v63  }
0x45b: {  	s26 =	sadd.s32 $0x1B0000, s3;
	s28 =	simm.s32 $0x11300  }
0x45c: {  	[tilespmem:s28], [sflag:$0x2] =	stream.linear.gather [hbm4b:s26+s2], $0x400, $0x38;
	[tilespmem:$0x12B00] =	vst v63  }
0x45d: {  	s16 =	sadd.s32 s1, s23;
	s21 =	simm.s32 $0x11700  }
0x45e: {  	[tilespmem:s21], [sflag:$0x2] =	stream.linear.gather [hbm4b:s16+s2], $0x400, $0x38;
	[tilespmem:$0x12B00] =	vst v63  }
0x45f: {  	s26 =	sadd.s32 $0x1D0000, s3;
	s28 =	simm.s32 $0x11B00  }
0x460: {  	[tilespmem:s28], [sflag:$0x2] =	stream.linear.gather [hbm4b:s26+s2], $0x400, $0x38;
	[tilespmem:$0x12B00] =	vst v63  }
.Ltmp10:
0x461: {  	_ = 	snop;
	(pc) =	sbr.rel .LBB2_2-.Ltmp10, $4  }
0x462: {  	s1 =	sadd.s32 s1, s24;
	s21 =	simm.s32 $0x11F00  }
0x463: {  	[tilespmem:s21], [sflag:$0x2] =	stream.linear.gather [hbm4b:s1+s2], $0x400, $0x38;
	[tilespmem:$0x12B00] =	vst v63  }
0x464: {  	s6 =	sadd.s32 $0x1, s6;
	s26 =	sadd.s32 $0x1F0000, s3;
	s28 =	simm.s32 $0x12300  }
0x465: {  	[tilespmem:s28], [sflag:$0x2] =	stream.linear.gather [hbm4b:s26+s2], $0x400, $0x38;
	[tilespmem:$0x12B00] =	vst v63  }
.LBB2_19:
0x466: {  	_ =	sfence.sel $0x180000  }
0x467: {  	[bflag:$0x0] =	sbarrier.arrive $0xFFFF  }
0x468: {  	_ =	strace $0x9000004A  }
0x469: {  	s0 =	stileid.u32;
	[bflag:$0x2] =	sbarrier.arrive $0xFFFF  }
0x46a: {  	p0 =	sne.s32 s0, $0x0;
	s0 =	rddreg [dreg:$0x2]  }
0x46b: {  	s0 =	sadd.s32 @!p0 $0x100000, s0  }
0x46c: {  	[sflag:s0] =	ssyncadd.tile.s32 @!p0 $0x1;
	_ =	shalt  }
.Lfunc_end2:
_tile_overlayer_lowered:
.L_overlay_start_2:
0x46d: {  	(tag) =	ssettag $0x2  }
0x46e: {  	s0 =	rddreg [dreg:$0x0];
	s2 =	stileid.u32  }
0x46f: {  	s1 =	rddreg [dreg:$0x1];
	p0 =	sne.s32 s2, $0x0  }
0x470: {  	s3 =	rddreg [dreg:$0x2];
	[bflag:$0x3] =	sbarrier.arrive $0xFFFF;
	s2 =	simm.s32 @!p0 $0x1C03  }
0x471: {  	[timem:s3], [sflag:s2] =	dma.local @!p0 [hbm:s0], s1  }
0x472: {  	s0 =	simm.s32 @!p0 $0x3  }
0x473: {  	_ =	swait.ge @!p0 [sflag:s0], s1  }
0x474: {  	s1 =	ssub.s32 @!p0 $0x0, s1;
	[sflag:s0] =	ssyncset.done @!p0 $0x0  }
0x475: {  	[sflag:s0] =	ssyncadd.s32 @!p0 s1  }
0x476: {  	[bflag:$0x3] =	sbarrier.arrive $0xFFFF  }
0x477: {  	_ =	shalt  }

// kernel: sparse-core-data-format-call.cloned.1.call-start
scs
called_computation_lowered:
.L_overlay_start_0:
0x0: {  	s2 =	sld [smem:$0x3FD9]  }
0x1: {  	s3 =	sld [smem:$0x3FFE];
	_ =	sdelay $0x1  }
0x2: {  	s1 =	srdreg.scid  }
0x3: {  	s0 =	sand.u32 $0x1, s1  }
0x4: {  	s18 =	sshll.u32 s0, $0xA;
	s2 =	sadd.s32 s3, s2  }
0x5: {  	s2 =	sadd.s32 s2, s18  }
0x6: {  	[smem:$0x3FC5] =	sst s2  }
0x7: {  	_ = 	snop  }
0x8: {  	s2 =	sld [smem:$0x3FC9];
	(tm) =	ssettm $0x1  }
0x9: {  	s19 =	sld [smem:$0x3FFB];
	_ =	sdelay $0x3  }
0xa: {  	_ =	strace s19  }
0xb: {  	s3 =	sld [smem:$0x3FFC];
	_ =	sdelay $0x3  }
0xc: {  	_ =	strace s3  }
0xd: {  	s3 =	sld [smem:$0x3FFD];
	_ =	sdelay $0x3  }
0xe: {  	_ =	strace s3  }
0xf: {  	_ =	strace $0x8FFFFFFF  }
0x10: {  	s20 =	sld [smem:$0x3FDB];
	_ =	sdelay $0x1  }
0x11: {  	s4 =	simm.s32 $_scs_section_size  }
0x12: {  	s5 =	simm.s32 $_size__tile_overlayer_lowered;
	s6 =	simm.s32 $_tile_overlayer_lowered  }
0x13: {  	s23 =	simm.s32 $0x1BFF;
	s22 =	sshll.u32 s6, $0x1;
	s3 =	sadd.s32 s4, s20  }
0x14: {  	s7 =	simm.s32 $0x0;
	s21 =	sshll.u32 s5, $0x1;
	s5 =	sadd.s32 s22, s3  }
0x15: {  	[timem:s7], [sflag:s23] =	dma.local [hbm:s5], s21  }
0x16: {  	_ =	swait.ge [sflag:s23], s21  }
0x17: {  	s4 =	ssub.s32 $0x0, s21;
	[sflag:s23] =	ssyncset.done $0x0  }
0x18: {  	[sflag:s23] =	ssyncadd.s32 s4;
	_ =	sdelay $0x1  }
0x19: {  	s24 =	simm.s32 $0x1B8B  }
0x1a: {  	_ =	swait.ge [sflag:s24], $0x1  }
0x1b: {  	[sflag:s24] =	ssyncset.done $0x0  }
0x1c: {  	s26 =	simm.s32 $0x1B8E;
	s25 =	sld [smem:$0x3FFE];
	[sflag:s24] =	ssyncadd.s32 $0xFFFFFFFF  }
0x1d: {  	s27 =	simm.s32 $execute0_lowered;
	[smem:$0x3FD2] =	sst s26  }
0x1e: {  	s5 =	sshll.u32 s27, $0x1;
	_ =	strace $0x80000046;
	[dreg:$0x1] =	wrdreg $0xFFFFFFFF  }
0x1f: {  	s28 =	simm.s32 $_size_execute0_lowered;
	s3 =	sadd.s32 s3, s5;
	[dreg:$0x0] =	wrdreg $0x0  }
0x20: {  	s5 =	sshll.u32 s28, $0x1;
	[dreg:$0x2] =	wrdreg s3  }
0x21: {  	[dreg:$0x3] =	wrdreg s5  }
0x22: {  	[dreg:$0x4] =	wrdreg $0xC0  }
0x23: {  	_ =	task [dreg:s7], $0x5FFFF  }
0x24: {  	[dreg:$0x1] =	wrdreg $0xFFFFFFFF  }
0x25: {  	[dreg:$0x0] =	wrdreg $0x60  }
0x26: {  	[dreg:$0x2] =	wrdreg s2  }
0x27: {  	[dreg:$0x3] =	wrdreg s25  }
0x28: {  	[dreg:$0x4] =	wrdreg $0x9  }
0x29: {  	_ =	task.clear_ibuf [dreg:s7], $0x5FFFF;
	_ =	strace $0x90000046  }
0x2a: {  	s29 =	simm.s32 $0x9;
	_ =	strace $0x80000048  }
0x2b: {  	_ =	swait.ge [sflag:s29], $0x1  }
0x2c: {  	[sflag:s29] =	ssyncadd.s32 $0xFFFFFFFF  }
0x2d: {  	_ =	strace $0x90000048  }
0x2e: {  	_ =	sfence  }
0x2f: {  	s30 =	sld [smem:$0x0];
	_ =	sdelay $0x2  }
0x30: {  	s31 =	sshll.u32 s1, $0xD;
	s1 =	sshrl.u32 s1, $0x2  }
0x31: {  	s3 =	sand.u32 $0x4000, s31;
	s1 =	sadd.s32 s1, s30  }
0x32: {  	s0 =	sor.u32 s3, s0;
	s1 =	sshll.u32 s1, $0x11  }
0x33: {  	s0 =	sor.u32 s1, s0  }
0x34: {  	s0 =	sadd.s32 $0x8F2B, s0  }
0x35: {  	[sflag:s0] =	ssyncadd.remote.s32 $0x1  }
0x36: {  	_ =	sfence.sel $0xFFFF  }
0x37: {  	[dreg:$0x0] =	wrdreg $0xFFFFFFFF;
	(pc) =	sbr.abs _section_cstart, $3  }
0x38: {  	[dreg:$0x1] =	wrdreg $0xFFFFFFFF  }
0x39: {  	_ =	task.clear_ibuf [dreg:s7], $0x2FFFF;
	_ =	strace $0x9FFFFFFF  }
0x3a: {  	(tm) =	ssettm $0x7FFFFFFF  }
0x3b: {  	_ =	shalt  }
tec
execute0_lowered:
.L_overlay_start_1:
0x0: {  	(tag) =	ssettag $0x1  }
0x1: {  	s0 =	stileid.u32  }
0x2: {  	s1 =	srdreg.scid;
	s2 =	rddreg [dreg:$0x0]  }
0x3: {  	s4 =	rddreg [dreg:$0x1];
	s7 =	simm.s32 $0x1;
	s8 =	simm.s32 $0x2  }
0x4: {  	s15 =	simm.s32 $0x0;
	s3 =	sshll.u32 s0, $0x2;
	s1 =	sshll.u32 s1, $0x6  }
0x5: {  	s9 =	simm.s32 $0x800;
	s10 =	simm.s32 $0x80000;
	s1 =	sor.u32 s3, s1  }
0x6: {  	s11 =	simm.s32 $0x0;
	s16 =	simm.s32 $0x0;
	s3 =	sand.u32 $0x70, s1  }
0x7: {  	s14 =	simm.s32 $0x0;
	s4 =	sadd.s32 $0x600, s4;
	s6 =	ssub.s32 $0x1000, s3  }
.Ltmp0:
0x8: {  	s1 =	rddreg [dreg:$0x2];
	s5 =	sand.u32 $0x70, s6;
	(pc) =	sbr.rel .LBB1_1-.Ltmp0, $4  }
0x9: {  	_ =	strace $0x80000047;
	s12 =	smov.u32 s3;
	p0 =	sne.s32 s5, $0x0  }
0xa: {  	s6 =	sshrl.u32 s6, $0x7;
	s5 =	simm.s32 $0x1;
	s7 =	simm.s32 @!p0 $0x0  }
0xb: {  	[sflag:s5] =	ssyncpa.u1 $0x0;
	s6 =	sadd.s32 s7, s6;
	s7 =	sand.u32 $0x3, s0  }
0xc: {  	[sflag:s8] =	ssyncpa.u1 $0x0;
	s8 =	sadd.s32 $0x1, s6;
	s13 =	smov.u32 s7  }
.LBB1_7:
0xd: {  	s17 =	sadd.s32 $0x80, s12  }
0xe: {  	s15 =	sadd.s32 $0x4, s13;
	s19 =	smov.u32 s13;
	p1 =	sgt.s32 s17, $0xFFF  }
0xf: {  	s19 =	smov.u32 @p1 s15  }
0x10: {  	s17 =	smov.u32 @p1 s3;
	p1 =	sgt.s32 s19, $0x3  }
0x11: {  	s19 =	smov.u32 @p1 s7;
	p1 =	sne.s32 s14, s8  }
.Ltmp1:
0x12: {  	p0 =	slt.u32 s14, $0x2;
	(pc) =	sbr.rel @!p1 .LBB1_8-.Ltmp1, $4  }
0x13: {  	s18 =	simm.s32 @!p0 $0x2  }
0x14: {  	s16 =	smov.u32 s13;
	s11 =	sadd.s32 $0x4000, s11;
	_ =	swait.ge @!p0 [sflag:s18], $0x4000  }
0x15: {  	s15 =	smov.u32 s12;
	[sflag:s18] =	ssyncset.done @!p0 $0x0;
	s12 =	smov.u32 s17  }
0x16: {  	s14 =	sadd.s32 $0x1, s14;
	[sflag:s18] =	ssyncadd.s32 @!p0 $0xFFFFC000;
	s13 =	smov.u32 s19  }
.LBB1_1:
0x17: {  	p0 =	sge.u32 s14, s6  }
0x18: {  	s31 =	sadd.s32 $0xFFFFFFFF, s14;
	s17 =	sxor.u32 @!p0 $0xFFFFFFFF, s14;
	s18 =	sshll.u32 @!p0 s13, $0x13  }
0x19: {  	s19 =	sshll.u32 @!p0 s12, $0x7;
	s17 =	sshll.u32 @!p0 s17, $0xE;
	s18 =	sadd.s32 @!p0 s2, s18  }
0x1a: {  	s17 =	sand.u32 @!p0 $0x4000, s17;
	s18 =	sadd.s32 @!p0 s19, s18;
	s19 =	simm.s32 @!p0 $0x0  }
0x1b: {  	[tilespmem:s17], [sflag:$0x1] =	stream.linear.gather @!p0 [hbm4b:s18+s19], $0x4000, $0x38;
	[tilespmem:$0x10000] =	vst v63  }
0x1c: {  	p0 =	sge.u32 s31, s6  }
.Ltmp2:
0x1d: {  	_ = 	snop;
	(pc) =	sbr.rel @p0 .LBB1_7-.Ltmp2, $1  }
0x1e: {  	_ =	sdelay $0x3  }
0x1f: {  	s18 =	sand.u32 $0x4000, s11  }
0x20: {  	_ =	swait.ge [sflag:s5], $0x4000;
	s20 =	sshll.u32 s14, $0xE;
	s17 =	sor.u32 $0x8040, s18  }
0x21: {  	s19 =	sor.u32 $0x40, s18;
	[sflag:s5] =	ssyncset.done $0x0;
	s31 =	sand.u32 $0x4000, s20  }
0x22: {  	s20 =	simm.s32 $0x0;
	[sflag:s5] =	ssyncadd.s32 $0xFFFFC000;
	s18 =	sor.u32 $0x8000, s31  }
.LBB1_3:
0x23: {  	v0 =	vmov s19;
	_ =	sdelay $0x3  }
0x24: {  	s22 =	simm.s32 $0x0  }
0x25: {  	v6 =	vld.idx.msk [tilespmem:v0+s22+$0x30 ss:$0x1], $0xffff  }
0x26: {  	v7 =	vld.idx.msk [tilespmem:v0+s22+$0xFFFFFFC0 ss:$0x1], $0xffff  }
0x27: {  	v5 =	vld.idx.msk [tilespmem:v0+s22+$0xFFFFFFD0 ss:$0x1], $0xffff  }
0x28: {  	v4 =	vld.idx.msk [tilespmem:v0+s22+$0xFFFFFFE0 ss:$0x1], $0xffff  }
0x29: {  	v3 =	vld.idx.msk [tilespmem:v0+s22+$0xFFFFFFF0 ss:$0x1], $0xffff  }
0x2a: {  	v1 =	vld.idx.msk [tilespmem:v0+s22+$0x0 ss:$0x1], $0xffff  }
0x2b: {  	v2 =	vld.idx.msk [tilespmem:v0+s22+$0x10 ss:$0x1], $0xffff;
	[tilespmem:s17+$0x30] =	vst v6  }
0x2c: {  	s21 =	simm.s32 $0x80;
	s23 =	simm.s32 $0x400;
	[tilespmem:s17+$0xFFFFFFC0] =	vst v7;
	v6 =	vld.idx.msk [tilespmem:v0+s22+$0x20 ss:$0x1], $0xffff;
	s22 =	smov.u32 s17  }
.LBB1_4:
0x2d: {  	p0 =	sne.s32 s23, $0xE00;
	v7 =	vld.idx.msk [tilespmem:v0+s21+$0x30 ss:$0x1], $0xffff;
	[tilespmem:s22+$0xFFFFFFD0] =	vst v5  }
0x2e: {  	v8 =	vld.idx.msk [tilespmem:v0+s21+$0xFFFFFFC0 ss:$0x1], $0xffff;
	[tilespmem:s22+$0xFFFFFFE0] =	vst v4  }
0x2f: {  	v5 =	vld.idx.msk [tilespmem:v0+s21+$0xFFFFFFD0 ss:$0x1], $0xffff;
	[tilespmem:s22+$0xFFFFFFF0] =	vst v3  }
.Ltmp3:
0x30: {  	v4 =	vld.idx.msk [tilespmem:v0+s21+$0xFFFFFFE0 ss:$0x1], $0xffff;
	[tilespmem:s22+$0x0] =	vst v1;
	(pc) =	sbr.rel @p0 .LBB1_4-.Ltmp3, $4  }
0x31: {  	v3 =	vld.idx.msk [tilespmem:v0+s21+$0xFFFFFFF0 ss:$0x1], $0xffff;
	[tilespmem:s22+$0x10] =	vst v2  }
0x32: {  	v1 =	vld.idx.msk [tilespmem:v0+s21+$0x0 ss:$0x1], $0xffff;
	[tilespmem:s22+$0x20] =	vst v6;
	s22 =	sadd.s32 $0x800, s22  }
0x33: {  	v2 =	vld.idx.msk [tilespmem:v0+s21+$0x10 ss:$0x1], $0xffff;
	[tilespmem:s22+$0x30] =	vst v7  }
0x34: {  	[tilespmem:s22+$0xFFFFFFC0] =	vst v8;
	v6 =	vld.idx.msk [tilespmem:v0+s21+$0x20 ss:$0x1], $0xffff;
	s21 =	sshra.s32 s23, $0x2;
	s23 =	sadd.s32 $0x200, s23  }
0x35: {  	_ =	sdelay $0x2  }
0x36: {  	[tilespmem:s22+$0xFFFFFFD0] =	vst v5  }
0x37: {  	v56 =	vld.idx.msk [tilespmem:v0+s21+$0x30 ss:$0x1], $0xffff;
	[tilespmem:s22+$0xFFFFFFE0] =	vst v4  }
0x38: {  	v57 =	vld.idx.msk [tilespmem:v0+s21+$0xFFFFFFC0 ss:$0x1], $0xffff;
	[tilespmem:s22+$0xFFFFFFF0] =	vst v3  }
0x39: {  	v58 =	vld.idx.msk [tilespmem:v0+s21+$0xFFFFFFD0 ss:$0x1], $0xffff;
	[tilespmem:s22+$0x0] =	vst v1  }
0x3a: {  	v59 =	vld.idx.msk [tilespmem:v0+s21+$0xFFFFFFE0 ss:$0x1], $0xffff;
	[tilespmem:s22+$0x10] =	vst v2  }
0x3b: {  	v60 =	vld.idx.msk [tilespmem:v0+s21+$0xFFFFFFF0 ss:$0x1], $0xffff;
	s31 =	sadd.s32 $0x800, s22;
	[tilespmem:s22+$0x20] =	vst v6  }
0x3c: {  	v61 =	vld.idx.msk [tilespmem:v0+s21+$0x0 ss:$0x1], $0xffff;
	[tilespmem:s31+$0x30] =	vst v56  }
0x3d: {  	v62 =	vld.idx.msk [tilespmem:v0+s21+$0x10 ss:$0x1], $0xffff;
	s20 =	sadd.s32 $0x1, s20;
	[tilespmem:s31+$0xFFFFFFC0] =	vst v57  }
0x3e: {  	v63 =	vld.idx.msk [tilespmem:v0+s21+$0x20 ss:$0x1], $0xffff;
	p0 =	sne.s32 s20, $0x10;
	[tilespmem:s31+$0xFFFFFFD0] =	vst v58  }
.Ltmp4:
0x3f: {  	[tilespmem:s31+$0xFFFFFFE0] =	vst v59;
	(pc) =	sbr.rel @p0 .LBB1_3-.Ltmp4, $4  }
0x40: {  	[tilespmem:s31+$0xFFFFFFF0] =	vst v60  }
0x41: {  	[tilespmem:s31+$0x0] =	vst v61  }
0x42: {  	[tilespmem:s31+$0x10] =	vst v62  }
0x43: {  	s17 =	sadd.s32 $0x80, s17;
	s19 =	sadd.s32 $0x400, s19;
	[tilespmem:s31+$0x20] =	vst v63  }
.Ltmp5:
0x44: {  	(pc) =	sbr.rel .LBB1_7-.Ltmp5, $4  }
0x45: {  	s16 =	sshll.u32 s16, $0x13;
	s15 =	sshll.u32 s15, $0x4  }
0x46: {  	s15 =	sand.u32 $0xFFF0, s15;
	s16 =	sadd.s32 s4, s16  }
0x47: {  	s15 =	sadd.s32 s15, s16  }
0x48: {  	[hbm4b:s15+s9] =	stream.strided.scatter [tilespmem:s18], [sflag:$0x2], $0x4000, s10, s9, $0x38;
	[tilespmem:$0x10000] =	vst v63  }
.LBB1_8:
0x49: {  	_ =	sfence.sel $0x180000  }
0x4a: {  	s2 =	simm.s32 $0x1;
	[bflag:$0x0] =	sbarrier.arrive $0xFFFF  }
0x4b: {  	s31 =	simm.s32 $0x2;
	[sflag:s2] =	ssyncpa.u1 $0x1  }
0x4c: {  	[sflag:s31] =	ssyncpa.u1 $0x1  }
0x4d: {  	p0 =	sne.s32 s0, $0x0;
	_ =	strace $0x90000047  }
0x4e: {  	s0 =	sadd.s32 @!p0 $0x100000, s1;
	[bflag:$0x2] =	sbarrier.arrive $0xFFFF  }
0x4f: {  	[sflag:s0] =	ssyncadd.tile.s32 @!p0 $0x1;
	_ =	shalt  }
.Lfunc_end1:
_tile_overlayer_lowered:
.L_overlay_start_2:
0x50: {  	(tag) =	ssettag $0x2  }
0x51: {  	s0 =	rddreg [dreg:$0x0];
	s2 =	stileid.u32  }
0x52: {  	s1 =	rddreg [dreg:$0x1];
	p0 =	sne.s32 s2, $0x0  }
0x53: {  	s3 =	rddreg [dreg:$0x2];
	[bflag:$0x3] =	sbarrier.arrive $0xFFFF;
	s2 =	simm.s32 @!p0 $0x1C01  }
0x54: {  	[timem:s3], [sflag:s2] =	dma.local @!p0 [hbm:s0], s1  }
0x55: {  	s0 =	simm.s32 @!p0 $0x1  }
0x56: {  	_ =	swait.ge @!p0 [sflag:s0], s1  }
0x57: {  	s1 =	ssub.s32 @!p0 $0x0, s1;
	[sflag:s0] =	ssyncset.done @!p0 $0x0  }
0x58: {  	[sflag:s0] =	ssyncadd.s32 @!p0 s1  }
0x59: {  	[bflag:$0x3] =	sbarrier.arrive $0xFFFF  }
0x5a: {  	_ =	shalt  }

</sc_bundles>
